<compile_context>
chip_gen: v7x
topology: tpu7x:2x2x1
jax: 0.10.2.dev20260603
libtpu: 0.0.44.dev20260713+nightly
codegen_flags: <defaults>
</compile_context>

<pallas_src>
import functools

import numpy as np
import jax
import jax.numpy as jnp
from jax import lax
from jax.experimental import pallas as pl
from jax.experimental.pallas import tpu as pltpu
from jax.experimental.pallas import tpu_sc as plsc

_BINS = 10
_NC, _NS = 2, 16
_NW = _NC * _NS
_B, _C = 100000, 80
_RT = _B // 8
_TBL = 2 * 11 * 16

_CT = 25
_CHW = _CT * 1024

_E10 = float(np.float32(1.0) + np.float32(1e-06))


_BR = 2048
_G1, _G2 = 25, 24
_H1, _H2 = _G1 * _BR, _B - _G1 * _BR
_RT1, _RT2 = _H1 // 8, _H2 // 8


def _make_dense_body(off, nrows, check_rows):
  def _dense_body(pred_ref, targ_ref, lw_ref, pk_ref):
    i = pl.program_id(0) + off
    p = pred_ref[...]
    t = targ_ref[...].astype(jnp.float32)
    w = lw_ref[...]
    z = jnp.exp(-jnp.abs(p))
    sig = jnp.where(p >= 0.0, 1.0, z) / (1.0 + z)
    g = jnp.abs(sig - t)
    u = z / (z + 2.0)
    u2 = u * u
    log1pz = (2.0 * u) * (1.0 + u2 * (
        0.3333333333 + u2 * (0.2 + u2 * (0.1428571429 + u2 * 0.1111111111))))
    loss_el = jnp.maximum(p, 0.0) - p * t + log1pz
    if check_rows:
        rows = jax.lax.broadcasted_iota(jnp.int32, p.shape, 1) + i * _BR
        valid = (w > 0.0) & (rows < nrows)
    else:
        valid = w > 0.0
    k0 = jnp.minimum((g * 10.0).astype(jnp.int32), 9)
    e_lo = k0.astype(jnp.float32) / 10.0
    e_hi = jnp.where(k0 == 9, _E10, (k0 + 1).astype(jnp.float32) / 10.0)
    idx = k0 + jnp.where(g >= e_hi, 1, 0) - jnp.where(g < e_lo, 1, 0)
    idx = jnp.where(valid, idx, _BINS)
    vbits = jax.lax.bitcast_convert_type(jnp.where(valid, loss_el, 0.0), jnp.int32)
    packed = (vbits & ~15) | idx
    pk_ref[:, :, 0:80] = packed.T.reshape(_BR // 8, 8, 80)

  return _dense_body


def _make_dense(off, ngrid, nrows, ntiles, check_rows):
    def imap(i, off=off):
        return (0, i + off)

    return pl.pallas_call(
        _make_dense_body(off, nrows, check_rows),
        grid=(ngrid,),
        in_specs=[
            pl.BlockSpec((_C, _BR), imap),
            pl.BlockSpec((_C, _BR), imap),
            pl.BlockSpec((_C, _BR), imap),
        ],
        out_specs=pl.BlockSpec((_BR // 8, 8, 128), lambda i: (i, 0, 0)),
        out_shape=jax.ShapeDtypeStruct((ntiles, 8, 128), jnp.int32),
    )


_dense1 = _make_dense(0, _G1, _B, _RT1, check_rows=False)
_dense2 = _make_dense(_G1, _G2, _B, _RT2, check_rows=True)


def _make_sc_body(nch):
  def _sc_body(pk_hbm, out_hbm, iv0, iv1, acc, st, s0, s1):
    wid = lax.axis_index("c") * _NS + lax.axis_index("s")
    zeros16 = jnp.zeros((16,), jnp.float32)
    for j in range(_TBL // 16):
        acc[pl.ds(j * 16, 16)] = zeros16
    ones16 = jnp.full((16,), 1.0, jnp.float32)
    lane = lax.iota(jnp.int32, 16)

    nch_w = (nch - wid + _NW - 1) // _NW

    def start(j, iv, sem):
        off = (wid + j * _NW) * _CHW
        pltpu.async_copy(pk_hbm.at[pl.ds(off, _CHW)], iv, sem)

    def wait(iv, sem):
        pltpu.make_async_copy(pk_hbm.at[pl.ds(0, _CHW)], iv, sem).wait()

    def compute(iv):
        @plsc.parallel_loop(0, _CT * 8, unroll=4)
        def vec_body(row):
            base_o = row * 128
            for k in range(5):
                o = base_o + k * 16
                w = iv[pl.ds(o, 16)]
                si = (w & 15) * 16 + lane
                v = plsc.bitcast(w & ~15, jnp.float32)
                plsc.addupdate_scatter(acc, [si], v)
                plsc.addupdate_scatter(acc, [si + 176], ones16)

    start(0, iv0, s0)

    def pair_body(jj, _):
        j0 = jj * 2
        wait(iv0, s0)

        @pl.when(j0 + 1 < nch_w)
        def _():
            start(j0 + 1, iv1, s1)

        compute(iv0)

        @pl.when(j0 + 1 < nch_w)
        def _():
            wait(iv1, s1)

            @pl.when(j0 + 2 < nch_w)
            def _():
                start(j0 + 2, iv0, s0)

            compute(iv1)

        return 0

    lax.fori_loop(0, (nch_w + 1) // 2, pair_body, 0)

    for j in range(_TBL // 16):
        st[j // 8, pl.ds(16 * (j % 8), 16)] = acc[pl.ds(16 * j, 16)]
    pltpu.sync_copy(st, out_hbm.at[wid])

  return _sc_body


def _make_sc_hist(nch):
    return functools.partial(
        pl.kernel,
        mesh=plsc.VectorSubcoreMesh(core_axis_name="c", subcore_axis_name="s"),
        out_type=jax.ShapeDtypeStruct((_NW, 8, 128), jnp.float32),
        compiler_params=pltpu.CompilerParams(needs_layout_passes=False),
        scratch_types=[
            pltpu.VMEM((_CHW,), jnp.int32),
            pltpu.VMEM((_CHW,), jnp.int32),
            pltpu.VMEM((_TBL,), jnp.float32),
            pltpu.VMEM((8, 128), jnp.float32),
            pltpu.SemaphoreType.DMA,
            pltpu.SemaphoreType.DMA,
        ],
    )(_make_sc_body(nch))


_sc_hist1 = _make_sc_hist(_RT1 // _CT)
_sc_hist2 = _make_sc_hist(_RT2 // _CT)


def _finish_body(p1_ref, p2_ref, out_ref):
    col = jnp.sum(p1_ref[...], axis=0) + jnp.sum(p2_ref[...], axis=0)
    s_tot = jnp.float32(0.0)
    n = jnp.float32(0.0)
    for b in range(_BINS):
        ws = 16 * b
        wc = 176 + 16 * b
        sb = jnp.sum(col[ws // 128, ws % 128:ws % 128 + 16])
        cb = jnp.sum(col[wc // 128, wc % 128:wc % 128 + 16])
        ne = cb > 0.0
        s_tot = s_tot + jnp.where(ne, sb / jnp.maximum(cb, 1.0), 0.0)
        n = n + jnp.where(ne, 1.0, 0.0)
    out_ref[0, 0] = jnp.where(n > 0.0, s_tot / n, 0.0)


_finish = pl.pallas_call(
    _finish_body,
    out_shape=jax.ShapeDtypeStruct((1, 1), jnp.float32),
    out_specs=pl.BlockSpec(memory_space=pltpu.SMEM),
)


def kernel(pred, target, label_weight):
    pT = pred.T
    tT = target.T
    wT = label_weight.T
    pk1 = _dense1(pT, tT, wT)
    part1 = _sc_hist1(pk1.reshape(-1))
    pk2 = _dense2(pT, tT, wT)
    part2 = _sc_hist2(pk2.reshape(-1))
    return _finish(part1, part2)[0, 0]

# --- scband reference (transcript-rebuilt; emitter-appended) ---
"""Pipeline reference for scband-ghmc-1580547966503 (READ-ONLY COPY).

The authoritative reference and input builder live on the scoring server;
editing this copy changes nothing except your own understanding.
"""

import jax, jax.numpy as jnp
import numpy as np

BINS = 10
LOSS_WEIGHT = 1.0


def setup_inputs(seed: int = 0) -> dict:
    key = jax.random.key(seed)
    k1, k2, k3 = jax.random.split(key, 3)
    B, C = 100000, 80
    pred = jax.random.normal(k1, (B, C), dtype=jnp.float32)
    target = jax.random.randint(k2, (B, C), 0, 2).astype(jnp.int32)
    label_weight = jax.random.uniform(k3, (B, C), dtype=jnp.float32)
    return {"pred": pred, "target": target, "label_weight": label_weight}


def _ghmc(pred, target, label_weight):
    bins = BINS
    edges = jnp.arange(bins + 1, dtype=jnp.float32) / bins
    edges = edges.at[-1].add(1e-06)
    t = target.astype(jnp.float32)
    lw = label_weight.astype(jnp.float32)
    # gradient norm g = |sigmoid(pred).detach() - target|
    g = jnp.abs(jax.nn.sigmoid(jax.lax.stop_gradient(pred)) - jax.lax.stop_gradient(t))
    valid = lw > 0
    tot = jnp.maximum(valid.sum().astype(jnp.float32), 1.0)
    # bin index such that edges[idx] <= g < edges[idx+1]
    idx = jnp.clip(jnp.searchsorted(edges, g, side='right') - 1, 0, bins - 1)
    # histogram of valid samples over bins (invalid routed to overflow bin `bins`)
    flat_idx = jnp.where(valid, idx, bins).ravel()
    counts = jnp.bincount(flat_idx, length=bins + 1)[:bins]
    nonempty = counts > 0
    n = nonempty.sum().astype(jnp.float32)
    w_bin = jnp.where(nonempty, tot / jnp.maximum(counts, 1).astype(jnp.float32), 0.0)
    weights = jnp.where(valid, w_bin[idx], 0.0)
    weights = jnp.where(n > 0, weights / n, weights)
    weights = jax.lax.stop_gradient(weights)
    # binary_cross_entropy_with_logits, elementwise, weighted, reduction='sum'
    loss_el = jnp.maximum(pred, 0) - pred * t + jnp.log1p(jnp.exp(-jnp.abs(pred)))
    loss = (weights * loss_el).sum() / tot
    return loss * LOSS_WEIGHT


def reference(pred, target, label_weight):
    return _ghmc(pred, target, label_weight)

if __name__ == "__main__":
    import jax
    _d = setup_inputs()
    print(jax.jit(kernel)(*tuple(_d.values())))

</pallas_src>

<mosaic_0001>
#map = affine_map<(d0, d1) -> (0)>
#map1 = affine_map<(d0, d1) -> (0, 0, 0)>
module attributes {stable_mosaic.version = 14 : i64} {
  func.func @_sc_body(%arg0: i32, %arg1: i32, %arg2: memref<6246400xi32, #tpu.memory_space<hbm>>, %arg3: memref<32x8x128xf32, #tpu.memory_space<hbm>>, %arg4: memref<25600xi32, #tpu.memory_space<vmem>>, %arg5: memref<25600xi32, #tpu.memory_space<vmem>>, %arg6: memref<352xf32, #tpu.memory_space<vmem>>, %arg7: memref<8x128xf32, #tpu.memory_space<vmem>>, %arg8: memref<!tpu.dma_semaphore, #tpu.memory_space<semaphore_mem>>, %arg9: memref<!tpu.dma_semaphore, #tpu.memory_space<semaphore_mem>>) attributes {dimension_semantics = [#tpu.dimension_semantics<core_parallel>, #tpu.dimension_semantics<subcore_parallel>], iteration_bounds = array<i64: 2, 16>, scalar_prefetch = 0 : i64, scratch_operands = 6 : i64, tpu.core_type = #tpu.core_type<sc_vector_subcore>, window_params = [{transform_indices = #map}, {transform_indices = #map1}]} {
    %mul3A = arith.constant 16 : i32
    %mul3A_0 = arith.muli %arg0, %mul3A : i32
    %add3A = arith.addi %mul3A_0, %arg1 : i32
    %broadcast_in_dim3A = arith.constant 0.000000e+00 : f32
    %broadcast_in_dim3A_1 = vector.broadcast %broadcast_in_dim3A : f32 to vector<16xf32>
    %swap3A = arith.constant 0 : index
    %swap3A_2 = tpu.vector_load %arg6[%swap3A] {strides = array<i32>} : memref<352xf32, #tpu.memory_space<vmem>>, vector<16xf32>,
    tpu.vector_store %arg6[%swap3A], %broadcast_in_dim3A_1 {strides = array<i32>} : memref<352xf32, #tpu.memory_space<vmem>>, vector<16xf32>,
    %swap3A_3 = arith.constant 16 : index
    %swap3A_4 = tpu.vector_load %arg6[%swap3A_3] {strides = array<i32>} : memref<352xf32, #tpu.memory_space<vmem>>, vector<16xf32>,
    tpu.vector_store %arg6[%swap3A_3], %broadcast_in_dim3A_1 {strides = array<i32>} : memref<352xf32, #tpu.memory_space<vmem>>, vector<16xf32>,
    %swap3A_5 = arith.constant 32 : index
    %swap3A_6 = tpu.vector_load %arg6[%swap3A_5] {strides = array<i32>} : memref<352xf32, #tpu.memory_space<vmem>>, vector<16xf32>,
    tpu.vector_store %arg6[%swap3A_5], %broadcast_in_dim3A_1 {strides = array<i32>} : memref<352xf32, #tpu.memory_space<vmem>>, vector<16xf32>,
    %swap3A_7 = arith.constant 48 : index
    %swap3A_8 = tpu.vector_load %arg6[%swap3A_7] {strides = array<i32>} : memref<352xf32, #tpu.memory_space<vmem>>, vector<16xf32>,
    tpu.vector_store %arg6[%swap3A_7], %broadcast_in_dim3A_1 {strides = array<i32>} : memref<352xf32, #tpu.memory_space<vmem>>, vector<16xf32>,
    %swap3A_9 = arith.constant 64 : index
    %swap3A_10 = tpu.vector_load %arg6[%swap3A_9] {strides = array<i32>} : memref<352xf32, #tpu.memory_space<vmem>>, vector<16xf32>,
    tpu.vector_store %arg6[%swap3A_9], %broadcast_in_dim3A_1 {strides = array<i32>} : memref<352xf32, #tpu.memory_space<vmem>>, vector<16xf32>,
    %swap3A_11 = arith.constant 80 : index
    %swap3A_12 = tpu.vector_load %arg6[%swap3A_11] {strides = array<i32>} : memref<352xf32, #tpu.memory_space<vmem>>, vector<16xf32>,
    tpu.vector_store %arg6[%swap3A_11], %broadcast_in_dim3A_1 {strides = array<i32>} : memref<352xf32, #tpu.memory_space<vmem>>, vector<16xf32>,
    %swap3A_13 = arith.constant 96 : index
    %swap3A_14 = tpu.vector_load %arg6[%swap3A_13] {strides = array<i32>} : memref<352xf32, #tpu.memory_space<vmem>>, vector<16xf32>,
    tpu.vector_store %arg6[%swap3A_13], %broadcast_in_dim3A_1 {strides = array<i32>} : memref<352xf32, #tpu.memory_space<vmem>>, vector<16xf32>,
    %swap3A_15 = arith.constant 112 : index
    %swap3A_16 = tpu.vector_load %arg6[%swap3A_15] {strides = array<i32>} : memref<352xf32, #tpu.memory_space<vmem>>, vector<16xf32>,
    tpu.vector_store %arg6[%swap3A_15], %broadcast_in_dim3A_1 {strides = array<i32>} : memref<352xf32, #tpu.memory_space<vmem>>, vector<16xf32>,
    %swap3A_17 = arith.constant 128 : index
    %swap3A_18 = tpu.vector_load %arg6[%swap3A_17] {strides = array<i32>} : memref<352xf32, #tpu.memory_space<vmem>>, vector<16xf32>,
    tpu.vector_store %arg6[%swap3A_17], %broadcast_in_dim3A_1 {strides = array<i32>} : memref<352xf32, #tpu.memory_space<vmem>>, vector<16xf32>,
    %swap3A_19 = arith.constant 144 : index
    %swap3A_20 = tpu.vector_load %arg6[%swap3A_19] {strides = array<i32>} : memref<352xf32, #tpu.memory_space<vmem>>, vector<16xf32>,
    tpu.vector_store %arg6[%swap3A_19], %broadcast_in_dim3A_1 {strides = array<i32>} : memref<352xf32, #tpu.memory_space<vmem>>, vector<16xf32>,
    %swap3A_21 = arith.constant 160 : index
    %swap3A_22 = tpu.vector_load %arg6[%swap3A_21] {strides = array<i32>} : memref<352xf32, #tpu.memory_space<vmem>>, vector<16xf32>,
    tpu.vector_store %arg6[%swap3A_21], %broadcast_in_dim3A_1 {strides = array<i32>} : memref<352xf32, #tpu.memory_space<vmem>>, vector<16xf32>,
    %swap3A_23 = arith.constant 176 : index
    %swap3A_24 = tpu.vector_load %arg6[%swap3A_23] {strides = array<i32>} : memref<352xf32, #tpu.memory_space<vmem>>, vector<16xf32>,
    tpu.vector_store %arg6[%swap3A_23], %broadcast_in_dim3A_1 {strides = array<i32>} : memref<352xf32, #tpu.memory_space<vmem>>, vector<16xf32>,
    %swap3A_25 = arith.constant 192 : index
    %swap3A_26 = tpu.vector_load %arg6[%swap3A_25] {strides = array<i32>} : memref<352xf32, #tpu.memory_space<vmem>>, vector<16xf32>,
    tpu.vector_store %arg6[%swap3A_25], %broadcast_in_dim3A_1 {strides = array<i32>} : memref<352xf32, #tpu.memory_space<vmem>>, vector<16xf32>,
    %swap3A_27 = arith.constant 208 : index
    %swap3A_28 = tpu.vector_load %arg6[%swap3A_27] {strides = array<i32>} : memref<352xf32, #tpu.memory_space<vmem>>, vector<16xf32>,
    tpu.vector_store %arg6[%swap3A_27], %broadcast_in_dim3A_1 {strides = array<i32>} : memref<352xf32, #tpu.memory_space<vmem>>, vector<16xf32>,
    %swap3A_29 = arith.constant 224 : index
    %swap3A_30 = tpu.vector_load %arg6[%swap3A_29] {strides = array<i32>} : memref<352xf32, #tpu.memory_space<vmem>>, vector<16xf32>,
    tpu.vector_store %arg6[%swap3A_29], %broadcast_in_dim3A_1 {strides = array<i32>} : memref<352xf32, #tpu.memory_space<vmem>>, vector<16xf32>,
    %swap3A_31 = arith.constant 240 : index
    %swap3A_32 = tpu.vector_load %arg6[%swap3A_31] {strides = array<i32>} : memref<352xf32, #tpu.memory_space<vmem>>, vector<16xf32>,
    tpu.vector_store %arg6[%swap3A_31], %broadcast_in_dim3A_1 {strides = array<i32>} : memref<352xf32, #tpu.memory_space<vmem>>, vector<16xf32>,
    %swap3A_33 = arith.constant 256 : index
    %swap3A_34 = tpu.vector_load %arg6[%swap3A_33] {strides = array<i32>} : memref<352xf32, #tpu.memory_space<vmem>>, vector<16xf32>,
    tpu.vector_store %arg6[%swap3A_33], %broadcast_in_dim3A_1 {strides = array<i32>} : memref<352xf32, #tpu.memory_space<vmem>>, vector<16xf32>,
    %swap3A_35 = arith.constant 272 : index
    %swap3A_36 = tpu.vector_load %arg6[%swap3A_35] {strides = array<i32>} : memref<352xf32, #tpu.memory_space<vmem>>, vector<16xf32>,
    tpu.vector_store %arg6[%swap3A_35], %broadcast_in_dim3A_1 {strides = array<i32>} : memref<352xf32, #tpu.memory_space<vmem>>, vector<16xf32>,
    %swap3A_37 = arith.constant 288 : index
    %swap3A_38 = tpu.vector_load %arg6[%swap3A_37] {strides = array<i32>} : memref<352xf32, #tpu.memory_space<vmem>>, vector<16xf32>,
    tpu.vector_store %arg6[%swap3A_37], %broadcast_in_dim3A_1 {strides = array<i32>} : memref<352xf32, #tpu.memory_space<vmem>>, vector<16xf32>,
    %swap3A_39 = arith.constant 304 : index
    %swap3A_40 = tpu.vector_load %arg6[%swap3A_39] {strides = array<i32>} : memref<352xf32, #tpu.memory_space<vmem>>, vector<16xf32>,
    tpu.vector_store %arg6[%swap3A_39], %broadcast_in_dim3A_1 {strides = array<i32>} : memref<352xf32, #tpu.memory_space<vmem>>, vector<16xf32>,
    %swap3A_41 = arith.constant 320 : index
    %swap3A_42 = tpu.vector_load %arg6[%swap3A_41] {strides = array<i32>} : memref<352xf32, #tpu.memory_space<vmem>>, vector<16xf32>,
    tpu.vector_store %arg6[%swap3A_41], %broadcast_in_dim3A_1 {strides = array<i32>} : memref<352xf32, #tpu.memory_space<vmem>>, vector<16xf32>,
    %swap3A_43 = arith.constant 336 : index
    %swap3A_44 = tpu.vector_load %arg6[%swap3A_43] {strides = array<i32>} : memref<352xf32, #tpu.memory_space<vmem>>, vector<16xf32>,
    tpu.vector_store %arg6[%swap3A_43], %broadcast_in_dim3A_1 {strides = array<i32>} : memref<352xf32, #tpu.memory_space<vmem>>, vector<16xf32>,
    %broadcast_in_dim3A_45 = arith.constant 1.000000e+00 : f32
    %broadcast_in_dim3A_46 = vector.broadcast %broadcast_in_dim3A_45 : f32 to vector<16xf32>
    %iota3A = tpu.iota {dimensions = array<i32: 0>} : vector<16xi32>
    %sub3A = arith.constant 244 : i32
    %sub3A_47 = arith.subi %sub3A, %add3A : i32
    %add3A_48 = arith.constant 32 : i32
    %add3A_49 = arith.addi %sub3A_47, %add3A_48 : i32
    %sub3A_50 = arith.constant 1 : i32
    %sub3A_51 = arith.subi %add3A_49, %sub3A_50 : i32
    %jit3A = arith.constant 32 : i32
    %div3A = arith.divsi %sub3A_51, %jit3A : i32
    %sign3A = arith.constant 0 : i32
    %sign3A_52 = arith.cmpi sgt, %sub3A_51, %sign3A : i32
    %sign3A_53 = arith.extui %sign3A_52 : i1 to i32
    %sign3A_54 = arith.constant 0 : i32
    %sign3A_55 = arith.cmpi slt, %sub3A_51, %sign3A_54 : i32
    %sign3A_56 = arith.extui %sign3A_55 : i1 to i32
    %sign3A_57 = arith.subi %sign3A_53, %sign3A_56 : i32
    %sign3A_58 = arith.constant 0 : i32
    %sign3A_59 = arith.cmpi sgt, %jit3A, %sign3A_58 : i32
    %sign3A_60 = arith.extui %sign3A_59 : i1 to i32
    %sign3A_61 = arith.constant 0 : i32
    %sign3A_62 = arith.cmpi slt, %jit3A, %sign3A_61 : i32
    %sign3A_63 = arith.extui %sign3A_62 : i1 to i32
    %sign3A_64 = arith.subi %sign3A_60, %sign3A_63 : i32
    %ne3A = arith.cmpi ne, %sign3A_57, %sign3A_64 : i32
    %rem3A = arith.remsi %sub3A_51, %jit3A : i32
    %ne3A_65 = arith.constant 0 : i32
    %ne3A_66 = arith.cmpi ne, %rem3A, %ne3A_65 : i32
    %and3A = arith.andi %ne3A, %ne3A_66 : i1
    %sub3A_67 = arith.constant 1 : i32
    %sub3A_68 = arith.subi %div3A, %sub3A_67 : i32
    %select_n3A = arith.select %and3A, %sub3A_68, %div3A : i32
    %add3A_69 = arith.constant 0 : i32
    %add3A_70 = arith.addi %add3A, %add3A_69 : i32
    %mul3A_71 = arith.constant 25600 : i32
    %mul3A_72 = arith.muli %add3A_70, %mul3A_71 : i32
    %dma_start3A = tpu.memref_slice %arg2[%mul3A_72] : memref<6246400xi32, #tpu.memory_space<hbm>> -> memref<25600xi32, #tpu.memory_space<hbm>>
    %dma_start3A_73 = tpu.memref_slice %arg2[%mul3A_72] : memref<6246400xi32, #tpu.memory_space<hbm>> -> memref<25600xi32, #tpu.memory_space<hbm>>
    tpu.enqueue_dma source(%dma_start3A_73 : memref<25600xi32, #tpu.memory_space<hbm>>) target(%arg4 : memref<25600xi32, #tpu.memory_space<vmem>>) target_semaphore(%arg8 : memref<!tpu.dma_semaphore, #tpu.memory_space<semaphore_mem>>)
    %add3A_74 = arith.constant 1 : i32
    %add3A_75 = arith.addi %select_n3A, %add3A_74 : i32
    %jit3A_76 = arith.constant 2 : i32
    %div3A_77 = arith.divsi %add3A_75, %jit3A_76 : i32
    %sign3A_78 = arith.constant 0 : i32
    %sign3A_79 = arith.cmpi sgt, %add3A_75, %sign3A_78 : i32
    %sign3A_80 = arith.extui %sign3A_79 : i1 to i32
    %sign3A_81 = arith.constant 0 : i32
    %sign3A_82 = arith.cmpi slt, %add3A_75, %sign3A_81 : i32
    %sign3A_83 = arith.extui %sign3A_82 : i1 to i32
    %sign3A_84 = arith.subi %sign3A_80, %sign3A_83 : i32
    %sign3A_85 = arith.constant 0 : i32
    %sign3A_86 = arith.cmpi sgt, %jit3A_76, %sign3A_85 : i32
    %sign3A_87 = arith.extui %sign3A_86 : i1 to i32
    %sign3A_88 = arith.constant 0 : i32
    %sign3A_89 = arith.cmpi slt, %jit3A_76, %sign3A_88 : i32
    %sign3A_90 = arith.extui %sign3A_89 : i1 to i32
    %sign3A_91 = arith.subi %sign3A_87, %sign3A_90 : i32
    %ne3A_92 = arith.cmpi ne, %sign3A_84, %sign3A_91 : i32
    %rem3A_93 = arith.remsi %add3A_75, %jit3A_76 : i32
    %ne3A_94 = arith.constant 0 : i32
    %ne3A_95 = arith.cmpi ne, %rem3A_93, %ne3A_94 : i32
    %and3A_96 = arith.andi %ne3A_92, %ne3A_95 : i1
    %sub3A_97 = arith.constant 1 : i32
    %sub3A_98 = arith.subi %div3A_77, %sub3A_97 : i32
    %select_n3A_99 = arith.select %and3A_96, %sub3A_98, %div3A_77 : i32
    %while3A = arith.constant 0 : i32
    %while3A_100 = arith.constant 0 : i32
    %while3A_101 = arith.subi %select_n3A_99, %while3A : i32
    %while3A_102 = arith.addi %while3A, %while3A_101 : i32
    %while3A_103 = arith.constant 1 : i32
    %while3A_104 = arith.divsi %while3A_101, %while3A_103 : i32
    %while3A_105 = arith.muli %while3A_104, %while3A_103 : i32
    %while3A_106 = arith.addi %while3A, %while3A_105 : i32
    %while3A_107 = arith.constant 1 : i32
    %while3A_108 = scf.for %while3A_242 = %while3A to %while3A_106 step %while3A_107 iter_args(%while3A_243 = %while3A_100) -> (i32)  : i32 {
      %mul3A_244 = arith.constant 2 : i32
      %mul3A_245 = arith.muli %while3A_242, %mul3A_244 : i32
      %dma_wait3A = arith.constant 0 : i32
      %dma_wait3A_246 = tpu.memref_slice %arg2[%dma_wait3A] : memref<6246400xi32, #tpu.memory_space<hbm>> -> memref<25600xi32, #tpu.memory_space<hbm>>
      %dma_wait3A_247 = arith.constant 0 : i32
      %dma_wait3A_248 = tpu.memref_slice %arg2[%dma_wait3A_247] : memref<6246400xi32, #tpu.memory_space<hbm>> -> memref<25600xi32, #tpu.memory_space<hbm>>
      tpu.wait_dma2 semaphore(%arg8 : memref<!tpu.dma_semaphore, #tpu.memory_space<semaphore_mem>>) src(%dma_wait3A_248 : memref<25600xi32, #tpu.memory_space<hbm>>) dst(%arg4 : memref<25600xi32, #tpu.memory_space<vmem>>)
      %add3A_249 = arith.constant 1 : i32
      %add3A_250 = arith.addi %mul3A_245, %add3A_249 : i32
      %lt3A = arith.cmpi slt, %add3A_250, %select_n3A : i32
      %convert_element_type3A = arith.extui %lt3A : i1 to i32
      %cond3A = arith.constant 0 : i32
      %cond3A_251 = arith.cmpi ne, %convert_element_type3A, %cond3A : i32
      scf.if %cond3A_251 {
        %add3A_261 = arith.constant 1 : i32
        %add3A_262 = arith.addi %mul3A_245, %add3A_261 : i32
        %mul3A_263 = arith.constant 32 : i32
        %mul3A_264 = arith.muli %add3A_262, %mul3A_263 : i32
        %add3A_265 = arith.addi %add3A, %mul3A_264 : i32
        %mul3A_266 = arith.constant 25600 : i32
        %mul3A_267 = arith.muli %add3A_265, %mul3A_266 : i32
        %dma_start3A_268 = tpu.memref_slice %arg2[%mul3A_267] : memref<6246400xi32, #tpu.memory_space<hbm>> -> memref<25600xi32, #tpu.memory_space<hbm>>
        %dma_start3A_269 = tpu.memref_slice %arg2[%mul3A_267] : memref<6246400xi32, #tpu.memory_space<hbm>> -> memref<25600xi32, #tpu.memory_space<hbm>>
        tpu.enqueue_dma source(%dma_start3A_269 : memref<25600xi32, #tpu.memory_space<hbm>>) target(%arg5 : memref<25600xi32, #tpu.memory_space<vmem>>) target_semaphore(%arg9 : memref<!tpu.dma_semaphore, #tpu.memory_space<semaphore_mem>>)
      } else {
      }
      %parallel_loop3A = arith.constant 0 : i32
      %parallel_loop3A_252 = arith.constant 200 : i32
      %parallel_loop3A_253 = arith.constant 1 : i32
      scf.for %parallel_loop3A_261 = %parallel_loop3A to %parallel_loop3A_252 step %parallel_loop3A_253  : i32 {
        %parallel_loop3A_262 = arith.constant 128 : i32
        %parallel_loop3A_263 = arith.muli %parallel_loop3A_261, %parallel_loop3A_262 : i32
        %parallel_loop3A_264 = arith.constant 0 : i32
        %parallel_loop3A_265 = arith.addi %parallel_loop3A_263, %parallel_loop3A_264 : i32
        %parallel_loop3A_266 = arith.index_cast %parallel_loop3A_265 : i32 to index
        %parallel_loop3A_267 = tpu.vector_load %arg4[%parallel_loop3A_266] {strides = array<i32>} : memref<25600xi32, #tpu.memory_space<vmem>>, vector<16xi32>,
        %parallel_loop3A_268 = arith.constant 15 : i32
        %parallel_loop3A_269 = vector.broadcast %parallel_loop3A_268 : i32 to vector<16xi32>
        %parallel_loop3A_270 = arith.andi %parallel_loop3A_267, %parallel_loop3A_269 : vector<16xi32>
        %parallel_loop3A_271 = arith.constant 16 : i32
        %parallel_loop3A_272 = vector.broadcast %parallel_loop3A_271 : i32 to vector<16xi32>
        %parallel_loop3A_273 = arith.muli %parallel_loop3A_270, %parallel_loop3A_272 : vector<16xi32>
        %parallel_loop3A_274 = arith.addi %parallel_loop3A_273, %iota3A : vector<16xi32>
        %parallel_loop3A_275 = arith.constant -16 : i32
        %parallel_loop3A_276 = vector.broadcast %parallel_loop3A_275 : i32 to vector<16xi32>
        %parallel_loop3A_277 = arith.andi %parallel_loop3A_267, %parallel_loop3A_276 : vector<16xi32>
        %parallel_loop3A_278 = vector.bitcast %parallel_loop3A_277 : vector<16xi32> to vector<16xf32>
        tpu.vector_store_idx %arg6[%parallel_loop3A_274], %parallel_loop3A_278 {add = true} : memref<352xf32, #tpu.memory_space<vmem>>[vector<16xi32>], vector<16xf32>,
        %parallel_loop3A_279 = arith.constant 176 : i32
        %parallel_loop3A_280 = vector.broadcast %parallel_loop3A_279 : i32 to vector<16xi32>
        %parallel_loop3A_281 = arith.addi %parallel_loop3A_274, %parallel_loop3A_280 : vector<16xi32>
        tpu.vector_store_idx %arg6[%parallel_loop3A_281], %broadcast_in_dim3A_46 {add = true} : memref<352xf32, #tpu.memory_space<vmem>>[vector<16xi32>], vector<16xf32>,
        %parallel_loop3A_282 = arith.constant 16 : i32
        %parallel_loop3A_283 = arith.addi %parallel_loop3A_263, %parallel_loop3A_282 : i32
        %parallel_loop3A_284 = arith.index_cast %parallel_loop3A_283 : i32 to index
        %parallel_loop3A_285 = tpu.vector_load %arg4[%parallel_loop3A_284] {strides = array<i32>} : memref<25600xi32, #tpu.memory_space<vmem>>, vector<16xi32>,
        %parallel_loop3A_286 = arith.constant 15 : i32
        %parallel_loop3A_287 = vector.broadcast %parallel_loop3A_286 : i32 to vector<16xi32>
        %parallel_loop3A_288 = arith.andi %parallel_loop3A_285, %parallel_loop3A_287 : vector<16xi32>
        %parallel_loop3A_289 = arith.constant 16 : i32
        %parallel_loop3A_290 = vector.broadcast %parallel_loop3A_289 : i32 to vector<16xi32>
        %parallel_loop3A_291 = arith.muli %parallel_loop3A_288, %parallel_loop3A_290 : vector<16xi32>
        %parallel_loop3A_292 = arith.addi %parallel_loop3A_291, %iota3A : vector<16xi32>
        %parallel_loop3A_293 = arith.constant -16 : i32
        %parallel_loop3A_294 = vector.broadcast %parallel_loop3A_293 : i32 to vector<16xi32>
        %parallel_loop3A_295 = arith.andi %parallel_loop3A_285, %parallel_loop3A_294 : vector<16xi32>
        %parallel_loop3A_296 = vector.bitcast %parallel_loop3A_295 : vector<16xi32> to vector<16xf32>
        tpu.vector_store_idx %arg6[%parallel_loop3A_292], %parallel_loop3A_296 {add = true} : memref<352xf32, #tpu.memory_space<vmem>>[vector<16xi32>], vector<16xf32>,
        %parallel_loop3A_297 = arith.constant 176 : i32
        %parallel_loop3A_298 = vector.broadcast %parallel_loop3A_297 : i32 to vector<16xi32>
        %parallel_loop3A_299 = arith.addi %parallel_loop3A_292, %parallel_loop3A_298 : vector<16xi32>
        tpu.vector_store_idx %arg6[%parallel_loop3A_299], %broadcast_in_dim3A_46 {add = true} : memref<352xf32, #tpu.memory_space<vmem>>[vector<16xi32>], vector<16xf32>,
        %parallel_loop3A_300 = arith.constant 32 : i32
        %parallel_loop3A_301 = arith.addi %parallel_loop3A_263, %parallel_loop3A_300 : i32
        %parallel_loop3A_302 = arith.index_cast %parallel_loop3A_301 : i32 to index
        %parallel_loop3A_303 = tpu.vector_load %arg4[%parallel_loop3A_302] {strides = array<i32>} : memref<25600xi32, #tpu.memory_space<vmem>>, vector<16xi32>,
        %parallel_loop3A_304 = arith.constant 15 : i32
        %parallel_loop3A_305 = vector.broadcast %parallel_loop3A_304 : i32 to vector<16xi32>
        %parallel_loop3A_306 = arith.andi %parallel_loop3A_303, %parallel_loop3A_305 : vector<16xi32>
        %parallel_loop3A_307 = arith.constant 16 : i32
        %parallel_loop3A_308 = vector.broadcast %parallel_loop3A_307 : i32 to vector<16xi32>
        %parallel_loop3A_309 = arith.muli %parallel_loop3A_306, %parallel_loop3A_308 : vector<16xi32>
        %parallel_loop3A_310 = arith.addi %parallel_loop3A_309, %iota3A : vector<16xi32>
        %parallel_loop3A_311 = arith.constant -16 : i32
        %parallel_loop3A_312 = vector.broadcast %parallel_loop3A_311 : i32 to vector<16xi32>
        %parallel_loop3A_313 = arith.andi %parallel_loop3A_303, %parallel_loop3A_312 : vector<16xi32>
        %parallel_loop3A_314 = vector.bitcast %parallel_loop3A_313 : vector<16xi32> to vector<16xf32>
        tpu.vector_store_idx %arg6[%parallel_loop3A_310], %parallel_loop3A_314 {add = true} : memref<352xf32, #tpu.memory_space<vmem>>[vector<16xi32>], vector<16xf32>,
        %parallel_loop3A_315 = arith.constant 176 : i32
        %parallel_loop3A_316 = vector.broadcast %parallel_loop3A_315 : i32 to vector<16xi32>
        %parallel_loop3A_317 = arith.addi %parallel_loop3A_310, %parallel_loop3A_316 : vector<16xi32>
        tpu.vector_store_idx %arg6[%parallel_loop3A_317], %broadcast_in_dim3A_46 {add = true} : memref<352xf32, #tpu.memory_space<vmem>>[vector<16xi32>], vector<16xf32>,
        %parallel_loop3A_318 = arith.constant 48 : i32
        %parallel_loop3A_319 = arith.addi %parallel_loop3A_263, %parallel_loop3A_318 : i32
        %parallel_loop3A_320 = arith.index_cast %parallel_loop3A_319 : i32 to index
        %parallel_loop3A_321 = tpu.vector_load %arg4[%parallel_loop3A_320] {strides = array<i32>} : memref<25600xi32, #tpu.memory_space<vmem>>, vector<16xi32>,
        %parallel_loop3A_322 = arith.constant 15 : i32
        %parallel_loop3A_323 = vector.broadcast %parallel_loop3A_322 : i32 to vector<16xi32>
        %parallel_loop3A_324 = arith.andi %parallel_loop3A_321, %parallel_loop3A_323 : vector<16xi32>
        %parallel_loop3A_325 = arith.constant 16 : i32
        %parallel_loop3A_326 = vector.broadcast %parallel_loop3A_325 : i32 to vector<16xi32>
        %parallel_loop3A_327 = arith.muli %parallel_loop3A_324, %parallel_loop3A_326 : vector<16xi32>
        %parallel_loop3A_328 = arith.addi %parallel_loop3A_327, %iota3A : vector<16xi32>
        %parallel_loop3A_329 = arith.constant -16 : i32
        %parallel_loop3A_330 = vector.broadcast %parallel_loop3A_329 : i32 to vector<16xi32>
        %parallel_loop3A_331 = arith.andi %parallel_loop3A_321, %parallel_loop3A_330 : vector<16xi32>
        %parallel_loop3A_332 = vector.bitcast %parallel_loop3A_331 : vector<16xi32> to vector<16xf32>
        tpu.vector_store_idx %arg6[%parallel_loop3A_328], %parallel_loop3A_332 {add = true} : memref<352xf32, #tpu.memory_space<vmem>>[vector<16xi32>], vector<16xf32>,
        %parallel_loop3A_333 = arith.constant 176 : i32
        %parallel_loop3A_334 = vector.broadcast %parallel_loop3A_333 : i32 to vector<16xi32>
        %parallel_loop3A_335 = arith.addi %parallel_loop3A_328, %parallel_loop3A_334 : vector<16xi32>
        tpu.vector_store_idx %arg6[%parallel_loop3A_335], %broadcast_in_dim3A_46 {add = true} : memref<352xf32, #tpu.memory_space<vmem>>[vector<16xi32>], vector<16xf32>,
        %parallel_loop3A_336 = arith.constant 64 : i32
        %parallel_loop3A_337 = arith.addi %parallel_loop3A_263, %parallel_loop3A_336 : i32
        %parallel_loop3A_338 = arith.index_cast %parallel_loop3A_337 : i32 to index
        %parallel_loop3A_339 = tpu.vector_load %arg4[%parallel_loop3A_338] {strides = array<i32>} : memref<25600xi32, #tpu.memory_space<vmem>>, vector<16xi32>,
        %parallel_loop3A_340 = arith.constant 15 : i32
        %parallel_loop3A_341 = vector.broadcast %parallel_loop3A_340 : i32 to vector<16xi32>
        %parallel_loop3A_342 = arith.andi %parallel_loop3A_339, %parallel_loop3A_341 : vector<16xi32>
        %parallel_loop3A_343 = arith.constant 16 : i32
        %parallel_loop3A_344 = vector.broadcast %parallel_loop3A_343 : i32 to vector<16xi32>
        %parallel_loop3A_345 = arith.muli %parallel_loop3A_342, %parallel_loop3A_344 : vector<16xi32>
        %parallel_loop3A_346 = arith.addi %parallel_loop3A_345, %iota3A : vector<16xi32>
        %parallel_loop3A_347 = arith.constant -16 : i32
        %parallel_loop3A_348 = vector.broadcast %parallel_loop3A_347 : i32 to vector<16xi32>
        %parallel_loop3A_349 = arith.andi %parallel_loop3A_339, %parallel_loop3A_348 : vector<16xi32>
        %parallel_loop3A_350 = vector.bitcast %parallel_loop3A_349 : vector<16xi32> to vector<16xf32>
        tpu.vector_store_idx %arg6[%parallel_loop3A_346], %parallel_loop3A_350 {add = true} : memref<352xf32, #tpu.memory_space<vmem>>[vector<16xi32>], vector<16xf32>,
        %parallel_loop3A_351 = arith.constant 176 : i32
        %parallel_loop3A_352 = vector.broadcast %parallel_loop3A_351 : i32 to vector<16xi32>
        %parallel_loop3A_353 = arith.addi %parallel_loop3A_346, %parallel_loop3A_352 : vector<16xi32>
        tpu.vector_store_idx %arg6[%parallel_loop3A_353], %broadcast_in_dim3A_46 {add = true} : memref<352xf32, #tpu.memory_space<vmem>>[vector<16xi32>], vector<16xf32>,
      } {sc.loop_unroll_factor = 4 : i64, sc.parallel_access}
      %add3A_254 = arith.constant 1 : i32
      %add3A_255 = arith.addi %mul3A_245, %add3A_254 : i32
      %lt3A_256 = arith.cmpi slt, %add3A_255, %select_n3A : i32
      %convert_element_type3A_257 = arith.extui %lt3A_256 : i1 to i32
      %cond3A_258 = arith.constant 0 : i32
      %cond3A_259 = arith.cmpi ne, %convert_element_type3A_257, %cond3A_258 : i32
      scf.if %cond3A_259 {
        %dma_wait3A_261 = arith.constant 0 : i32
        %dma_wait3A_262 = tpu.memref_slice %arg2[%dma_wait3A_261] : memref<6246400xi32, #tpu.memory_space<hbm>> -> memref<25600xi32, #tpu.memory_space<hbm>>
        %dma_wait3A_263 = arith.constant 0 : i32
        %dma_wait3A_264 = tpu.memref_slice %arg2[%dma_wait3A_263] : memref<6246400xi32, #tpu.memory_space<hbm>> -> memref<25600xi32, #tpu.memory_space<hbm>>
        tpu.wait_dma2 semaphore(%arg9 : memref<!tpu.dma_semaphore, #tpu.memory_space<semaphore_mem>>) src(%dma_wait3A_264 : memref<25600xi32, #tpu.memory_space<hbm>>) dst(%arg5 : memref<25600xi32, #tpu.memory_space<vmem>>)
        %add3A_265 = arith.constant 2 : i32
        %add3A_266 = arith.addi %mul3A_245, %add3A_265 : i32
        %lt3A_267 = arith.cmpi slt, %add3A_266, %select_n3A : i32
        %convert_element_type3A_268 = arith.extui %lt3A_267 : i1 to i32
        %cond3A_269 = arith.constant 0 : i32
        %cond3A_270 = arith.cmpi ne, %convert_element_type3A_268, %cond3A_269 : i32
        scf.if %cond3A_270 {
          %add3A_274 = arith.constant 2 : i32
          %add3A_275 = arith.addi %mul3A_245, %add3A_274 : i32
          %mul3A_276 = arith.constant 32 : i32
          %mul3A_277 = arith.muli %add3A_275, %mul3A_276 : i32
          %add3A_278 = arith.addi %add3A, %mul3A_277 : i32
          %mul3A_279 = arith.constant 25600 : i32
          %mul3A_280 = arith.muli %add3A_278, %mul3A_279 : i32
          %dma_start3A_281 = tpu.memref_slice %arg2[%mul3A_280] : memref<6246400xi32, #tpu.memory_space<hbm>> -> memref<25600xi32, #tpu.memory_space<hbm>>
          %dma_start3A_282 = tpu.memref_slice %arg2[%mul3A_280] : memref<6246400xi32, #tpu.memory_space<hbm>> -> memref<25600xi32, #tpu.memory_space<hbm>>
          tpu.enqueue_dma source(%dma_start3A_282 : memref<25600xi32, #tpu.memory_space<hbm>>) target(%arg4 : memref<25600xi32, #tpu.memory_space<vmem>>) target_semaphore(%arg8 : memref<!tpu.dma_semaphore, #tpu.memory_space<semaphore_mem>>)
        } else {
        }
        %parallel_loop3A_271 = arith.constant 0 : i32
        %parallel_loop3A_272 = arith.constant 200 : i32
        %parallel_loop3A_273 = arith.constant 1 : i32
        scf.for %parallel_loop3A_274 = %parallel_loop3A_271 to %parallel_loop3A_272 step %parallel_loop3A_273  : i32 {
          %parallel_loop3A_275 = arith.constant 128 : i32
          %parallel_loop3A_276 = arith.muli %parallel_loop3A_274, %parallel_loop3A_275 : i32
          %parallel_loop3A_277 = arith.constant 0 : i32
          %parallel_loop3A_278 = arith.addi %parallel_loop3A_276, %parallel_loop3A_277 : i32
          %parallel_loop3A_279 = arith.index_cast %parallel_loop3A_278 : i32 to index
          %parallel_loop3A_280 = tpu.vector_load %arg5[%parallel_loop3A_279] {strides = array<i32>} : memref<25600xi32, #tpu.memory_space<vmem>>, vector<16xi32>,
          %parallel_loop3A_281 = arith.constant 15 : i32
          %parallel_loop3A_282 = vector.broadcast %parallel_loop3A_281 : i32 to vector<16xi32>
          %parallel_loop3A_283 = arith.andi %parallel_loop3A_280, %parallel_loop3A_282 : vector<16xi32>
          %parallel_loop3A_284 = arith.constant 16 : i32
          %parallel_loop3A_285 = vector.broadcast %parallel_loop3A_284 : i32 to vector<16xi32>
          %parallel_loop3A_286 = arith.muli %parallel_loop3A_283, %parallel_loop3A_285 : vector<16xi32>
          %parallel_loop3A_287 = arith.addi %parallel_loop3A_286, %iota3A : vector<16xi32>
          %parallel_loop3A_288 = arith.constant -16 : i32
          %parallel_loop3A_289 = vector.broadcast %parallel_loop3A_288 : i32 to vector<16xi32>
          %parallel_loop3A_290 = arith.andi %parallel_loop3A_280, %parallel_loop3A_289 : vector<16xi32>
          %parallel_loop3A_291 = vector.bitcast %parallel_loop3A_290 : vector<16xi32> to vector<16xf32>
          tpu.vector_store_idx %arg6[%parallel_loop3A_287], %parallel_loop3A_291 {add = true} : memref<352xf32, #tpu.memory_space<vmem>>[vector<16xi32>], vector<16xf32>,
          %parallel_loop3A_292 = arith.constant 176 : i32
          %parallel_loop3A_293 = vector.broadcast %parallel_loop3A_292 : i32 to vector<16xi32>
          %parallel_loop3A_294 = arith.addi %parallel_loop3A_287, %parallel_loop3A_293 : vector<16xi32>
          tpu.vector_store_idx %arg6[%parallel_loop3A_294], %broadcast_in_dim3A_46 {add = true} : memref<352xf32, #tpu.memory_space<vmem>>[vector<16xi32>], vector<16xf32>,
          %parallel_loop3A_295 = arith.constant 16 : i32
          %parallel_loop3A_296 = arith.addi %parallel_loop3A_276, %parallel_loop3A_295 : i32
          %parallel_loop3A_297 = arith.index_cast %parallel_loop3A_296 : i32 to index
          %parallel_loop3A_298 = tpu.vector_load %arg5[%parallel_loop3A_297] {strides = array<i32>} : memref<25600xi32, #tpu.memory_space<vmem>>, vector<16xi32>,
          %parallel_loop3A_299 = arith.constant 15 : i32
          %parallel_loop3A_300 = vector.broadcast %parallel_loop3A_299 : i32 to vector<16xi32>
          %parallel_loop3A_301 = arith.andi %parallel_loop3A_298, %parallel_loop3A_300 : vector<16xi32>
          %parallel_loop3A_302 = arith.constant 16 : i32
          %parallel_loop3A_303 = vector.broadcast %parallel_loop3A_302 : i32 to vector<16xi32>
          %parallel_loop3A_304 = arith.muli %parallel_loop3A_301, %parallel_loop3A_303 : vector<16xi32>
          %parallel_loop3A_305 = arith.addi %parallel_loop3A_304, %iota3A : vector<16xi32>
          %parallel_loop3A_306 = arith.constant -16 : i32
          %parallel_loop3A_307 = vector.broadcast %parallel_loop3A_306 : i32 to vector<16xi32>
          %parallel_loop3A_308 = arith.andi %parallel_loop3A_298, %parallel_loop3A_307 : vector<16xi32>
          %parallel_loop3A_309 = vector.bitcast %parallel_loop3A_308 : vector<16xi32> to vector<16xf32>
          tpu.vector_store_idx %arg6[%parallel_loop3A_305], %parallel_loop3A_309 {add = true} : memref<352xf32, #tpu.memory_space<vmem>>[vector<16xi32>], vector<16xf32>,
          %parallel_loop3A_310 = arith.constant 176 : i32
          %parallel_loop3A_311 = vector.broadcast %parallel_loop3A_310 : i32 to vector<16xi32>
          %parallel_loop3A_312 = arith.addi %parallel_loop3A_305, %parallel_loop3A_311 : vector<16xi32>
          tpu.vector_store_idx %arg6[%parallel_loop3A_312], %broadcast_in_dim3A_46 {add = true} : memref<352xf32, #tpu.memory_space<vmem>>[vector<16xi32>], vector<16xf32>,
          %parallel_loop3A_313 = arith.constant 32 : i32
          %parallel_loop3A_314 = arith.addi %parallel_loop3A_276, %parallel_loop3A_313 : i32
          %parallel_loop3A_315 = arith.index_cast %parallel_loop3A_314 : i32 to index
          %parallel_loop3A_316 = tpu.vector_load %arg5[%parallel_loop3A_315] {strides = array<i32>} : memref<25600xi32, #tpu.memory_space<vmem>>, vector<16xi32>,
          %parallel_loop3A_317 = arith.constant 15 : i32
          %parallel_loop3A_318 = vector.broadcast %parallel_loop3A_317 : i32 to vector<16xi32>
          %parallel_loop3A_319 = arith.andi %parallel_loop3A_316, %parallel_loop3A_318 : vector<16xi32>
          %parallel_loop3A_320 = arith.constant 16 : i32
          %parallel_loop3A_321 = vector.broadcast %parallel_loop3A_320 : i32 to vector<16xi32>
          %parallel_loop3A_322 = arith.muli %parallel_loop3A_319, %parallel_loop3A_321 : vector<16xi32>
          %parallel_loop3A_323 = arith.addi %parallel_loop3A_322, %iota3A : vector<16xi32>
          %parallel_loop3A_324 = arith.constant -16 : i32
          %parallel_loop3A_325 = vector.broadcast %parallel_loop3A_324 : i32 to vector<16xi32>
          %parallel_loop3A_326 = arith.andi %parallel_loop3A_316, %parallel_loop3A_325 : vector<16xi32>
          %parallel_loop3A_327 = vector.bitcast %parallel_loop3A_326 : vector<16xi32> to vector<16xf32>
          tpu.vector_store_idx %arg6[%parallel_loop3A_323], %parallel_loop3A_327 {add = true} : memref<352xf32, #tpu.memory_space<vmem>>[vector<16xi32>], vector<16xf32>,
          %parallel_loop3A_328 = arith.constant 176 : i32
          %parallel_loop3A_329 = vector.broadcast %parallel_loop3A_328 : i32 to vector<16xi32>
          %parallel_loop3A_330 = arith.addi %parallel_loop3A_323, %parallel_loop3A_329 : vector<16xi32>
          tpu.vector_store_idx %arg6[%parallel_loop3A_330], %broadcast_in_dim3A_46 {add = true} : memref<352xf32, #tpu.memory_space<vmem>>[vector<16xi32>], vector<16xf32>,
          %parallel_loop3A_331 = arith.constant 48 : i32
          %parallel_loop3A_332 = arith.addi %parallel_loop3A_276, %parallel_loop3A_331 : i32
          %parallel_loop3A_333 = arith.index_cast %parallel_loop3A_332 : i32 to index
          %parallel_loop3A_334 = tpu.vector_load %arg5[%parallel_loop3A_333] {strides = array<i32>} : memref<25600xi32, #tpu.memory_space<vmem>>, vector<16xi32>,
          %parallel_loop3A_335 = arith.constant 15 : i32
          %parallel_loop3A_336 = vector.broadcast %parallel_loop3A_335 : i32 to vector<16xi32>
          %parallel_loop3A_337 = arith.andi %parallel_loop3A_334, %parallel_loop3A_336 : vector<16xi32>
          %parallel_loop3A_338 = arith.constant 16 : i32
          %parallel_loop3A_339 = vector.broadcast %parallel_loop3A_338 : i32 to vector<16xi32>
          %parallel_loop3A_340 = arith.muli %parallel_loop3A_337, %parallel_loop3A_339 : vector<16xi32>
          %parallel_loop3A_341 = arith.addi %parallel_loop3A_340, %iota3A : vector<16xi32>
          %parallel_loop3A_342 = arith.constant -16 : i32
          %parallel_loop3A_343 = vector.broadcast %parallel_loop3A_342 : i32 to vector<16xi32>
          %parallel_loop3A_344 = arith.andi %parallel_loop3A_334, %parallel_loop3A_343 : vector<16xi32>
          %parallel_loop3A_345 = vector.bitcast %parallel_loop3A_344 : vector<16xi32> to vector<16xf32>
          tpu.vector_store_idx %arg6[%parallel_loop3A_341], %parallel_loop3A_345 {add = true} : memref<352xf32, #tpu.memory_space<vmem>>[vector<16xi32>], vector<16xf32>,
          %parallel_loop3A_346 = arith.constant 176 : i32
          %parallel_loop3A_347 = vector.broadcast %parallel_loop3A_346 : i32 to vector<16xi32>
          %parallel_loop3A_348 = arith.addi %parallel_loop3A_341, %parallel_loop3A_347 : vector<16xi32>
          tpu.vector_store_idx %arg6[%parallel_loop3A_348], %broadcast_in_dim3A_46 {add = true} : memref<352xf32, #tpu.memory_space<vmem>>[vector<16xi32>], vector<16xf32>,
          %parallel_loop3A_349 = arith.constant 64 : i32
          %parallel_loop3A_350 = arith.addi %parallel_loop3A_276, %parallel_loop3A_349 : i32
          %parallel_loop3A_351 = arith.index_cast %parallel_loop3A_350 : i32 to index
          %parallel_loop3A_352 = tpu.vector_load %arg5[%parallel_loop3A_351] {strides = array<i32>} : memref<25600xi32, #tpu.memory_space<vmem>>, vector<16xi32>,
          %parallel_loop3A_353 = arith.constant 15 : i32
          %parallel_loop3A_354 = vector.broadcast %parallel_loop3A_353 : i32 to vector<16xi32>
          %parallel_loop3A_355 = arith.andi %parallel_loop3A_352, %parallel_loop3A_354 : vector<16xi32>
          %parallel_loop3A_356 = arith.constant 16 : i32
          %parallel_loop3A_357 = vector.broadcast %parallel_loop3A_356 : i32 to vector<16xi32>
          %parallel_loop3A_358 = arith.muli %parallel_loop3A_355, %parallel_loop3A_357 : vector<16xi32>
          %parallel_loop3A_359 = arith.addi %parallel_loop3A_358, %iota3A : vector<16xi32>
          %parallel_loop3A_360 = arith.constant -16 : i32
          %parallel_loop3A_361 = vector.broadcast %parallel_loop3A_360 : i32 to vector<16xi32>
          %parallel_loop3A_362 = arith.andi %parallel_loop3A_352, %parallel_loop3A_361 : vector<16xi32>
          %parallel_loop3A_363 = vector.bitcast %parallel_loop3A_362 : vector<16xi32> to vector<16xf32>
          tpu.vector_store_idx %arg6[%parallel_loop3A_359], %parallel_loop3A_363 {add = true} : memref<352xf32, #tpu.memory_space<vmem>>[vector<16xi32>], vector<16xf32>,
          %parallel_loop3A_364 = arith.constant 176 : i32
          %parallel_loop3A_365 = vector.broadcast %parallel_loop3A_364 : i32 to vector<16xi32>
          %parallel_loop3A_366 = arith.addi %parallel_loop3A_359, %parallel_loop3A_365 : vector<16xi32>
          tpu.vector_store_idx %arg6[%parallel_loop3A_366], %broadcast_in_dim3A_46 {add = true} : memref<352xf32, #tpu.memory_space<vmem>>[vector<16xi32>], vector<16xf32>,
        } {sc.loop_unroll_factor = 4 : i64, sc.parallel_access}
      } else {
      }
      %while3A_260 = arith.constant 0 : i32
      scf.yield %while3A_260 : i32
    }
    %while3A_109 = arith.constant 1 : i32
    %while3A_110 = scf.for %while3A_242 = %while3A_106 to %while3A_102 step %while3A_109 iter_args(%while3A_243 = %while3A_108) -> (i32)  : i32 {
      %mul3A_244 = arith.constant 2 : i32
      %mul3A_245 = arith.muli %while3A_242, %mul3A_244 : i32
      %dma_wait3A = arith.constant 0 : i32
      %dma_wait3A_246 = tpu.memref_slice %arg2[%dma_wait3A] : memref<6246400xi32, #tpu.memory_space<hbm>> -> memref<25600xi32, #tpu.memory_space<hbm>>
      %dma_wait3A_247 = arith.constant 0 : i32
      %dma_wait3A_248 = tpu.memref_slice %arg2[%dma_wait3A_247] : memref<6246400xi32, #tpu.memory_space<hbm>> -> memref<25600xi32, #tpu.memory_space<hbm>>
      tpu.wait_dma2 semaphore(%arg8 : memref<!tpu.dma_semaphore, #tpu.memory_space<semaphore_mem>>) src(%dma_wait3A_248 : memref<25600xi32, #tpu.memory_space<hbm>>) dst(%arg4 : memref<25600xi32, #tpu.memory_space<vmem>>)
      %add3A_249 = arith.constant 1 : i32
      %add3A_250 = arith.addi %mul3A_245, %add3A_249 : i32
      %lt3A = arith.cmpi slt, %add3A_250, %select_n3A : i32
      %convert_element_type3A = arith.extui %lt3A : i1 to i32
      %cond3A = arith.constant 0 : i32
      %cond3A_251 = arith.cmpi ne, %convert_element_type3A, %cond3A : i32
      scf.if %cond3A_251 {
        %add3A_261 = arith.constant 1 : i32
        %add3A_262 = arith.addi %mul3A_245, %add3A_261 : i32
        %mul3A_263 = arith.constant 32 : i32
        %mul3A_264 = arith.muli %add3A_262, %mul3A_263 : i32
        %add3A_265 = arith.addi %add3A, %mul3A_264 : i32
        %mul3A_266 = arith.constant 25600 : i32
        %mul3A_267 = arith.muli %add3A_265, %mul3A_266 : i32
        %dma_start3A_268 = tpu.memref_slice %arg2[%mul3A_267] : memref<6246400xi32, #tpu.memory_space<hbm>> -> memref<25600xi32, #tpu.memory_space<hbm>>
        %dma_start3A_269 = tpu.memref_slice %arg2[%mul3A_267] : memref<6246400xi32, #tpu.memory_space<hbm>> -> memref<25600xi32, #tpu.memory_space<hbm>>
        tpu.enqueue_dma source(%dma_start3A_269 : memref<25600xi32, #tpu.memory_space<hbm>>) target(%arg5 : memref<25600xi32, #tpu.memory_space<vmem>>) target_semaphore(%arg9 : memref<!tpu.dma_semaphore, #tpu.memory_space<semaphore_mem>>)
      } else {
      }
      %parallel_loop3A = arith.constant 0 : i32
      %parallel_loop3A_252 = arith.constant 200 : i32
      %parallel_loop3A_253 = arith.constant 1 : i32
      scf.for %parallel_loop3A_261 = %parallel_loop3A to %parallel_loop3A_252 step %parallel_loop3A_253  : i32 {
        %parallel_loop3A_262 = arith.constant 128 : i32
        %parallel_loop3A_263 = arith.muli %parallel_loop3A_261, %parallel_loop3A_262 : i32
        %parallel_loop3A_264 = arith.constant 0 : i32
        %parallel_loop3A_265 = arith.addi %parallel_loop3A_263, %parallel_loop3A_264 : i32
        %parallel_loop3A_266 = arith.index_cast %parallel_loop3A_265 : i32 to index
        %parallel_loop3A_267 = tpu.vector_load %arg4[%parallel_loop3A_266] {strides = array<i32>} : memref<25600xi32, #tpu.memory_space<vmem>>, vector<16xi32>,
        %parallel_loop3A_268 = arith.constant 15 : i32
        %parallel_loop3A_269 = vector.broadcast %parallel_loop3A_268 : i32 to vector<16xi32>
        %parallel_loop3A_270 = arith.andi %parallel_loop3A_267, %parallel_loop3A_269 : vector<16xi32>
        %parallel_loop3A_271 = arith.constant 16 : i32
        %parallel_loop3A_272 = vector.broadcast %parallel_loop3A_271 : i32 to vector<16xi32>
        %parallel_loop3A_273 = arith.muli %parallel_loop3A_270, %parallel_loop3A_272 : vector<16xi32>
        %parallel_loop3A_274 = arith.addi %parallel_loop3A_273, %iota3A : vector<16xi32>
        %parallel_loop3A_275 = arith.constant -16 : i32
        %parallel_loop3A_276 = vector.broadcast %parallel_loop3A_275 : i32 to vector<16xi32>
        %parallel_loop3A_277 = arith.andi %parallel_loop3A_267, %parallel_loop3A_276 : vector<16xi32>
        %parallel_loop3A_278 = vector.bitcast %parallel_loop3A_277 : vector<16xi32> to vector<16xf32>
        tpu.vector_store_idx %arg6[%parallel_loop3A_274], %parallel_loop3A_278 {add = true} : memref<352xf32, #tpu.memory_space<vmem>>[vector<16xi32>], vector<16xf32>,
        %parallel_loop3A_279 = arith.constant 176 : i32
        %parallel_loop3A_280 = vector.broadcast %parallel_loop3A_279 : i32 to vector<16xi32>
        %parallel_loop3A_281 = arith.addi %parallel_loop3A_274, %parallel_loop3A_280 : vector<16xi32>
        tpu.vector_store_idx %arg6[%parallel_loop3A_281], %broadcast_in_dim3A_46 {add = true} : memref<352xf32, #tpu.memory_space<vmem>>[vector<16xi32>], vector<16xf32>,
        %parallel_loop3A_282 = arith.constant 16 : i32
        %parallel_loop3A_283 = arith.addi %parallel_loop3A_263, %parallel_loop3A_282 : i32
        %parallel_loop3A_284 = arith.index_cast %parallel_loop3A_283 : i32 to index
        %parallel_loop3A_285 = tpu.vector_load %arg4[%parallel_loop3A_284] {strides = array<i32>} : memref<25600xi32, #tpu.memory_space<vmem>>, vector<16xi32>,
        %parallel_loop3A_286 = arith.constant 15 : i32
        %parallel_loop3A_287 = vector.broadcast %parallel_loop3A_286 : i32 to vector<16xi32>
        %parallel_loop3A_288 = arith.andi %parallel_loop3A_285, %parallel_loop3A_287 : vector<16xi32>
        %parallel_loop3A_289 = arith.constant 16 : i32
        %parallel_loop3A_290 = vector.broadcast %parallel_loop3A_289 : i32 to vector<16xi32>
        %parallel_loop3A_291 = arith.muli %parallel_loop3A_288, %parallel_loop3A_290 : vector<16xi32>
        %parallel_loop3A_292 = arith.addi %parallel_loop3A_291, %iota3A : vector<16xi32>
        %parallel_loop3A_293 = arith.constant -16 : i32
        %parallel_loop3A_294 = vector.broadcast %parallel_loop3A_293 : i32 to vector<16xi32>
        %parallel_loop3A_295 = arith.andi %parallel_loop3A_285, %parallel_loop3A_294 : vector<16xi32>
        %parallel_loop3A_296 = vector.bitcast %parallel_loop3A_295 : vector<16xi32> to vector<16xf32>
        tpu.vector_store_idx %arg6[%parallel_loop3A_292], %parallel_loop3A_296 {add = true} : memref<352xf32, #tpu.memory_space<vmem>>[vector<16xi32>], vector<16xf32>,
        %parallel_loop3A_297 = arith.constant 176 : i32
        %parallel_loop3A_298 = vector.broadcast %parallel_loop3A_297 : i32 to vector<16xi32>
        %parallel_loop3A_299 = arith.addi %parallel_loop3A_292, %parallel_loop3A_298 : vector<16xi32>
        tpu.vector_store_idx %arg6[%parallel_loop3A_299], %broadcast_in_dim3A_46 {add = true} : memref<352xf32, #tpu.memory_space<vmem>>[vector<16xi32>], vector<16xf32>,
        %parallel_loop3A_300 = arith.constant 32 : i32
        %parallel_loop3A_301 = arith.addi %parallel_loop3A_263, %parallel_loop3A_300 : i32
        %parallel_loop3A_302 = arith.index_cast %parallel_loop3A_301 : i32 to index
        %parallel_loop3A_303 = tpu.vector_load %arg4[%parallel_loop3A_302] {strides = array<i32>} : memref<25600xi32, #tpu.memory_space<vmem>>, vector<16xi32>,
        %parallel_loop3A_304 = arith.constant 15 : i32
        %parallel_loop3A_305 = vector.broadcast %parallel_loop3A_304 : i32 to vector<16xi32>
        %parallel_loop3A_306 = arith.andi %parallel_loop3A_303, %parallel_loop3A_305 : vector<16xi32>
        %parallel_loop3A_307 = arith.constant 16 : i32
        %parallel_loop3A_308 = vector.broadcast %parallel_loop3A_307 : i32 to vector<16xi32>
        %parallel_loop3A_309 = arith.muli %parallel_loop3A_306, %parallel_loop3A_308 : vector<16xi32>
        %parallel_loop3A_310 = arith.addi %parallel_loop3A_309, %iota3A : vector<16xi32>
        %parallel_loop3A_311 = arith.constant -16 : i32
        %parallel_loop3A_312 = vector.broadcast %parallel_loop3A_311 : i32 to vector<16xi32>
        %parallel_loop3A_313 = arith.andi %parallel_loop3A_303, %parallel_loop3A_312 : vector<16xi32>
        %parallel_loop3A_314 = vector.bitcast %parallel_loop3A_313 : vector<16xi32> to vector<16xf32>
        tpu.vector_store_idx %arg6[%parallel_loop3A_310], %parallel_loop3A_314 {add = true} : memref<352xf32, #tpu.memory_space<vmem>>[vector<16xi32>], vector<16xf32>,
        %parallel_loop3A_315 = arith.constant 176 : i32
        %parallel_loop3A_316 = vector.broadcast %parallel_loop3A_315 : i32 to vector<16xi32>
        %parallel_loop3A_317 = arith.addi %parallel_loop3A_310, %parallel_loop3A_316 : vector<16xi32>
        tpu.vector_store_idx %arg6[%parallel_loop3A_317], %broadcast_in_dim3A_46 {add = true} : memref<352xf32, #tpu.memory_space<vmem>>[vector<16xi32>], vector<16xf32>,
        %parallel_loop3A_318 = arith.constant 48 : i32
        %parallel_loop3A_319 = arith.addi %parallel_loop3A_263, %parallel_loop3A_318 : i32
        %parallel_loop3A_320 = arith.index_cast %parallel_loop3A_319 : i32 to index
        %parallel_loop3A_321 = tpu.vector_load %arg4[%parallel_loop3A_320] {strides = array<i32>} : memref<25600xi32, #tpu.memory_space<vmem>>, vector<16xi32>,
        %parallel_loop3A_322 = arith.constant 15 : i32
        %parallel_loop3A_323 = vector.broadcast %parallel_loop3A_322 : i32 to vector<16xi32>
        %parallel_loop3A_324 = arith.andi %parallel_loop3A_321, %parallel_loop3A_323 : vector<16xi32>
        %parallel_loop3A_325 = arith.constant 16 : i32
        %parallel_loop3A_326 = vector.broadcast %parallel_loop3A_325 : i32 to vector<16xi32>
        %parallel_loop3A_327 = arith.muli %parallel_loop3A_324, %parallel_loop3A_326 : vector<16xi32>
        %parallel_loop3A_328 = arith.addi %parallel_loop3A_327, %iota3A : vector<16xi32>
        %parallel_loop3A_329 = arith.constant -16 : i32
        %parallel_loop3A_330 = vector.broadcast %parallel_loop3A_329 : i32 to vector<16xi32>
        %parallel_loop3A_331 = arith.andi %parallel_loop3A_321, %parallel_loop3A_330 : vector<16xi32>
        %parallel_loop3A_332 = vector.bitcast %parallel_loop3A_331 : vector<16xi32> to vector<16xf32>
        tpu.vector_store_idx %arg6[%parallel_loop3A_328], %parallel_loop3A_332 {add = true} : memref<352xf32, #tpu.memory_space<vmem>>[vector<16xi32>], vector<16xf32>,
        %parallel_loop3A_333 = arith.constant 176 : i32
        %parallel_loop3A_334 = vector.broadcast %parallel_loop3A_333 : i32 to vector<16xi32>
        %parallel_loop3A_335 = arith.addi %parallel_loop3A_328, %parallel_loop3A_334 : vector<16xi32>
        tpu.vector_store_idx %arg6[%parallel_loop3A_335], %broadcast_in_dim3A_46 {add = true} : memref<352xf32, #tpu.memory_space<vmem>>[vector<16xi32>], vector<16xf32>,
        %parallel_loop3A_336 = arith.constant 64 : i32
        %parallel_loop3A_337 = arith.addi %parallel_loop3A_263, %parallel_loop3A_336 : i32
        %parallel_loop3A_338 = arith.index_cast %parallel_loop3A_337 : i32 to index
        %parallel_loop3A_339 = tpu.vector_load %arg4[%parallel_loop3A_338] {strides = array<i32>} : memref<25600xi32, #tpu.memory_space<vmem>>, vector<16xi32>,
        %parallel_loop3A_340 = arith.constant 15 : i32
        %parallel_loop3A_341 = vector.broadcast %parallel_loop3A_340 : i32 to vector<16xi32>
        %parallel_loop3A_342 = arith.andi %parallel_loop3A_339, %parallel_loop3A_341 : vector<16xi32>
        %parallel_loop3A_343 = arith.constant 16 : i32
        %parallel_loop3A_344 = vector.broadcast %parallel_loop3A_343 : i32 to vector<16xi32>
        %parallel_loop3A_345 = arith.muli %parallel_loop3A_342, %parallel_loop3A_344 : vector<16xi32>
        %parallel_loop3A_346 = arith.addi %parallel_loop3A_345, %iota3A : vector<16xi32>
        %parallel_loop3A_347 = arith.constant -16 : i32
        %parallel_loop3A_348 = vector.broadcast %parallel_loop3A_347 : i32 to vector<16xi32>
        %parallel_loop3A_349 = arith.andi %parallel_loop3A_339, %parallel_loop3A_348 : vector<16xi32>
        %parallel_loop3A_350 = vector.bitcast %parallel_loop3A_349 : vector<16xi32> to vector<16xf32>
        tpu.vector_store_idx %arg6[%parallel_loop3A_346], %parallel_loop3A_350 {add = true} : memref<352xf32, #tpu.memory_space<vmem>>[vector<16xi32>], vector<16xf32>,
        %parallel_loop3A_351 = arith.constant 176 : i32
        %parallel_loop3A_352 = vector.broadcast %parallel_loop3A_351 : i32 to vector<16xi32>
        %parallel_loop3A_353 = arith.addi %parallel_loop3A_346, %parallel_loop3A_352 : vector<16xi32>
        tpu.vector_store_idx %arg6[%parallel_loop3A_353], %broadcast_in_dim3A_46 {add = true} : memref<352xf32, #tpu.memory_space<vmem>>[vector<16xi32>], vector<16xf32>,
      } {sc.loop_unroll_factor = 4 : i64, sc.parallel_access}
      %add3A_254 = arith.constant 1 : i32
      %add3A_255 = arith.addi %mul3A_245, %add3A_254 : i32
      %lt3A_256 = arith.cmpi slt, %add3A_255, %select_n3A : i32
      %convert_element_type3A_257 = arith.extui %lt3A_256 : i1 to i32
      %cond3A_258 = arith.constant 0 : i32
      %cond3A_259 = arith.cmpi ne, %convert_element_type3A_257, %cond3A_258 : i32
      scf.if %cond3A_259 {
        %dma_wait3A_261 = arith.constant 0 : i32
        %dma_wait3A_262 = tpu.memref_slice %arg2[%dma_wait3A_261] : memref<6246400xi32, #tpu.memory_space<hbm>> -> memref<25600xi32, #tpu.memory_space<hbm>>
        %dma_wait3A_263 = arith.constant 0 : i32
        %dma_wait3A_264 = tpu.memref_slice %arg2[%dma_wait3A_263] : memref<6246400xi32, #tpu.memory_space<hbm>> -> memref<25600xi32, #tpu.memory_space<hbm>>
        tpu.wait_dma2 semaphore(%arg9 : memref<!tpu.dma_semaphore, #tpu.memory_space<semaphore_mem>>) src(%dma_wait3A_264 : memref<25600xi32, #tpu.memory_space<hbm>>) dst(%arg5 : memref<25600xi32, #tpu.memory_space<vmem>>)
        %add3A_265 = arith.constant 2 : i32
        %add3A_266 = arith.addi %mul3A_245, %add3A_265 : i32
        %lt3A_267 = arith.cmpi slt, %add3A_266, %select_n3A : i32
        %convert_element_type3A_268 = arith.extui %lt3A_267 : i1 to i32
        %cond3A_269 = arith.constant 0 : i32
        %cond3A_270 = arith.cmpi ne, %convert_element_type3A_268, %cond3A_269 : i32
        scf.if %cond3A_270 {
          %add3A_274 = arith.constant 2 : i32
          %add3A_275 = arith.addi %mul3A_245, %add3A_274 : i32
          %mul3A_276 = arith.constant 32 : i32
          %mul3A_277 = arith.muli %add3A_275, %mul3A_276 : i32
          %add3A_278 = arith.addi %add3A, %mul3A_277 : i32
          %mul3A_279 = arith.constant 25600 : i32
          %mul3A_280 = arith.muli %add3A_278, %mul3A_279 : i32
          %dma_start3A_281 = tpu.memref_slice %arg2[%mul3A_280] : memref<6246400xi32, #tpu.memory_space<hbm>> -> memref<25600xi32, #tpu.memory_space<hbm>>
          %dma_start3A_282 = tpu.memref_slice %arg2[%mul3A_280] : memref<6246400xi32, #tpu.memory_space<hbm>> -> memref<25600xi32, #tpu.memory_space<hbm>>
          tpu.enqueue_dma source(%dma_start3A_282 : memref<25600xi32, #tpu.memory_space<hbm>>) target(%arg4 : memref<25600xi32, #tpu.memory_space<vmem>>) target_semaphore(%arg8 : memref<!tpu.dma_semaphore, #tpu.memory_space<semaphore_mem>>)
        } else {
        }
        %parallel_loop3A_271 = arith.constant 0 : i32
        %parallel_loop3A_272 = arith.constant 200 : i32
        %parallel_loop3A_273 = arith.constant 1 : i32
        scf.for %parallel_loop3A_274 = %parallel_loop3A_271 to %parallel_loop3A_272 step %parallel_loop3A_273  : i32 {
          %parallel_loop3A_275 = arith.constant 128 : i32
          %parallel_loop3A_276 = arith.muli %parallel_loop3A_274, %parallel_loop3A_275 : i32
          %parallel_loop3A_277 = arith.constant 0 : i32
          %parallel_loop3A_278 = arith.addi %parallel_loop3A_276, %parallel_loop3A_277 : i32
          %parallel_loop3A_279 = arith.index_cast %parallel_loop3A_278 : i32 to index
          %parallel_loop3A_280 = tpu.vector_load %arg5[%parallel_loop3A_279] {strides = array<i32>} : memref<25600xi32, #tpu.memory_space<vmem>>, vector<16xi32>,
          %parallel_loop3A_281 = arith.constant 15 : i32
          %parallel_loop3A_282 = vector.broadcast %parallel_loop3A_281 : i32 to vector<16xi32>
          %parallel_loop3A_283 = arith.andi %parallel_loop3A_280, %parallel_loop3A_282 : vector<16xi32>
          %parallel_loop3A_284 = arith.constant 16 : i32
          %parallel_loop3A_285 = vector.broadcast %parallel_loop3A_284 : i32 to vector<16xi32>
          %parallel_loop3A_286 = arith.muli %parallel_loop3A_283, %parallel_loop3A_285 : vector<16xi32>
          %parallel_loop3A_287 = arith.addi %parallel_loop3A_286, %iota3A : vector<16xi32>
          %parallel_loop3A_288 = arith.constant -16 : i32
          %parallel_loop3A_289 = vector.broadcast %parallel_loop3A_288 : i32 to vector<16xi32>
          %parallel_loop3A_290 = arith.andi %parallel_loop3A_280, %parallel_loop3A_289 : vector<16xi32>
          %parallel_loop3A_291 = vector.bitcast %parallel_loop3A_290 : vector<16xi32> to vector<16xf32>
          tpu.vector_store_idx %arg6[%parallel_loop3A_287], %parallel_loop3A_291 {add = true} : memref<352xf32, #tpu.memory_space<vmem>>[vector<16xi32>], vector<16xf32>,
          %parallel_loop3A_292 = arith.constant 176 : i32
          %parallel_loop3A_293 = vector.broadcast %parallel_loop3A_292 : i32 to vector<16xi32>
          %parallel_loop3A_294 = arith.addi %parallel_loop3A_287, %parallel_loop3A_293 : vector<16xi32>
          tpu.vector_store_idx %arg6[%parallel_loop3A_294], %broadcast_in_dim3A_46 {add = true} : memref<352xf32, #tpu.memory_space<vmem>>[vector<16xi32>], vector<16xf32>,
          %parallel_loop3A_295 = arith.constant 16 : i32
          %parallel_loop3A_296 = arith.addi %parallel_loop3A_276, %parallel_loop3A_295 : i32
          %parallel_loop3A_297 = arith.index_cast %parallel_loop3A_296 : i32 to index
          %parallel_loop3A_298 = tpu.vector_load %arg5[%parallel_loop3A_297] {strides = array<i32>} : memref<25600xi32, #tpu.memory_space<vmem>>, vector<16xi32>,
          %parallel_loop3A_299 = arith.constant 15 : i32
          %parallel_loop3A_300 = vector.broadcast %parallel_loop3A_299 : i32 to vector<16xi32>
          %parallel_loop3A_301 = arith.andi %parallel_loop3A_298, %parallel_loop3A_300 : vector<16xi32>
          %parallel_loop3A_302 = arith.constant 16 : i32
          %parallel_loop3A_303 = vector.broadcast %parallel_loop3A_302 : i32 to vector<16xi32>
          %parallel_loop3A_304 = arith.muli %parallel_loop3A_301, %parallel_loop3A_303 : vector<16xi32>
          %parallel_loop3A_305 = arith.addi %parallel_loop3A_304, %iota3A : vector<16xi32>
          %parallel_loop3A_306 = arith.constant -16 : i32
          %parallel_loop3A_307 = vector.broadcast %parallel_loop3A_306 : i32 to vector<16xi32>
          %parallel_loop3A_308 = arith.andi %parallel_loop3A_298, %parallel_loop3A_307 : vector<16xi32>
          %parallel_loop3A_309 = vector.bitcast %parallel_loop3A_308 : vector<16xi32> to vector<16xf32>
          tpu.vector_store_idx %arg6[%parallel_loop3A_305], %parallel_loop3A_309 {add = true} : memref<352xf32, #tpu.memory_space<vmem>>[vector<16xi32>], vector<16xf32>,
          %parallel_loop3A_310 = arith.constant 176 : i32
          %parallel_loop3A_311 = vector.broadcast %parallel_loop3A_310 : i32 to vector<16xi32>
          %parallel_loop3A_312 = arith.addi %parallel_loop3A_305, %parallel_loop3A_311 : vector<16xi32>
          tpu.vector_store_idx %arg6[%parallel_loop3A_312], %broadcast_in_dim3A_46 {add = true} : memref<352xf32, #tpu.memory_space<vmem>>[vector<16xi32>], vector<16xf32>,
          %parallel_loop3A_313 = arith.constant 32 : i32
          %parallel_loop3A_314 = arith.addi %parallel_loop3A_276, %parallel_loop3A_313 : i32
          %parallel_loop3A_315 = arith.index_cast %parallel_loop3A_314 : i32 to index
          %parallel_loop3A_316 = tpu.vector_load %arg5[%parallel_loop3A_315] {strides = array<i32>} : memref<25600xi32, #tpu.memory_space<vmem>>, vector<16xi32>,
          %parallel_loop3A_317 = arith.constant 15 : i32
          %parallel_loop3A_318 = vector.broadcast %parallel_loop3A_317 : i32 to vector<16xi32>
          %parallel_loop3A_319 = arith.andi %parallel_loop3A_316, %parallel_loop3A_318 : vector<16xi32>
          %parallel_loop3A_320 = arith.constant 16 : i32
          %parallel_loop3A_321 = vector.broadcast %parallel_loop3A_320 : i32 to vector<16xi32>
          %parallel_loop3A_322 = arith.muli %parallel_loop3A_319, %parallel_loop3A_321 : vector<16xi32>
          %parallel_loop3A_323 = arith.addi %parallel_loop3A_322, %iota3A : vector<16xi32>
          %parallel_loop3A_324 = arith.constant -16 : i32
          %parallel_loop3A_325 = vector.broadcast %parallel_loop3A_324 : i32 to vector<16xi32>
          %parallel_loop3A_326 = arith.andi %parallel_loop3A_316, %parallel_loop3A_325 : vector<16xi32>
          %parallel_loop3A_327 = vector.bitcast %parallel_loop3A_326 : vector<16xi32> to vector<16xf32>
          tpu.vector_store_idx %arg6[%parallel_loop3A_323], %parallel_loop3A_327 {add = true} : memref<352xf32, #tpu.memory_space<vmem>>[vector<16xi32>], vector<16xf32>,
          %parallel_loop3A_328 = arith.constant 176 : i32
          %parallel_loop3A_329 = vector.broadcast %parallel_loop3A_328 : i32 to vector<16xi32>
          %parallel_loop3A_330 = arith.addi %parallel_loop3A_323, %parallel_loop3A_329 : vector<16xi32>
          tpu.vector_store_idx %arg6[%parallel_loop3A_330], %broadcast_in_dim3A_46 {add = true} : memref<352xf32, #tpu.memory_space<vmem>>[vector<16xi32>], vector<16xf32>,
          %parallel_loop3A_331 = arith.constant 48 : i32
          %parallel_loop3A_332 = arith.addi %parallel_loop3A_276, %parallel_loop3A_331 : i32
          %parallel_loop3A_333 = arith.index_cast %parallel_loop3A_332 : i32 to index
          %parallel_loop3A_334 = tpu.vector_load %arg5[%parallel_loop3A_333] {strides = array<i32>} : memref<25600xi32, #tpu.memory_space<vmem>>, vector<16xi32>,
          %parallel_loop3A_335 = arith.constant 15 : i32
          %parallel_loop3A_336 = vector.broadcast %parallel_loop3A_335 : i32 to vector<16xi32>
          %parallel_loop3A_337 = arith.andi %parallel_loop3A_334, %parallel_loop3A_336 : vector<16xi32>
          %parallel_loop3A_338 = arith.constant 16 : i32
          %parallel_loop3A_339 = vector.broadcast %parallel_loop3A_338 : i32 to vector<16xi32>
          %parallel_loop3A_340 = arith.muli %parallel_loop3A_337, %parallel_loop3A_339 : vector<16xi32>
          %parallel_loop3A_341 = arith.addi %parallel_loop3A_340, %iota3A : vector<16xi32>
          %parallel_loop3A_342 = arith.constant -16 : i32
          %parallel_loop3A_343 = vector.broadcast %parallel_loop3A_342 : i32 to vector<16xi32>
          %parallel_loop3A_344 = arith.andi %parallel_loop3A_334, %parallel_loop3A_343 : vector<16xi32>
          %parallel_loop3A_345 = vector.bitcast %parallel_loop3A_344 : vector<16xi32> to vector<16xf32>
          tpu.vector_store_idx %arg6[%parallel_loop3A_341], %parallel_loop3A_345 {add = true} : memref<352xf32, #tpu.memory_space<vmem>>[vector<16xi32>], vector<16xf32>,
          %parallel_loop3A_346 = arith.constant 176 : i32
          %parallel_loop3A_347 = vector.broadcast %parallel_loop3A_346 : i32 to vector<16xi32>
          %parallel_loop3A_348 = arith.addi %parallel_loop3A_341, %parallel_loop3A_347 : vector<16xi32>
          tpu.vector_store_idx %arg6[%parallel_loop3A_348], %broadcast_in_dim3A_46 {add = true} : memref<352xf32, #tpu.memory_space<vmem>>[vector<16xi32>], vector<16xf32>,
          %parallel_loop3A_349 = arith.constant 64 : i32
          %parallel_loop3A_350 = arith.addi %parallel_loop3A_276, %parallel_loop3A_349 : i32
          %parallel_loop3A_351 = arith.index_cast %parallel_loop3A_350 : i32 to index
          %parallel_loop3A_352 = tpu.vector_load %arg5[%parallel_loop3A_351] {strides = array<i32>} : memref<25600xi32, #tpu.memory_space<vmem>>, vector<16xi32>,
          %parallel_loop3A_353 = arith.constant 15 : i32
          %parallel_loop3A_354 = vector.broadcast %parallel_loop3A_353 : i32 to vector<16xi32>
          %parallel_loop3A_355 = arith.andi %parallel_loop3A_352, %parallel_loop3A_354 : vector<16xi32>
          %parallel_loop3A_356 = arith.constant 16 : i32
          %parallel_loop3A_357 = vector.broadcast %parallel_loop3A_356 : i32 to vector<16xi32>
          %parallel_loop3A_358 = arith.muli %parallel_loop3A_355, %parallel_loop3A_357 : vector<16xi32>
          %parallel_loop3A_359 = arith.addi %parallel_loop3A_358, %iota3A : vector<16xi32>
          %parallel_loop3A_360 = arith.constant -16 : i32
          %parallel_loop3A_361 = vector.broadcast %parallel_loop3A_360 : i32 to vector<16xi32>
          %parallel_loop3A_362 = arith.andi %parallel_loop3A_352, %parallel_loop3A_361 : vector<16xi32>
          %parallel_loop3A_363 = vector.bitcast %parallel_loop3A_362 : vector<16xi32> to vector<16xf32>
          tpu.vector_store_idx %arg6[%parallel_loop3A_359], %parallel_loop3A_363 {add = true} : memref<352xf32, #tpu.memory_space<vmem>>[vector<16xi32>], vector<16xf32>,
          %parallel_loop3A_364 = arith.constant 176 : i32
          %parallel_loop3A_365 = vector.broadcast %parallel_loop3A_364 : i32 to vector<16xi32>
          %parallel_loop3A_366 = arith.addi %parallel_loop3A_359, %parallel_loop3A_365 : vector<16xi32>
          tpu.vector_store_idx %arg6[%parallel_loop3A_366], %broadcast_in_dim3A_46 {add = true} : memref<352xf32, #tpu.memory_space<vmem>>[vector<16xi32>], vector<16xf32>,
        } {sc.loop_unroll_factor = 4 : i64, sc.parallel_access}
      } else {
      }
      %while3A_260 = arith.constant 0 : i32
      scf.yield %while3A_260 : i32
    }
    %get3A = arith.constant 0 : index
    %get3A_111 = tpu.vector_load %arg6[%get3A] {strides = array<i32>} : memref<352xf32, #tpu.memory_space<vmem>>, vector<16xf32>,
    %swap3A_112 = arith.constant 0 : i32
    %swap3A_113 = arith.index_cast %swap3A_112 : i32 to index
    %swap3A_114 = arith.constant 0 : index
    %swap3A_115 = tpu.vector_load %arg7[%swap3A_113, %swap3A_114] {strides = array<i32>} : memref<8x128xf32, #tpu.memory_space<vmem>>, vector<16xf32>,
    tpu.vector_store %arg7[%swap3A_113, %swap3A_114], %get3A_111 {strides = array<i32>} : memref<8x128xf32, #tpu.memory_space<vmem>>, vector<16xf32>,
    %get3A_116 = arith.constant 16 : index
    %get3A_117 = tpu.vector_load %arg6[%get3A_116] {strides = array<i32>} : memref<352xf32, #tpu.memory_space<vmem>>, vector<16xf32>,
    %swap3A_118 = arith.constant 0 : i32
    %swap3A_119 = arith.index_cast %swap3A_118 : i32 to index
    %swap3A_120 = arith.constant 16 : index
    %swap3A_121 = tpu.vector_load %arg7[%swap3A_119, %swap3A_120] {strides = array<i32>} : memref<8x128xf32, #tpu.memory_space<vmem>>, vector<16xf32>,
    tpu.vector_store %arg7[%swap3A_119, %swap3A_120], %get3A_117 {strides = array<i32>} : memref<8x128xf32, #tpu.memory_space<vmem>>, vector<16xf32>,
    %get3A_122 = arith.constant 32 : index
    %get3A_123 = tpu.vector_load %arg6[%get3A_122] {strides = array<i32>} : memref<352xf32, #tpu.memory_space<vmem>>, vector<16xf32>,
    %swap3A_124 = arith.constant 0 : i32
    %swap3A_125 = arith.index_cast %swap3A_124 : i32 to index
    %swap3A_126 = arith.constant 32 : index
    %swap3A_127 = tpu.vector_load %arg7[%swap3A_125, %swap3A_126] {strides = array<i32>} : memref<8x128xf32, #tpu.memory_space<vmem>>, vector<16xf32>,
    tpu.vector_store %arg7[%swap3A_125, %swap3A_126], %get3A_123 {strides = array<i32>} : memref<8x128xf32, #tpu.memory_space<vmem>>, vector<16xf32>,
    %get3A_128 = arith.constant 48 : index
    %get3A_129 = tpu.vector_load %arg6[%get3A_128] {strides = array<i32>} : memref<352xf32, #tpu.memory_space<vmem>>, vector<16xf32>,
    %swap3A_130 = arith.constant 0 : i32
    %swap3A_131 = arith.index_cast %swap3A_130 : i32 to index
    %swap3A_132 = arith.constant 48 : index
    %swap3A_133 = tpu.vector_load %arg7[%swap3A_131, %swap3A_132] {strides = array<i32>} : memref<8x128xf32, #tpu.memory_space<vmem>>, vector<16xf32>,
    tpu.vector_store %arg7[%swap3A_131, %swap3A_132], %get3A_129 {strides = array<i32>} : memref<8x128xf32, #tpu.memory_space<vmem>>, vector<16xf32>,
    %get3A_134 = arith.constant 64 : index
    %get3A_135 = tpu.vector_load %arg6[%get3A_134] {strides = array<i32>} : memref<352xf32, #tpu.memory_space<vmem>>, vector<16xf32>,
    %swap3A_136 = arith.constant 0 : i32
    %swap3A_137 = arith.index_cast %swap3A_136 : i32 to index
    %swap3A_138 = arith.constant 64 : index
    %swap3A_139 = tpu.vector_load %arg7[%swap3A_137, %swap3A_138] {strides = array<i32>} : memref<8x128xf32, #tpu.memory_space<vmem>>, vector<16xf32>,
    tpu.vector_store %arg7[%swap3A_137, %swap3A_138], %get3A_135 {strides = array<i32>} : memref<8x128xf32, #tpu.memory_space<vmem>>, vector<16xf32>,
    %get3A_140 = arith.constant 80 : index
    %get3A_141 = tpu.vector_load %arg6[%get3A_140] {strides = array<i32>} : memref<352xf32, #tpu.memory_space<vmem>>, vector<16xf32>,
    %swap3A_142 = arith.constant 0 : i32
    %swap3A_143 = arith.index_cast %swap3A_142 : i32 to index
    %swap3A_144 = arith.constant 80 : index
    %swap3A_145 = tpu.vector_load %arg7[%swap3A_143, %swap3A_144] {strides = array<i32>} : memref<8x128xf32, #tpu.memory_space<vmem>>, vector<16xf32>,
    tpu.vector_store %arg7[%swap3A_143, %swap3A_144], %get3A_141 {strides = array<i32>} : memref<8x128xf32, #tpu.memory_space<vmem>>, vector<16xf32>,
    %get3A_146 = arith.constant 96 : index
    %get3A_147 = tpu.vector_load %arg6[%get3A_146] {strides = array<i32>} : memref<352xf32, #tpu.memory_space<vmem>>, vector<16xf32>,
    %swap3A_148 = arith.constant 0 : i32
    %swap3A_149 = arith.index_cast %swap3A_148 : i32 to index
    %swap3A_150 = arith.constant 96 : index
    %swap3A_151 = tpu.vector_load %arg7[%swap3A_149, %swap3A_150] {strides = array<i32>} : memref<8x128xf32, #tpu.memory_space<vmem>>, vector<16xf32>,
    tpu.vector_store %arg7[%swap3A_149, %swap3A_150], %get3A_147 {strides = array<i32>} : memref<8x128xf32, #tpu.memory_space<vmem>>, vector<16xf32>,
    %get3A_152 = arith.constant 112 : index
    %get3A_153 = tpu.vector_load %arg6[%get3A_152] {strides = array<i32>} : memref<352xf32, #tpu.memory_space<vmem>>, vector<16xf32>,
    %swap3A_154 = arith.constant 0 : i32
    %swap3A_155 = arith.index_cast %swap3A_154 : i32 to index
    %swap3A_156 = arith.constant 112 : index
    %swap3A_157 = tpu.vector_load %arg7[%swap3A_155, %swap3A_156] {strides = array<i32>} : memref<8x128xf32, #tpu.memory_space<vmem>>, vector<16xf32>,
    tpu.vector_store %arg7[%swap3A_155, %swap3A_156], %get3A_153 {strides = array<i32>} : memref<8x128xf32, #tpu.memory_space<vmem>>, vector<16xf32>,
    %get3A_158 = arith.constant 128 : index
    %get3A_159 = tpu.vector_load %arg6[%get3A_158] {strides = array<i32>} : memref<352xf32, #tpu.memory_space<vmem>>, vector<16xf32>,
    %swap3A_160 = arith.constant 1 : i32
    %swap3A_161 = arith.index_cast %swap3A_160 : i32 to index
    %swap3A_162 = arith.constant 0 : index
    %swap3A_163 = tpu.vector_load %arg7[%swap3A_161, %swap3A_162] {strides = array<i32>} : memref<8x128xf32, #tpu.memory_space<vmem>>, vector<16xf32>,
    tpu.vector_store %arg7[%swap3A_161, %swap3A_162], %get3A_159 {strides = array<i32>} : memref<8x128xf32, #tpu.memory_space<vmem>>, vector<16xf32>,
    %get3A_164 = arith.constant 144 : index
    %get3A_165 = tpu.vector_load %arg6[%get3A_164] {strides = array<i32>} : memref<352xf32, #tpu.memory_space<vmem>>, vector<16xf32>,
    %swap3A_166 = arith.constant 1 : i32
    %swap3A_167 = arith.index_cast %swap3A_166 : i32 to index
    %swap3A_168 = arith.constant 16 : index
    %swap3A_169 = tpu.vector_load %arg7[%swap3A_167, %swap3A_168] {strides = array<i32>} : memref<8x128xf32, #tpu.memory_space<vmem>>, vector<16xf32>,
    tpu.vector_store %arg7[%swap3A_167, %swap3A_168], %get3A_165 {strides = array<i32>} : memref<8x128xf32, #tpu.memory_space<vmem>>, vector<16xf32>,
    %get3A_170 = arith.constant 160 : index
    %get3A_171 = tpu.vector_load %arg6[%get3A_170] {strides = array<i32>} : memref<352xf32, #tpu.memory_space<vmem>>, vector<16xf32>,
    %swap3A_172 = arith.constant 1 : i32
    %swap3A_173 = arith.index_cast %swap3A_172 : i32 to index
    %swap3A_174 = arith.constant 32 : index
    %swap3A_175 = tpu.vector_load %arg7[%swap3A_173, %swap3A_174] {strides = array<i32>} : memref<8x128xf32, #tpu.memory_space<vmem>>, vector<16xf32>,
    tpu.vector_store %arg7[%swap3A_173, %swap3A_174], %get3A_171 {strides = array<i32>} : memref<8x128xf32, #tpu.memory_space<vmem>>, vector<16xf32>,
    %get3A_176 = arith.constant 176 : index
    %get3A_177 = tpu.vector_load %arg6[%get3A_176] {strides = array<i32>} : memref<352xf32, #tpu.memory_space<vmem>>, vector<16xf32>,
    %swap3A_178 = arith.constant 1 : i32
    %swap3A_179 = arith.index_cast %swap3A_178 : i32 to index
    %swap3A_180 = arith.constant 48 : index
    %swap3A_181 = tpu.vector_load %arg7[%swap3A_179, %swap3A_180] {strides = array<i32>} : memref<8x128xf32, #tpu.memory_space<vmem>>, vector<16xf32>,
    tpu.vector_store %arg7[%swap3A_179, %swap3A_180], %get3A_177 {strides = array<i32>} : memref<8x128xf32, #tpu.memory_space<vmem>>, vector<16xf32>,
    %get3A_182 = arith.constant 192 : index
    %get3A_183 = tpu.vector_load %arg6[%get3A_182] {strides = array<i32>} : memref<352xf32, #tpu.memory_space<vmem>>, vector<16xf32>,
    %swap3A_184 = arith.constant 1 : i32
    %swap3A_185 = arith.index_cast %swap3A_184 : i32 to index
    %swap3A_186 = arith.constant 64 : index
    %swap3A_187 = tpu.vector_load %arg7[%swap3A_185, %swap3A_186] {strides = array<i32>} : memref<8x128xf32, #tpu.memory_space<vmem>>, vector<16xf32>,
    tpu.vector_store %arg7[%swap3A_185, %swap3A_186], %get3A_183 {strides = array<i32>} : memref<8x128xf32, #tpu.memory_space<vmem>>, vector<16xf32>,
    %get3A_188 = arith.constant 208 : index
    %get3A_189 = tpu.vector_load %arg6[%get3A_188] {strides = array<i32>} : memref<352xf32, #tpu.memory_space<vmem>>, vector<16xf32>,
    %swap3A_190 = arith.constant 1 : i32
    %swap3A_191 = arith.index_cast %swap3A_190 : i32 to index
    %swap3A_192 = arith.constant 80 : index
    %swap3A_193 = tpu.vector_load %arg7[%swap3A_191, %swap3A_192] {strides = array<i32>} : memref<8x128xf32, #tpu.memory_space<vmem>>, vector<16xf32>,
    tpu.vector_store %arg7[%swap3A_191, %swap3A_192], %get3A_189 {strides = array<i32>} : memref<8x128xf32, #tpu.memory_space<vmem>>, vector<16xf32>,
    %get3A_194 = arith.constant 224 : index
    %get3A_195 = tpu.vector_load %arg6[%get3A_194] {strides = array<i32>} : memref<352xf32, #tpu.memory_space<vmem>>, vector<16xf32>,
    %swap3A_196 = arith.constant 1 : i32
    %swap3A_197 = arith.index_cast %swap3A_196 : i32 to index
    %swap3A_198 = arith.constant 96 : index
    %swap3A_199 = tpu.vector_load %arg7[%swap3A_197, %swap3A_198] {strides = array<i32>} : memref<8x128xf32, #tpu.memory_space<vmem>>, vector<16xf32>,
    tpu.vector_store %arg7[%swap3A_197, %swap3A_198], %get3A_195 {strides = array<i32>} : memref<8x128xf32, #tpu.memory_space<vmem>>, vector<16xf32>,
    %get3A_200 = arith.constant 240 : index
    %get3A_201 = tpu.vector_load %arg6[%get3A_200] {strides = array<i32>} : memref<352xf32, #tpu.memory_space<vmem>>, vector<16xf32>,
    %swap3A_202 = arith.constant 1 : i32
    %swap3A_203 = arith.index_cast %swap3A_202 : i32 to index
    %swap3A_204 = arith.constant 112 : index
    %swap3A_205 = tpu.vector_load %arg7[%swap3A_203, %swap3A_204] {strides = array<i32>} : memref<8x128xf32, #tpu.memory_space<vmem>>, vector<16xf32>,
    tpu.vector_store %arg7[%swap3A_203, %swap3A_204], %get3A_201 {strides = array<i32>} : memref<8x128xf32, #tpu.memory_space<vmem>>, vector<16xf32>,
    %get3A_206 = arith.constant 256 : index
    %get3A_207 = tpu.vector_load %arg6[%get3A_206] {strides = array<i32>} : memref<352xf32, #tpu.memory_space<vmem>>, vector<16xf32>,
    %swap3A_208 = arith.constant 2 : i32
    %swap3A_209 = arith.index_cast %swap3A_208 : i32 to index
    %swap3A_210 = arith.constant 0 : index
    %swap3A_211 = tpu.vector_load %arg7[%swap3A_209, %swap3A_210] {strides = array<i32>} : memref<8x128xf32, #tpu.memory_space<vmem>>, vector<16xf32>,
    tpu.vector_store %arg7[%swap3A_209, %swap3A_210], %get3A_207 {strides = array<i32>} : memref<8x128xf32, #tpu.memory_space<vmem>>, vector<16xf32>,
    %get3A_212 = arith.constant 272 : index
    %get3A_213 = tpu.vector_load %arg6[%get3A_212] {strides = array<i32>} : memref<352xf32, #tpu.memory_space<vmem>>, vector<16xf32>,
    %swap3A_214 = arith.constant 2 : i32
    %swap3A_215 = arith.index_cast %swap3A_214 : i32 to index
    %swap3A_216 = arith.constant 16 : index
    %swap3A_217 = tpu.vector_load %arg7[%swap3A_215, %swap3A_216] {strides = array<i32>} : memref<8x128xf32, #tpu.memory_space<vmem>>, vector<16xf32>,
    tpu.vector_store %arg7[%swap3A_215, %swap3A_216], %get3A_213 {strides = array<i32>} : memref<8x128xf32, #tpu.memory_space<vmem>>, vector<16xf32>,
    %get3A_218 = arith.constant 288 : index
    %get3A_219 = tpu.vector_load %arg6[%get3A_218] {strides = array<i32>} : memref<352xf32, #tpu.memory_space<vmem>>, vector<16xf32>,
    %swap3A_220 = arith.constant 2 : i32
    %swap3A_221 = arith.index_cast %swap3A_220 : i32 to index
    %swap3A_222 = arith.constant 32 : index
    %swap3A_223 = tpu.vector_load %arg7[%swap3A_221, %swap3A_222] {strides = array<i32>} : memref<8x128xf32, #tpu.memory_space<vmem>>, vector<16xf32>,
    tpu.vector_store %arg7[%swap3A_221, %swap3A_222], %get3A_219 {strides = array<i32>} : memref<8x128xf32, #tpu.memory_space<vmem>>, vector<16xf32>,
    %get3A_224 = arith.constant 304 : index
    %get3A_225 = tpu.vector_load %arg6[%get3A_224] {strides = array<i32>} : memref<352xf32, #tpu.memory_space<vmem>>, vector<16xf32>,
    %swap3A_226 = arith.constant 2 : i32
    %swap3A_227 = arith.index_cast %swap3A_226 : i32 to index
    %swap3A_228 = arith.constant 48 : index
    %swap3A_229 = tpu.vector_load %arg7[%swap3A_227, %swap3A_228] {strides = array<i32>} : memref<8x128xf32, #tpu.memory_space<vmem>>, vector<16xf32>,
    tpu.vector_store %arg7[%swap3A_227, %swap3A_228], %get3A_225 {strides = array<i32>} : memref<8x128xf32, #tpu.memory_space<vmem>>, vector<16xf32>,
    %get3A_230 = arith.constant 320 : index
    %get3A_231 = tpu.vector_load %arg6[%get3A_230] {strides = array<i32>} : memref<352xf32, #tpu.memory_space<vmem>>, vector<16xf32>,
    %swap3A_232 = arith.constant 2 : i32
    %swap3A_233 = arith.index_cast %swap3A_232 : i32 to index
    %swap3A_234 = arith.constant 64 : index
    %swap3A_235 = tpu.vector_load %arg7[%swap3A_233, %swap3A_234] {strides = array<i32>} : memref<8x128xf32, #tpu.memory_space<vmem>>, vector<16xf32>,
    tpu.vector_store %arg7[%swap3A_233, %swap3A_234], %get3A_231 {strides = array<i32>} : memref<8x128xf32, #tpu.memory_space<vmem>>, vector<16xf32>,
    %get3A_236 = arith.constant 336 : index
    %get3A_237 = tpu.vector_load %arg6[%get3A_236] {strides = array<i32>} : memref<352xf32, #tpu.memory_space<vmem>>, vector<16xf32>,
    %swap3A_238 = arith.constant 2 : i32
    %swap3A_239 = arith.index_cast %swap3A_238 : i32 to index
    %swap3A_240 = arith.constant 80 : index
    %swap3A_241 = tpu.vector_load %arg7[%swap3A_239, %swap3A_240] {strides = array<i32>} : memref<8x128xf32, #tpu.memory_space<vmem>>, vector<16xf32>,
    tpu.vector_store %arg7[%swap3A_239, %swap3A_240], %get3A_237 {strides = array<i32>} : memref<8x128xf32, #tpu.memory_space<vmem>>, vector<16xf32>,
    "tpu.region"() ({
      %run_scoped3A = tpu.sem_alloc : memref<!tpu.dma_semaphore, #tpu.memory_space<semaphore_mem>>
      %dma_start3A_242 = arith.constant 0 : i32
      %dma_start3A_243 = arith.constant 0 : i32
      %dma_start3A_244 = tpu.memref_slice %arg3[%add3A, %dma_start3A_242, %dma_start3A_243] : memref<32x8x128xf32, #tpu.memory_space<hbm>> -> memref<1x8x128xf32, #tpu.memory_space<hbm>>
      %dma_start3A_245 = tpu.memref_squeeze %dma_start3A_244 : memref<1x8x128xf32, #tpu.memory_space<hbm>> -> memref<8x128xf32, #tpu.memory_space<hbm>>
      %dma_start3A_246 = arith.constant 0 : i32
      %dma_start3A_247 = arith.constant 0 : i32
      %dma_start3A_248 = tpu.memref_slice %arg3[%add3A, %dma_start3A_246, %dma_start3A_247] : memref<32x8x128xf32, #tpu.memory_space<hbm>> -> memref<1x8x128xf32, #tpu.memory_space<hbm>>
      %dma_start3A_249 = tpu.memref_squeeze %dma_start3A_248 : memref<1x8x128xf32, #tpu.memory_space<hbm>> -> memref<8x128xf32, #tpu.memory_space<hbm>>
      tpu.enqueue_dma source(%arg7 : memref<8x128xf32, #tpu.memory_space<vmem>>) target(%dma_start3A_249 : memref<8x128xf32, #tpu.memory_space<hbm>>) target_semaphore(%run_scoped3A : memref<!tpu.dma_semaphore, #tpu.memory_space<semaphore_mem>>)
      %dma_wait3A = arith.constant 0 : i32
      %dma_wait3A_250 = arith.constant 0 : i32
      %dma_wait3A_251 = tpu.memref_slice %arg3[%add3A, %dma_wait3A, %dma_wait3A_250] : memref<32x8x128xf32, #tpu.memory_space<hbm>> -> memref<1x8x128xf32, #tpu.memory_space<hbm>>
      %dma_wait3A_252 = tpu.memref_squeeze %dma_wait3A_251 : memref<1x8x128xf32, #tpu.memory_space<hbm>> -> memref<8x128xf32, #tpu.memory_space<hbm>>
      %dma_wait3A_253 = arith.constant 0 : i32
      %dma_wait3A_254 = arith.constant 0 : i32
      %dma_wait3A_255 = tpu.memref_slice %arg3[%add3A, %dma_wait3A_253, %dma_wait3A_254] : memref<32x8x128xf32, #tpu.memory_space<hbm>> -> memref<1x8x128xf32, #tpu.memory_space<hbm>>
      %dma_wait3A_256 = tpu.memref_squeeze %dma_wait3A_255 : memref<1x8x128xf32, #tpu.memory_space<hbm>> -> memref<8x128xf32, #tpu.memory_space<hbm>>
      tpu.wait_dma2 semaphore(%run_scoped3A : memref<!tpu.dma_semaphore, #tpu.memory_space<semaphore_mem>>) src(%arg7 : memref<8x128xf32, #tpu.memory_space<vmem>>) dst(%dma_wait3A_256 : memref<8x128xf32, #tpu.memory_space<hbm>>)
      tpu.yield
    }) : () -> ()
    return
  }
}

#map = affine_map<(d0, d1) -> (0)>
#map1 = affine_map<(d0, d1) -> (0, 0, 0)>
module attributes {stable_mosaic.version = 14 : i64} {
  func.func @_sc_body(%arg0: i32, %arg1: i32, %arg2: memref<6553600xi32, #tpu.memory_space<hbm>>, %arg3: memref<32x8x128xf32, #tpu.memory_space<hbm>>, %arg4: memref<25600xi32, #tpu.memory_space<vmem>>, %arg5: memref<25600xi32, #tpu.memory_space<vmem>>, %arg6: memref<352xf32, #tpu.memory_space<vmem>>, %arg7: memref<8x128xf32, #tpu.memory_space<vmem>>, %arg8: memref<!tpu.dma_semaphore, #tpu.memory_space<semaphore_mem>>, %arg9: memref<!tpu.dma_semaphore, #tpu.memory_space<semaphore_mem>>) attributes {dimension_semantics = [#tpu.dimension_semantics<core_parallel>, #tpu.dimension_semantics<subcore_parallel>], iteration_bounds = array<i64: 2, 16>, scalar_prefetch = 0 : i64, scratch_operands = 6 : i64, tpu.core_type = #tpu.core_type<sc_vector_subcore>, window_params = [{transform_indices = #map}, {transform_indices = #map1}]} {
    %mul3A = arith.constant 16 : i32
    %mul3A_0 = arith.muli %arg0, %mul3A : i32
    %add3A = arith.addi %mul3A_0, %arg1 : i32
    %broadcast_in_dim3A = arith.constant 0.000000e+00 : f32
    %broadcast_in_dim3A_1 = vector.broadcast %broadcast_in_dim3A : f32 to vector<16xf32>
    %swap3A = arith.constant 0 : index
    %swap3A_2 = tpu.vector_load %arg6[%swap3A] {strides = array<i32>} : memref<352xf32, #tpu.memory_space<vmem>>, vector<16xf32>,
    tpu.vector_store %arg6[%swap3A], %broadcast_in_dim3A_1 {strides = array<i32>} : memref<352xf32, #tpu.memory_space<vmem>>, vector<16xf32>,
    %swap3A_3 = arith.constant 16 : index
    %swap3A_4 = tpu.vector_load %arg6[%swap3A_3] {strides = array<i32>} : memref<352xf32, #tpu.memory_space<vmem>>, vector<16xf32>,
    tpu.vector_store %arg6[%swap3A_3], %broadcast_in_dim3A_1 {strides = array<i32>} : memref<352xf32, #tpu.memory_space<vmem>>, vector<16xf32>,
    %swap3A_5 = arith.constant 32 : index
    %swap3A_6 = tpu.vector_load %arg6[%swap3A_5] {strides = array<i32>} : memref<352xf32, #tpu.memory_space<vmem>>, vector<16xf32>,
    tpu.vector_store %arg6[%swap3A_5], %broadcast_in_dim3A_1 {strides = array<i32>} : memref<352xf32, #tpu.memory_space<vmem>>, vector<16xf32>,
    %swap3A_7 = arith.constant 48 : index
    %swap3A_8 = tpu.vector_load %arg6[%swap3A_7] {strides = array<i32>} : memref<352xf32, #tpu.memory_space<vmem>>, vector<16xf32>,
    tpu.vector_store %arg6[%swap3A_7], %broadcast_in_dim3A_1 {strides = array<i32>} : memref<352xf32, #tpu.memory_space<vmem>>, vector<16xf32>,
    %swap3A_9 = arith.constant 64 : index
    %swap3A_10 = tpu.vector_load %arg6[%swap3A_9] {strides = array<i32>} : memref<352xf32, #tpu.memory_space<vmem>>, vector<16xf32>,
    tpu.vector_store %arg6[%swap3A_9], %broadcast_in_dim3A_1 {strides = array<i32>} : memref<352xf32, #tpu.memory_space<vmem>>, vector<16xf32>,
    %swap3A_11 = arith.constant 80 : index
    %swap3A_12 = tpu.vector_load %arg6[%swap3A_11] {strides = array<i32>} : memref<352xf32, #tpu.memory_space<vmem>>, vector<16xf32>,
    tpu.vector_store %arg6[%swap3A_11], %broadcast_in_dim3A_1 {strides = array<i32>} : memref<352xf32, #tpu.memory_space<vmem>>, vector<16xf32>,
    %swap3A_13 = arith.constant 96 : index
    %swap3A_14 = tpu.vector_load %arg6[%swap3A_13] {strides = array<i32>} : memref<352xf32, #tpu.memory_space<vmem>>, vector<16xf32>,
    tpu.vector_store %arg6[%swap3A_13], %broadcast_in_dim3A_1 {strides = array<i32>} : memref<352xf32, #tpu.memory_space<vmem>>, vector<16xf32>,
    %swap3A_15 = arith.constant 112 : index
    %swap3A_16 = tpu.vector_load %arg6[%swap3A_15] {strides = array<i32>} : memref<352xf32, #tpu.memory_space<vmem>>, vector<16xf32>,
    tpu.vector_store %arg6[%swap3A_15], %broadcast_in_dim3A_1 {strides = array<i32>} : memref<352xf32, #tpu.memory_space<vmem>>, vector<16xf32>,
    %swap3A_17 = arith.constant 128 : index
    %swap3A_18 = tpu.vector_load %arg6[%swap3A_17] {strides = array<i32>} : memref<352xf32, #tpu.memory_space<vmem>>, vector<16xf32>,
    tpu.vector_store %arg6[%swap3A_17], %broadcast_in_dim3A_1 {strides = array<i32>} : memref<352xf32, #tpu.memory_space<vmem>>, vector<16xf32>,
    %swap3A_19 = arith.constant 144 : index
    %swap3A_20 = tpu.vector_load %arg6[%swap3A_19] {strides = array<i32>} : memref<352xf32, #tpu.memory_space<vmem>>, vector<16xf32>,
    tpu.vector_store %arg6[%swap3A_19], %broadcast_in_dim3A_1 {strides = array<i32>} : memref<352xf32, #tpu.memory_space<vmem>>, vector<16xf32>,
    %swap3A_21 = arith.constant 160 : index
    %swap3A_22 = tpu.vector_load %arg6[%swap3A_21] {strides = array<i32>} : memref<352xf32, #tpu.memory_space<vmem>>, vector<16xf32>,
    tpu.vector_store %arg6[%swap3A_21], %broadcast_in_dim3A_1 {strides = array<i32>} : memref<352xf32, #tpu.memory_space<vmem>>, vector<16xf32>,
    %swap3A_23 = arith.constant 176 : index
    %swap3A_24 = tpu.vector_load %arg6[%swap3A_23] {strides = array<i32>} : memref<352xf32, #tpu.memory_space<vmem>>, vector<16xf32>,
    tpu.vector_store %arg6[%swap3A_23], %broadcast_in_dim3A_1 {strides = array<i32>} : memref<352xf32, #tpu.memory_space<vmem>>, vector<16xf32>,
    %swap3A_25 = arith.constant 192 : index
    %swap3A_26 = tpu.vector_load %arg6[%swap3A_25] {strides = array<i32>} : memref<352xf32, #tpu.memory_space<vmem>>, vector<16xf32>,
    tpu.vector_store %arg6[%swap3A_25], %broadcast_in_dim3A_1 {strides = array<i32>} : memref<352xf32, #tpu.memory_space<vmem>>, vector<16xf32>,
    %swap3A_27 = arith.constant 208 : index
    %swap3A_28 = tpu.vector_load %arg6[%swap3A_27] {strides = array<i32>} : memref<352xf32, #tpu.memory_space<vmem>>, vector<16xf32>,
    tpu.vector_store %arg6[%swap3A_27], %broadcast_in_dim3A_1 {strides = array<i32>} : memref<352xf32, #tpu.memory_space<vmem>>, vector<16xf32>,
    %swap3A_29 = arith.constant 224 : index
    %swap3A_30 = tpu.vector_load %arg6[%swap3A_29] {strides = array<i32>} : memref<352xf32, #tpu.memory_space<vmem>>, vector<16xf32>,
    tpu.vector_store %arg6[%swap3A_29], %broadcast_in_dim3A_1 {strides = array<i32>} : memref<352xf32, #tpu.memory_space<vmem>>, vector<16xf32>,
    %swap3A_31 = arith.constant 240 : index
    %swap3A_32 = tpu.vector_load %arg6[%swap3A_31] {strides = array<i32>} : memref<352xf32, #tpu.memory_space<vmem>>, vector<16xf32>,
    tpu.vector_store %arg6[%swap3A_31], %broadcast_in_dim3A_1 {strides = array<i32>} : memref<352xf32, #tpu.memory_space<vmem>>, vector<16xf32>,
    %swap3A_33 = arith.constant 256 : index
    %swap3A_34 = tpu.vector_load %arg6[%swap3A_33] {strides = array<i32>} : memref<352xf32, #tpu.memory_space<vmem>>, vector<16xf32>,
    tpu.vector_store %arg6[%swap3A_33], %broadcast_in_dim3A_1 {strides = array<i32>} : memref<352xf32, #tpu.memory_space<vmem>>, vector<16xf32>,
    %swap3A_35 = arith.constant 272 : index
    %swap3A_36 = tpu.vector_load %arg6[%swap3A_35] {strides = array<i32>} : memref<352xf32, #tpu.memory_space<vmem>>, vector<16xf32>,
    tpu.vector_store %arg6[%swap3A_35], %broadcast_in_dim3A_1 {strides = array<i32>} : memref<352xf32, #tpu.memory_space<vmem>>, vector<16xf32>,
    %swap3A_37 = arith.constant 288 : index
    %swap3A_38 = tpu.vector_load %arg6[%swap3A_37] {strides = array<i32>} : memref<352xf32, #tpu.memory_space<vmem>>, vector<16xf32>,
    tpu.vector_store %arg6[%swap3A_37], %broadcast_in_dim3A_1 {strides = array<i32>} : memref<352xf32, #tpu.memory_space<vmem>>, vector<16xf32>,
    %swap3A_39 = arith.constant 304 : index
    %swap3A_40 = tpu.vector_load %arg6[%swap3A_39] {strides = array<i32>} : memref<352xf32, #tpu.memory_space<vmem>>, vector<16xf32>,
    tpu.vector_store %arg6[%swap3A_39], %broadcast_in_dim3A_1 {strides = array<i32>} : memref<352xf32, #tpu.memory_space<vmem>>, vector<16xf32>,
    %swap3A_41 = arith.constant 320 : index
    %swap3A_42 = tpu.vector_load %arg6[%swap3A_41] {strides = array<i32>} : memref<352xf32, #tpu.memory_space<vmem>>, vector<16xf32>,
    tpu.vector_store %arg6[%swap3A_41], %broadcast_in_dim3A_1 {strides = array<i32>} : memref<352xf32, #tpu.memory_space<vmem>>, vector<16xf32>,
    %swap3A_43 = arith.constant 336 : index
    %swap3A_44 = tpu.vector_load %arg6[%swap3A_43] {strides = array<i32>} : memref<352xf32, #tpu.memory_space<vmem>>, vector<16xf32>,
    tpu.vector_store %arg6[%swap3A_43], %broadcast_in_dim3A_1 {strides = array<i32>} : memref<352xf32, #tpu.memory_space<vmem>>, vector<16xf32>,
    %broadcast_in_dim3A_45 = arith.constant 1.000000e+00 : f32
    %broadcast_in_dim3A_46 = vector.broadcast %broadcast_in_dim3A_45 : f32 to vector<16xf32>
    %iota3A = tpu.iota {dimensions = array<i32: 0>} : vector<16xi32>
    %sub3A = arith.constant 256 : i32
    %sub3A_47 = arith.subi %sub3A, %add3A : i32
    %add3A_48 = arith.constant 32 : i32
    %add3A_49 = arith.addi %sub3A_47, %add3A_48 : i32
    %sub3A_50 = arith.constant 1 : i32
    %sub3A_51 = arith.subi %add3A_49, %sub3A_50 : i32
    %jit3A = arith.constant 32 : i32
    %div3A = arith.divsi %sub3A_51, %jit3A : i32
    %sign3A = arith.constant 0 : i32
    %sign3A_52 = arith.cmpi sgt, %sub3A_51, %sign3A : i32
    %sign3A_53 = arith.extui %sign3A_52 : i1 to i32
    %sign3A_54 = arith.constant 0 : i32
    %sign3A_55 = arith.cmpi slt, %sub3A_51, %sign3A_54 : i32
    %sign3A_56 = arith.extui %sign3A_55 : i1 to i32
    %sign3A_57 = arith.subi %sign3A_53, %sign3A_56 : i32
    %sign3A_58 = arith.constant 0 : i32
    %sign3A_59 = arith.cmpi sgt, %jit3A, %sign3A_58 : i32
    %sign3A_60 = arith.extui %sign3A_59 : i1 to i32
    %sign3A_61 = arith.constant 0 : i32
    %sign3A_62 = arith.cmpi slt, %jit3A, %sign3A_61 : i32
    %sign3A_63 = arith.extui %sign3A_62 : i1 to i32
    %sign3A_64 = arith.subi %sign3A_60, %sign3A_63 : i32
    %ne3A = arith.cmpi ne, %sign3A_57, %sign3A_64 : i32
    %rem3A = arith.remsi %sub3A_51, %jit3A : i32
    %ne3A_65 = arith.constant 0 : i32
    %ne3A_66 = arith.cmpi ne, %rem3A, %ne3A_65 : i32
    %and3A = arith.andi %ne3A, %ne3A_66 : i1
    %sub3A_67 = arith.constant 1 : i32
    %sub3A_68 = arith.subi %div3A, %sub3A_67 : i32
    %select_n3A = arith.select %and3A, %sub3A_68, %div3A : i32
    %add3A_69 = arith.constant 0 : i32
    %add3A_70 = arith.addi %add3A, %add3A_69 : i32
    %mul3A_71 = arith.constant 25600 : i32
    %mul3A_72 = arith.muli %add3A_70, %mul3A_71 : i32
    %dma_start3A = tpu.memref_slice %arg2[%mul3A_72] : memref<6553600xi32, #tpu.memory_space<hbm>> -> memref<25600xi32, #tpu.memory_space<hbm>>
    %dma_start3A_73 = tpu.memref_slice %arg2[%mul3A_72] : memref<6553600xi32, #tpu.memory_space<hbm>> -> memref<25600xi32, #tpu.memory_space<hbm>>
    tpu.enqueue_dma source(%dma_start3A_73 : memref<25600xi32, #tpu.memory_space<hbm>>) target(%arg4 : memref<25600xi32, #tpu.memory_space<vmem>>) target_semaphore(%arg8 : memref<!tpu.dma_semaphore, #tpu.memory_space<semaphore_mem>>)
    %add3A_74 = arith.constant 1 : i32
    %add3A_75 = arith.addi %select_n3A, %add3A_74 : i32
    %jit3A_76 = arith.constant 2 : i32
    %div3A_77 = arith.divsi %add3A_75, %jit3A_76 : i32
    %sign3A_78 = arith.constant 0 : i32
    %sign3A_79 = arith.cmpi sgt, %add3A_75, %sign3A_78 : i32
    %sign3A_80 = arith.extui %sign3A_79 : i1 to i32
    %sign3A_81 = arith.constant 0 : i32
    %sign3A_82 = arith.cmpi slt, %add3A_75, %sign3A_81 : i32
    %sign3A_83 = arith.extui %sign3A_82 : i1 to i32
    %sign3A_84 = arith.subi %sign3A_80, %sign3A_83 : i32
    %sign3A_85 = arith.constant 0 : i32
    %sign3A_86 = arith.cmpi sgt, %jit3A_76, %sign3A_85 : i32
    %sign3A_87 = arith.extui %sign3A_86 : i1 to i32
    %sign3A_88 = arith.constant 0 : i32
    %sign3A_89 = arith.cmpi slt, %jit3A_76, %sign3A_88 : i32
    %sign3A_90 = arith.extui %sign3A_89 : i1 to i32
    %sign3A_91 = arith.subi %sign3A_87, %sign3A_90 : i32
    %ne3A_92 = arith.cmpi ne, %sign3A_84, %sign3A_91 : i32
    %rem3A_93 = arith.remsi %add3A_75, %jit3A_76 : i32
    %ne3A_94 = arith.constant 0 : i32
    %ne3A_95 = arith.cmpi ne, %rem3A_93, %ne3A_94 : i32
    %and3A_96 = arith.andi %ne3A_92, %ne3A_95 : i1
    %sub3A_97 = arith.constant 1 : i32
    %sub3A_98 = arith.subi %div3A_77, %sub3A_97 : i32
    %select_n3A_99 = arith.select %and3A_96, %sub3A_98, %div3A_77 : i32
    %while3A = arith.constant 0 : i32
    %while3A_100 = arith.constant 0 : i32
    %while3A_101 = arith.subi %select_n3A_99, %while3A : i32
    %while3A_102 = arith.addi %while3A, %while3A_101 : i32
    %while3A_103 = arith.constant 1 : i32
    %while3A_104 = arith.divsi %while3A_101, %while3A_103 : i32
    %while3A_105 = arith.muli %while3A_104, %while3A_103 : i32
    %while3A_106 = arith.addi %while3A, %while3A_105 : i32
    %while3A_107 = arith.constant 1 : i32
    %while3A_108 = scf.for %while3A_242 = %while3A to %while3A_106 step %while3A_107 iter_args(%while3A_243 = %while3A_100) -> (i32)  : i32 {
      %mul3A_244 = arith.constant 2 : i32
      %mul3A_245 = arith.muli %while3A_242, %mul3A_244 : i32
      %dma_wait3A = arith.constant 0 : i32
      %dma_wait3A_246 = tpu.memref_slice %arg2[%dma_wait3A] : memref<6553600xi32, #tpu.memory_space<hbm>> -> memref<25600xi32, #tpu.memory_space<hbm>>
      %dma_wait3A_247 = arith.constant 0 : i32
      %dma_wait3A_248 = tpu.memref_slice %arg2[%dma_wait3A_247] : memref<6553600xi32, #tpu.memory_space<hbm>> -> memref<25600xi32, #tpu.memory_space<hbm>>
      tpu.wait_dma2 semaphore(%arg8 : memref<!tpu.dma_semaphore, #tpu.memory_space<semaphore_mem>>) src(%dma_wait3A_248 : memref<25600xi32, #tpu.memory_space<hbm>>) dst(%arg4 : memref<25600xi32, #tpu.memory_space<vmem>>)
      %add3A_249 = arith.constant 1 : i32
      %add3A_250 = arith.addi %mul3A_245, %add3A_249 : i32
      %lt3A = arith.cmpi slt, %add3A_250, %select_n3A : i32
      %convert_element_type3A = arith.extui %lt3A : i1 to i32
      %cond3A = arith.constant 0 : i32
      %cond3A_251 = arith.cmpi ne, %convert_element_type3A, %cond3A : i32
      scf.if %cond3A_251 {
        %add3A_261 = arith.constant 1 : i32
        %add3A_262 = arith.addi %mul3A_245, %add3A_261 : i32
        %mul3A_263 = arith.constant 32 : i32
        %mul3A_264 = arith.muli %add3A_262, %mul3A_263 : i32
        %add3A_265 = arith.addi %add3A, %mul3A_264 : i32
        %mul3A_266 = arith.constant 25600 : i32
        %mul3A_267 = arith.muli %add3A_265, %mul3A_266 : i32
        %dma_start3A_268 = tpu.memref_slice %arg2[%mul3A_267] : memref<6553600xi32, #tpu.memory_space<hbm>> -> memref<25600xi32, #tpu.memory_space<hbm>>
        %dma_start3A_269 = tpu.memref_slice %arg2[%mul3A_267] : memref<6553600xi32, #tpu.memory_space<hbm>> -> memref<25600xi32, #tpu.memory_space<hbm>>
        tpu.enqueue_dma source(%dma_start3A_269 : memref<25600xi32, #tpu.memory_space<hbm>>) target(%arg5 : memref<25600xi32, #tpu.memory_space<vmem>>) target_semaphore(%arg9 : memref<!tpu.dma_semaphore, #tpu.memory_space<semaphore_mem>>)
      } else {
      }
      %parallel_loop3A = arith.constant 0 : i32
      %parallel_loop3A_252 = arith.constant 200 : i32
      %parallel_loop3A_253 = arith.constant 1 : i32
      scf.for %parallel_loop3A_261 = %parallel_loop3A to %parallel_loop3A_252 step %parallel_loop3A_253  : i32 {
        %parallel_loop3A_262 = arith.constant 128 : i32
        %parallel_loop3A_263 = arith.muli %parallel_loop3A_261, %parallel_loop3A_262 : i32
        %parallel_loop3A_264 = arith.constant 0 : i32
        %parallel_loop3A_265 = arith.addi %parallel_loop3A_263, %parallel_loop3A_264 : i32
        %parallel_loop3A_266 = arith.index_cast %parallel_loop3A_265 : i32 to index
        %parallel_loop3A_267 = tpu.vector_load %arg4[%parallel_loop3A_266] {strides = array<i32>} : memref<25600xi32, #tpu.memory_space<vmem>>, vector<16xi32>,
        %parallel_loop3A_268 = arith.constant 15 : i32
        %parallel_loop3A_269 = vector.broadcast %parallel_loop3A_268 : i32 to vector<16xi32>
        %parallel_loop3A_270 = arith.andi %parallel_loop3A_267, %parallel_loop3A_269 : vector<16xi32>
        %parallel_loop3A_271 = arith.constant 16 : i32
        %parallel_loop3A_272 = vector.broadcast %parallel_loop3A_271 : i32 to vector<16xi32>
        %parallel_loop3A_273 = arith.muli %parallel_loop3A_270, %parallel_loop3A_272 : vector<16xi32>
        %parallel_loop3A_274 = arith.addi %parallel_loop3A_273, %iota3A : vector<16xi32>
        %parallel_loop3A_275 = arith.constant -16 : i32
        %parallel_loop3A_276 = vector.broadcast %parallel_loop3A_275 : i32 to vector<16xi32>
        %parallel_loop3A_277 = arith.andi %parallel_loop3A_267, %parallel_loop3A_276 : vector<16xi32>
        %parallel_loop3A_278 = vector.bitcast %parallel_loop3A_277 : vector<16xi32> to vector<16xf32>
        tpu.vector_store_idx %arg6[%parallel_loop3A_274], %parallel_loop3A_278 {add = true} : memref<352xf32, #tpu.memory_space<vmem>>[vector<16xi32>], vector<16xf32>,
        %parallel_loop3A_279 = arith.constant 176 : i32
        %parallel_loop3A_280 = vector.broadcast %parallel_loop3A_279 : i32 to vector<16xi32>
        %parallel_loop3A_281 = arith.addi %parallel_loop3A_274, %parallel_loop3A_280 : vector<16xi32>
        tpu.vector_store_idx %arg6[%parallel_loop3A_281], %broadcast_in_dim3A_46 {add = true} : memref<352xf32, #tpu.memory_space<vmem>>[vector<16xi32>], vector<16xf32>,
        %parallel_loop3A_282 = arith.constant 16 : i32
        %parallel_loop3A_283 = arith.addi %parallel_loop3A_263, %parallel_loop3A_282 : i32
        %parallel_loop3A_284 = arith.index_cast %parallel_loop3A_283 : i32 to index
        %parallel_loop3A_285 = tpu.vector_load %arg4[%parallel_loop3A_284] {strides = array<i32>} : memref<25600xi32, #tpu.memory_space<vmem>>, vector<16xi32>,
        %parallel_loop3A_286 = arith.constant 15 : i32
        %parallel_loop3A_287 = vector.broadcast %parallel_loop3A_286 : i32 to vector<16xi32>
        %parallel_loop3A_288 = arith.andi %parallel_loop3A_285, %parallel_loop3A_287 : vector<16xi32>
        %parallel_loop3A_289 = arith.constant 16 : i32
        %parallel_loop3A_290 = vector.broadcast %parallel_loop3A_289 : i32 to vector<16xi32>
        %parallel_loop3A_291 = arith.muli %parallel_loop3A_288, %parallel_loop3A_290 : vector<16xi32>
        %parallel_loop3A_292 = arith.addi %parallel_loop3A_291, %iota3A : vector<16xi32>
        %parallel_loop3A_293 = arith.constant -16 : i32
        %parallel_loop3A_294 = vector.broadcast %parallel_loop3A_293 : i32 to vector<16xi32>
        %parallel_loop3A_295 = arith.andi %parallel_loop3A_285, %parallel_loop3A_294 : vector<16xi32>
        %parallel_loop3A_296 = vector.bitcast %parallel_loop3A_295 : vector<16xi32> to vector<16xf32>
        tpu.vector_store_idx %arg6[%parallel_loop3A_292], %parallel_loop3A_296 {add = true} : memref<352xf32, #tpu.memory_space<vmem>>[vector<16xi32>], vector<16xf32>,
        %parallel_loop3A_297 = arith.constant 176 : i32
        %parallel_loop3A_298 = vector.broadcast %parallel_loop3A_297 : i32 to vector<16xi32>
        %parallel_loop3A_299 = arith.addi %parallel_loop3A_292, %parallel_loop3A_298 : vector<16xi32>
        tpu.vector_store_idx %arg6[%parallel_loop3A_299], %broadcast_in_dim3A_46 {add = true} : memref<352xf32, #tpu.memory_space<vmem>>[vector<16xi32>], vector<16xf32>,
        %parallel_loop3A_300 = arith.constant 32 : i32
        %parallel_loop3A_301 = arith.addi %parallel_loop3A_263, %parallel_loop3A_300 : i32
        %parallel_loop3A_302 = arith.index_cast %parallel_loop3A_301 : i32 to index
        %parallel_loop3A_303 = tpu.vector_load %arg4[%parallel_loop3A_302] {strides = array<i32>} : memref<25600xi32, #tpu.memory_space<vmem>>, vector<16xi32>,
        %parallel_loop3A_304 = arith.constant 15 : i32
        %parallel_loop3A_305 = vector.broadcast %parallel_loop3A_304 : i32 to vector<16xi32>
        %parallel_loop3A_306 = arith.andi %parallel_loop3A_303, %parallel_loop3A_305 : vector<16xi32>
        %parallel_loop3A_307 = arith.constant 16 : i32
        %parallel_loop3A_308 = vector.broadcast %parallel_loop3A_307 : i32 to vector<16xi32>
        %parallel_loop3A_309 = arith.muli %parallel_loop3A_306, %parallel_loop3A_308 : vector<16xi32>
        %parallel_loop3A_310 = arith.addi %parallel_loop3A_309, %iota3A : vector<16xi32>
        %parallel_loop3A_311 = arith.constant -16 : i32
        %parallel_loop3A_312 = vector.broadcast %parallel_loop3A_311 : i32 to vector<16xi32>
        %parallel_loop3A_313 = arith.andi %parallel_loop3A_303, %parallel_loop3A_312 : vector<16xi32>
        %parallel_loop3A_314 = vector.bitcast %parallel_loop3A_313 : vector<16xi32> to vector<16xf32>
        tpu.vector_store_idx %arg6[%parallel_loop3A_310], %parallel_loop3A_314 {add = true} : memref<352xf32, #tpu.memory_space<vmem>>[vector<16xi32>], vector<16xf32>,
        %parallel_loop3A_315 = arith.constant 176 : i32
        %parallel_loop3A_316 = vector.broadcast %parallel_loop3A_315 : i32 to vector<16xi32>
        %parallel_loop3A_317 = arith.addi %parallel_loop3A_310, %parallel_loop3A_316 : vector<16xi32>
        tpu.vector_store_idx %arg6[%parallel_loop3A_317], %broadcast_in_dim3A_46 {add = true} : memref<352xf32, #tpu.memory_space<vmem>>[vector<16xi32>], vector<16xf32>,
        %parallel_loop3A_318 = arith.constant 48 : i32
        %parallel_loop3A_319 = arith.addi %parallel_loop3A_263, %parallel_loop3A_318 : i32
        %parallel_loop3A_320 = arith.index_cast %parallel_loop3A_319 : i32 to index
        %parallel_loop3A_321 = tpu.vector_load %arg4[%parallel_loop3A_320] {strides = array<i32>} : memref<25600xi32, #tpu.memory_space<vmem>>, vector<16xi32>,
        %parallel_loop3A_322 = arith.constant 15 : i32
        %parallel_loop3A_323 = vector.broadcast %parallel_loop3A_322 : i32 to vector<16xi32>
        %parallel_loop3A_324 = arith.andi %parallel_loop3A_321, %parallel_loop3A_323 : vector<16xi32>
        %parallel_loop3A_325 = arith.constant 16 : i32
        %parallel_loop3A_326 = vector.broadcast %parallel_loop3A_325 : i32 to vector<16xi32>
        %parallel_loop3A_327 = arith.muli %parallel_loop3A_324, %parallel_loop3A_326 : vector<16xi32>
        %parallel_loop3A_328 = arith.addi %parallel_loop3A_327, %iota3A : vector<16xi32>
        %parallel_loop3A_329 = arith.constant -16 : i32
        %parallel_loop3A_330 = vector.broadcast %parallel_loop3A_329 : i32 to vector<16xi32>
        %parallel_loop3A_331 = arith.andi %parallel_loop3A_321, %parallel_loop3A_330 : vector<16xi32>
        %parallel_loop3A_332 = vector.bitcast %parallel_loop3A_331 : vector<16xi32> to vector<16xf32>
        tpu.vector_store_idx %arg6[%parallel_loop3A_328], %parallel_loop3A_332 {add = true} : memref<352xf32, #tpu.memory_space<vmem>>[vector<16xi32>], vector<16xf32>,
        %parallel_loop3A_333 = arith.constant 176 : i32
        %parallel_loop3A_334 = vector.broadcast %parallel_loop3A_333 : i32 to vector<16xi32>
        %parallel_loop3A_335 = arith.addi %parallel_loop3A_328, %parallel_loop3A_334 : vector<16xi32>
        tpu.vector_store_idx %arg6[%parallel_loop3A_335], %broadcast_in_dim3A_46 {add = true} : memref<352xf32, #tpu.memory_space<vmem>>[vector<16xi32>], vector<16xf32>,
        %parallel_loop3A_336 = arith.constant 64 : i32
        %parallel_loop3A_337 = arith.addi %parallel_loop3A_263, %parallel_loop3A_336 : i32
        %parallel_loop3A_338 = arith.index_cast %parallel_loop3A_337 : i32 to index
        %parallel_loop3A_339 = tpu.vector_load %arg4[%parallel_loop3A_338] {strides = array<i32>} : memref<25600xi32, #tpu.memory_space<vmem>>, vector<16xi32>,
        %parallel_loop3A_340 = arith.constant 15 : i32
        %parallel_loop3A_341 = vector.broadcast %parallel_loop3A_340 : i32 to vector<16xi32>
        %parallel_loop3A_342 = arith.andi %parallel_loop3A_339, %parallel_loop3A_341 : vector<16xi32>
        %parallel_loop3A_343 = arith.constant 16 : i32
        %parallel_loop3A_344 = vector.broadcast %parallel_loop3A_343 : i32 to vector<16xi32>
        %parallel_loop3A_345 = arith.muli %parallel_loop3A_342, %parallel_loop3A_344 : vector<16xi32>
        %parallel_loop3A_346 = arith.addi %parallel_loop3A_345, %iota3A : vector<16xi32>
        %parallel_loop3A_347 = arith.constant -16 : i32
        %parallel_loop3A_348 = vector.broadcast %parallel_loop3A_347 : i32 to vector<16xi32>
        %parallel_loop3A_349 = arith.andi %parallel_loop3A_339, %parallel_loop3A_348 : vector<16xi32>
        %parallel_loop3A_350 = vector.bitcast %parallel_loop3A_349 : vector<16xi32> to vector<16xf32>
        tpu.vector_store_idx %arg6[%parallel_loop3A_346], %parallel_loop3A_350 {add = true} : memref<352xf32, #tpu.memory_space<vmem>>[vector<16xi32>], vector<16xf32>,
        %parallel_loop3A_351 = arith.constant 176 : i32
        %parallel_loop3A_352 = vector.broadcast %parallel_loop3A_351 : i32 to vector<16xi32>
        %parallel_loop3A_353 = arith.addi %parallel_loop3A_346, %parallel_loop3A_352 : vector<16xi32>
        tpu.vector_store_idx %arg6[%parallel_loop3A_353], %broadcast_in_dim3A_46 {add = true} : memref<352xf32, #tpu.memory_space<vmem>>[vector<16xi32>], vector<16xf32>,
      } {sc.loop_unroll_factor = 4 : i64, sc.parallel_access}
      %add3A_254 = arith.constant 1 : i32
      %add3A_255 = arith.addi %mul3A_245, %add3A_254 : i32
      %lt3A_256 = arith.cmpi slt, %add3A_255, %select_n3A : i32
      %convert_element_type3A_257 = arith.extui %lt3A_256 : i1 to i32
      %cond3A_258 = arith.constant 0 : i32
      %cond3A_259 = arith.cmpi ne, %convert_element_type3A_257, %cond3A_258 : i32
      scf.if %cond3A_259 {
        %dma_wait3A_261 = arith.constant 0 : i32
        %dma_wait3A_262 = tpu.memref_slice %arg2[%dma_wait3A_261] : memref<6553600xi32, #tpu.memory_space<hbm>> -> memref<25600xi32, #tpu.memory_space<hbm>>
        %dma_wait3A_263 = arith.constant 0 : i32
        %dma_wait3A_264 = tpu.memref_slice %arg2[%dma_wait3A_263] : memref<6553600xi32, #tpu.memory_space<hbm>> -> memref<25600xi32, #tpu.memory_space<hbm>>
        tpu.wait_dma2 semaphore(%arg9 : memref<!tpu.dma_semaphore, #tpu.memory_space<semaphore_mem>>) src(%dma_wait3A_264 : memref<25600xi32, #tpu.memory_space<hbm>>) dst(%arg5 : memref<25600xi32, #tpu.memory_space<vmem>>)
        %add3A_265 = arith.constant 2 : i32
        %add3A_266 = arith.addi %mul3A_245, %add3A_265 : i32
        %lt3A_267 = arith.cmpi slt, %add3A_266, %select_n3A : i32
        %convert_element_type3A_268 = arith.extui %lt3A_267 : i1 to i32
        %cond3A_269 = arith.constant 0 : i32
        %cond3A_270 = arith.cmpi ne, %convert_element_type3A_268, %cond3A_269 : i32
        scf.if %cond3A_270 {
          %add3A_274 = arith.constant 2 : i32
          %add3A_275 = arith.addi %mul3A_245, %add3A_274 : i32
          %mul3A_276 = arith.constant 32 : i32
          %mul3A_277 = arith.muli %add3A_275, %mul3A_276 : i32
          %add3A_278 = arith.addi %add3A, %mul3A_277 : i32
          %mul3A_279 = arith.constant 25600 : i32
          %mul3A_280 = arith.muli %add3A_278, %mul3A_279 : i32
          %dma_start3A_281 = tpu.memref_slice %arg2[%mul3A_280] : memref<6553600xi32, #tpu.memory_space<hbm>> -> memref<25600xi32, #tpu.memory_space<hbm>>
          %dma_start3A_282 = tpu.memref_slice %arg2[%mul3A_280] : memref<6553600xi32, #tpu.memory_space<hbm>> -> memref<25600xi32, #tpu.memory_space<hbm>>
          tpu.enqueue_dma source(%dma_start3A_282 : memref<25600xi32, #tpu.memory_space<hbm>>) target(%arg4 : memref<25600xi32, #tpu.memory_space<vmem>>) target_semaphore(%arg8 : memref<!tpu.dma_semaphore, #tpu.memory_space<semaphore_mem>>)
        } else {
        }
        %parallel_loop3A_271 = arith.constant 0 : i32
        %parallel_loop3A_272 = arith.constant 200 : i32
        %parallel_loop3A_273 = arith.constant 1 : i32
        scf.for %parallel_loop3A_274 = %parallel_loop3A_271 to %parallel_loop3A_272 step %parallel_loop3A_273  : i32 {
          %parallel_loop3A_275 = arith.constant 128 : i32
          %parallel_loop3A_276 = arith.muli %parallel_loop3A_274, %parallel_loop3A_275 : i32
          %parallel_loop3A_277 = arith.constant 0 : i32
          %parallel_loop3A_278 = arith.addi %parallel_loop3A_276, %parallel_loop3A_277 : i32
          %parallel_loop3A_279 = arith.index_cast %parallel_loop3A_278 : i32 to index
          %parallel_loop3A_280 = tpu.vector_load %arg5[%parallel_loop3A_279] {strides = array<i32>} : memref<25600xi32, #tpu.memory_space<vmem>>, vector<16xi32>,
          %parallel_loop3A_281 = arith.constant 15 : i32
          %parallel_loop3A_282 = vector.broadcast %parallel_loop3A_281 : i32 to vector<16xi32>
          %parallel_loop3A_283 = arith.andi %parallel_loop3A_280, %parallel_loop3A_282 : vector<16xi32>
          %parallel_loop3A_284 = arith.constant 16 : i32
          %parallel_loop3A_285 = vector.broadcast %parallel_loop3A_284 : i32 to vector<16xi32>
          %parallel_loop3A_286 = arith.muli %parallel_loop3A_283, %parallel_loop3A_285 : vector<16xi32>
          %parallel_loop3A_287 = arith.addi %parallel_loop3A_286, %iota3A : vector<16xi32>
          %parallel_loop3A_288 = arith.constant -16 : i32
          %parallel_loop3A_289 = vector.broadcast %parallel_loop3A_288 : i32 to vector<16xi32>
          %parallel_loop3A_290 = arith.andi %parallel_loop3A_280, %parallel_loop3A_289 : vector<16xi32>
          %parallel_loop3A_291 = vector.bitcast %parallel_loop3A_290 : vector<16xi32> to vector<16xf32>
          tpu.vector_store_idx %arg6[%parallel_loop3A_287], %parallel_loop3A_291 {add = true} : memref<352xf32, #tpu.memory_space<vmem>>[vector<16xi32>], vector<16xf32>,
          %parallel_loop3A_292 = arith.constant 176 : i32
          %parallel_loop3A_293 = vector.broadcast %parallel_loop3A_292 : i32 to vector<16xi32>
          %parallel_loop3A_294 = arith.addi %parallel_loop3A_287, %parallel_loop3A_293 : vector<16xi32>
          tpu.vector_store_idx %arg6[%parallel_loop3A_294], %broadcast_in_dim3A_46 {add = true} : memref<352xf32, #tpu.memory_space<vmem>>[vector<16xi32>], vector<16xf32>,
          %parallel_loop3A_295 = arith.constant 16 : i32
          %parallel_loop3A_296 = arith.addi %parallel_loop3A_276, %parallel_loop3A_295 : i32
          %parallel_loop3A_297 = arith.index_cast %parallel_loop3A_296 : i32 to index
          %parallel_loop3A_298 = tpu.vector_load %arg5[%parallel_loop3A_297] {strides = array<i32>} : memref<25600xi32, #tpu.memory_space<vmem>>, vector<16xi32>,
          %parallel_loop3A_299 = arith.constant 15 : i32
          %parallel_loop3A_300 = vector.broadcast %parallel_loop3A_299 : i32 to vector<16xi32>
          %parallel_loop3A_301 = arith.andi %parallel_loop3A_298, %parallel_loop3A_300 : vector<16xi32>
          %parallel_loop3A_302 = arith.constant 16 : i32
          %parallel_loop3A_303 = vector.broadcast %parallel_loop3A_302 : i32 to vector<16xi32>
          %parallel_loop3A_304 = arith.muli %parallel_loop3A_301, %parallel_loop3A_303 : vector<16xi32>
          %parallel_loop3A_305 = arith.addi %parallel_loop3A_304, %iota3A : vector<16xi32>
          %parallel_loop3A_306 = arith.constant -16 : i32
          %parallel_loop3A_307 = vector.broadcast %parallel_loop3A_306 : i32 to vector<16xi32>
          %parallel_loop3A_308 = arith.andi %parallel_loop3A_298, %parallel_loop3A_307 : vector<16xi32>
          %parallel_loop3A_309 = vector.bitcast %parallel_loop3A_308 : vector<16xi32> to vector<16xf32>
          tpu.vector_store_idx %arg6[%parallel_loop3A_305], %parallel_loop3A_309 {add = true} : memref<352xf32, #tpu.memory_space<vmem>>[vector<16xi32>], vector<16xf32>,
          %parallel_loop3A_310 = arith.constant 176 : i32
          %parallel_loop3A_311 = vector.broadcast %parallel_loop3A_310 : i32 to vector<16xi32>
          %parallel_loop3A_312 = arith.addi %parallel_loop3A_305, %parallel_loop3A_311 : vector<16xi32>
          tpu.vector_store_idx %arg6[%parallel_loop3A_312], %broadcast_in_dim3A_46 {add = true} : memref<352xf32, #tpu.memory_space<vmem>>[vector<16xi32>], vector<16xf32>,
          %parallel_loop3A_313 = arith.constant 32 : i32
          %parallel_loop3A_314 = arith.addi %parallel_loop3A_276, %parallel_loop3A_313 : i32
          %parallel_loop3A_315 = arith.index_cast %parallel_loop3A_314 : i32 to index
          %parallel_loop3A_316 = tpu.vector_load %arg5[%parallel_loop3A_315] {strides = array<i32>} : memref<25600xi32, #tpu.memory_space<vmem>>, vector<16xi32>,
          %parallel_loop3A_317 = arith.constant 15 : i32
          %parallel_loop3A_318 = vector.broadcast %parallel_loop3A_317 : i32 to vector<16xi32>
          %parallel_loop3A_319 = arith.andi %parallel_loop3A_316, %parallel_loop3A_318 : vector<16xi32>
          %parallel_loop3A_320 = arith.constant 16 : i32
          %parallel_loop3A_321 = vector.broadcast %parallel_loop3A_320 : i32 to vector<16xi32>
          %parallel_loop3A_322 = arith.muli %parallel_loop3A_319, %parallel_loop3A_321 : vector<16xi32>
          %parallel_loop3A_323 = arith.addi %parallel_loop3A_322, %iota3A : vector<16xi32>
          %parallel_loop3A_324 = arith.constant -16 : i32
          %parallel_loop3A_325 = vector.broadcast %parallel_loop3A_324 : i32 to vector<16xi32>
          %parallel_loop3A_326 = arith.andi %parallel_loop3A_316, %parallel_loop3A_325 : vector<16xi32>
          %parallel_loop3A_327 = vector.bitcast %parallel_loop3A_326 : vector<16xi32> to vector<16xf32>
          tpu.vector_store_idx %arg6[%parallel_loop3A_323], %parallel_loop3A_327 {add = true} : memref<352xf32, #tpu.memory_space<vmem>>[vector<16xi32>], vector<16xf32>,
          %parallel_loop3A_328 = arith.constant 176 : i32
          %parallel_loop3A_329 = vector.broadcast %parallel_loop3A_328 : i32 to vector<16xi32>
          %parallel_loop3A_330 = arith.addi %parallel_loop3A_323, %parallel_loop3A_329 : vector<16xi32>
          tpu.vector_store_idx %arg6[%parallel_loop3A_330], %broadcast_in_dim3A_46 {add = true} : memref<352xf32, #tpu.memory_space<vmem>>[vector<16xi32>], vector<16xf32>,
          %parallel_loop3A_331 = arith.constant 48 : i32
          %parallel_loop3A_332 = arith.addi %parallel_loop3A_276, %parallel_loop3A_331 : i32
          %parallel_loop3A_333 = arith.index_cast %parallel_loop3A_332 : i32 to index
          %parallel_loop3A_334 = tpu.vector_load %arg5[%parallel_loop3A_333] {strides = array<i32>} : memref<25600xi32, #tpu.memory_space<vmem>>, vector<16xi32>,
          %parallel_loop3A_335 = arith.constant 15 : i32
          %parallel_loop3A_336 = vector.broadcast %parallel_loop3A_335 : i32 to vector<16xi32>
          %parallel_loop3A_337 = arith.andi %parallel_loop3A_334, %parallel_loop3A_336 : vector<16xi32>
          %parallel_loop3A_338 = arith.constant 16 : i32
          %parallel_loop3A_339 = vector.broadcast %parallel_loop3A_338 : i32 to vector<16xi32>
          %parallel_loop3A_340 = arith.muli %parallel_loop3A_337, %parallel_loop3A_339 : vector<16xi32>
          %parallel_loop3A_341 = arith.addi %parallel_loop3A_340, %iota3A : vector<16xi32>
          %parallel_loop3A_342 = arith.constant -16 : i32
          %parallel_loop3A_343 = vector.broadcast %parallel_loop3A_342 : i32 to vector<16xi32>
          %parallel_loop3A_344 = arith.andi %parallel_loop3A_334, %parallel_loop3A_343 : vector<16xi32>
          %parallel_loop3A_345 = vector.bitcast %parallel_loop3A_344 : vector<16xi32> to vector<16xf32>
          tpu.vector_store_idx %arg6[%parallel_loop3A_341], %parallel_loop3A_345 {add = true} : memref<352xf32, #tpu.memory_space<vmem>>[vector<16xi32>], vector<16xf32>,
          %parallel_loop3A_346 = arith.constant 176 : i32
          %parallel_loop3A_347 = vector.broadcast %parallel_loop3A_346 : i32 to vector<16xi32>
          %parallel_loop3A_348 = arith.addi %parallel_loop3A_341, %parallel_loop3A_347 : vector<16xi32>
          tpu.vector_store_idx %arg6[%parallel_loop3A_348], %broadcast_in_dim3A_46 {add = true} : memref<352xf32, #tpu.memory_space<vmem>>[vector<16xi32>], vector<16xf32>,
          %parallel_loop3A_349 = arith.constant 64 : i32
          %parallel_loop3A_350 = arith.addi %parallel_loop3A_276, %parallel_loop3A_349 : i32
          %parallel_loop3A_351 = arith.index_cast %parallel_loop3A_350 : i32 to index
          %parallel_loop3A_352 = tpu.vector_load %arg5[%parallel_loop3A_351] {strides = array<i32>} : memref<25600xi32, #tpu.memory_space<vmem>>, vector<16xi32>,
          %parallel_loop3A_353 = arith.constant 15 : i32
          %parallel_loop3A_354 = vector.broadcast %parallel_loop3A_353 : i32 to vector<16xi32>
          %parallel_loop3A_355 = arith.andi %parallel_loop3A_352, %parallel_loop3A_354 : vector<16xi32>
          %parallel_loop3A_356 = arith.constant 16 : i32
          %parallel_loop3A_357 = vector.broadcast %parallel_loop3A_356 : i32 to vector<16xi32>
          %parallel_loop3A_358 = arith.muli %parallel_loop3A_355, %parallel_loop3A_357 : vector<16xi32>
          %parallel_loop3A_359 = arith.addi %parallel_loop3A_358, %iota3A : vector<16xi32>
          %parallel_loop3A_360 = arith.constant -16 : i32
          %parallel_loop3A_361 = vector.broadcast %parallel_loop3A_360 : i32 to vector<16xi32>
          %parallel_loop3A_362 = arith.andi %parallel_loop3A_352, %parallel_loop3A_361 : vector<16xi32>
          %parallel_loop3A_363 = vector.bitcast %parallel_loop3A_362 : vector<16xi32> to vector<16xf32>
          tpu.vector_store_idx %arg6[%parallel_loop3A_359], %parallel_loop3A_363 {add = true} : memref<352xf32, #tpu.memory_space<vmem>>[vector<16xi32>], vector<16xf32>,
          %parallel_loop3A_364 = arith.constant 176 : i32
          %parallel_loop3A_365 = vector.broadcast %parallel_loop3A_364 : i32 to vector<16xi32>
          %parallel_loop3A_366 = arith.addi %parallel_loop3A_359, %parallel_loop3A_365 : vector<16xi32>
          tpu.vector_store_idx %arg6[%parallel_loop3A_366], %broadcast_in_dim3A_46 {add = true} : memref<352xf32, #tpu.memory_space<vmem>>[vector<16xi32>], vector<16xf32>,
        } {sc.loop_unroll_factor = 4 : i64, sc.parallel_access}
      } else {
      }
      %while3A_260 = arith.constant 0 : i32
      scf.yield %while3A_260 : i32
    }
    %while3A_109 = arith.constant 1 : i32
    %while3A_110 = scf.for %while3A_242 = %while3A_106 to %while3A_102 step %while3A_109 iter_args(%while3A_243 = %while3A_108) -> (i32)  : i32 {
      %mul3A_244 = arith.constant 2 : i32
      %mul3A_245 = arith.muli %while3A_242, %mul3A_244 : i32
      %dma_wait3A = arith.constant 0 : i32
      %dma_wait3A_246 = tpu.memref_slice %arg2[%dma_wait3A] : memref<6553600xi32, #tpu.memory_space<hbm>> -> memref<25600xi32, #tpu.memory_space<hbm>>
      %dma_wait3A_247 = arith.constant 0 : i32
      %dma_wait3A_248 = tpu.memref_slice %arg2[%dma_wait3A_247] : memref<6553600xi32, #tpu.memory_space<hbm>> -> memref<25600xi32, #tpu.memory_space<hbm>>
      tpu.wait_dma2 semaphore(%arg8 : memref<!tpu.dma_semaphore, #tpu.memory_space<semaphore_mem>>) src(%dma_wait3A_248 : memref<25600xi32, #tpu.memory_space<hbm>>) dst(%arg4 : memref<25600xi32, #tpu.memory_space<vmem>>)
      %add3A_249 = arith.constant 1 : i32
      %add3A_250 = arith.addi %mul3A_245, %add3A_249 : i32
      %lt3A = arith.cmpi slt, %add3A_250, %select_n3A : i32
      %convert_element_type3A = arith.extui %lt3A : i1 to i32
      %cond3A = arith.constant 0 : i32
      %cond3A_251 = arith.cmpi ne, %convert_element_type3A, %cond3A : i32
      scf.if %cond3A_251 {
        %add3A_261 = arith.constant 1 : i32
        %add3A_262 = arith.addi %mul3A_245, %add3A_261 : i32
        %mul3A_263 = arith.constant 32 : i32
        %mul3A_264 = arith.muli %add3A_262, %mul3A_263 : i32
        %add3A_265 = arith.addi %add3A, %mul3A_264 : i32
        %mul3A_266 = arith.constant 25600 : i32
        %mul3A_267 = arith.muli %add3A_265, %mul3A_266 : i32
        %dma_start3A_268 = tpu.memref_slice %arg2[%mul3A_267] : memref<6553600xi32, #tpu.memory_space<hbm>> -> memref<25600xi32, #tpu.memory_space<hbm>>
        %dma_start3A_269 = tpu.memref_slice %arg2[%mul3A_267] : memref<6553600xi32, #tpu.memory_space<hbm>> -> memref<25600xi32, #tpu.memory_space<hbm>>
        tpu.enqueue_dma source(%dma_start3A_269 : memref<25600xi32, #tpu.memory_space<hbm>>) target(%arg5 : memref<25600xi32, #tpu.memory_space<vmem>>) target_semaphore(%arg9 : memref<!tpu.dma_semaphore, #tpu.memory_space<semaphore_mem>>)
      } else {
      }
      %parallel_loop3A = arith.constant 0 : i32
      %parallel_loop3A_252 = arith.constant 200 : i32
      %parallel_loop3A_253 = arith.constant 1 : i32
      scf.for %parallel_loop3A_261 = %parallel_loop3A to %parallel_loop3A_252 step %parallel_loop3A_253  : i32 {
        %parallel_loop3A_262 = arith.constant 128 : i32
        %parallel_loop3A_263 = arith.muli %parallel_loop3A_261, %parallel_loop3A_262 : i32
        %parallel_loop3A_264 = arith.constant 0 : i32
        %parallel_loop3A_265 = arith.addi %parallel_loop3A_263, %parallel_loop3A_264 : i32
        %parallel_loop3A_266 = arith.index_cast %parallel_loop3A_265 : i32 to index
        %parallel_loop3A_267 = tpu.vector_load %arg4[%parallel_loop3A_266] {strides = array<i32>} : memref<25600xi32, #tpu.memory_space<vmem>>, vector<16xi32>,
        %parallel_loop3A_268 = arith.constant 15 : i32
        %parallel_loop3A_269 = vector.broadcast %parallel_loop3A_268 : i32 to vector<16xi32>
        %parallel_loop3A_270 = arith.andi %parallel_loop3A_267, %parallel_loop3A_269 : vector<16xi32>
        %parallel_loop3A_271 = arith.constant 16 : i32
        %parallel_loop3A_272 = vector.broadcast %parallel_loop3A_271 : i32 to vector<16xi32>
        %parallel_loop3A_273 = arith.muli %parallel_loop3A_270, %parallel_loop3A_272 : vector<16xi32>
        %parallel_loop3A_274 = arith.addi %parallel_loop3A_273, %iota3A : vector<16xi32>
        %parallel_loop3A_275 = arith.constant -16 : i32
        %parallel_loop3A_276 = vector.broadcast %parallel_loop3A_275 : i32 to vector<16xi32>
        %parallel_loop3A_277 = arith.andi %parallel_loop3A_267, %parallel_loop3A_276 : vector<16xi32>
        %parallel_loop3A_278 = vector.bitcast %parallel_loop3A_277 : vector<16xi32> to vector<16xf32>
        tpu.vector_store_idx %arg6[%parallel_loop3A_274], %parallel_loop3A_278 {add = true} : memref<352xf32, #tpu.memory_space<vmem>>[vector<16xi32>], vector<16xf32>,
        %parallel_loop3A_279 = arith.constant 176 : i32
        %parallel_loop3A_280 = vector.broadcast %parallel_loop3A_279 : i32 to vector<16xi32>
        %parallel_loop3A_281 = arith.addi %parallel_loop3A_274, %parallel_loop3A_280 : vector<16xi32>
        tpu.vector_store_idx %arg6[%parallel_loop3A_281], %broadcast_in_dim3A_46 {add = true} : memref<352xf32, #tpu.memory_space<vmem>>[vector<16xi32>], vector<16xf32>,
        %parallel_loop3A_282 = arith.constant 16 : i32
        %parallel_loop3A_283 = arith.addi %parallel_loop3A_263, %parallel_loop3A_282 : i32
        %parallel_loop3A_284 = arith.index_cast %parallel_loop3A_283 : i32 to index
        %parallel_loop3A_285 = tpu.vector_load %arg4[%parallel_loop3A_284] {strides = array<i32>} : memref<25600xi32, #tpu.memory_space<vmem>>, vector<16xi32>,
        %parallel_loop3A_286 = arith.constant 15 : i32
        %parallel_loop3A_287 = vector.broadcast %parallel_loop3A_286 : i32 to vector<16xi32>
        %parallel_loop3A_288 = arith.andi %parallel_loop3A_285, %parallel_loop3A_287 : vector<16xi32>
        %parallel_loop3A_289 = arith.constant 16 : i32
        %parallel_loop3A_290 = vector.broadcast %parallel_loop3A_289 : i32 to vector<16xi32>
        %parallel_loop3A_291 = arith.muli %parallel_loop3A_288, %parallel_loop3A_290 : vector<16xi32>
        %parallel_loop3A_292 = arith.addi %parallel_loop3A_291, %iota3A : vector<16xi32>
        %parallel_loop3A_293 = arith.constant -16 : i32
        %parallel_loop3A_294 = vector.broadcast %parallel_loop3A_293 : i32 to vector<16xi32>
        %parallel_loop3A_295 = arith.andi %parallel_loop3A_285, %parallel_loop3A_294 : vector<16xi32>
        %parallel_loop3A_296 = vector.bitcast %parallel_loop3A_295 : vector<16xi32> to vector<16xf32>
        tpu.vector_store_idx %arg6[%parallel_loop3A_292], %parallel_loop3A_296 {add = true} : memref<352xf32, #tpu.memory_space<vmem>>[vector<16xi32>], vector<16xf32>,
        %parallel_loop3A_297 = arith.constant 176 : i32
        %parallel_loop3A_298 = vector.broadcast %parallel_loop3A_297 : i32 to vector<16xi32>
        %parallel_loop3A_299 = arith.addi %parallel_loop3A_292, %parallel_loop3A_298 : vector<16xi32>
        tpu.vector_store_idx %arg6[%parallel_loop3A_299], %broadcast_in_dim3A_46 {add = true} : memref<352xf32, #tpu.memory_space<vmem>>[vector<16xi32>], vector<16xf32>,
        %parallel_loop3A_300 = arith.constant 32 : i32
        %parallel_loop3A_301 = arith.addi %parallel_loop3A_263, %parallel_loop3A_300 : i32
        %parallel_loop3A_302 = arith.index_cast %parallel_loop3A_301 : i32 to index
        %parallel_loop3A_303 = tpu.vector_load %arg4[%parallel_loop3A_302] {strides = array<i32>} : memref<25600xi32, #tpu.memory_space<vmem>>, vector<16xi32>,
        %parallel_loop3A_304 = arith.constant 15 : i32
        %parallel_loop3A_305 = vector.broadcast %parallel_loop3A_304 : i32 to vector<16xi32>
        %parallel_loop3A_306 = arith.andi %parallel_loop3A_303, %parallel_loop3A_305 : vector<16xi32>
        %parallel_loop3A_307 = arith.constant 16 : i32
        %parallel_loop3A_308 = vector.broadcast %parallel_loop3A_307 : i32 to vector<16xi32>
        %parallel_loop3A_309 = arith.muli %parallel_loop3A_306, %parallel_loop3A_308 : vector<16xi32>
        %parallel_loop3A_310 = arith.addi %parallel_loop3A_309, %iota3A : vector<16xi32>
        %parallel_loop3A_311 = arith.constant -16 : i32
        %parallel_loop3A_312 = vector.broadcast %parallel_loop3A_311 : i32 to vector<16xi32>
        %parallel_loop3A_313 = arith.andi %parallel_loop3A_303, %parallel_loop3A_312 : vector<16xi32>
        %parallel_loop3A_314 = vector.bitcast %parallel_loop3A_313 : vector<16xi32> to vector<16xf32>
        tpu.vector_store_idx %arg6[%parallel_loop3A_310], %parallel_loop3A_314 {add = true} : memref<352xf32, #tpu.memory_space<vmem>>[vector<16xi32>], vector<16xf32>,
        %parallel_loop3A_315 = arith.constant 176 : i32
        %parallel_loop3A_316 = vector.broadcast %parallel_loop3A_315 : i32 to vector<16xi32>
        %parallel_loop3A_317 = arith.addi %parallel_loop3A_310, %parallel_loop3A_316 : vector<16xi32>
        tpu.vector_store_idx %arg6[%parallel_loop3A_317], %broadcast_in_dim3A_46 {add = true} : memref<352xf32, #tpu.memory_space<vmem>>[vector<16xi32>], vector<16xf32>,
        %parallel_loop3A_318 = arith.constant 48 : i32
        %parallel_loop3A_319 = arith.addi %parallel_loop3A_263, %parallel_loop3A_318 : i32
        %parallel_loop3A_320 = arith.index_cast %parallel_loop3A_319 : i32 to index
        %parallel_loop3A_321 = tpu.vector_load %arg4[%parallel_loop3A_320] {strides = array<i32>} : memref<25600xi32, #tpu.memory_space<vmem>>, vector<16xi32>,
        %parallel_loop3A_322 = arith.constant 15 : i32
        %parallel_loop3A_323 = vector.broadcast %parallel_loop3A_322 : i32 to vector<16xi32>
        %parallel_loop3A_324 = arith.andi %parallel_loop3A_321, %parallel_loop3A_323 : vector<16xi32>
        %parallel_loop3A_325 = arith.constant 16 : i32
        %parallel_loop3A_326 = vector.broadcast %parallel_loop3A_325 : i32 to vector<16xi32>
        %parallel_loop3A_327 = arith.muli %parallel_loop3A_324, %parallel_loop3A_326 : vector<16xi32>
        %parallel_loop3A_328 = arith.addi %parallel_loop3A_327, %iota3A : vector<16xi32>
        %parallel_loop3A_329 = arith.constant -16 : i32
        %parallel_loop3A_330 = vector.broadcast %parallel_loop3A_329 : i32 to vector<16xi32>
        %parallel_loop3A_331 = arith.andi %parallel_loop3A_321, %parallel_loop3A_330 : vector<16xi32>
        %parallel_loop3A_332 = vector.bitcast %parallel_loop3A_331 : vector<16xi32> to vector<16xf32>
        tpu.vector_store_idx %arg6[%parallel_loop3A_328], %parallel_loop3A_332 {add = true} : memref<352xf32, #tpu.memory_space<vmem>>[vector<16xi32>], vector<16xf32>,
        %parallel_loop3A_333 = arith.constant 176 : i32
        %parallel_loop3A_334 = vector.broadcast %parallel_loop3A_333 : i32 to vector<16xi32>
        %parallel_loop3A_335 = arith.addi %parallel_loop3A_328, %parallel_loop3A_334 : vector<16xi32>
        tpu.vector_store_idx %arg6[%parallel_loop3A_335], %broadcast_in_dim3A_46 {add = true} : memref<352xf32, #tpu.memory_space<vmem>>[vector<16xi32>], vector<16xf32>,
        %parallel_loop3A_336 = arith.constant 64 : i32
        %parallel_loop3A_337 = arith.addi %parallel_loop3A_263, %parallel_loop3A_336 : i32
        %parallel_loop3A_338 = arith.index_cast %parallel_loop3A_337 : i32 to index
        %parallel_loop3A_339 = tpu.vector_load %arg4[%parallel_loop3A_338] {strides = array<i32>} : memref<25600xi32, #tpu.memory_space<vmem>>, vector<16xi32>,
        %parallel_loop3A_340 = arith.constant 15 : i32
        %parallel_loop3A_341 = vector.broadcast %parallel_loop3A_340 : i32 to vector<16xi32>
        %parallel_loop3A_342 = arith.andi %parallel_loop3A_339, %parallel_loop3A_341 : vector<16xi32>
        %parallel_loop3A_343 = arith.constant 16 : i32
        %parallel_loop3A_344 = vector.broadcast %parallel_loop3A_343 : i32 to vector<16xi32>
        %parallel_loop3A_345 = arith.muli %parallel_loop3A_342, %parallel_loop3A_344 : vector<16xi32>
        %parallel_loop3A_346 = arith.addi %parallel_loop3A_345, %iota3A : vector<16xi32>
        %parallel_loop3A_347 = arith.constant -16 : i32
        %parallel_loop3A_348 = vector.broadcast %parallel_loop3A_347 : i32 to vector<16xi32>
        %parallel_loop3A_349 = arith.andi %parallel_loop3A_339, %parallel_loop3A_348 : vector<16xi32>
        %parallel_loop3A_350 = vector.bitcast %parallel_loop3A_349 : vector<16xi32> to vector<16xf32>
        tpu.vector_store_idx %arg6[%parallel_loop3A_346], %parallel_loop3A_350 {add = true} : memref<352xf32, #tpu.memory_space<vmem>>[vector<16xi32>], vector<16xf32>,
        %parallel_loop3A_351 = arith.constant 176 : i32
        %parallel_loop3A_352 = vector.broadcast %parallel_loop3A_351 : i32 to vector<16xi32>
        %parallel_loop3A_353 = arith.addi %parallel_loop3A_346, %parallel_loop3A_352 : vector<16xi32>
        tpu.vector_store_idx %arg6[%parallel_loop3A_353], %broadcast_in_dim3A_46 {add = true} : memref<352xf32, #tpu.memory_space<vmem>>[vector<16xi32>], vector<16xf32>,
      } {sc.loop_unroll_factor = 4 : i64, sc.parallel_access}
      %add3A_254 = arith.constant 1 : i32
      %add3A_255 = arith.addi %mul3A_245, %add3A_254 : i32
      %lt3A_256 = arith.cmpi slt, %add3A_255, %select_n3A : i32
      %convert_element_type3A_257 = arith.extui %lt3A_256 : i1 to i32
      %cond3A_258 = arith.constant 0 : i32
      %cond3A_259 = arith.cmpi ne, %convert_element_type3A_257, %cond3A_258 : i32
      scf.if %cond3A_259 {
        %dma_wait3A_261 = arith.constant 0 : i32
        %dma_wait3A_262 = tpu.memref_slice %arg2[%dma_wait3A_261] : memref<6553600xi32, #tpu.memory_space<hbm>> -> memref<25600xi32, #tpu.memory_space<hbm>>
        %dma_wait3A_263 = arith.constant 0 : i32
        %dma_wait3A_264 = tpu.memref_slice %arg2[%dma_wait3A_263] : memref<6553600xi32, #tpu.memory_space<hbm>> -> memref<25600xi32, #tpu.memory_space<hbm>>
        tpu.wait_dma2 semaphore(%arg9 : memref<!tpu.dma_semaphore, #tpu.memory_space<semaphore_mem>>) src(%dma_wait3A_264 : memref<25600xi32, #tpu.memory_space<hbm>>) dst(%arg5 : memref<25600xi32, #tpu.memory_space<vmem>>)
        %add3A_265 = arith.constant 2 : i32
        %add3A_266 = arith.addi %mul3A_245, %add3A_265 : i32
        %lt3A_267 = arith.cmpi slt, %add3A_266, %select_n3A : i32
        %convert_element_type3A_268 = arith.extui %lt3A_267 : i1 to i32
        %cond3A_269 = arith.constant 0 : i32
        %cond3A_270 = arith.cmpi ne, %convert_element_type3A_268, %cond3A_269 : i32
        scf.if %cond3A_270 {
          %add3A_274 = arith.constant 2 : i32
          %add3A_275 = arith.addi %mul3A_245, %add3A_274 : i32
          %mul3A_276 = arith.constant 32 : i32
          %mul3A_277 = arith.muli %add3A_275, %mul3A_276 : i32
          %add3A_278 = arith.addi %add3A, %mul3A_277 : i32
          %mul3A_279 = arith.constant 25600 : i32
          %mul3A_280 = arith.muli %add3A_278, %mul3A_279 : i32
          %dma_start3A_281 = tpu.memref_slice %arg2[%mul3A_280] : memref<6553600xi32, #tpu.memory_space<hbm>> -> memref<25600xi32, #tpu.memory_space<hbm>>
          %dma_start3A_282 = tpu.memref_slice %arg2[%mul3A_280] : memref<6553600xi32, #tpu.memory_space<hbm>> -> memref<25600xi32, #tpu.memory_space<hbm>>
          tpu.enqueue_dma source(%dma_start3A_282 : memref<25600xi32, #tpu.memory_space<hbm>>) target(%arg4 : memref<25600xi32, #tpu.memory_space<vmem>>) target_semaphore(%arg8 : memref<!tpu.dma_semaphore, #tpu.memory_space<semaphore_mem>>)
        } else {
        }
        %parallel_loop3A_271 = arith.constant 0 : i32
        %parallel_loop3A_272 = arith.constant 200 : i32
        %parallel_loop3A_273 = arith.constant 1 : i32
        scf.for %parallel_loop3A_274 = %parallel_loop3A_271 to %parallel_loop3A_272 step %parallel_loop3A_273  : i32 {
          %parallel_loop3A_275 = arith.constant 128 : i32
          %parallel_loop3A_276 = arith.muli %parallel_loop3A_274, %parallel_loop3A_275 : i32
          %parallel_loop3A_277 = arith.constant 0 : i32
          %parallel_loop3A_278 = arith.addi %parallel_loop3A_276, %parallel_loop3A_277 : i32
          %parallel_loop3A_279 = arith.index_cast %parallel_loop3A_278 : i32 to index
          %parallel_loop3A_280 = tpu.vector_load %arg5[%parallel_loop3A_279] {strides = array<i32>} : memref<25600xi32, #tpu.memory_space<vmem>>, vector<16xi32>,
          %parallel_loop3A_281 = arith.constant 15 : i32
          %parallel_loop3A_282 = vector.broadcast %parallel_loop3A_281 : i32 to vector<16xi32>
          %parallel_loop3A_283 = arith.andi %parallel_loop3A_280, %parallel_loop3A_282 : vector<16xi32>
          %parallel_loop3A_284 = arith.constant 16 : i32
          %parallel_loop3A_285 = vector.broadcast %parallel_loop3A_284 : i32 to vector<16xi32>
          %parallel_loop3A_286 = arith.muli %parallel_loop3A_283, %parallel_loop3A_285 : vector<16xi32>
          %parallel_loop3A_287 = arith.addi %parallel_loop3A_286, %iota3A : vector<16xi32>
          %parallel_loop3A_288 = arith.constant -16 : i32
          %parallel_loop3A_289 = vector.broadcast %parallel_loop3A_288 : i32 to vector<16xi32>
          %parallel_loop3A_290 = arith.andi %parallel_loop3A_280, %parallel_loop3A_289 : vector<16xi32>
          %parallel_loop3A_291 = vector.bitcast %parallel_loop3A_290 : vector<16xi32> to vector<16xf32>
          tpu.vector_store_idx %arg6[%parallel_loop3A_287], %parallel_loop3A_291 {add = true} : memref<352xf32, #tpu.memory_space<vmem>>[vector<16xi32>], vector<16xf32>,
          %parallel_loop3A_292 = arith.constant 176 : i32
          %parallel_loop3A_293 = vector.broadcast %parallel_loop3A_292 : i32 to vector<16xi32>
          %parallel_loop3A_294 = arith.addi %parallel_loop3A_287, %parallel_loop3A_293 : vector<16xi32>
          tpu.vector_store_idx %arg6[%parallel_loop3A_294], %broadcast_in_dim3A_46 {add = true} : memref<352xf32, #tpu.memory_space<vmem>>[vector<16xi32>], vector<16xf32>,
          %parallel_loop3A_295 = arith.constant 16 : i32
          %parallel_loop3A_296 = arith.addi %parallel_loop3A_276, %parallel_loop3A_295 : i32
          %parallel_loop3A_297 = arith.index_cast %parallel_loop3A_296 : i32 to index
          %parallel_loop3A_298 = tpu.vector_load %arg5[%parallel_loop3A_297] {strides = array<i32>} : memref<25600xi32, #tpu.memory_space<vmem>>, vector<16xi32>,
          %parallel_loop3A_299 = arith.constant 15 : i32
          %parallel_loop3A_300 = vector.broadcast %parallel_loop3A_299 : i32 to vector<16xi32>
          %parallel_loop3A_301 = arith.andi %parallel_loop3A_298, %parallel_loop3A_300 : vector<16xi32>
          %parallel_loop3A_302 = arith.constant 16 : i32
          %parallel_loop3A_303 = vector.broadcast %parallel_loop3A_302 : i32 to vector<16xi32>
          %parallel_loop3A_304 = arith.muli %parallel_loop3A_301, %parallel_loop3A_303 : vector<16xi32>
          %parallel_loop3A_305 = arith.addi %parallel_loop3A_304, %iota3A : vector<16xi32>
          %parallel_loop3A_306 = arith.constant -16 : i32
          %parallel_loop3A_307 = vector.broadcast %parallel_loop3A_306 : i32 to vector<16xi32>
          %parallel_loop3A_308 = arith.andi %parallel_loop3A_298, %parallel_loop3A_307 : vector<16xi32>
          %parallel_loop3A_309 = vector.bitcast %parallel_loop3A_308 : vector<16xi32> to vector<16xf32>
          tpu.vector_store_idx %arg6[%parallel_loop3A_305], %parallel_loop3A_309 {add = true} : memref<352xf32, #tpu.memory_space<vmem>>[vector<16xi32>], vector<16xf32>,
          %parallel_loop3A_310 = arith.constant 176 : i32
          %parallel_loop3A_311 = vector.broadcast %parallel_loop3A_310 : i32 to vector<16xi32>
          %parallel_loop3A_312 = arith.addi %parallel_loop3A_305, %parallel_loop3A_311 : vector<16xi32>
          tpu.vector_store_idx %arg6[%parallel_loop3A_312], %broadcast_in_dim3A_46 {add = true} : memref<352xf32, #tpu.memory_space<vmem>>[vector<16xi32>], vector<16xf32>,
          %parallel_loop3A_313 = arith.constant 32 : i32
          %parallel_loop3A_314 = arith.addi %parallel_loop3A_276, %parallel_loop3A_313 : i32
          %parallel_loop3A_315 = arith.index_cast %parallel_loop3A_314 : i32 to index
          %parallel_loop3A_316 = tpu.vector_load %arg5[%parallel_loop3A_315] {strides = array<i32>} : memref<25600xi32, #tpu.memory_space<vmem>>, vector<16xi32>,
          %parallel_loop3A_317 = arith.constant 15 : i32
          %parallel_loop3A_318 = vector.broadcast %parallel_loop3A_317 : i32 to vector<16xi32>
          %parallel_loop3A_319 = arith.andi %parallel_loop3A_316, %parallel_loop3A_318 : vector<16xi32>
          %parallel_loop3A_320 = arith.constant 16 : i32
          %parallel_loop3A_321 = vector.broadcast %parallel_loop3A_320 : i32 to vector<16xi32>
          %parallel_loop3A_322 = arith.muli %parallel_loop3A_319, %parallel_loop3A_321 : vector<16xi32>
          %parallel_loop3A_323 = arith.addi %parallel_loop3A_322, %iota3A : vector<16xi32>
          %parallel_loop3A_324 = arith.constant -16 : i32
          %parallel_loop3A_325 = vector.broadcast %parallel_loop3A_324 : i32 to vector<16xi32>
          %parallel_loop3A_326 = arith.andi %parallel_loop3A_316, %parallel_loop3A_325 : vector<16xi32>
          %parallel_loop3A_327 = vector.bitcast %parallel_loop3A_326 : vector<16xi32> to vector<16xf32>
          tpu.vector_store_idx %arg6[%parallel_loop3A_323], %parallel_loop3A_327 {add = true} : memref<352xf32, #tpu.memory_space<vmem>>[vector<16xi32>], vector<16xf32>,
          %parallel_loop3A_328 = arith.constant 176 : i32
          %parallel_loop3A_329 = vector.broadcast %parallel_loop3A_328 : i32 to vector<16xi32>
          %parallel_loop3A_330 = arith.addi %parallel_loop3A_323, %parallel_loop3A_329 : vector<16xi32>
          tpu.vector_store_idx %arg6[%parallel_loop3A_330], %broadcast_in_dim3A_46 {add = true} : memref<352xf32, #tpu.memory_space<vmem>>[vector<16xi32>], vector<16xf32>,
          %parallel_loop3A_331 = arith.constant 48 : i32
          %parallel_loop3A_332 = arith.addi %parallel_loop3A_276, %parallel_loop3A_331 : i32
          %parallel_loop3A_333 = arith.index_cast %parallel_loop3A_332 : i32 to index
          %parallel_loop3A_334 = tpu.vector_load %arg5[%parallel_loop3A_333] {strides = array<i32>} : memref<25600xi32, #tpu.memory_space<vmem>>, vector<16xi32>,
          %parallel_loop3A_335 = arith.constant 15 : i32
          %parallel_loop3A_336 = vector.broadcast %parallel_loop3A_335 : i32 to vector<16xi32>
          %parallel_loop3A_337 = arith.andi %parallel_loop3A_334, %parallel_loop3A_336 : vector<16xi32>
          %parallel_loop3A_338 = arith.constant 16 : i32
          %parallel_loop3A_339 = vector.broadcast %parallel_loop3A_338 : i32 to vector<16xi32>
          %parallel_loop3A_340 = arith.muli %parallel_loop3A_337, %parallel_loop3A_339 : vector<16xi32>
          %parallel_loop3A_341 = arith.addi %parallel_loop3A_340, %iota3A : vector<16xi32>
          %parallel_loop3A_342 = arith.constant -16 : i32
          %parallel_loop3A_343 = vector.broadcast %parallel_loop3A_342 : i32 to vector<16xi32>
          %parallel_loop3A_344 = arith.andi %parallel_loop3A_334, %parallel_loop3A_343 : vector<16xi32>
          %parallel_loop3A_345 = vector.bitcast %parallel_loop3A_344 : vector<16xi32> to vector<16xf32>
          tpu.vector_store_idx %arg6[%parallel_loop3A_341], %parallel_loop3A_345 {add = true} : memref<352xf32, #tpu.memory_space<vmem>>[vector<16xi32>], vector<16xf32>,
          %parallel_loop3A_346 = arith.constant 176 : i32
          %parallel_loop3A_347 = vector.broadcast %parallel_loop3A_346 : i32 to vector<16xi32>
          %parallel_loop3A_348 = arith.addi %parallel_loop3A_341, %parallel_loop3A_347 : vector<16xi32>
          tpu.vector_store_idx %arg6[%parallel_loop3A_348], %broadcast_in_dim3A_46 {add = true} : memref<352xf32, #tpu.memory_space<vmem>>[vector<16xi32>], vector<16xf32>,
          %parallel_loop3A_349 = arith.constant 64 : i32
          %parallel_loop3A_350 = arith.addi %parallel_loop3A_276, %parallel_loop3A_349 : i32
          %parallel_loop3A_351 = arith.index_cast %parallel_loop3A_350 : i32 to index
          %parallel_loop3A_352 = tpu.vector_load %arg5[%parallel_loop3A_351] {strides = array<i32>} : memref<25600xi32, #tpu.memory_space<vmem>>, vector<16xi32>,
          %parallel_loop3A_353 = arith.constant 15 : i32
          %parallel_loop3A_354 = vector.broadcast %parallel_loop3A_353 : i32 to vector<16xi32>
          %parallel_loop3A_355 = arith.andi %parallel_loop3A_352, %parallel_loop3A_354 : vector<16xi32>
          %parallel_loop3A_356 = arith.constant 16 : i32
          %parallel_loop3A_357 = vector.broadcast %parallel_loop3A_356 : i32 to vector<16xi32>
          %parallel_loop3A_358 = arith.muli %parallel_loop3A_355, %parallel_loop3A_357 : vector<16xi32>
          %parallel_loop3A_359 = arith.addi %parallel_loop3A_358, %iota3A : vector<16xi32>
          %parallel_loop3A_360 = arith.constant -16 : i32
          %parallel_loop3A_361 = vector.broadcast %parallel_loop3A_360 : i32 to vector<16xi32>
          %parallel_loop3A_362 = arith.andi %parallel_loop3A_352, %parallel_loop3A_361 : vector<16xi32>
          %parallel_loop3A_363 = vector.bitcast %parallel_loop3A_362 : vector<16xi32> to vector<16xf32>
          tpu.vector_store_idx %arg6[%parallel_loop3A_359], %parallel_loop3A_363 {add = true} : memref<352xf32, #tpu.memory_space<vmem>>[vector<16xi32>], vector<16xf32>,
          %parallel_loop3A_364 = arith.constant 176 : i32
          %parallel_loop3A_365 = vector.broadcast %parallel_loop3A_364 : i32 to vector<16xi32>
          %parallel_loop3A_366 = arith.addi %parallel_loop3A_359, %parallel_loop3A_365 : vector<16xi32>
          tpu.vector_store_idx %arg6[%parallel_loop3A_366], %broadcast_in_dim3A_46 {add = true} : memref<352xf32, #tpu.memory_space<vmem>>[vector<16xi32>], vector<16xf32>,
        } {sc.loop_unroll_factor = 4 : i64, sc.parallel_access}
      } else {
      }
      %while3A_260 = arith.constant 0 : i32
      scf.yield %while3A_260 : i32
    }
    %get3A = arith.constant 0 : index
    %get3A_111 = tpu.vector_load %arg6[%get3A] {strides = array<i32>} : memref<352xf32, #tpu.memory_space<vmem>>, vector<16xf32>,
    %swap3A_112 = arith.constant 0 : i32
    %swap3A_113 = arith.index_cast %swap3A_112 : i32 to index
    %swap3A_114 = arith.constant 0 : index
    %swap3A_115 = tpu.vector_load %arg7[%swap3A_113, %swap3A_114] {strides = array<i32>} : memref<8x128xf32, #tpu.memory_space<vmem>>, vector<16xf32>,
    tpu.vector_store %arg7[%swap3A_113, %swap3A_114], %get3A_111 {strides = array<i32>} : memref<8x128xf32, #tpu.memory_space<vmem>>, vector<16xf32>,
    %get3A_116 = arith.constant 16 : index
    %get3A_117 = tpu.vector_load %arg6[%get3A_116] {strides = array<i32>} : memref<352xf32, #tpu.memory_space<vmem>>, vector<16xf32>,
    %swap3A_118 = arith.constant 0 : i32
    %swap3A_119 = arith.index_cast %swap3A_118 : i32 to index
    %swap3A_120 = arith.constant 16 : index
    %swap3A_121 = tpu.vector_load %arg7[%swap3A_119, %swap3A_120] {strides = array<i32>} : memref<8x128xf32, #tpu.memory_space<vmem>>, vector<16xf32>,
    tpu.vector_store %arg7[%swap3A_119, %swap3A_120], %get3A_117 {strides = array<i32>} : memref<8x128xf32, #tpu.memory_space<vmem>>, vector<16xf32>,
    %get3A_122 = arith.constant 32 : index
    %get3A_123 = tpu.vector_load %arg6[%get3A_122] {strides = array<i32>} : memref<352xf32, #tpu.memory_space<vmem>>, vector<16xf32>,
    %swap3A_124 = arith.constant 0 : i32
    %swap3A_125 = arith.index_cast %swap3A_124 : i32 to index
    %swap3A_126 = arith.constant 32 : index
    %swap3A_127 = tpu.vector_load %arg7[%swap3A_125, %swap3A_126] {strides = array<i32>} : memref<8x128xf32, #tpu.memory_space<vmem>>, vector<16xf32>,
    tpu.vector_store %arg7[%swap3A_125, %swap3A_126], %get3A_123 {strides = array<i32>} : memref<8x128xf32, #tpu.memory_space<vmem>>, vector<16xf32>,
    %get3A_128 = arith.constant 48 : index
    %get3A_129 = tpu.vector_load %arg6[%get3A_128] {strides = array<i32>} : memref<352xf32, #tpu.memory_space<vmem>>, vector<16xf32>,
    %swap3A_130 = arith.constant 0 : i32
    %swap3A_131 = arith.index_cast %swap3A_130 : i32 to index
    %swap3A_132 = arith.constant 48 : index
    %swap3A_133 = tpu.vector_load %arg7[%swap3A_131, %swap3A_132] {strides = array<i32>} : memref<8x128xf32, #tpu.memory_space<vmem>>, vector<16xf32>,
    tpu.vector_store %arg7[%swap3A_131, %swap3A_132], %get3A_129 {strides = array<i32>} : memref<8x128xf32, #tpu.memory_space<vmem>>, vector<16xf32>,
    %get3A_134 = arith.constant 64 : index
    %get3A_135 = tpu.vector_load %arg6[%get3A_134] {strides = array<i32>} : memref<352xf32, #tpu.memory_space<vmem>>, vector<16xf32>,
    %swap3A_136 = arith.constant 0 : i32
    %swap3A_137 = arith.index_cast %swap3A_136 : i32 to index
    %swap3A_138 = arith.constant 64 : index
    %swap3A_139 = tpu.vector_load %arg7[%swap3A_137, %swap3A_138] {strides = array<i32>} : memref<8x128xf32, #tpu.memory_space<vmem>>, vector<16xf32>,
    tpu.vector_store %arg7[%swap3A_137, %swap3A_138], %get3A_135 {strides = array<i32>} : memref<8x128xf32, #tpu.memory_space<vmem>>, vector<16xf32>,
    %get3A_140 = arith.constant 80 : index
    %get3A_141 = tpu.vector_load %arg6[%get3A_140] {strides = array<i32>} : memref<352xf32, #tpu.memory_space<vmem>>, vector<16xf32>,
    %swap3A_142 = arith.constant 0 : i32
    %swap3A_143 = arith.index_cast %swap3A_142 : i32 to index
    %swap3A_144 = arith.constant 80 : index
    %swap3A_145 = tpu.vector_load %arg7[%swap3A_143, %swap3A_144] {strides = array<i32>} : memref<8x128xf32, #tpu.memory_space<vmem>>, vector<16xf32>,
    tpu.vector_store %arg7[%swap3A_143, %swap3A_144], %get3A_141 {strides = array<i32>} : memref<8x128xf32, #tpu.memory_space<vmem>>, vector<16xf32>,
    %get3A_146 = arith.constant 96 : index
    %get3A_147 = tpu.vector_load %arg6[%get3A_146] {strides = array<i32>} : memref<352xf32, #tpu.memory_space<vmem>>, vector<16xf32>,
    %swap3A_148 = arith.constant 0 : i32
    %swap3A_149 = arith.index_cast %swap3A_148 : i32 to index
    %swap3A_150 = arith.constant 96 : index
    %swap3A_151 = tpu.vector_load %arg7[%swap3A_149, %swap3A_150] {strides = array<i32>} : memref<8x128xf32, #tpu.memory_space<vmem>>, vector<16xf32>,
    tpu.vector_store %arg7[%swap3A_149, %swap3A_150], %get3A_147 {strides = array<i32>} : memref<8x128xf32, #tpu.memory_space<vmem>>, vector<16xf32>,
    %get3A_152 = arith.constant 112 : index
    %get3A_153 = tpu.vector_load %arg6[%get3A_152] {strides = array<i32>} : memref<352xf32, #tpu.memory_space<vmem>>, vector<16xf32>,
    %swap3A_154 = arith.constant 0 : i32
    %swap3A_155 = arith.index_cast %swap3A_154 : i32 to index
    %swap3A_156 = arith.constant 112 : index
    %swap3A_157 = tpu.vector_load %arg7[%swap3A_155, %swap3A_156] {strides = array<i32>} : memref<8x128xf32, #tpu.memory_space<vmem>>, vector<16xf32>,
    tpu.vector_store %arg7[%swap3A_155, %swap3A_156], %get3A_153 {strides = array<i32>} : memref<8x128xf32, #tpu.memory_space<vmem>>, vector<16xf32>,
    %get3A_158 = arith.constant 128 : index
    %get3A_159 = tpu.vector_load %arg6[%get3A_158] {strides = array<i32>} : memref<352xf32, #tpu.memory_space<vmem>>, vector<16xf32>,
    %swap3A_160 = arith.constant 1 : i32
    %swap3A_161 = arith.index_cast %swap3A_160 : i32 to index
    %swap3A_162 = arith.constant 0 : index
    %swap3A_163 = tpu.vector_load %arg7[%swap3A_161, %swap3A_162] {strides = array<i32>} : memref<8x128xf32, #tpu.memory_space<vmem>>, vector<16xf32>,
    tpu.vector_store %arg7[%swap3A_161, %swap3A_162], %get3A_159 {strides = array<i32>} : memref<8x128xf32, #tpu.memory_space<vmem>>, vector<16xf32>,
    %get3A_164 = arith.constant 144 : index
    %get3A_165 = tpu.vector_load %arg6[%get3A_164] {strides = array<i32>} : memref<352xf32, #tpu.memory_space<vmem>>, vector<16xf32>,
    %swap3A_166 = arith.constant 1 : i32
    %swap3A_167 = arith.index_cast %swap3A_166 : i32 to index
    %swap3A_168 = arith.constant 16 : index
    %swap3A_169 = tpu.vector_load %arg7[%swap3A_167, %swap3A_168] {strides = array<i32>} : memref<8x128xf32, #tpu.memory_space<vmem>>, vector<16xf32>,
    tpu.vector_store %arg7[%swap3A_167, %swap3A_168], %get3A_165 {strides = array<i32>} : memref<8x128xf32, #tpu.memory_space<vmem>>, vector<16xf32>,
    %get3A_170 = arith.constant 160 : index
    %get3A_171 = tpu.vector_load %arg6[%get3A_170] {strides = array<i32>} : memref<352xf32, #tpu.memory_space<vmem>>, vector<16xf32>,
    %swap3A_172 = arith.constant 1 : i32
    %swap3A_173 = arith.index_cast %swap3A_172 : i32 to index
    %swap3A_174 = arith.constant 32 : index
    %swap3A_175 = tpu.vector_load %arg7[%swap3A_173, %swap3A_174] {strides = array<i32>} : memref<8x128xf32, #tpu.memory_space<vmem>>, vector<16xf32>,
    tpu.vector_store %arg7[%swap3A_173, %swap3A_174], %get3A_171 {strides = array<i32>} : memref<8x128xf32, #tpu.memory_space<vmem>>, vector<16xf32>,
    %get3A_176 = arith.constant 176 : index
    %get3A_177 = tpu.vector_load %arg6[%get3A_176] {strides = array<i32>} : memref<352xf32, #tpu.memory_space<vmem>>, vector<16xf32>,
    %swap3A_178 = arith.constant 1 : i32
    %swap3A_179 = arith.index_cast %swap3A_178 : i32 to index
    %swap3A_180 = arith.constant 48 : index
    %swap3A_181 = tpu.vector_load %arg7[%swap3A_179, %swap3A_180] {strides = array<i32>} : memref<8x128xf32, #tpu.memory_space<vmem>>, vector<16xf32>,
    tpu.vector_store %arg7[%swap3A_179, %swap3A_180], %get3A_177 {strides = array<i32>} : memref<8x128xf32, #tpu.memory_space<vmem>>, vector<16xf32>,
    %get3A_182 = arith.constant 192 : index
    %get3A_183 = tpu.vector_load %arg6[%get3A_182] {strides = array<i32>} : memref<352xf32, #tpu.memory_space<vmem>>, vector<16xf32>,
    %swap3A_184 = arith.constant 1 : i32
    %swap3A_185 = arith.index_cast %swap3A_184 : i32 to index
    %swap3A_186 = arith.constant 64 : index
    %swap3A_187 = tpu.vector_load %arg7[%swap3A_185, %swap3A_186] {strides = array<i32>} : memref<8x128xf32, #tpu.memory_space<vmem>>, vector<16xf32>,
    tpu.vector_store %arg7[%swap3A_185, %swap3A_186], %get3A_183 {strides = array<i32>} : memref<8x128xf32, #tpu.memory_space<vmem>>, vector<16xf32>,
    %get3A_188 = arith.constant 208 : index
    %get3A_189 = tpu.vector_load %arg6[%get3A_188] {strides = array<i32>} : memref<352xf32, #tpu.memory_space<vmem>>, vector<16xf32>,
    %swap3A_190 = arith.constant 1 : i32
    %swap3A_191 = arith.index_cast %swap3A_190 : i32 to index
    %swap3A_192 = arith.constant 80 : index
    %swap3A_193 = tpu.vector_load %arg7[%swap3A_191, %swap3A_192] {strides = array<i32>} : memref<8x128xf32, #tpu.memory_space<vmem>>, vector<16xf32>,
    tpu.vector_store %arg7[%swap3A_191, %swap3A_192], %get3A_189 {strides = array<i32>} : memref<8x128xf32, #tpu.memory_space<vmem>>, vector<16xf32>,
    %get3A_194 = arith.constant 224 : index
    %get3A_195 = tpu.vector_load %arg6[%get3A_194] {strides = array<i32>} : memref<352xf32, #tpu.memory_space<vmem>>, vector<16xf32>,
    %swap3A_196 = arith.constant 1 : i32
    %swap3A_197 = arith.index_cast %swap3A_196 : i32 to index
    %swap3A_198 = arith.constant 96 : index
    %swap3A_199 = tpu.vector_load %arg7[%swap3A_197, %swap3A_198] {strides = array<i32>} : memref<8x128xf32, #tpu.memory_space<vmem>>, vector<16xf32>,
    tpu.vector_store %arg7[%swap3A_197, %swap3A_198], %get3A_195 {strides = array<i32>} : memref<8x128xf32, #tpu.memory_space<vmem>>, vector<16xf32>,
    %get3A_200 = arith.constant 240 : index
    %get3A_201 = tpu.vector_load %arg6[%get3A_200] {strides = array<i32>} : memref<352xf32, #tpu.memory_space<vmem>>, vector<16xf32>,
    %swap3A_202 = arith.constant 1 : i32
    %swap3A_203 = arith.index_cast %swap3A_202 : i32 to index
    %swap3A_204 = arith.constant 112 : index
    %swap3A_205 = tpu.vector_load %arg7[%swap3A_203, %swap3A_204] {strides = array<i32>} : memref<8x128xf32, #tpu.memory_space<vmem>>, vector<16xf32>,
    tpu.vector_store %arg7[%swap3A_203, %swap3A_204], %get3A_201 {strides = array<i32>} : memref<8x128xf32, #tpu.memory_space<vmem>>, vector<16xf32>,
    %get3A_206 = arith.constant 256 : index
    %get3A_207 = tpu.vector_load %arg6[%get3A_206] {strides = array<i32>} : memref<352xf32, #tpu.memory_space<vmem>>, vector<16xf32>,
    %swap3A_208 = arith.constant 2 : i32
    %swap3A_209 = arith.index_cast %swap3A_208 : i32 to index
    %swap3A_210 = arith.constant 0 : index
    %swap3A_211 = tpu.vector_load %arg7[%swap3A_209, %swap3A_210] {strides = array<i32>} : memref<8x128xf32, #tpu.memory_space<vmem>>, vector<16xf32>,
    tpu.vector_store %arg7[%swap3A_209, %swap3A_210], %get3A_207 {strides = array<i32>} : memref<8x128xf32, #tpu.memory_space<vmem>>, vector<16xf32>,
    %get3A_212 = arith.constant 272 : index
    %get3A_213 = tpu.vector_load %arg6[%get3A_212] {strides = array<i32>} : memref<352xf32, #tpu.memory_space<vmem>>, vector<16xf32>,
    %swap3A_214 = arith.constant 2 : i32
    %swap3A_215 = arith.index_cast %swap3A_214 : i32 to index
    %swap3A_216 = arith.constant 16 : index
    %swap3A_217 = tpu.vector_load %arg7[%swap3A_215, %swap3A_216] {strides = array<i32>} : memref<8x128xf32, #tpu.memory_space<vmem>>, vector<16xf32>,
    tpu.vector_store %arg7[%swap3A_215, %swap3A_216], %get3A_213 {strides = array<i32>} : memref<8x128xf32, #tpu.memory_space<vmem>>, vector<16xf32>,
    %get3A_218 = arith.constant 288 : index
    %get3A_219 = tpu.vector_load %arg6[%get3A_218] {strides = array<i32>} : memref<352xf32, #tpu.memory_space<vmem>>, vector<16xf32>,
    %swap3A_220 = arith.constant 2 : i32
    %swap3A_221 = arith.index_cast %swap3A_220 : i32 to index
    %swap3A_222 = arith.constant 32 : index
    %swap3A_223 = tpu.vector_load %arg7[%swap3A_221, %swap3A_222] {strides = array<i32>} : memref<8x128xf32, #tpu.memory_space<vmem>>, vector<16xf32>,
    tpu.vector_store %arg7[%swap3A_221, %swap3A_222], %get3A_219 {strides = array<i32>} : memref<8x128xf32, #tpu.memory_space<vmem>>, vector<16xf32>,
    %get3A_224 = arith.constant 304 : index
    %get3A_225 = tpu.vector_load %arg6[%get3A_224] {strides = array<i32>} : memref<352xf32, #tpu.memory_space<vmem>>, vector<16xf32>,
    %swap3A_226 = arith.constant 2 : i32
    %swap3A_227 = arith.index_cast %swap3A_226 : i32 to index
    %swap3A_228 = arith.constant 48 : index
    %swap3A_229 = tpu.vector_load %arg7[%swap3A_227, %swap3A_228] {strides = array<i32>} : memref<8x128xf32, #tpu.memory_space<vmem>>, vector<16xf32>,
    tpu.vector_store %arg7[%swap3A_227, %swap3A_228], %get3A_225 {strides = array<i32>} : memref<8x128xf32, #tpu.memory_space<vmem>>, vector<16xf32>,
    %get3A_230 = arith.constant 320 : index
    %get3A_231 = tpu.vector_load %arg6[%get3A_230] {strides = array<i32>} : memref<352xf32, #tpu.memory_space<vmem>>, vector<16xf32>,
    %swap3A_232 = arith.constant 2 : i32
    %swap3A_233 = arith.index_cast %swap3A_232 : i32 to index
    %swap3A_234 = arith.constant 64 : index
    %swap3A_235 = tpu.vector_load %arg7[%swap3A_233, %swap3A_234] {strides = array<i32>} : memref<8x128xf32, #tpu.memory_space<vmem>>, vector<16xf32>,
    tpu.vector_store %arg7[%swap3A_233, %swap3A_234], %get3A_231 {strides = array<i32>} : memref<8x128xf32, #tpu.memory_space<vmem>>, vector<16xf32>,
    %get3A_236 = arith.constant 336 : index
    %get3A_237 = tpu.vector_load %arg6[%get3A_236] {strides = array<i32>} : memref<352xf32, #tpu.memory_space<vmem>>, vector<16xf32>,
    %swap3A_238 = arith.constant 2 : i32
    %swap3A_239 = arith.index_cast %swap3A_238 : i32 to index
    %swap3A_240 = arith.constant 80 : index
    %swap3A_241 = tpu.vector_load %arg7[%swap3A_239, %swap3A_240] {strides = array<i32>} : memref<8x128xf32, #tpu.memory_space<vmem>>, vector<16xf32>,
    tpu.vector_store %arg7[%swap3A_239, %swap3A_240], %get3A_237 {strides = array<i32>} : memref<8x128xf32, #tpu.memory_space<vmem>>, vector<16xf32>,
    "tpu.region"() ({
      %run_scoped3A = tpu.sem_alloc : memref<!tpu.dma_semaphore, #tpu.memory_space<semaphore_mem>>
      %dma_start3A_242 = arith.constant 0 : i32
      %dma_start3A_243 = arith.constant 0 : i32
      %dma_start3A_244 = tpu.memref_slice %arg3[%add3A, %dma_start3A_242, %dma_start3A_243] : memref<32x8x128xf32, #tpu.memory_space<hbm>> -> memref<1x8x128xf32, #tpu.memory_space<hbm>>
      %dma_start3A_245 = tpu.memref_squeeze %dma_start3A_244 : memref<1x8x128xf32, #tpu.memory_space<hbm>> -> memref<8x128xf32, #tpu.memory_space<hbm>>
      %dma_start3A_246 = arith.constant 0 : i32
      %dma_start3A_247 = arith.constant 0 : i32
      %dma_start3A_248 = tpu.memref_slice %arg3[%add3A, %dma_start3A_246, %dma_start3A_247] : memref<32x8x128xf32, #tpu.memory_space<hbm>> -> memref<1x8x128xf32, #tpu.memory_space<hbm>>
      %dma_start3A_249 = tpu.memref_squeeze %dma_start3A_248 : memref<1x8x128xf32, #tpu.memory_space<hbm>> -> memref<8x128xf32, #tpu.memory_space<hbm>>
      tpu.enqueue_dma source(%arg7 : memref<8x128xf32, #tpu.memory_space<vmem>>) target(%dma_start3A_249 : memref<8x128xf32, #tpu.memory_space<hbm>>) target_semaphore(%run_scoped3A : memref<!tpu.dma_semaphore, #tpu.memory_space<semaphore_mem>>)
      %dma_wait3A = arith.constant 0 : i32
      %dma_wait3A_250 = arith.constant 0 : i32
      %dma_wait3A_251 = tpu.memref_slice %arg3[%add3A, %dma_wait3A, %dma_wait3A_250] : memref<32x8x128xf32, #tpu.memory_space<hbm>> -> memref<1x8x128xf32, #tpu.memory_space<hbm>>
      %dma_wait3A_252 = tpu.memref_squeeze %dma_wait3A_251 : memref<1x8x128xf32, #tpu.memory_space<hbm>> -> memref<8x128xf32, #tpu.memory_space<hbm>>
      %dma_wait3A_253 = arith.constant 0 : i32
      %dma_wait3A_254 = arith.constant 0 : i32
      %dma_wait3A_255 = tpu.memref_slice %arg3[%add3A, %dma_wait3A_253, %dma_wait3A_254] : memref<32x8x128xf32, #tpu.memory_space<hbm>> -> memref<1x8x128xf32, #tpu.memory_space<hbm>>
      %dma_wait3A_256 = tpu.memref_squeeze %dma_wait3A_255 : memref<1x8x128xf32, #tpu.memory_space<hbm>> -> memref<8x128xf32, #tpu.memory_space<hbm>>
      tpu.wait_dma2 semaphore(%run_scoped3A : memref<!tpu.dma_semaphore, #tpu.memory_space<semaphore_mem>>) src(%arg7 : memref<8x128xf32, #tpu.memory_space<vmem>>) dst(%dma_wait3A_256 : memref<8x128xf32, #tpu.memory_space<hbm>>)
      tpu.yield
    }) : () -> ()
    return
  }
}

module attributes {stable_mosaic.version = 14 : i64} {
  func.func @_dense_body(%arg0: i32, %arg1: memref<80x2048xf32, #tpu.memory_space<vmem>>, %arg2: memref<80x2048xi32, #tpu.memory_space<vmem>>, %arg3: memref<80x2048xf32, #tpu.memory_space<vmem>>, %arg4: memref<256x8x128xi32, #tpu.memory_space<vmem>>) attributes {dimension_semantics = [#tpu.dimension_semantics<arbitrary>], iteration_bounds = array<i64: 25>, scalar_prefetch = 0 : i64, scratch_operands = 0 : i64, tpu.core_type = #tpu.core_type<tc>, window_params = [{transform_indices = @transform_0, window_bounds = array<i64: 80, 2048>}, {transform_indices = @transform_1, window_bounds = array<i64: 80, 2048>}, {transform_indices = @transform_2, window_bounds = array<i64: 80, 2048>}, {transform_indices = @transform_3, window_bounds = array<i64: 256, 8, 128>}]} {
    %get3A = arith.constant 0 : index
    %get3A_0 = arith.constant 0 : index
    %get3A_1 = vector.load %arg1[%get3A, %get3A_0] : memref<80x2048xf32, #tpu.memory_space<vmem>>, vector<80x2048xf32>
    %get3A_2 = arith.constant 0 : index
    %get3A_3 = arith.constant 0 : index
    %get3A_4 = vector.load %arg2[%get3A_2, %get3A_3] : memref<80x2048xi32, #tpu.memory_space<vmem>>, vector<80x2048xi32>
    %convert_element_type3A = arith.sitofp %get3A_4 : vector<80x2048xi32> to vector<80x2048xf32>
    %get3A_5 = arith.constant 0 : index
    %get3A_6 = arith.constant 0 : index
    %get3A_7 = vector.load %arg3[%get3A_5, %get3A_6] : memref<80x2048xf32, #tpu.memory_space<vmem>>, vector<80x2048xf32>
    %abs3A = math.absf %get3A_1 : vector<80x2048xf32>
    %neg3A = arith.constant 0.000000e+00 : f32
    %neg3A_8 = vector.broadcast %neg3A : f32 to vector<80x2048xf32>
    %neg3A_9 = arith.subf %neg3A_8, %abs3A : vector<80x2048xf32>
    %exp3A = math.exp %neg3A_9 : vector<80x2048xf32>
    %ge3A = arith.constant 0.000000e+00 : f32
    %ge3A_10 = vector.broadcast %ge3A : f32 to vector<80x2048xf32>
    %ge3A_11 = arith.cmpf oge, %get3A_1, %ge3A_10 : vector<80x2048xf32>
    %jit3A = arith.constant 1.000000e+00 : f32
    %broadcast_in_dim3A = vector.broadcast %jit3A : f32 to vector<80x2048xf32>
    %select_n3A = arith.select %ge3A_11, %broadcast_in_dim3A, %exp3A : vector<80x2048xi1>, vector<80x2048xf32>
    %add3A = arith.constant 1.000000e+00 : f32
    %add3A_12 = vector.broadcast %add3A : f32 to vector<80x2048xf32>
    %add3A_13 = arith.addf %add3A_12, %exp3A : vector<80x2048xf32>
    %div3A = arith.divf %select_n3A, %add3A_13 : vector<80x2048xf32>
    %sub3A = arith.subf %div3A, %convert_element_type3A : vector<80x2048xf32>
    %abs3A_14 = math.absf %sub3A : vector<80x2048xf32>
    %add3A_15 = arith.constant 2.000000e+00 : f32
    %add3A_16 = vector.broadcast %add3A_15 : f32 to vector<80x2048xf32>
    %add3A_17 = arith.addf %exp3A, %add3A_16 : vector<80x2048xf32>
    %div3A_18 = arith.divf %exp3A, %add3A_17 : vector<80x2048xf32>
    %mul3A = arith.mulf %div3A_18, %div3A_18 : vector<80x2048xf32>
    %mul3A_19 = arith.constant 2.000000e+00 : f32
    %mul3A_20 = vector.broadcast %mul3A_19 : f32 to vector<80x2048xf32>
    %mul3A_21 = arith.mulf %mul3A_20, %div3A_18 : vector<80x2048xf32>
    %mul3A_22 = arith.constant 0.111111112 : f32
    %mul3A_23 = vector.broadcast %mul3A_22 : f32 to vector<80x2048xf32>
    %mul3A_24 = arith.mulf %mul3A, %mul3A_23 : vector<80x2048xf32>
    %add3A_25 = arith.constant 0.142857149 : f32
    %add3A_26 = vector.broadcast %add3A_25 : f32 to vector<80x2048xf32>
    %add3A_27 = arith.addf %add3A_26, %mul3A_24 : vector<80x2048xf32>
    %mul3A_28 = arith.mulf %mul3A, %add3A_27 : vector<80x2048xf32>
    %add3A_29 = arith.constant 2.000000e-01 : f32
    %add3A_30 = vector.broadcast %add3A_29 : f32 to vector<80x2048xf32>
    %add3A_31 = arith.addf %add3A_30, %mul3A_28 : vector<80x2048xf32>
    %mul3A_32 = arith.mulf %mul3A, %add3A_31 : vector<80x2048xf32>
    %add3A_33 = arith.constant 0.333333343 : f32
    %add3A_34 = vector.broadcast %add3A_33 : f32 to vector<80x2048xf32>
    %add3A_35 = arith.addf %add3A_34, %mul3A_32 : vector<80x2048xf32>
    %mul3A_36 = arith.mulf %mul3A, %add3A_35 : vector<80x2048xf32>
    %add3A_37 = arith.constant 1.000000e+00 : f32
    %add3A_38 = vector.broadcast %add3A_37 : f32 to vector<80x2048xf32>
    %add3A_39 = arith.addf %add3A_38, %mul3A_36 : vector<80x2048xf32>
    %mul3A_40 = arith.mulf %mul3A_21, %add3A_39 : vector<80x2048xf32>
    %max3A = arith.constant 0.000000e+00 : f32
    %max3A_41 = vector.broadcast %max3A : f32 to vector<80x2048xf32>
    %max3A_42 = arith.maximumf %get3A_1, %max3A_41 : vector<80x2048xf32>
    %mul3A_43 = arith.mulf %get3A_1, %convert_element_type3A : vector<80x2048xf32>
    %sub3A_44 = arith.subf %max3A_42, %mul3A_43 : vector<80x2048xf32>
    %add3A_45 = arith.addf %sub3A_44, %mul3A_40 : vector<80x2048xf32>
    %gt3A = arith.constant 0.000000e+00 : f32
    %gt3A_46 = vector.broadcast %gt3A : f32 to vector<80x2048xf32>
    %gt3A_47 = arith.cmpf ogt, %get3A_7, %gt3A_46 : vector<80x2048xf32>
    %mul3A_48 = arith.constant 1.000000e+01 : f32
    %mul3A_49 = vector.broadcast %mul3A_48 : f32 to vector<80x2048xf32>
    %mul3A_50 = arith.mulf %abs3A_14, %mul3A_49 : vector<80x2048xf32>
    %convert_element_type3A_51 = arith.fptosi %mul3A_50 : vector<80x2048xf32> to vector<80x2048xi32>
    %min3A = arith.constant 9 : i32
    %min3A_52 = vector.broadcast %min3A : i32 to vector<80x2048xi32>
    %min3A_53 = arith.minsi %convert_element_type3A_51, %min3A_52 : vector<80x2048xi32>
    %convert_element_type3A_54 = arith.sitofp %min3A_53 : vector<80x2048xi32> to vector<80x2048xf32>
    %div3A_55 = arith.constant 1.000000e+01 : f32
    %div3A_56 = vector.broadcast %div3A_55 : f32 to vector<80x2048xf32>
    %div3A_57 = arith.divf %convert_element_type3A_54, %div3A_56 : vector<80x2048xf32>
    %eq3A = arith.constant 9 : i32
    %eq3A_58 = vector.broadcast %eq3A : i32 to vector<80x2048xi32>
    %eq3A_59 = arith.cmpi eq, %min3A_53, %eq3A_58 : vector<80x2048xi32>
    %add3A_60 = arith.constant 1 : i32
    %add3A_61 = vector.broadcast %add3A_60 : i32 to vector<80x2048xi32>
    %add3A_62 = arith.addi %min3A_53, %add3A_61 : vector<80x2048xi32>
    %convert_element_type3A_63 = arith.sitofp %add3A_62 : vector<80x2048xi32> to vector<80x2048xf32>
    %div3A_64 = arith.constant 1.000000e+01 : f32
    %div3A_65 = vector.broadcast %div3A_64 : f32 to vector<80x2048xf32>
    %div3A_66 = arith.divf %convert_element_type3A_63, %div3A_65 : vector<80x2048xf32>
    %jit3A_67 = arith.constant 1.00000095 : f32
    %broadcast_in_dim3A_68 = vector.broadcast %jit3A_67 : f32 to vector<80x2048xf32>
    %select_n3A_69 = arith.select %eq3A_59, %broadcast_in_dim3A_68, %div3A_66 : vector<80x2048xi1>, vector<80x2048xf32>
    %ge3A_70 = arith.cmpf oge, %abs3A_14, %select_n3A_69 : vector<80x2048xf32>
    %jit3A_71 = arith.constant 1 : i32
    %jit3A_72 = arith.constant 0 : i32
    %broadcast_in_dim3A_73 = vector.broadcast %jit3A_71 : i32 to vector<80x2048xi32>
    %broadcast_in_dim3A_74 = vector.broadcast %jit3A_72 : i32 to vector<80x2048xi32>
    %select_n3A_75 = arith.select %ge3A_70, %broadcast_in_dim3A_73, %broadcast_in_dim3A_74 : vector<80x2048xi1>, vector<80x2048xi32>
    %add3A_76 = arith.addi %min3A_53, %select_n3A_75 : vector<80x2048xi32>
    %lt3A = arith.cmpf olt, %abs3A_14, %div3A_57 : vector<80x2048xf32>
    %jit3A_77 = arith.constant 1 : i32
    %jit3A_78 = arith.constant 0 : i32
    %broadcast_in_dim3A_79 = vector.broadcast %jit3A_77 : i32 to vector<80x2048xi32>
    %broadcast_in_dim3A_80 = vector.broadcast %jit3A_78 : i32 to vector<80x2048xi32>
    %select_n3A_81 = arith.select %lt3A, %broadcast_in_dim3A_79, %broadcast_in_dim3A_80 : vector<80x2048xi1>, vector<80x2048xi32>
    %sub3A_82 = arith.subi %add3A_76, %select_n3A_81 : vector<80x2048xi32>
    %jit3A_83 = arith.constant 10 : i32
    %broadcast_in_dim3A_84 = vector.broadcast %jit3A_83 : i32 to vector<80x2048xi32>
    %select_n3A_85 = arith.select %gt3A_47, %sub3A_82, %broadcast_in_dim3A_84 : vector<80x2048xi1>, vector<80x2048xi32>
    %jit3A_86 = arith.constant 0.000000e+00 : f32
    %broadcast_in_dim3A_87 = vector.broadcast %jit3A_86 : f32 to vector<80x2048xf32>
    %select_n3A_88 = arith.select %gt3A_47, %add3A_45, %broadcast_in_dim3A_87 : vector<80x2048xi1>, vector<80x2048xf32>
    %bitcast_convert_type3A = tpu.bitcast %select_n3A_88 : vector<80x2048xf32> -> vector<80x2048xi32>
    %and3A = arith.constant -16 : i32
    %and3A_89 = vector.broadcast %and3A : i32 to vector<80x2048xi32>
    %and3A_90 = arith.andi %bitcast_convert_type3A, %and3A_89 : vector<80x2048xi32>
    %or3A = arith.ori %and3A_90, %select_n3A_85 : vector<80x2048xi32>
    %transpose3A = tpu.transpose %or3A, [1, 0] : vector<80x2048xi32> -> vector<2048x80xi32>
    %reshape3A = vector.shape_cast %transpose3A : vector<2048x80xi32> to vector<256x8x80xi32>
    %swap3A = arith.constant 0 : index
    %swap3A_91 = arith.constant 0 : index
    %swap3A_92 = arith.constant 0 : index
    %swap3A_93 = vector.load %arg4[%swap3A, %swap3A_91, %swap3A_92] : memref<256x8x128xi32, #tpu.memory_space<vmem>>, vector<256x8x80xi32>
    tpu.vector_store %arg4[%swap3A, %swap3A_91, %swap3A_92], %reshape3A {strides = array<i32>} : memref<256x8x128xi32, #tpu.memory_space<vmem>>, vector<256x8x80xi32>,
    return
  }
  func.func @transform_0(%arg0: i32) -> (i32, i32) {
    %add3A = arith.constant 0 : i32
    %add3A_0 = arith.addi %arg0, %add3A : i32
    %c0_i32 = arith.constant 0 : i32
    %c0_i32_1 = arith.constant 0 : i32
    return %c0_i32, %add3A_0 : i32, i32
  }
  func.func @transform_1(%arg0: i32) -> (i32, i32) {
    %add3A = arith.constant 0 : i32
    %add3A_0 = arith.addi %arg0, %add3A : i32
    %c0_i32 = arith.constant 0 : i32
    %c0_i32_1 = arith.constant 0 : i32
    return %c0_i32, %add3A_0 : i32, i32
  }
  func.func @transform_2(%arg0: i32) -> (i32, i32) {
    %add3A = arith.constant 0 : i32
    %add3A_0 = arith.addi %arg0, %add3A : i32
    %c0_i32 = arith.constant 0 : i32
    %c0_i32_1 = arith.constant 0 : i32
    return %c0_i32, %add3A_0 : i32, i32
  }
  func.func @transform_3(%arg0: i32) -> (i32, i32, i32) {
    %c0_i32 = arith.constant 0 : i32
    %c0_i32_0 = arith.constant 0 : i32
    %c0_i32_1 = arith.constant 0 : i32
    return %arg0, %c0_i32, %c0_i32_0 : i32, i32, i32
  }
}

module attributes {stable_mosaic.version = 14 : i64} {
  func.func @_dense_body(%arg0: i32, %arg1: memref<80x2048xf32, #tpu.memory_space<vmem>>, %arg2: memref<80x2048xi32, #tpu.memory_space<vmem>>, %arg3: memref<80x2048xf32, #tpu.memory_space<vmem>>, %arg4: memref<256x8x128xi32, #tpu.memory_space<vmem>>) attributes {dimension_semantics = [#tpu.dimension_semantics<arbitrary>], iteration_bounds = array<i64: 24>, scalar_prefetch = 0 : i64, scratch_operands = 0 : i64, tpu.core_type = #tpu.core_type<tc>, window_params = [{transform_indices = @transform_0, window_bounds = array<i64: 80, 2048>}, {transform_indices = @transform_1, window_bounds = array<i64: 80, 2048>}, {transform_indices = @transform_2, window_bounds = array<i64: 80, 2048>}, {transform_indices = @transform_3, window_bounds = array<i64: 256, 8, 128>}]} {
    %add3A = arith.constant 25 : i32
    %add3A_0 = arith.addi %arg0, %add3A : i32
    %get3A = arith.constant 0 : index
    %get3A_1 = arith.constant 0 : index
    %get3A_2 = vector.load %arg1[%get3A, %get3A_1] : memref<80x2048xf32, #tpu.memory_space<vmem>>, vector<80x2048xf32>
    %get3A_3 = arith.constant 0 : index
    %get3A_4 = arith.constant 0 : index
    %get3A_5 = vector.load %arg2[%get3A_3, %get3A_4] : memref<80x2048xi32, #tpu.memory_space<vmem>>, vector<80x2048xi32>
    %convert_element_type3A = arith.sitofp %get3A_5 : vector<80x2048xi32> to vector<80x2048xf32>
    %get3A_6 = arith.constant 0 : index
    %get3A_7 = arith.constant 0 : index
    %get3A_8 = vector.load %arg3[%get3A_6, %get3A_7] : memref<80x2048xf32, #tpu.memory_space<vmem>>, vector<80x2048xf32>
    %abs3A = math.absf %get3A_2 : vector<80x2048xf32>
    %neg3A = arith.constant 0.000000e+00 : f32
    %neg3A_9 = vector.broadcast %neg3A : f32 to vector<80x2048xf32>
    %neg3A_10 = arith.subf %neg3A_9, %abs3A : vector<80x2048xf32>
    %exp3A = math.exp %neg3A_10 : vector<80x2048xf32>
    %ge3A = arith.constant 0.000000e+00 : f32
    %ge3A_11 = vector.broadcast %ge3A : f32 to vector<80x2048xf32>
    %ge3A_12 = arith.cmpf oge, %get3A_2, %ge3A_11 : vector<80x2048xf32>
    %jit3A = arith.constant 1.000000e+00 : f32
    %broadcast_in_dim3A = vector.broadcast %jit3A : f32 to vector<80x2048xf32>
    %select_n3A = arith.select %ge3A_12, %broadcast_in_dim3A, %exp3A : vector<80x2048xi1>, vector<80x2048xf32>
    %add3A_13 = arith.constant 1.000000e+00 : f32
    %add3A_14 = vector.broadcast %add3A_13 : f32 to vector<80x2048xf32>
    %add3A_15 = arith.addf %add3A_14, %exp3A : vector<80x2048xf32>
    %div3A = arith.divf %select_n3A, %add3A_15 : vector<80x2048xf32>
    %sub3A = arith.subf %div3A, %convert_element_type3A : vector<80x2048xf32>
    %abs3A_16 = math.absf %sub3A : vector<80x2048xf32>
    %add3A_17 = arith.constant 2.000000e+00 : f32
    %add3A_18 = vector.broadcast %add3A_17 : f32 to vector<80x2048xf32>
    %add3A_19 = arith.addf %exp3A, %add3A_18 : vector<80x2048xf32>
    %div3A_20 = arith.divf %exp3A, %add3A_19 : vector<80x2048xf32>
    %mul3A = arith.mulf %div3A_20, %div3A_20 : vector<80x2048xf32>
    %mul3A_21 = arith.constant 2.000000e+00 : f32
    %mul3A_22 = vector.broadcast %mul3A_21 : f32 to vector<80x2048xf32>
    %mul3A_23 = arith.mulf %mul3A_22, %div3A_20 : vector<80x2048xf32>
    %mul3A_24 = arith.constant 0.111111112 : f32
    %mul3A_25 = vector.broadcast %mul3A_24 : f32 to vector<80x2048xf32>
    %mul3A_26 = arith.mulf %mul3A, %mul3A_25 : vector<80x2048xf32>
    %add3A_27 = arith.constant 0.142857149 : f32
    %add3A_28 = vector.broadcast %add3A_27 : f32 to vector<80x2048xf32>
    %add3A_29 = arith.addf %add3A_28, %mul3A_26 : vector<80x2048xf32>
    %mul3A_30 = arith.mulf %mul3A, %add3A_29 : vector<80x2048xf32>
    %add3A_31 = arith.constant 2.000000e-01 : f32
    %add3A_32 = vector.broadcast %add3A_31 : f32 to vector<80x2048xf32>
    %add3A_33 = arith.addf %add3A_32, %mul3A_30 : vector<80x2048xf32>
    %mul3A_34 = arith.mulf %mul3A, %add3A_33 : vector<80x2048xf32>
    %add3A_35 = arith.constant 0.333333343 : f32
    %add3A_36 = vector.broadcast %add3A_35 : f32 to vector<80x2048xf32>
    %add3A_37 = arith.addf %add3A_36, %mul3A_34 : vector<80x2048xf32>
    %mul3A_38 = arith.mulf %mul3A, %add3A_37 : vector<80x2048xf32>
    %add3A_39 = arith.constant 1.000000e+00 : f32
    %add3A_40 = vector.broadcast %add3A_39 : f32 to vector<80x2048xf32>
    %add3A_41 = arith.addf %add3A_40, %mul3A_38 : vector<80x2048xf32>
    %mul3A_42 = arith.mulf %mul3A_23, %add3A_41 : vector<80x2048xf32>
    %max3A = arith.constant 0.000000e+00 : f32
    %max3A_43 = vector.broadcast %max3A : f32 to vector<80x2048xf32>
    %max3A_44 = arith.maximumf %get3A_2, %max3A_43 : vector<80x2048xf32>
    %mul3A_45 = arith.mulf %get3A_2, %convert_element_type3A : vector<80x2048xf32>
    %sub3A_46 = arith.subf %max3A_44, %mul3A_45 : vector<80x2048xf32>
    %add3A_47 = arith.addf %sub3A_46, %mul3A_42 : vector<80x2048xf32>
    %iota3A = tpu.iota {dimensions = array<i32: 1>} : vector<80x2048xi32>
    %mul3A_48 = arith.constant 2048 : i32
    %mul3A_49 = arith.muli %add3A_0, %mul3A_48 : i32
    %add3A_50 = vector.broadcast %mul3A_49 : i32 to vector<80x2048xi32>
    %add3A_51 = arith.addi %iota3A, %add3A_50 : vector<80x2048xi32>
    %gt3A = arith.constant 0.000000e+00 : f32
    %gt3A_52 = vector.broadcast %gt3A : f32 to vector<80x2048xf32>
    %gt3A_53 = arith.cmpf ogt, %get3A_8, %gt3A_52 : vector<80x2048xf32>
    %lt3A = arith.constant 100000 : i32
    %lt3A_54 = vector.broadcast %lt3A : i32 to vector<80x2048xi32>
    %lt3A_55 = arith.cmpi slt, %add3A_51, %lt3A_54 : vector<80x2048xi32>
    %and3A = arith.andi %gt3A_53, %lt3A_55 : vector<80x2048xi1>
    %mul3A_56 = arith.constant 1.000000e+01 : f32
    %mul3A_57 = vector.broadcast %mul3A_56 : f32 to vector<80x2048xf32>
    %mul3A_58 = arith.mulf %abs3A_16, %mul3A_57 : vector<80x2048xf32>
    %convert_element_type3A_59 = arith.fptosi %mul3A_58 : vector<80x2048xf32> to vector<80x2048xi32>
    %min3A = arith.constant 9 : i32
    %min3A_60 = vector.broadcast %min3A : i32 to vector<80x2048xi32>
    %min3A_61 = arith.minsi %convert_element_type3A_59, %min3A_60 : vector<80x2048xi32>
    %convert_element_type3A_62 = arith.sitofp %min3A_61 : vector<80x2048xi32> to vector<80x2048xf32>
    %div3A_63 = arith.constant 1.000000e+01 : f32
    %div3A_64 = vector.broadcast %div3A_63 : f32 to vector<80x2048xf32>
    %div3A_65 = arith.divf %convert_element_type3A_62, %div3A_64 : vector<80x2048xf32>
    %eq3A = arith.constant 9 : i32
    %eq3A_66 = vector.broadcast %eq3A : i32 to vector<80x2048xi32>
    %eq3A_67 = arith.cmpi eq, %min3A_61, %eq3A_66 : vector<80x2048xi32>
    %add3A_68 = arith.constant 1 : i32
    %add3A_69 = vector.broadcast %add3A_68 : i32 to vector<80x2048xi32>
    %add3A_70 = arith.addi %min3A_61, %add3A_69 : vector<80x2048xi32>
    %convert_element_type3A_71 = arith.sitofp %add3A_70 : vector<80x2048xi32> to vector<80x2048xf32>
    %div3A_72 = arith.constant 1.000000e+01 : f32
    %div3A_73 = vector.broadcast %div3A_72 : f32 to vector<80x2048xf32>
    %div3A_74 = arith.divf %convert_element_type3A_71, %div3A_73 : vector<80x2048xf32>
    %jit3A_75 = arith.constant 1.00000095 : f32
    %broadcast_in_dim3A_76 = vector.broadcast %jit3A_75 : f32 to vector<80x2048xf32>
    %select_n3A_77 = arith.select %eq3A_67, %broadcast_in_dim3A_76, %div3A_74 : vector<80x2048xi1>, vector<80x2048xf32>
    %ge3A_78 = arith.cmpf oge, %abs3A_16, %select_n3A_77 : vector<80x2048xf32>
    %jit3A_79 = arith.constant 1 : i32
    %jit3A_80 = arith.constant 0 : i32
    %broadcast_in_dim3A_81 = vector.broadcast %jit3A_79 : i32 to vector<80x2048xi32>
    %broadcast_in_dim3A_82 = vector.broadcast %jit3A_80 : i32 to vector<80x2048xi32>
    %select_n3A_83 = arith.select %ge3A_78, %broadcast_in_dim3A_81, %broadcast_in_dim3A_82 : vector<80x2048xi1>, vector<80x2048xi32>
    %add3A_84 = arith.addi %min3A_61, %select_n3A_83 : vector<80x2048xi32>
    %lt3A_85 = arith.cmpf olt, %abs3A_16, %div3A_65 : vector<80x2048xf32>
    %jit3A_86 = arith.constant 1 : i32
    %jit3A_87 = arith.constant 0 : i32
    %broadcast_in_dim3A_88 = vector.broadcast %jit3A_86 : i32 to vector<80x2048xi32>
    %broadcast_in_dim3A_89 = vector.broadcast %jit3A_87 : i32 to vector<80x2048xi32>
    %select_n3A_90 = arith.select %lt3A_85, %broadcast_in_dim3A_88, %broadcast_in_dim3A_89 : vector<80x2048xi1>, vector<80x2048xi32>
    %sub3A_91 = arith.subi %add3A_84, %select_n3A_90 : vector<80x2048xi32>
    %jit3A_92 = arith.constant 10 : i32
    %broadcast_in_dim3A_93 = vector.broadcast %jit3A_92 : i32 to vector<80x2048xi32>
    %select_n3A_94 = arith.select %and3A, %sub3A_91, %broadcast_in_dim3A_93 : vector<80x2048xi1>, vector<80x2048xi32>
    %jit3A_95 = arith.constant 0.000000e+00 : f32
    %broadcast_in_dim3A_96 = vector.broadcast %jit3A_95 : f32 to vector<80x2048xf32>
    %select_n3A_97 = arith.select %and3A, %add3A_47, %broadcast_in_dim3A_96 : vector<80x2048xi1>, vector<80x2048xf32>
    %bitcast_convert_type3A = tpu.bitcast %select_n3A_97 : vector<80x2048xf32> -> vector<80x2048xi32>
    %and3A_98 = arith.constant -16 : i32
    %and3A_99 = vector.broadcast %and3A_98 : i32 to vector<80x2048xi32>
    %and3A_100 = arith.andi %bitcast_convert_type3A, %and3A_99 : vector<80x2048xi32>
    %or3A = arith.ori %and3A_100, %select_n3A_94 : vector<80x2048xi32>
    %transpose3A = tpu.transpose %or3A, [1, 0] : vector<80x2048xi32> -> vector<2048x80xi32>
    %reshape3A = vector.shape_cast %transpose3A : vector<2048x80xi32> to vector<256x8x80xi32>
    %swap3A = arith.constant 0 : index
    %swap3A_101 = arith.constant 0 : index
    %swap3A_102 = arith.constant 0 : index
    %swap3A_103 = vector.load %arg4[%swap3A, %swap3A_101, %swap3A_102] : memref<256x8x128xi32, #tpu.memory_space<vmem>>, vector<256x8x80xi32>
    tpu.vector_store %arg4[%swap3A, %swap3A_101, %swap3A_102], %reshape3A {strides = array<i32>} : memref<256x8x128xi32, #tpu.memory_space<vmem>>, vector<256x8x80xi32>,
    return
  }
  func.func @transform_0(%arg0: i32) -> (i32, i32) {
    %add3A = arith.constant 25 : i32
    %add3A_0 = arith.addi %arg0, %add3A : i32
    %c0_i32 = arith.constant 0 : i32
    %c0_i32_1 = arith.constant 0 : i32
    return %c0_i32, %add3A_0 : i32, i32
  }
  func.func @transform_1(%arg0: i32) -> (i32, i32) {
    %add3A = arith.constant 25 : i32
    %add3A_0 = arith.addi %arg0, %add3A : i32
    %c0_i32 = arith.constant 0 : i32
    %c0_i32_1 = arith.constant 0 : i32
    return %c0_i32, %add3A_0 : i32, i32
  }
  func.func @transform_2(%arg0: i32) -> (i32, i32) {
    %add3A = arith.constant 25 : i32
    %add3A_0 = arith.addi %arg0, %add3A : i32
    %c0_i32 = arith.constant 0 : i32
    %c0_i32_1 = arith.constant 0 : i32
    return %c0_i32, %add3A_0 : i32, i32
  }
  func.func @transform_3(%arg0: i32) -> (i32, i32, i32) {
    %c0_i32 = arith.constant 0 : i32
    %c0_i32_0 = arith.constant 0 : i32
    %c0_i32_1 = arith.constant 0 : i32
    return %arg0, %c0_i32, %c0_i32_0 : i32, i32, i32
  }
}

module attributes {stable_mosaic.version = 14 : i64} {
  func.func @_finish_body(%arg0: memref<32x8x128xf32, #tpu.memory_space<vmem>>, %arg1: memref<32x8x128xf32, #tpu.memory_space<vmem>>, %arg2: memref<1x1xf32, #tpu.memory_space<smem>>) attributes {dimension_semantics = [], scalar_prefetch = 0 : i64, scratch_operands = 0 : i64, tpu.core_type = #tpu.core_type<tc>} {
    %get3A = arith.constant 0 : index
    %get3A_0 = arith.constant 0 : index
    %get3A_1 = arith.constant 0 : index
    %get3A_2 = vector.load %arg0[%get3A, %get3A_0, %get3A_1] : memref<32x8x128xf32, #tpu.memory_space<vmem>>, vector<32x8x128xf32>
    %reduce_sum3A = arith.constant dense<0.000000e+00> : vector<8x128xf32>
    %reduce_sum3A_3 = vector.multi_reduction <add>, %get3A_2, %reduce_sum3A [0] : vector<32x8x128xf32> to vector<8x128xf32>
    %get3A_4 = arith.constant 0 : index
    %get3A_5 = arith.constant 0 : index
    %get3A_6 = arith.constant 0 : index
    %get3A_7 = vector.load %arg1[%get3A_4, %get3A_5, %get3A_6] : memref<32x8x128xf32, #tpu.memory_space<vmem>>, vector<32x8x128xf32>
    %reduce_sum3A_8 = arith.constant dense<0.000000e+00> : vector<8x128xf32>
    %reduce_sum3A_9 = vector.multi_reduction <add>, %get3A_7, %reduce_sum3A_8 [0] : vector<32x8x128xf32> to vector<8x128xf32>
    %add3A = arith.addf %reduce_sum3A_3, %reduce_sum3A_9 : vector<8x128xf32>
    %slice3A = vector.extract_strided_slice %add3A {offsets = [0, 0], sizes = [1, 16], strides = [1, 1]} : vector<8x128xf32> to vector<1x16xf32>
    %squeeze3A = vector.shape_cast %slice3A : vector<1x16xf32> to vector<16xf32>
    %reduce_sum3A_10 = vector.shape_cast %squeeze3A : vector<16xf32> to vector<1x16xf32>
    %reduce_sum3A_11 = arith.constant dense<0.000000e+00> : vector<1xf32>
    %reduce_sum3A_12 = vector.multi_reduction <add>, %reduce_sum3A_10, %reduce_sum3A_11 [1] : vector<1x16xf32> to vector<1xf32>
    %reduce_sum3A_13 = vector.shape_cast %reduce_sum3A_12 : vector<1xf32> to vector<1x1xf32>
    %reduce_sum3A_14 = vector.extract %reduce_sum3A_13[0, 0] : f32 from vector<1x1xf32>
    %slice3A_15 = vector.extract_strided_slice %add3A {offsets = [1, 48], sizes = [1, 16], strides = [1, 1]} : vector<8x128xf32> to vector<1x16xf32>
    %squeeze3A_16 = vector.shape_cast %slice3A_15 : vector<1x16xf32> to vector<16xf32>
    %reduce_sum3A_17 = vector.shape_cast %squeeze3A_16 : vector<16xf32> to vector<1x16xf32>
    %reduce_sum3A_18 = arith.constant dense<0.000000e+00> : vector<1xf32>
    %reduce_sum3A_19 = vector.multi_reduction <add>, %reduce_sum3A_17, %reduce_sum3A_18 [1] : vector<1x16xf32> to vector<1xf32>
    %reduce_sum3A_20 = vector.shape_cast %reduce_sum3A_19 : vector<1xf32> to vector<1x1xf32>
    %reduce_sum3A_21 = vector.extract %reduce_sum3A_20[0, 0] : f32 from vector<1x1xf32>
    %gt3A = arith.constant 0.000000e+00 : f32
    %gt3A_22 = arith.cmpf ogt, %reduce_sum3A_21, %gt3A : f32
    %max3A = arith.constant 1.000000e+00 : f32
    %max3A_23 = arith.maximumf %reduce_sum3A_21, %max3A : f32
    %div3A = arith.divf %reduce_sum3A_14, %max3A_23 : f32
    %jit3A = arith.constant 0.000000e+00 : f32
    %select_n3A = arith.select %gt3A_22, %div3A, %jit3A : f32
    %add3A_24 = arith.constant 0.000000e+00 : f32
    %add3A_25 = arith.addf %add3A_24, %select_n3A : f32
    %jit3A_26 = arith.constant 1.000000e+00 : f32
    %jit3A_27 = arith.constant 0.000000e+00 : f32
    %select_n3A_28 = arith.select %gt3A_22, %jit3A_26, %jit3A_27 : f32
    %add3A_29 = arith.constant 0.000000e+00 : f32
    %add3A_30 = arith.addf %add3A_29, %select_n3A_28 : f32
    %slice3A_31 = vector.extract_strided_slice %add3A {offsets = [0, 16], sizes = [1, 16], strides = [1, 1]} : vector<8x128xf32> to vector<1x16xf32>
    %squeeze3A_32 = vector.shape_cast %slice3A_31 : vector<1x16xf32> to vector<16xf32>
    %reduce_sum3A_33 = vector.shape_cast %squeeze3A_32 : vector<16xf32> to vector<1x16xf32>
    %reduce_sum3A_34 = arith.constant dense<0.000000e+00> : vector<1xf32>
    %reduce_sum3A_35 = vector.multi_reduction <add>, %reduce_sum3A_33, %reduce_sum3A_34 [1] : vector<1x16xf32> to vector<1xf32>
    %reduce_sum3A_36 = vector.shape_cast %reduce_sum3A_35 : vector<1xf32> to vector<1x1xf32>
    %reduce_sum3A_37 = vector.extract %reduce_sum3A_36[0, 0] : f32 from vector<1x1xf32>
    %slice3A_38 = vector.extract_strided_slice %add3A {offsets = [1, 64], sizes = [1, 16], strides = [1, 1]} : vector<8x128xf32> to vector<1x16xf32>
    %squeeze3A_39 = vector.shape_cast %slice3A_38 : vector<1x16xf32> to vector<16xf32>
    %reduce_sum3A_40 = vector.shape_cast %squeeze3A_39 : vector<16xf32> to vector<1x16xf32>
    %reduce_sum3A_41 = arith.constant dense<0.000000e+00> : vector<1xf32>
    %reduce_sum3A_42 = vector.multi_reduction <add>, %reduce_sum3A_40, %reduce_sum3A_41 [1] : vector<1x16xf32> to vector<1xf32>
    %reduce_sum3A_43 = vector.shape_cast %reduce_sum3A_42 : vector<1xf32> to vector<1x1xf32>
    %reduce_sum3A_44 = vector.extract %reduce_sum3A_43[0, 0] : f32 from vector<1x1xf32>
    %gt3A_45 = arith.constant 0.000000e+00 : f32
    %gt3A_46 = arith.cmpf ogt, %reduce_sum3A_44, %gt3A_45 : f32
    %max3A_47 = arith.constant 1.000000e+00 : f32
    %max3A_48 = arith.maximumf %reduce_sum3A_44, %max3A_47 : f32
    %div3A_49 = arith.divf %reduce_sum3A_37, %max3A_48 : f32
    %jit3A_50 = arith.constant 0.000000e+00 : f32
    %select_n3A_51 = arith.select %gt3A_46, %div3A_49, %jit3A_50 : f32
    %add3A_52 = arith.addf %add3A_25, %select_n3A_51 : f32
    %jit3A_53 = arith.constant 1.000000e+00 : f32
    %jit3A_54 = arith.constant 0.000000e+00 : f32
    %select_n3A_55 = arith.select %gt3A_46, %jit3A_53, %jit3A_54 : f32
    %add3A_56 = arith.addf %add3A_30, %select_n3A_55 : f32
    %slice3A_57 = vector.extract_strided_slice %add3A {offsets = [0, 32], sizes = [1, 16], strides = [1, 1]} : vector<8x128xf32> to vector<1x16xf32>
    %squeeze3A_58 = vector.shape_cast %slice3A_57 : vector<1x16xf32> to vector<16xf32>
    %reduce_sum3A_59 = vector.shape_cast %squeeze3A_58 : vector<16xf32> to vector<1x16xf32>
    %reduce_sum3A_60 = arith.constant dense<0.000000e+00> : vector<1xf32>
    %reduce_sum3A_61 = vector.multi_reduction <add>, %reduce_sum3A_59, %reduce_sum3A_60 [1] : vector<1x16xf32> to vector<1xf32>
    %reduce_sum3A_62 = vector.shape_cast %reduce_sum3A_61 : vector<1xf32> to vector<1x1xf32>
    %reduce_sum3A_63 = vector.extract %reduce_sum3A_62[0, 0] : f32 from vector<1x1xf32>
    %slice3A_64 = vector.extract_strided_slice %add3A {offsets = [1, 80], sizes = [1, 16], strides = [1, 1]} : vector<8x128xf32> to vector<1x16xf32>
    %squeeze3A_65 = vector.shape_cast %slice3A_64 : vector<1x16xf32> to vector<16xf32>
    %reduce_sum3A_66 = vector.shape_cast %squeeze3A_65 : vector<16xf32> to vector<1x16xf32>
    %reduce_sum3A_67 = arith.constant dense<0.000000e+00> : vector<1xf32>
    %reduce_sum3A_68 = vector.multi_reduction <add>, %reduce_sum3A_66, %reduce_sum3A_67 [1] : vector<1x16xf32> to vector<1xf32>
    %reduce_sum3A_69 = vector.shape_cast %reduce_sum3A_68 : vector<1xf32> to vector<1x1xf32>
    %reduce_sum3A_70 = vector.extract %reduce_sum3A_69[0, 0] : f32 from vector<1x1xf32>
    %gt3A_71 = arith.constant 0.000000e+00 : f32
    %gt3A_72 = arith.cmpf ogt, %reduce_sum3A_70, %gt3A_71 : f32
    %max3A_73 = arith.constant 1.000000e+00 : f32
    %max3A_74 = arith.maximumf %reduce_sum3A_70, %max3A_73 : f32
    %div3A_75 = arith.divf %reduce_sum3A_63, %max3A_74 : f32
    %jit3A_76 = arith.constant 0.000000e+00 : f32
    %select_n3A_77 = arith.select %gt3A_72, %div3A_75, %jit3A_76 : f32
    %add3A_78 = arith.addf %add3A_52, %select_n3A_77 : f32
    %jit3A_79 = arith.constant 1.000000e+00 : f32
    %jit3A_80 = arith.constant 0.000000e+00 : f32
    %select_n3A_81 = arith.select %gt3A_72, %jit3A_79, %jit3A_80 : f32
    %add3A_82 = arith.addf %add3A_56, %select_n3A_81 : f32
    %slice3A_83 = vector.extract_strided_slice %add3A {offsets = [0, 48], sizes = [1, 16], strides = [1, 1]} : vector<8x128xf32> to vector<1x16xf32>
    %squeeze3A_84 = vector.shape_cast %slice3A_83 : vector<1x16xf32> to vector<16xf32>
    %reduce_sum3A_85 = vector.shape_cast %squeeze3A_84 : vector<16xf32> to vector<1x16xf32>
    %reduce_sum3A_86 = arith.constant dense<0.000000e+00> : vector<1xf32>
    %reduce_sum3A_87 = vector.multi_reduction <add>, %reduce_sum3A_85, %reduce_sum3A_86 [1] : vector<1x16xf32> to vector<1xf32>
    %reduce_sum3A_88 = vector.shape_cast %reduce_sum3A_87 : vector<1xf32> to vector<1x1xf32>
    %reduce_sum3A_89 = vector.extract %reduce_sum3A_88[0, 0] : f32 from vector<1x1xf32>
    %slice3A_90 = vector.extract_strided_slice %add3A {offsets = [1, 96], sizes = [1, 16], strides = [1, 1]} : vector<8x128xf32> to vector<1x16xf32>
    %squeeze3A_91 = vector.shape_cast %slice3A_90 : vector<1x16xf32> to vector<16xf32>
    %reduce_sum3A_92 = vector.shape_cast %squeeze3A_91 : vector<16xf32> to vector<1x16xf32>
    %reduce_sum3A_93 = arith.constant dense<0.000000e+00> : vector<1xf32>
    %reduce_sum3A_94 = vector.multi_reduction <add>, %reduce_sum3A_92, %reduce_sum3A_93 [1] : vector<1x16xf32> to vector<1xf32>
    %reduce_sum3A_95 = vector.shape_cast %reduce_sum3A_94 : vector<1xf32> to vector<1x1xf32>
    %reduce_sum3A_96 = vector.extract %reduce_sum3A_95[0, 0] : f32 from vector<1x1xf32>
    %gt3A_97 = arith.constant 0.000000e+00 : f32
    %gt3A_98 = arith.cmpf ogt, %reduce_sum3A_96, %gt3A_97 : f32
    %max3A_99 = arith.constant 1.000000e+00 : f32
    %max3A_100 = arith.maximumf %reduce_sum3A_96, %max3A_99 : f32
    %div3A_101 = arith.divf %reduce_sum3A_89, %max3A_100 : f32
    %jit3A_102 = arith.constant 0.000000e+00 : f32
    %select_n3A_103 = arith.select %gt3A_98, %div3A_101, %jit3A_102 : f32
    %add3A_104 = arith.addf %add3A_78, %select_n3A_103 : f32
    %jit3A_105 = arith.constant 1.000000e+00 : f32
    %jit3A_106 = arith.constant 0.000000e+00 : f32
    %select_n3A_107 = arith.select %gt3A_98, %jit3A_105, %jit3A_106 : f32
    %add3A_108 = arith.addf %add3A_82, %select_n3A_107 : f32
    %slice3A_109 = vector.extract_strided_slice %add3A {offsets = [0, 64], sizes = [1, 16], strides = [1, 1]} : vector<8x128xf32> to vector<1x16xf32>
    %squeeze3A_110 = vector.shape_cast %slice3A_109 : vector<1x16xf32> to vector<16xf32>
    %reduce_sum3A_111 = vector.shape_cast %squeeze3A_110 : vector<16xf32> to vector<1x16xf32>
    %reduce_sum3A_112 = arith.constant dense<0.000000e+00> : vector<1xf32>
    %reduce_sum3A_113 = vector.multi_reduction <add>, %reduce_sum3A_111, %reduce_sum3A_112 [1] : vector<1x16xf32> to vector<1xf32>
    %reduce_sum3A_114 = vector.shape_cast %reduce_sum3A_113 : vector<1xf32> to vector<1x1xf32>
    %reduce_sum3A_115 = vector.extract %reduce_sum3A_114[0, 0] : f32 from vector<1x1xf32>
    %slice3A_116 = vector.extract_strided_slice %add3A {offsets = [1, 112], sizes = [1, 16], strides = [1, 1]} : vector<8x128xf32> to vector<1x16xf32>
    %squeeze3A_117 = vector.shape_cast %slice3A_116 : vector<1x16xf32> to vector<16xf32>
    %reduce_sum3A_118 = vector.shape_cast %squeeze3A_117 : vector<16xf32> to vector<1x16xf32>
    %reduce_sum3A_119 = arith.constant dense<0.000000e+00> : vector<1xf32>
    %reduce_sum3A_120 = vector.multi_reduction <add>, %reduce_sum3A_118, %reduce_sum3A_119 [1] : vector<1x16xf32> to vector<1xf32>
    %reduce_sum3A_121 = vector.shape_cast %reduce_sum3A_120 : vector<1xf32> to vector<1x1xf32>
    %reduce_sum3A_122 = vector.extract %reduce_sum3A_121[0, 0] : f32 from vector<1x1xf32>
    %gt3A_123 = arith.constant 0.000000e+00 : f32
    %gt3A_124 = arith.cmpf ogt, %reduce_sum3A_122, %gt3A_123 : f32
    %max3A_125 = arith.constant 1.000000e+00 : f32
    %max3A_126 = arith.maximumf %reduce_sum3A_122, %max3A_125 : f32
    %div3A_127 = arith.divf %reduce_sum3A_115, %max3A_126 : f32
    %jit3A_128 = arith.constant 0.000000e+00 : f32
    %select_n3A_129 = arith.select %gt3A_124, %div3A_127, %jit3A_128 : f32
    %add3A_130 = arith.addf %add3A_104, %select_n3A_129 : f32
    %jit3A_131 = arith.constant 1.000000e+00 : f32
    %jit3A_132 = arith.constant 0.000000e+00 : f32
    %select_n3A_133 = arith.select %gt3A_124, %jit3A_131, %jit3A_132 : f32
    %add3A_134 = arith.addf %add3A_108, %select_n3A_133 : f32
    %slice3A_135 = vector.extract_strided_slice %add3A {offsets = [0, 80], sizes = [1, 16], strides = [1, 1]} : vector<8x128xf32> to vector<1x16xf32>
    %squeeze3A_136 = vector.shape_cast %slice3A_135 : vector<1x16xf32> to vector<16xf32>
    %reduce_sum3A_137 = vector.shape_cast %squeeze3A_136 : vector<16xf32> to vector<1x16xf32>
    %reduce_sum3A_138 = arith.constant dense<0.000000e+00> : vector<1xf32>
    %reduce_sum3A_139 = vector.multi_reduction <add>, %reduce_sum3A_137, %reduce_sum3A_138 [1] : vector<1x16xf32> to vector<1xf32>
    %reduce_sum3A_140 = vector.shape_cast %reduce_sum3A_139 : vector<1xf32> to vector<1x1xf32>
    %reduce_sum3A_141 = vector.extract %reduce_sum3A_140[0, 0] : f32 from vector<1x1xf32>
    %slice3A_142 = vector.extract_strided_slice %add3A {offsets = [2, 0], sizes = [1, 16], strides = [1, 1]} : vector<8x128xf32> to vector<1x16xf32>
    %squeeze3A_143 = vector.shape_cast %slice3A_142 : vector<1x16xf32> to vector<16xf32>
    %reduce_sum3A_144 = vector.shape_cast %squeeze3A_143 : vector<16xf32> to vector<1x16xf32>
    %reduce_sum3A_145 = arith.constant dense<0.000000e+00> : vector<1xf32>
    %reduce_sum3A_146 = vector.multi_reduction <add>, %reduce_sum3A_144, %reduce_sum3A_145 [1] : vector<1x16xf32> to vector<1xf32>
    %reduce_sum3A_147 = vector.shape_cast %reduce_sum3A_146 : vector<1xf32> to vector<1x1xf32>
    %reduce_sum3A_148 = vector.extract %reduce_sum3A_147[0, 0] : f32 from vector<1x1xf32>
    %gt3A_149 = arith.constant 0.000000e+00 : f32
    %gt3A_150 = arith.cmpf ogt, %reduce_sum3A_148, %gt3A_149 : f32
    %max3A_151 = arith.constant 1.000000e+00 : f32
    %max3A_152 = arith.maximumf %reduce_sum3A_148, %max3A_151 : f32
    %div3A_153 = arith.divf %reduce_sum3A_141, %max3A_152 : f32
    %jit3A_154 = arith.constant 0.000000e+00 : f32
    %select_n3A_155 = arith.select %gt3A_150, %div3A_153, %jit3A_154 : f32
    %add3A_156 = arith.addf %add3A_130, %select_n3A_155 : f32
    %jit3A_157 = arith.constant 1.000000e+00 : f32
    %jit3A_158 = arith.constant 0.000000e+00 : f32
    %select_n3A_159 = arith.select %gt3A_150, %jit3A_157, %jit3A_158 : f32
    %add3A_160 = arith.addf %add3A_134, %select_n3A_159 : f32
    %slice3A_161 = vector.extract_strided_slice %add3A {offsets = [0, 96], sizes = [1, 16], strides = [1, 1]} : vector<8x128xf32> to vector<1x16xf32>
    %squeeze3A_162 = vector.shape_cast %slice3A_161 : vector<1x16xf32> to vector<16xf32>
    %reduce_sum3A_163 = vector.shape_cast %squeeze3A_162 : vector<16xf32> to vector<1x16xf32>
    %reduce_sum3A_164 = arith.constant dense<0.000000e+00> : vector<1xf32>
    %reduce_sum3A_165 = vector.multi_reduction <add>, %reduce_sum3A_163, %reduce_sum3A_164 [1] : vector<1x16xf32> to vector<1xf32>
    %reduce_sum3A_166 = vector.shape_cast %reduce_sum3A_165 : vector<1xf32> to vector<1x1xf32>
    %reduce_sum3A_167 = vector.extract %reduce_sum3A_166[0, 0] : f32 from vector<1x1xf32>
    %slice3A_168 = vector.extract_strided_slice %add3A {offsets = [2, 16], sizes = [1, 16], strides = [1, 1]} : vector<8x128xf32> to vector<1x16xf32>
    %squeeze3A_169 = vector.shape_cast %slice3A_168 : vector<1x16xf32> to vector<16xf32>
    %reduce_sum3A_170 = vector.shape_cast %squeeze3A_169 : vector<16xf32> to vector<1x16xf32>
    %reduce_sum3A_171 = arith.constant dense<0.000000e+00> : vector<1xf32>
    %reduce_sum3A_172 = vector.multi_reduction <add>, %reduce_sum3A_170, %reduce_sum3A_171 [1] : vector<1x16xf32> to vector<1xf32>
    %reduce_sum3A_173 = vector.shape_cast %reduce_sum3A_172 : vector<1xf32> to vector<1x1xf32>
    %reduce_sum3A_174 = vector.extract %reduce_sum3A_173[0, 0] : f32 from vector<1x1xf32>
    %gt3A_175 = arith.constant 0.000000e+00 : f32
    %gt3A_176 = arith.cmpf ogt, %reduce_sum3A_174, %gt3A_175 : f32
    %max3A_177 = arith.constant 1.000000e+00 : f32
    %max3A_178 = arith.maximumf %reduce_sum3A_174, %max3A_177 : f32
    %div3A_179 = arith.divf %reduce_sum3A_167, %max3A_178 : f32
    %jit3A_180 = arith.constant 0.000000e+00 : f32
    %select_n3A_181 = arith.select %gt3A_176, %div3A_179, %jit3A_180 : f32
    %add3A_182 = arith.addf %add3A_156, %select_n3A_181 : f32
    %jit3A_183 = arith.constant 1.000000e+00 : f32
    %jit3A_184 = arith.constant 0.000000e+00 : f32
    %select_n3A_185 = arith.select %gt3A_176, %jit3A_183, %jit3A_184 : f32
    %add3A_186 = arith.addf %add3A_160, %select_n3A_185 : f32
    %slice3A_187 = vector.extract_strided_slice %add3A {offsets = [0, 112], sizes = [1, 16], strides = [1, 1]} : vector<8x128xf32> to vector<1x16xf32>
    %squeeze3A_188 = vector.shape_cast %slice3A_187 : vector<1x16xf32> to vector<16xf32>
    %reduce_sum3A_189 = vector.shape_cast %squeeze3A_188 : vector<16xf32> to vector<1x16xf32>
    %reduce_sum3A_190 = arith.constant dense<0.000000e+00> : vector<1xf32>
    %reduce_sum3A_191 = vector.multi_reduction <add>, %reduce_sum3A_189, %reduce_sum3A_190 [1] : vector<1x16xf32> to vector<1xf32>
    %reduce_sum3A_192 = vector.shape_cast %reduce_sum3A_191 : vector<1xf32> to vector<1x1xf32>
    %reduce_sum3A_193 = vector.extract %reduce_sum3A_192[0, 0] : f32 from vector<1x1xf32>
    %slice3A_194 = vector.extract_strided_slice %add3A {offsets = [2, 32], sizes = [1, 16], strides = [1, 1]} : vector<8x128xf32> to vector<1x16xf32>
    %squeeze3A_195 = vector.shape_cast %slice3A_194 : vector<1x16xf32> to vector<16xf32>
    %reduce_sum3A_196 = vector.shape_cast %squeeze3A_195 : vector<16xf32> to vector<1x16xf32>
    %reduce_sum3A_197 = arith.constant dense<0.000000e+00> : vector<1xf32>
    %reduce_sum3A_198 = vector.multi_reduction <add>, %reduce_sum3A_196, %reduce_sum3A_197 [1] : vector<1x16xf32> to vector<1xf32>
    %reduce_sum3A_199 = vector.shape_cast %reduce_sum3A_198 : vector<1xf32> to vector<1x1xf32>
    %reduce_sum3A_200 = vector.extract %reduce_sum3A_199[0, 0] : f32 from vector<1x1xf32>
    %gt3A_201 = arith.constant 0.000000e+00 : f32
    %gt3A_202 = arith.cmpf ogt, %reduce_sum3A_200, %gt3A_201 : f32
    %max3A_203 = arith.constant 1.000000e+00 : f32
    %max3A_204 = arith.maximumf %reduce_sum3A_200, %max3A_203 : f32
    %div3A_205 = arith.divf %reduce_sum3A_193, %max3A_204 : f32
    %jit3A_206 = arith.constant 0.000000e+00 : f32
    %select_n3A_207 = arith.select %gt3A_202, %div3A_205, %jit3A_206 : f32
    %add3A_208 = arith.addf %add3A_182, %select_n3A_207 : f32
    %jit3A_209 = arith.constant 1.000000e+00 : f32
    %jit3A_210 = arith.constant 0.000000e+00 : f32
    %select_n3A_211 = arith.select %gt3A_202, %jit3A_209, %jit3A_210 : f32
    %add3A_212 = arith.addf %add3A_186, %select_n3A_211 : f32
    %slice3A_213 = vector.extract_strided_slice %add3A {offsets = [1, 0], sizes = [1, 16], strides = [1, 1]} : vector<8x128xf32> to vector<1x16xf32>
    %squeeze3A_214 = vector.shape_cast %slice3A_213 : vector<1x16xf32> to vector<16xf32>
    %reduce_sum3A_215 = vector.shape_cast %squeeze3A_214 : vector<16xf32> to vector<1x16xf32>
    %reduce_sum3A_216 = arith.constant dense<0.000000e+00> : vector<1xf32>
    %reduce_sum3A_217 = vector.multi_reduction <add>, %reduce_sum3A_215, %reduce_sum3A_216 [1] : vector<1x16xf32> to vector<1xf32>
    %reduce_sum3A_218 = vector.shape_cast %reduce_sum3A_217 : vector<1xf32> to vector<1x1xf32>
    %reduce_sum3A_219 = vector.extract %reduce_sum3A_218[0, 0] : f32 from vector<1x1xf32>
    %slice3A_220 = vector.extract_strided_slice %add3A {offsets = [2, 48], sizes = [1, 16], strides = [1, 1]} : vector<8x128xf32> to vector<1x16xf32>
    %squeeze3A_221 = vector.shape_cast %slice3A_220 : vector<1x16xf32> to vector<16xf32>
    %reduce_sum3A_222 = vector.shape_cast %squeeze3A_221 : vector<16xf32> to vector<1x16xf32>
    %reduce_sum3A_223 = arith.constant dense<0.000000e+00> : vector<1xf32>
    %reduce_sum3A_224 = vector.multi_reduction <add>, %reduce_sum3A_222, %reduce_sum3A_223 [1] : vector<1x16xf32> to vector<1xf32>
    %reduce_sum3A_225 = vector.shape_cast %reduce_sum3A_224 : vector<1xf32> to vector<1x1xf32>
    %reduce_sum3A_226 = vector.extract %reduce_sum3A_225[0, 0] : f32 from vector<1x1xf32>
    %gt3A_227 = arith.constant 0.000000e+00 : f32
    %gt3A_228 = arith.cmpf ogt, %reduce_sum3A_226, %gt3A_227 : f32
    %max3A_229 = arith.constant 1.000000e+00 : f32
    %max3A_230 = arith.maximumf %reduce_sum3A_226, %max3A_229 : f32
    %div3A_231 = arith.divf %reduce_sum3A_219, %max3A_230 : f32
    %jit3A_232 = arith.constant 0.000000e+00 : f32
    %select_n3A_233 = arith.select %gt3A_228, %div3A_231, %jit3A_232 : f32
    %add3A_234 = arith.addf %add3A_208, %select_n3A_233 : f32
    %jit3A_235 = arith.constant 1.000000e+00 : f32
    %jit3A_236 = arith.constant 0.000000e+00 : f32
    %select_n3A_237 = arith.select %gt3A_228, %jit3A_235, %jit3A_236 : f32
    %add3A_238 = arith.addf %add3A_212, %select_n3A_237 : f32
    %slice3A_239 = vector.extract_strided_slice %add3A {offsets = [1, 16], sizes = [1, 16], strides = [1, 1]} : vector<8x128xf32> to vector<1x16xf32>
    %squeeze3A_240 = vector.shape_cast %slice3A_239 : vector<1x16xf32> to vector<16xf32>
    %reduce_sum3A_241 = vector.shape_cast %squeeze3A_240 : vector<16xf32> to vector<1x16xf32>
    %reduce_sum3A_242 = arith.constant dense<0.000000e+00> : vector<1xf32>
    %reduce_sum3A_243 = vector.multi_reduction <add>, %reduce_sum3A_241, %reduce_sum3A_242 [1] : vector<1x16xf32> to vector<1xf32>
    %reduce_sum3A_244 = vector.shape_cast %reduce_sum3A_243 : vector<1xf32> to vector<1x1xf32>
    %reduce_sum3A_245 = vector.extract %reduce_sum3A_244[0, 0] : f32 from vector<1x1xf32>
    %slice3A_246 = vector.extract_strided_slice %add3A {offsets = [2, 64], sizes = [1, 16], strides = [1, 1]} : vector<8x128xf32> to vector<1x16xf32>
    %squeeze3A_247 = vector.shape_cast %slice3A_246 : vector<1x16xf32> to vector<16xf32>
    %reduce_sum3A_248 = vector.shape_cast %squeeze3A_247 : vector<16xf32> to vector<1x16xf32>
    %reduce_sum3A_249 = arith.constant dense<0.000000e+00> : vector<1xf32>
    %reduce_sum3A_250 = vector.multi_reduction <add>, %reduce_sum3A_248, %reduce_sum3A_249 [1] : vector<1x16xf32> to vector<1xf32>
    %reduce_sum3A_251 = vector.shape_cast %reduce_sum3A_250 : vector<1xf32> to vector<1x1xf32>
    %reduce_sum3A_252 = vector.extract %reduce_sum3A_251[0, 0] : f32 from vector<1x1xf32>
    %gt3A_253 = arith.constant 0.000000e+00 : f32
    %gt3A_254 = arith.cmpf ogt, %reduce_sum3A_252, %gt3A_253 : f32
    %max3A_255 = arith.constant 1.000000e+00 : f32
    %max3A_256 = arith.maximumf %reduce_sum3A_252, %max3A_255 : f32
    %div3A_257 = arith.divf %reduce_sum3A_245, %max3A_256 : f32
    %jit3A_258 = arith.constant 0.000000e+00 : f32
    %select_n3A_259 = arith.select %gt3A_254, %div3A_257, %jit3A_258 : f32
    %add3A_260 = arith.addf %add3A_234, %select_n3A_259 : f32
    %jit3A_261 = arith.constant 1.000000e+00 : f32
    %jit3A_262 = arith.constant 0.000000e+00 : f32
    %select_n3A_263 = arith.select %gt3A_254, %jit3A_261, %jit3A_262 : f32
    %add3A_264 = arith.addf %add3A_238, %select_n3A_263 : f32
    %gt3A_265 = arith.constant 0.000000e+00 : f32
    %gt3A_266 = arith.cmpf ogt, %add3A_264, %gt3A_265 : f32
    %div3A_267 = arith.divf %add3A_260, %add3A_264 : f32
    %jit3A_268 = arith.constant 0.000000e+00 : f32
    %select_n3A_269 = arith.select %gt3A_266, %div3A_267, %jit3A_268 : f32
    %swap3A = arith.constant 0 : index
    %swap3A_270 = arith.constant 0 : index
    %swap3A_271 = memref.load %arg2[%swap3A, %swap3A_270] : memref<1x1xf32, #tpu.memory_space<smem>>
    memref.store %select_n3A_269, %arg2[%swap3A, %swap3A_270] : memref<1x1xf32, #tpu.memory_space<smem>>
    return
  }
}

</mosaic_0001>

<sc_bundles>
// kernel: kernel.10.cloned.1.call-start
scs
__scs_entry_jumppad:
0x0: {  	(pc) =	sbr.rel $0x88, $3  }
0x1: {  	(tag) =	ssettag $0x0;
	lr =	simm.s32 $0x1  }
0x2: {  	[smem:$0x3F9E] =	sst lr;
	_ =	strace $0xD0000000  }
0x3: {  	_ = 	snop  }
0x4: {  	_ = 	snop  }
0x5: {  	_ = 	snop  }
0x6: {  	_ = 	snop  }
0x7: {  	_ = 	snop  }
__scs_overlays_trampoline_lowered:
0x8: {  	[smem:$0x3FAD] =	sst s0  }
0x9: {  	[smem:$0x3FAE] =	sst s1  }
0xa: {  	[smem:$0x3FAF] =	sst s2  }
0xb: {  	[smem:$0x3FB0] =	sst s3  }
0xc: {  	[smem:$0x3FB1] =	sst s4  }
0xd: {  	[smem:$0x3FB2] =	sst s5  }
0xe: {  	[smem:$0x3FB3] =	sst s6  }
0xf: {  	[smem:$0x3FB4] =	sst s7  }
0x10: {  	[smem:$0x3FB5] =	sst s8  }
0x11: {  	[smem:$0x3FB6] =	sst s9;
	s0 =	simm.s32 @!p0 $0x0  }
0x12: {  	s1 =	sld [smem:$0x3F9C];
	s0 =	simm.s32 @p0 $0x1  }
0x13: {  	[smem:$0x3FB7] =	sst s0;
	s0 =	simm.s32 @!p1 $0x0  }
0x14: {  	s2 =	sld [smem:$0x3F9B];
	s0 =	simm.s32 @p1 $0x1  }
0x15: {  	[smem:$0x3FB8] =	sst s0;
	s0 =	simm.s32 @!p2 $0x0  }
0x16: {  	s3 =	sld [smem:$0x3FDB];
	s0 =	simm.s32 @p2 $0x1  }
0x17: {  	s4 =	simm.s32 $0x1BF5;
	[smem:$0x3FBA] =	sst s0  }
0x18: {  	s0 =	sld [smem:$0x3F9D];
	_ =	swait.ge [sflag:s4], $0x0  }
0x19: {  	s7 =	sld [smem:$0x3F9E]  }
0x1a: {  	s8 =	sadd.s32 $0xFFFFE003, lr  }
0x1b: {  	s9 =	sadd.s32 $0xFFFFFEF7, lr;
	s5 =	simm.s32 $0xFFFFFFFF;
	p2 =	slt.u32 s8, $0xFFFFF086  }
0x1c: {  	p1 =	slt.u32 s9, $0xF7A;
	s5 =	simm.s32 @!p2 $0x0  }
0x1d: {  	s5 =	simm.s32 @p1 $0x1;
	p0 =	seq.s32 s7, s2  }
0x1e: {  	s7 =	smul.u32 @!p0 $0xF7A, s2;
	p2 =	seq.s32 @!p0 s5, $0x0  }
0x1f: {  	s9 =	smul.u32 $0xF7A, s1;
	s8 =	simm.s32 @!p0 $0x1BF5;
	p2 =	por !p2, p0  }
0x20: {  	[sflag:s8] =	ssyncset.s32 @!p0 $0xFFFFF086;
	s6 =	sadd.s32 @!p0 s3, s7;
	s7 =	simm.s32 @!p0 $0x108  }
0x21: {  	s3 =	sadd.s32 s3, s9;
	s6 =	sadd.s32 @!p0 $0x88, s6;
	s7 =	simm.s32 @p2 $0x1082  }
0x22: {  	[simem:s7], [sflag:s8] =	dma.local @!p0 [hbm:s6], $0xF7A  }
0x23: {  	s9 =	sor.u32 $0xD0000000, s2;
	s6 =	simm.s32 $0x108;
	_ =	swait.ge @!p0 [sflag:s8], $0x0  }
0x24: {  	s3 =	sadd.s32 $0x88, s3;
	s6 =	simm.s32 @!p1 $0x1082;
	[sflag:s4] =	ssyncset.s32 $0xFFFFF086  }
0x25: {  	[simem:s6], [sflag:s4] =	dma.local [hbm:s3], $0xF7A  }
0x26: {  	[smem:$0x3F9E] =	sst s1;
	(tag) =	ssettag s2;
	_ =	strace s9  }
0x27: {  	s1 =	sld [smem:$0x3FAE]  }
0x28: {  	s2 =	sld [smem:$0x3FAF]  }
0x29: {  	s4 =	sld [smem:$0x3FB1]  }
0x2a: {  	p0 =	seq.s32 s5, $0x0;
	s5 =	sld [smem:$0x3FB2]  }
0x2b: {  	s6 =	sld [smem:$0x3FB3]  }
0x2c: {  	s7 =	sld [smem:$0x3FB4]  }
0x2d: {  	s3 =	simm.s32 $0x108;
	s8 =	sld [smem:$0x3FB5]  }
0x2e: {  	s3 =	simm.s32 @!p0 $0x1082;
	s9 =	sld [smem:$0x3FB6]  }
0x2f: {  	lr =	sadd.s32 s0, s3;
	s0 =	sld [smem:$0x3FAD]  }
0x30: {  	s3 =	sld [smem:$0x3FB0]  }
0x31: {  	[smem:$0x3FB9] =	sst s10  }
0x32: {  	s10 =	sld [smem:$0x3FB7];
	_ =	sdelay $0x3  }
0x33: {  	p0 =	seq.s32 s10, $0x1;
	s10 =	sld [smem:$0x3FB9];
	_ =	sdelay $0x3  }
0x34: {  	[smem:$0x3FB9] =	sst s10  }
0x35: {  	s10 =	sld [smem:$0x3FB8];
	_ =	sdelay $0x3  }
0x36: {  	p1 =	seq.s32 s10, $0x1;
	s10 =	sld [smem:$0x3FB9];
	_ =	sdelay $0x3  }
0x37: {  	[smem:$0x3FB9] =	sst s10  }
0x38: {  	s10 =	sld [smem:$0x3FBA]  }
0x39: {  	_ = 	snop;
	(pc) =	sbr.ind lr, $3  }
0x3a: {  	_ = 	snop  }
0x3b: {  	_ = 	snop  }
0x3c: {  	p2 =	seq.s32 s10, $0x1;
	s10 =	sld [smem:$0x3FB9]  }
0x3d: {  	_ =	shalt  }
0x3e: {  	_ =	shalt  }
0x3f: {  	_ =	shalt  }
0x40: {  	_ =	shalt  }
0x41: {  	_ =	shalt  }
0x42: {  	_ =	shalt  }
0x43: {  	_ =	shalt  }
0x44: {  	_ =	shalt  }
0x45: {  	_ =	shalt  }
0x46: {  	_ =	shalt  }
0x47: {  	_ =	shalt  }
0x48: {  	_ =	shalt  }
0x49: {  	_ =	shalt  }
0x4a: {  	_ =	shalt  }
0x4b: {  	_ =	shalt  }
0x4c: {  	_ =	shalt  }
0x4d: {  	_ =	shalt  }
0x4e: {  	_ =	shalt  }
0x4f: {  	_ =	shalt  }
0x50: {  	_ =	shalt  }
0x51: {  	_ =	shalt  }
0x52: {  	_ =	shalt  }
0x53: {  	_ =	shalt  }
0x54: {  	_ =	shalt  }
0x55: {  	_ =	shalt  }
0x56: {  	_ =	shalt  }
0x57: {  	_ =	shalt  }
0x58: {  	_ =	shalt  }
0x59: {  	_ =	shalt  }
0x5a: {  	_ =	shalt  }
0x5b: {  	_ =	shalt  }
0x5c: {  	_ =	shalt  }
0x5d: {  	_ =	shalt  }
0x5e: {  	_ =	shalt  }
0x5f: {  	_ =	shalt  }
0x60: {  	_ =	shalt  }
0x61: {  	_ =	shalt  }
0x62: {  	_ =	shalt  }
0x63: {  	_ =	shalt  }
0x64: {  	_ =	shalt  }
0x65: {  	_ =	shalt  }
0x66: {  	_ =	shalt  }
0x67: {  	_ =	shalt  }
0x68: {  	_ =	shalt  }
0x69: {  	_ =	shalt  }
0x6a: {  	_ =	shalt  }
0x6b: {  	_ =	shalt  }
0x6c: {  	_ =	shalt  }
0x6d: {  	_ =	shalt  }
0x6e: {  	_ =	shalt  }
0x6f: {  	_ =	shalt  }
0x70: {  	_ =	shalt  }
0x71: {  	_ =	shalt  }
0x72: {  	_ =	shalt  }
0x73: {  	_ =	shalt  }
0x74: {  	_ =	shalt  }
0x75: {  	_ =	shalt  }
0x76: {  	_ =	shalt  }
0x77: {  	_ =	shalt  }
0x78: {  	_ =	shalt  }
0x79: {  	_ =	shalt  }
0x7a: {  	_ =	shalt  }
0x7b: {  	_ =	shalt  }
0x7c: {  	_ =	shalt  }
0x7d: {  	_ =	shalt  }
0x7e: {  	_ =	shalt  }
0x7f: {  	_ =	shalt  }
0x80: {  	_ =	shalt  }
0x81: {  	_ =	shalt  }
0x82: {  	_ =	shalt  }
0x83: {  	_ =	shalt  }
0x84: {  	_ =	shalt  }
0x85: {  	_ =	shalt  }
0x86: {  	_ =	shalt  }
0x87: {  	_ =	shalt  }
.Lfunc_end0:
.L_simem_size_0:
called_computation.1_lowered:
.L_overlay_start_0:
0x88: {  	s2 =	sld [smem:$0x3FD9]  }
0x89: {  	s3 =	sld [smem:$0x3FFE];
	_ =	sdelay $0x1  }
0x8a: {  	s1 =	srdreg.scid  }
0x8b: {  	s0 =	sand.u32 $0x1, s1  }
0x8c: {  	s17 =	sshll.u32 s0, $0xA;
	s2 =	sadd.s32 s3, s2  }
0x8d: {  	s2 =	sadd.s32 s2, s17  }
0x8e: {  	[smem:$0x3FC5] =	sst s2  }
0x8f: {  	_ = 	snop  }
0x90: {  	(tm) =	ssettm $0x1  }
0x91: {  	s18 =	sld [smem:$0x3FFB];
	_ =	sdelay $0x3  }
0x92: {  	_ =	strace s18  }
0x93: {  	s2 =	sld [smem:$0x3FFC];
	_ =	sdelay $0x3  }
0x94: {  	_ =	strace s2  }
0x95: {  	s2 =	sld [smem:$0x3FFD];
	_ =	sdelay $0x3  }
0x96: {  	_ =	strace s2  }
0x97: {  	_ =	strace $0x8FFFFFFF  }
0x98: {  	s19 =	sld [smem:$0x3FDB];
	_ =	sdelay $0x1  }
0x99: {  	s20 =	simm.s32 $_scs_section_size  }
0x9a: {  	s4 =	simm.s32 $_size__tile_overlayer_lowered;
	s5 =	simm.s32 $_tile_overlayer_lowered  }
0x9b: {  	s6 =	simm.s32 $0x1BFF;
	s21 =	sshll.u32 s5, $0x1;
	s3 =	sadd.s32 s20, s19  }
0x9c: {  	s22 =	simm.s32 $0x0;
	s4 =	sshll.u32 s4, $0x1;
	s5 =	sadd.s32 s21, s3  }
0x9d: {  	[timem:s22], [sflag:s6] =	dma.local [hbm:s5], s4  }
0x9e: {  	_ =	swait.ge [sflag:s6], s4  }
0x9f: {  	s4 =	ssub.s32 $0x0, s4;
	[sflag:s6] =	ssyncset.done $0x0  }
0xa0: {  	[sflag:s6] =	ssyncadd.s32 s4;
	_ =	sdelay $0x1  }
0xa1: {  	s23 =	simm.s32 $0x1B8B  }
0xa2: {  	_ =	swait.ge [sflag:s23], $0x1  }
0xa3: {  	[sflag:s23] =	ssyncset.done $0x0  }
0xa4: {  	[sflag:s23] =	ssyncadd.s32 $0xFFFFFFFF  }
0xa5: {  	s4 =	sld [smem:$0x0]  }
0xa6: {  	s5 =	sand.u32 $0xFFFFFFFE, s1  }
0xa7: {  	p0 =	sne.s32 s1, s5  }
0xa8: {  	s5 =	sshll.u32 @p0 s5, $0xE  }
0xa9: {  	s5 =	sadd.s32 @p0 $0x11B8D, s5;
	s6 =	sshll.u32 @p0 s4, $0x11  }
0xaa: {  	s5 =	sor.u32 @p0 s6, s5  }
0xab: {  	[sflag:s5] =	ssyncadd.remote.s32 @p0 $0x1;
	_ =	sdelay $0x1  }
0xac: {  	s5 =	simm.s32 @p0 $0x1B8D  }
0xad: {  	_ =	swait.eq @p0 [sflag:s5], $0x1  }
0xae: {  	[sflag:s5] =	ssyncadd.s32 @p0 $0xFFFFFFFF  }
0xaf: {  	s6 =	sshll.u32 @!p0 s1, $0xE  }
0xb0: {  	s6 =	sor.u32 @!p0 $0x4000, s6;
	s5 =	simm.s32 @!p0 $0x1B8D  }
0xb1: {  	s4 =	sshll.u32 @!p0 s4, $0x11;
	s6 =	sadd.s32 @!p0 $0x11B8D, s6;
	_ =	swait.eq @!p0 [sflag:s5], $0x1  }
0xb2: {  	s4 =	sor.u32 @!p0 s4, s6;
	[sflag:s5] =	ssyncadd.s32 @!p0 $0xFFFFFFFF  }
0xb3: {  	s25 =	simm.s32 $0x1B8E;
	s24 =	sld [smem:$0x3FFE];
	[sflag:s4] =	ssyncadd.remote.s32 @!p0 $0x1  }
0xb4: {  	s26 =	simm.s32 $execute0_lowered;
	[smem:$0x3FD2] =	sst s25  }
0xb5: {  	s5 =	sshll.u32 s26, $0x1;
	_ =	strace $0x80000049;
	[dreg:$0x1] =	wrdreg $0xFFFFFFFF  }
0xb6: {  	s28 =	simm.s32 $_size_execute0_lowered;
	s3 =	sadd.s32 s3, s5;
	[dreg:$0x0] =	wrdreg $0x0  }
0xb7: {  	s5 =	sshll.u32 s28, $0x1;
	[dreg:$0x2] =	wrdreg s3  }
0xb8: {  	[dreg:$0x3] =	wrdreg s5  }
0xb9: {  	[dreg:$0x4] =	wrdreg $0xC0  }
0xba: {  	_ =	task [dreg:s22], $0x5FFFF  }
0xbb: {  	[dreg:$0x1] =	wrdreg $0xFFFFFFFF  }
0xbc: {  	[dreg:$0x0] =	wrdreg $0x60  }
0xbd: {  	[dreg:$0x2] =	wrdreg s24  }
0xbe: {  	[dreg:$0x3] =	wrdreg $0xA  }
0xbf: {  	_ =	task.clear_ibuf [dreg:s22], $0x4FFFF;
	_ =	strace $0x90000049  }
0xc0: {  	s29 =	simm.s32 $0xA;
	_ =	strace $0x8000004B  }
0xc1: {  	_ =	swait.ge [sflag:s29], $0x1  }
0xc2: {  	[sflag:s29] =	ssyncadd.s32 $0xFFFFFFFF  }
0xc3: {  	_ =	strace $0x9000004B  }
0xc4: {  	_ =	sfence  }
0xc5: {  	s30 =	sld [smem:$0x0];
	_ =	sdelay $0x2  }
0xc6: {  	s31 =	sshll.u32 s1, $0xD;
	s1 =	sshrl.u32 s1, $0x2  }
0xc7: {  	s4 =	sand.u32 $0x4000, s31;
	s1 =	sadd.s32 s1, s30  }
0xc8: {  	s0 =	sor.u32 s4, s0;
	s1 =	sshll.u32 s1, $0x11  }
0xc9: {  	s0 =	sor.u32 s1, s0  }
0xca: {  	s0 =	sadd.s32 $0x8F2B, s0  }
0xcb: {  	[sflag:s0] =	ssyncadd.remote.s32 $0x1  }
0xcc: {  	_ =	sfence.sel $0xFFFF  }
0xcd: {  	[dreg:$0x0] =	wrdreg $0xFFFFFFFF;
	(pc) =	sbr.abs _section_cstart, $3  }
0xce: {  	[dreg:$0x1] =	wrdreg $0xFFFFFFFF  }
0xcf: {  	_ =	task.clear_ibuf [dreg:s22], $0x2FFFF;
	_ =	strace $0x9FFFFFFF  }
0xd0: {  	(tm) =	ssettm $0x7FFFFFFF  }
0xd1: {  	_ =	shalt  }
tec
execute0_lowered:
.L_overlay_start_1:
0x0: {  	(tag) =	ssettag $0x1  }
0x1: {  	s5 =	rddreg [dreg:$0x0];
	s1 =	srdreg.scid  }
0x2: {  	s0 =	rddreg [dreg:$0x1];
	s2 =	simm.s32 $0x0;
	s11 =	simm.s32 $0x2  }
0x3: {  	s12 =	simm.s32 $0xC980;
	s13 =	simm.s32 $0x3;
	s14 =	simm.s32 $0x0  }
0x4: {  	s6 =	sand.u32 $0x1, s1;
	[smem:$0x7FF] =	sst s2;
	s1 =	stileid.u32  }
0x5: {  	s4 =	sadd.s32 $0xC9C00, s5;
	s3 =	sshll.u32 s6, $0x4;
	_ =	strace $0x8000004A  }
.Ltmp0:
0x6: {  	s6 =	ssub.s32 $0x2, s6;
	s3 =	sor.u32 s1, s3;
	(pc) =	sbr.rel .LBB2_1-.Ltmp0, $4  }
0x7: {  	s8 =	sshrl.u32 s6, $0x1;
	s7 =	sshll.u32 s3, $0x7;
	s9 =	ssub.s32 $0x113, s3  }
0x8: {  	s10 =	smul.u32 $0xC80, s3;
	s8 =	ssub.s32 s6, s8;
	s7 =	sadd.s32 s7, s5  }
0x9: {  	v0 =	vlaneseq.u32;
	s5 =	sshrl.u32 s9, $0x5;
	s8 =	smax.u32 s8, $0x1;
	s9 =	simm.s32 $0x1  }
0xa: {  	v1 =	vimm.f32 $0.0e+00;
	v3 =	vimm.f32 $1.000000000e+00;
	v2 =	vor.u32 $0xB0, v0;
	s6 =	sadd.s32 s4, s10;
	s7 =	sadd.s32 $0x188600, s7;
	s10 =	simm.s32 $0xC800  }
.LBB2_9:
0xb: {  	v4 =	vld [tilespmem:$0xC800]  }
0xc: {  	v5 =	vld [tilespmem:$0xC810]  }
0xd: {  	v6 =	vld [tilespmem:$0xC820]  }
0xe: {  	v7 =	vld [tilespmem:$0xC830]  }
0xf: {  	v8 =	vld [tilespmem:$0xC840]  }
0x10: {  	[tilespmem:$0xC980] =	vst v4;
	v4 =	vld [tilespmem:$0xC850]  }
0x11: {  	[tilespmem:$0xC990] =	vst v5;
	v5 =	vld [tilespmem:$0xC860]  }
0x12: {  	v55 =	vld [tilespmem:$0xC870];
	[tilespmem:$0xC9A0] =	vst v6  }
0x13: {  	v56 =	vld [tilespmem:$0xC880];
	[tilespmem:$0xC9B0] =	vst v7  }
0x14: {  	v57 =	vld [tilespmem:$0xC890];
	[tilespmem:$0xC9C0] =	vst v8  }
0x15: {  	[tilespmem:$0xC9D0] =	vst v4;
	v4 =	vld [tilespmem:$0xC8A0]  }
0x16: {  	[tilespmem:$0xC9E0] =	vst v5;
	v5 =	vld [tilespmem:$0xC8B0]  }
0x17: {  	v58 =	vld [tilespmem:$0xC8C0];
	[tilespmem:$0xC9F0] =	vst v55  }
0x18: {  	v59 =	vld [tilespmem:$0xC8D0];
	[tilespmem:$0xCA00] =	vst v56  }
0x19: {  	v60 =	vld [tilespmem:$0xC8E0];
	[tilespmem:$0xCA10] =	vst v57  }
0x1a: {  	[tilespmem:$0xCA20] =	vst v4;
	v4 =	vld [tilespmem:$0xC8F0]  }
0x1b: {  	[tilespmem:$0xCA30] =	vst v5;
	v5 =	vld [tilespmem:$0xC900]  }
0x1c: {  	v61 =	vld [tilespmem:$0xC910];
	[tilespmem:$0xCA40] =	vst v58  }
0x1d: {  	v62 =	vld [tilespmem:$0xC920];
	[tilespmem:$0xCA50] =	vst v59  }
0x1e: {  	v63 =	vld [tilespmem:$0xC930];
	[tilespmem:$0xCA60] =	vst v60  }
0x1f: {  	[tilespmem:$0xCA70] =	vst v4;
	v4 =	vld [tilespmem:$0xC940]  }
0x20: {  	[tilespmem:$0xCA80] =	vst v5;
	v5 =	vld [tilespmem:$0xC950]  }
0x21: {  	[tilespmem:$0xCA90] =	vst v61  }
0x22: {  	[tilespmem:$0xCAA0] =	vst v62  }
0x23: {  	s14 =	sadd.s32 $0x1, s14;
	[tilespmem:$0xCAB0] =	vst v63  }
0x24: {  	p0 =	sne.s32 s14, s8;
	[tilespmem:$0xCAC0] =	vst v4  }
.Ltmp1:
0x25: {  	[tilespmem:$0xCAD0] =	vst v5;
	(pc) =	sbr.rel @!p0 .LBB2_10-.Ltmp1, $4  }
0x26: {  	[hbm4b:s7+s2] =	stream.linear.scatter [tilespmem:s12], [sflag:$0x3], $0x400, $0x38;
	[tilespmem:$0xCD80] =	vst v63  }
0x27: {  	_ =	swait.ge [sflag:s13], $0x400  }
0x28: {  	[sflag:s13] =	ssyncset.done $0x0  }
0x29: {  	[sflag:s13] =	ssyncadd.s32 $0xFFFFFC00  }
.LBB2_1:
0x2a: {  	[tilespmem:$0xC800] =	vst v1  }
0x2b: {  	[tilespmem:$0xC810] =	vst v1  }
0x2c: {  	[tilespmem:$0xC820] =	vst v1  }
0x2d: {  	[tilespmem:$0xC830] =	vst v1  }
0x2e: {  	[tilespmem:$0xC840] =	vst v1  }
0x2f: {  	[tilespmem:$0xC850] =	vst v1  }
0x30: {  	[tilespmem:$0xC860] =	vst v1  }
0x31: {  	[tilespmem:$0xC870] =	vst v1  }
0x32: {  	[tilespmem:$0xC880] =	vst v1  }
0x33: {  	[tilespmem:$0xC890] =	vst v1  }
0x34: {  	[tilespmem:$0xC8A0] =	vst v1  }
0x35: {  	[tilespmem:$0xC8B0] =	vst v1  }
0x36: {  	[tilespmem:$0xC8C0] =	vst v1  }
0x37: {  	[tilespmem:$0xC8D0] =	vst v1  }
0x38: {  	[tilespmem:$0xC8E0] =	vst v1  }
0x39: {  	[tilespmem:$0xC8F0] =	vst v1  }
0x3a: {  	[tilespmem:$0xC900] =	vst v1  }
0x3b: {  	[tilespmem:$0xC910] =	vst v1  }
.Ltmp2:
0x3c: {  	[tilespmem:$0xC920] =	vst v1;
	(pc) =	sbr.rel .LBB2_2-.Ltmp2, $4  }
0x3d: {  	[tilespmem:$0xC930] =	vst v1  }
0x3e: {  	[tilespmem:$0xC940] =	vst v1  }
0x3f: {  	[tilespmem:$0xC950] =	vst v1;
	s15 =	simm.s32 $0x0  }
0x40: {  	[tilespmem:s2], [sflag:$0x1] =	stream.linear.gather [hbm4b:s6+s2], $0x6400, $0x38;
	[tilespmem:$0xCD80] =	vst v63  }
.LBB2_8:
0x41: {  	s15 =	sadd.s32 $0x1, s15  }
0x42: {  	p0 =	sne.s32 s15, $0x4  }
.Ltmp3:
0x43: {  	_ = 	snop;
	(pc) =	sbr.rel @!p0 .LBB2_9-.Ltmp3, $1  }
0x44: {  	_ =	sdelay $0x3  }
.LBB2_2:
0x45: {  	s16 =	sshllo.u32 s15, $0x1  }
0x46: {  	p0 =	sge.u32 s16, s5  }
0x47: {  	s16 =	sshll.u32 @!p0 s16, $0x5  }
0x48: {  	_ =	swait.ge [sflag:s9], $0x6400;
	s16 =	sor.u32 @!p0 s3, s16  }
0x49: {  	[sflag:s9] =	ssyncset.done $0x0;
	s16 =	smul.u32 @!p0 $0xC80, s16  }
0x4a: {  	s31 =	simm.s32 $0x100;
	[sflag:s9] =	ssyncadd.s32 $0xFFFF9C00  }
0x4b: {  	s17 =	simm.s32 @!p0 $0x0;
	s18 =	simm.s32 @!p0 $0x6400;
	s16 =	sadd.s32 @!p0 s4, s16  }
0x4c: {  	[tilespmem:s18], [sflag:$0x2] =	stream.linear.gather @!p0 [hbm4b:s16+s17], $0x6400, $0x38;
	[tilespmem:$0xCD80] =	vst v63  }
0x4d: {  	v4 =	vld [tilespmem:s31+$0x80];
	_ =	sdelay $0x4  }
0x4e: {  	v5 =	vshll.u32 v4, $0x4  }
0x4f: {  	v6 =	vor.u32 v0, v5  }
0x50: {  	v5 =	vand.u32 $0xF0, v5;
	v6 =	vand.u32 $0xFF, v6  }
0x51: {  	v5 =	vadd.s32 v2, v5;
	_ =	sdelay $0x2  }
0x52: {  	v4 =	vand.u32 $0xFFFFFFF0, v4  }
0x53: {  	[tilespmem:v6+s10+$0x0] =	vst.idx.add.f32.msk $0xffff, v4  }
0x54: {  	[tilespmem:v5+s10+$0x0] =	vst.idx.add.f32.msk $0xffff, v3  }
0x55: {  	v4 =	vld [tilespmem:s31+$0x90];
	_ =	sdelay $0x3  }
0x56: {  	v5 =	vld [tilespmem:s31+$0xFFFFFF00]  }
0x57: {  	v6 =	vshll.u32 v4, $0x4  }
0x58: {  	v7 =	vor.u32 v0, v6  }
0x59: {  	v8 =	vld [tilespmem:s31+$0xFFFFFF80];
	v6 =	vand.u32 $0xF0, v6;
	v7 =	vand.u32 $0xFF, v7  }
0x5a: {  	v6 =	vadd.s32 v2, v6  }
0x5b: {  	v9 =	vld [tilespmem:s31+$0x0];
	v10 =	vshll.u32 v5, $0x4  }
0x5c: {  	v11 =	vor.u32 v0, v10  }
0x5d: {  	v10 =	vand.u32 $0xF0, v10;
	v4 =	vand.u32 $0xFFFFFFF0, v4;
	v11 =	vand.u32 $0xFF, v11  }
0x5e: {  	v12 =	vshll.u32 v8, $0x4;
	v10 =	vadd.s32 v2, v10;
	[tilespmem:v7+s10+$0x0] =	vst.idx.add.f32.msk $0xffff, v4  }
0x5f: {  	v4 =	vor.u32 v0, v12;
	[tilespmem:v6+s10+$0x0] =	vst.idx.add.f32.msk $0xffff, v3  }
0x60: {  	v7 =	vand.u32 $0xF0, v12;
	v6 =	vshll.u32 v9, $0x4;
	v4 =	vand.u32 $0xFF, v4;
	v12 =	vld [tilespmem:s31+$0xA0]  }
0x61: {  	v5 =	vand.u32 $0xFFFFFFF0, v5;
	v7 =	vadd.s32 v2, v7;
	v13 =	vor.u32 v0, v6  }
0x62: {  	[tilespmem:v11+s10+$0x0] =	vst.idx.add.f32.msk $0xffff, v5;
	v13 =	vand.u32 $0xFF, v13  }
0x63: {  	[tilespmem:v10+s10+$0x0] =	vst.idx.add.f32.msk $0xffff, v3;
	v5 =	vand.u32 $0xF0, v6  }
0x64: {  	v6 =	vand.u32 $0xFFFFFFF0, v8;
	v8 =	vld [tilespmem:s31+$0xFFFFFF10];
	v5 =	vadd.s32 v2, v5  }
0x65: {  	[tilespmem:v4+s10+$0x0] =	vst.idx.add.f32.msk $0xffff, v6;
	v4 =	vshll.u32 v12, $0x4  }
0x66: {  	v6 =	vand.u32 $0xFFFFFFF0, v9;
	[tilespmem:v7+s10+$0x0] =	vst.idx.add.f32.msk $0xffff, v3;
	v7 =	vor.u32 v0, v4  }
0x67: {  	[tilespmem:v13+s10+$0x0] =	vst.idx.add.f32.msk $0xffff, v6;
	v4 =	vand.u32 $0xF0, v4;
	v6 =	vand.u32 $0xFF, v7  }
0x68: {  	v7 =	vld [tilespmem:s31+$0xFFFFFF90];
	v4 =	vadd.s32 v2, v4  }
0x69: {  	[tilespmem:v5+s10+$0x0] =	vst.idx.add.f32.msk $0xffff, v3;
	v5 =	vshll.u32 v8, $0x4  }
0x6a: {  	v9 =	vld [tilespmem:s31+$0x10];
	v10 =	vor.u32 v0, v5  }
0x6b: {  	v11 =	vand.u32 $0xFFFFFFF0, v12;
	v5 =	vand.u32 $0xF0, v5;
	v10 =	vand.u32 $0xFF, v10  }
0x6c: {  	v5 =	vadd.s32 v2, v5;
	[tilespmem:v6+s10+$0x0] =	vst.idx.add.f32.msk $0xffff, v11  }
0x6d: {  	v6 =	vshll.u32 v7, $0x4;
	[tilespmem:v4+s10+$0x0] =	vst.idx.add.f32.msk $0xffff, v3  }
0x6e: {  	v4 =	vand.u32 $0xFFFFFFF0, v8;
	v8 =	vor.u32 v0, v6;
	v11 =	vld [tilespmem:s31+$0xB0]  }
0x6f: {  	v6 =	vand.u32 $0xF0, v6;
	v12 =	vshll.u32 v9, $0x4;
	v8 =	vand.u32 $0xFF, v8  }
0x70: {  	v13 =	vor.u32 v0, v12;
	v6 =	vadd.s32 v2, v6;
	[tilespmem:v10+s10+$0x0] =	vst.idx.add.f32.msk $0xffff, v4  }
0x71: {  	v4 =	vand.u32 $0xFF, v13;
	[tilespmem:v5+s10+$0x0] =	vst.idx.add.f32.msk $0xffff, v3  }
0x72: {  	v5 =	vand.u32 $0xF0, v12;
	v10 =	vld [tilespmem:s31+$0xFFFFFF20]  }
0x73: {  	v7 =	vand.u32 $0xFFFFFFF0, v7;
	v5 =	vadd.s32 v2, v5;
	v12 =	vshll.u32 v11, $0x4  }
0x74: {  	[tilespmem:v8+s10+$0x0] =	vst.idx.add.f32.msk $0xffff, v7;
	v7 =	vor.u32 v0, v12  }
0x75: {  	v8 =	vand.u32 $0xFFFFFFF0, v9;
	[tilespmem:v6+s10+$0x0] =	vst.idx.add.f32.msk $0xffff, v3;
	v6 =	vand.u32 $0xFF, v7  }
0x76: {  	[tilespmem:v4+s10+$0x0] =	vst.idx.add.f32.msk $0xffff, v8  }
0x77: {  	v4 =	vand.u32 $0xF0, v12;
	v7 =	vld [tilespmem:s31+$0xFFFFFFA0];
	v8 =	vshll.u32 v10, $0x4  }
0x78: {  	v4 =	vadd.s32 v2, v4;
	[tilespmem:v5+s10+$0x0] =	vst.idx.add.f32.msk $0xffff, v3;
	v5 =	vor.u32 v0, v8  }
0x79: {  	v11 =	vand.u32 $0xFFFFFFF0, v11;
	v9 =	vld [tilespmem:s31+$0x20];
	v5 =	vand.u32 $0xFF, v5  }
0x7a: {  	s16 =	simm.s32 $0x300;
	v8 =	vand.u32 $0xF0, v8;
	[tilespmem:v6+s10+$0x0] =	vst.idx.add.f32.msk $0xffff, v11  }
0x7b: {  	v8 =	vadd.s32 v2, v8;
	v6 =	vld [tilespmem:s16+$0x80]  }
0x7c: {  	v14 =	vld [tilespmem:s16+$0xFFFFFF80];
	v11 =	vshll.u32 v7, $0x4  }
0x7d: {  	v10 =	vand.u32 $0xFFFFFFF0, v10;
	[tilespmem:v4+s10+$0x0] =	vst.idx.add.f32.msk $0xffff, v3;
	v4 =	vor.u32 v0, v11  }
0x7e: {  	v11 =	vand.u32 $0xF0, v11;
	v13 =	vshll.u32 v9, $0x4;
	v4 =	vand.u32 $0xFF, v4;
	[tilespmem:v5+s10+$0x0] =	vst.idx.add.f32.msk $0xffff, v10  }
0x7f: {  	v5 =	vor.u32 v0, v13;
	v10 =	vadd.s32 v2, v11;
	v11 =	vld [tilespmem:s16+$0xFFFFFF00]  }
0x80: {  	[tilespmem:v8+s10+$0x0] =	vst.idx.add.f32.msk $0xffff, v3;
	v8 =	vand.u32 $0xF0, v13;
	v5 =	vand.u32 $0xFF, v5;
	v13 =	vshll.u32 v6, $0x4  }
0x81: {  	v16 =	vld [tilespmem:s16+$0x0];
	v8 =	vadd.s32 v2, v8;
	v15 =	vor.u32 v0, v13  }
0x82: {  	v7 =	vand.u32 $0xFFFFFFF0, v7;
	v12 =	vld [tilespmem:s31+$0xC0];
	v13 =	vand.u32 $0xF0, v13;
	v15 =	vand.u32 $0xFF, v15  }
0x83: {  	[tilespmem:v4+s10+$0x0] =	vst.idx.add.f32.msk $0xffff, v7;
	v4 =	vadd.s32 v2, v13  }
0x84: {  	v7 =	vand.u32 $0xFFFFFFF0, v9;
	v13 =	vld [tilespmem:s31+$0xFFFFFF30]  }
0x85: {  	[tilespmem:v5+s10+$0x0] =	vst.idx.add.f32.msk $0xffff, v7;
	v5 =	vshll.u32 v11, $0x4  }
0x86: {  	v6 =	vand.u32 $0xFFFFFFF0, v6;
	[tilespmem:v8+s10+$0x0] =	vst.idx.add.f32.msk $0xffff, v3;
	v7 =	vor.u32 v0, v5  }
0x87: {  	v8 =	vshll.u32 v14, $0x4;
	v5 =	vand.u32 $0xF0, v5;
	v7 =	vand.u32 $0xFF, v7;
	[tilespmem:v15+s10+$0x0] =	vst.idx.add.f32.msk $0xffff, v6  }
0x88: {  	v5 =	vadd.s32 v2, v5;
	v6 =	vor.u32 v0, v8;
	[tilespmem:v4+s10+$0x0] =	vst.idx.add.f32.msk $0xffff, v3  }
0x89: {  	v8 =	vand.u32 $0xF0, v8;
	v4 =	vshll.u32 v16, $0x4;
	v6 =	vand.u32 $0xFF, v6;
	v9 =	vld [tilespmem:s16+$0x90]  }
0x8a: {  	[tilespmem:v10+s10+$0x0] =	vst.idx.add.f32.msk $0xffff, v3;
	v8 =	vadd.s32 v2, v8;
	v10 =	vor.u32 v0, v4  }
0x8b: {  	v11 =	vand.u32 $0xFFFFFFF0, v11;
	v15 =	vld [tilespmem:s31+$0xFFFFFFB0];
	v4 =	vand.u32 $0xF0, v4;
	v10 =	vand.u32 $0xFF, v10  }
0x8c: {  	v4 =	vadd.s32 v2, v4;
	[tilespmem:v7+s10+$0x0] =	vst.idx.add.f32.msk $0xffff, v11  }
0x8d: {  	v7 =	vand.u32 $0xFFFFFFF0, v14;
	[tilespmem:v5+s10+$0x0] =	vst.idx.add.f32.msk $0xffff, v3  }
0x8e: {  	[tilespmem:v6+s10+$0x0] =	vst.idx.add.f32.msk $0xffff, v7;
	v5 =	vshll.u32 v9, $0x4  }
0x8f: {  	v6 =	vand.u32 $0xFFFFFFF0, v16;
	[tilespmem:v8+s10+$0x0] =	vst.idx.add.f32.msk $0xffff, v3;
	v7 =	vor.u32 v0, v5  }
0x90: {  	[tilespmem:v10+s10+$0x0] =	vst.idx.add.f32.msk $0xffff, v6;
	v5 =	vand.u32 $0xF0, v5;
	v6 =	vand.u32 $0xFF, v7  }
0x91: {  	v7 =	vshll.u32 v12, $0x4;
	[tilespmem:v4+s10+$0x0] =	vst.idx.add.f32.msk $0xffff, v3;
	v4 =	vadd.s32 v2, v5  }
0x92: {  	v8 =	vld [tilespmem:s16+$0xFFFFFF10];
	v5 =	vor.u32 v0, v7  }
0x93: {  	v10 =	vshll.u32 v13, $0x4;
	v11 =	vld [tilespmem:s16+$0xFFFFFF90];
	v5 =	vand.u32 $0xFF, v5  }
0x94: {  	v9 =	vand.u32 $0xFFFFFFF0, v9;
	v14 =	vor.u32 v0, v10;
	v16 =	vld [tilespmem:s16+$0x10]  }
0x95: {  	v17 =	vshll.u32 v15, $0x4;
	v10 =	vand.u32 $0xF0, v10;
	v14 =	vand.u32 $0xFF, v14;
	[tilespmem:v6+s10+$0x0] =	vst.idx.add.f32.msk $0xffff, v9  }
0x96: {  	v6 =	vor.u32 v0, v17;
	v9 =	vadd.s32 v2, v10;
	[tilespmem:v4+s10+$0x0] =	vst.idx.add.f32.msk $0xffff, v3  }
0x97: {  	v10 =	vshll.u32 v8, $0x4;
	v4 =	vand.u32 $0xFFFFFFF0, v12;
	v6 =	vand.u32 $0xFF, v6;
	v12 =	vld [tilespmem:s16+$0xA0]  }
0x98: {  	v18 =	vshll.u32 v11, $0x4;
	[tilespmem:v5+s10+$0x0] =	vst.idx.add.f32.msk $0xffff, v4;
	v5 =	vor.u32 v0, v10  }
0x99: {  	v4 =	vand.u32 $0xFFFFFFF0, v13;
	v13 =	vld [tilespmem:s31+$0x30];
	v10 =	vand.u32 $0xF0, v10;
	v5 =	vand.u32 $0xFF, v5  }
0x9a: {  	v15 =	vand.u32 $0xFFFFFFF0, v15;
	[tilespmem:v14+s10+$0x0] =	vst.idx.add.f32.msk $0xffff, v4;
	v4 =	vor.u32 v0, v18;
	v10 =	vadd.s32 v2, v10  }
0x9b: {  	v14 =	vand.u32 $0xF0, v18;
	v18 =	vshll.u32 v16, $0x4;
	v4 =	vand.u32 $0xFF, v4;
	[tilespmem:v9+s10+$0x0] =	vst.idx.add.f32.msk $0xffff, v3  }
0x9c: {  	v9 =	vor.u32 v0, v18;
	[tilespmem:v6+s10+$0x0] =	vst.idx.add.f32.msk $0xffff, v15;
	v6 =	vadd.s32 v2, v14  }
0x9d: {  	v8 =	vand.u32 $0xFFFFFFF0, v8;
	v9 =	vand.u32 $0xFF, v9;
	v19 =	vld [tilespmem:s31+$0xFFFFFF40];
	v14 =	vshll.u32 v12, $0x4  }
0x9e: {  	v15 =	vor.u32 v0, v14;
	[tilespmem:v5+s10+$0x0] =	vst.idx.add.f32.msk $0xffff, v8  }
0x9f: {  	v11 =	vand.u32 $0xFFFFFFF0, v11;
	v5 =	vand.u32 $0xF0, v14;
	v8 =	vand.u32 $0xFF, v15;
	[tilespmem:v10+s10+$0x0] =	vst.idx.add.f32.msk $0xffff, v3  }
0xa0: {  	v5 =	vadd.s32 v2, v5;
	v10 =	vand.u32 $0xF0, v18;
	[tilespmem:v4+s10+$0x0] =	vst.idx.add.f32.msk $0xffff, v11  }
0xa1: {  	v7 =	vand.u32 $0xF0, v7;
	v4 =	vadd.s32 v2, v10;
	v10 =	vand.u32 $0xFFFFFFF0, v16;
	[tilespmem:v6+s10+$0x0] =	vst.idx.add.f32.msk $0xffff, v3  }
0xa2: {  	v7 =	vadd.s32 v2, v7;
	[tilespmem:v9+s10+$0x0] =	vst.idx.add.f32.msk $0xffff, v10  }
0xa3: {  	v6 =	vand.u32 $0xFFFFFFF0, v12;
	v11 =	vld [tilespmem:s16+$0xFFFFFFA0]  }
0xa4: {  	[tilespmem:v8+s10+$0x0] =	vst.idx.add.f32.msk $0xffff, v6  }
0xa5: {  	v6 =	vand.u32 $0xF0, v17;
	v8 =	vshll.u32 v13, $0x4;
	[tilespmem:v5+s10+$0x0] =	vst.idx.add.f32.msk $0xffff, v3  }
0xa6: {  	v5 =	vadd.s32 v2, v6;
	v6 =	vor.u32 v0, v8;
	v9 =	vld [tilespmem:s16+$0xB0]  }
0xa7: {  	[tilespmem:v7+s10+$0x0] =	vst.idx.add.f32.msk $0xffff, v3;
	v6 =	vand.u32 $0xFF, v6  }
0xa8: {  	v10 =	vshll.u32 v19, $0x4;
	v8 =	vand.u32 $0xF0, v8;
	[tilespmem:v4+s10+$0x0] =	vst.idx.add.f32.msk $0xffff, v3  }
0xa9: {  	v12 =	vand.u32 $0xFFFFFFF0, v13;
	v13 =	vor.u32 v0, v10;
	v4 =	vadd.s32 v2, v8;
	v16 =	vld [tilespmem:s16+$0x20]  }
0xaa: {  	v13 =	vand.u32 $0xFF, v13;
	v8 =	vld [tilespmem:s16+$0xFFFFFF20]  }
0xab: {  	v14 =	vshll.u32 v11, $0x4;
	[tilespmem:v5+s10+$0x0] =	vst.idx.add.f32.msk $0xffff, v3;
	v5 =	vand.u32 $0xF0, v10;
	v10 =	vshll.u32 v9, $0x4  }
0xac: {  	v20 =	vand.u32 $0xF0, v14;
	[tilespmem:v6+s10+$0x0] =	vst.idx.add.f32.msk $0xffff, v12;
	v12 =	vor.u32 v0, v10  }
0xad: {  	v6 =	vand.u32 $0xFFFFFFF0, v19;
	v18 =	vld [tilespmem:s31+$0xFFFFFFC0];
	v10 =	vand.u32 $0xF0, v10;
	v17 =	vand.u32 $0xFF, v12  }
0xae: {  	v5 =	vadd.s32 v2, v5;
	v15 =	vshll.u32 v16, $0x4;
	[tilespmem:v4+s10+$0x0] =	vst.idx.add.f32.msk $0xffff, v3;
	v19 =	vadd.s32 v2, v10  }
0xaf: {  	v7 =	vand.u32 $0xFFFFFFF0, v9;
	v16 =	vand.u32 $0xFFFFFFF0, v16;
	v4 =	vshll.u32 v8, $0x4;
	[tilespmem:v13+s10+$0x0] =	vst.idx.add.f32.msk $0xffff, v6  }
0xb0: {  	v6 =	vor.u32 v0, v14;
	v12 =	vand.u32 $0xF0, v4;
	v10 =	vld [tilespmem:s31+$0x40];
	v4 =	vor.u32 v0, v4  }
0xb1: {  	v13 =	vand.u32 $0xF0, v15;
	v21 =	vor.u32 v0, v15;
	v4 =	vand.u32 $0xFF, v4  }
0xb2: {  	v14 =	vadd.s32 v2, v20;
	v15 =	vand.u32 $0xFF, v6;
	v22 =	vadd.s32 v2, v12;
	[tilespmem:v17+s10+$0x0] =	vst.idx.add.f32.msk $0xffff, v7  }
0xb3: {  	v13 =	vadd.s32 v2, v13;
	v12 =	vand.u32 $0xFF, v21;
	v6 =	vshll.u32 v18, $0x4;
	[tilespmem:v19+s10+$0x0] =	vst.idx.add.f32.msk $0xffff, v3  }
0xb4: {  	v9 =	vand.u32 $0xF0, v6;
	v6 =	vor.u32 v0, v6;
	v17 =	vand.u32 $0xFFFFFFF0, v11;
	v11 =	vld [tilespmem:s16+$0xC0]  }
0xb5: {  	[tilespmem:v5+s10+$0x0] =	vst.idx.add.f32.msk $0xffff, v3;
	v5 =	vand.u32 $0xFFFFFFF0, v8;
	v8 =	vshll.u32 v10, $0x4;
	v7 =	vand.u32 $0xFF, v6  }
0xb6: {  	v19 =	vand.u32 $0xF0, v8;
	[tilespmem:v4+s10+$0x0] =	vst.idx.add.f32.msk $0xffff, v5;
	v5 =	vadd.s32 v2, v9;
	v4 =	vor.u32 v0, v8  }
0xb7: {  	s19 =	simm.s32 $0x500;
	s17 =	sshll.u32 s15, $0x1;
	s18 =	simm.s32 $0x4;
	v8 =	vand.u32 $0xFFFFFFF0, v18;
	[tilespmem:v22+s10+$0x0] =	vst.idx.add.f32.msk $0xffff, v3;
	v6 =	vand.u32 $0xFF, v4;
	v4 =	vadd.s32 v2, v19  }
.LBB2_3:
0xb8: {  	v18 =	vld [tilespmem:s19+$0x80];
	v9 =	vand.u32 $0xFFFFFFF0, v10  }
0xb9: {  	v10 =	vld [tilespmem:s19+$0xFFFFFF80];
	v19 =	vshll.u32 v11, $0x4  }
0xba: {  	v20 =	vld [tilespmem:s19+$0x0];
	v21 =	vor.u32 v0, v19  }
0xbb: {  	v19 =	vand.u32 $0xF0, v19;
	v22 =	vld [tilespmem:s19+$0xFFFFFF00];
	v21 =	vand.u32 $0xFF, v21  }
0xbc: {  	[tilespmem:v15+s10+$0x0] =	vst.idx.add.f32.msk $0xffff, v17;
	v15 =	vadd.s32 v2, v19  }
0xbd: {  	s18 =	sadd.s32 $0x4, s18;
	v17 =	vshll.u32 v18, $0x4;
	[tilespmem:v14+s10+$0x0] =	vst.idx.add.f32.msk $0xffff, v3  }
0xbe: {  	p1 =	slt.u32 s18, $0xC4;
	v14 =	vshll.u32 v10, $0x4;
	v10 =	vand.u32 $0xFFFFFFF0, v10;
	v19 =	vor.u32 v0, v17;
	[tilespmem:v12+s10+$0x0] =	vst.idx.add.f32.msk $0xffff, v16  }
0xbf: {  	v11 =	vand.u32 $0xFFFFFFF0, v11;
	v12 =	vand.u32 $0xF0, v17;
	v16 =	vand.u32 $0xFF, v19;
	[tilespmem:v13+s10+$0x0] =	vst.idx.add.f32.msk $0xffff, v3  }
0xc0: {  	v17 =	vshll.u32 v20, $0x4;
	v12 =	vadd.s32 v2, v12;
	v13 =	vshll.u32 v22, $0x4;
	[tilespmem:v21+s10+$0x0] =	vst.idx.add.f32.msk $0xffff, v11  }
0xc1: {  	v19 =	vand.u32 $0xF0, v14;
	v11 =	vand.u32 $0xF0, v13;
	v13 =	vor.u32 v0, v13;
	[tilespmem:v15+s10+$0x0] =	vst.idx.add.f32.msk $0xffff, v3  }
0xc2: {  	v14 =	vor.u32 v0, v14;
	v15 =	vand.u32 $0xF0, v17;
	v17 =	vor.u32 v0, v17;
	v21 =	vld [tilespmem:s16+$0xFFFFFF30]  }
0xc3: {  	v18 =	vand.u32 $0xFFFFFFF0, v18;
	v13 =	vand.u32 $0xFF, v13;
	v11 =	vadd.s32 v2, v11;
	v23 =	vld [tilespmem:s16+$0xFFFFFFB0]  }
0xc4: {  	v14 =	vand.u32 $0xFF, v14;
	v19 =	vadd.s32 v2, v19;
	v17 =	vand.u32 $0xFF, v17;
	[tilespmem:v16+s10+$0x0] =	vst.idx.add.f32.msk $0xffff, v18  }
0xc5: {  	v15 =	vadd.s32 v2, v15;
	v16 =	vand.u32 $0xFFFFFFF0, v22;
	v18 =	vand.u32 $0xFFFFFFF0, v20;
	[tilespmem:v12+s10+$0x0] =	vst.idx.add.f32.msk $0xffff, v3  }
0xc6: {  	v12 =	vld [tilespmem:s19+$0x90]  }
0xc7: {  	v20 =	vshll.u32 v21, $0x4;
	v21 =	vand.u32 $0xFFFFFFF0, v21;
	v22 =	vld [tilespmem:s16+$0x30]  }
0xc8: {  	[tilespmem:v13+s10+$0x0] =	vst.idx.add.f32.msk $0xffff, v16;
	v13 =	vand.u32 $0xF0, v20;
	v16 =	vor.u32 v0, v20;
	v20 =	vshll.u32 v23, $0x4  }
0xc9: {  	[tilespmem:v11+s10+$0x0] =	vst.idx.add.f32.msk $0xffff, v3;
	v11 =	vand.u32 $0xFF, v16;
	v16 =	vand.u32 $0xF0, v20;
	v20 =	vor.u32 v0, v20  }
0xca: {  	[tilespmem:v14+s10+$0x0] =	vst.idx.add.f32.msk $0xffff, v10;
	v10 =	vadd.s32 v2, v13;
	v13 =	vand.u32 $0xFF, v20;
	v14 =	vadd.s32 v2, v16  }
0xcb: {  	[tilespmem:v19+s10+$0x0] =	vst.idx.add.f32.msk $0xffff, v3;
	v16 =	vshll.u32 v12, $0x4;
	v19 =	vand.u32 $0xFFFFFFF0, v23  }
0xcc: {  	[tilespmem:v17+s10+$0x0] =	vst.idx.add.f32.msk $0xffff, v18;
	v17 =	vor.u32 v0, v16;
	v18 =	vshll.u32 v22, $0x4;
	v20 =	vand.u32 $0xFFFFFFF0, v22  }
0xcd: {  	[tilespmem:v15+s10+$0x0] =	vst.idx.add.f32.msk $0xffff, v3;
	v15 =	vand.u32 $0xF0, v16;
	v16 =	vand.u32 $0xFF, v17;
	v17 =	vand.u32 $0xF0, v18  }
0xce: {  	v18 =	vor.u32 v0, v18;
	v22 =	vld [tilespmem:s19+$0xFFFFFF10];
	v15 =	vadd.s32 v2, v15;
	v17 =	vadd.s32 v2, v17  }
0xcf: {  	v18 =	vand.u32 $0xFF, v18;
	v23 =	vld [tilespmem:s19+$0xFFFFFF90]  }
0xd0: {  	v24 =	vld [tilespmem:s19+$0x10]  }
0xd1: {  	v12 =	vand.u32 $0xFFFFFFF0, v12;
	[tilespmem:v11+s10+$0x0] =	vst.idx.add.f32.msk $0xffff, v21  }
0xd2: {  	[tilespmem:v16+s10+$0x0] =	vst.idx.add.f32.msk $0xffff, v12  }
0xd3: {  	v11 =	vshll.u32 v22, $0x4;
	v12 =	vand.u32 $0xFFFFFFF0, v22;
	[tilespmem:v15+s10+$0x0] =	vst.idx.add.f32.msk $0xffff, v3  }
0xd4: {  	v15 =	vand.u32 $0xF0, v11;
	v11 =	vor.u32 v0, v11;
	v16 =	vshll.u32 v23, $0x4;
	v21 =	vld [tilespmem:s19+$0xA0]  }
0xd5: {  	v22 =	vand.u32 $0xF0, v16;
	v16 =	vor.u32 v0, v16;
	v25 =	vshll.u32 v24, $0x4;
	[tilespmem:v10+s10+$0x0] =	vst.idx.add.f32.msk $0xffff, v3  }
0xd6: {  	v10 =	vand.u32 $0xFF, v11;
	v11 =	vand.u32 $0xF0, v25;
	v25 =	vor.u32 v0, v25;
	[tilespmem:v13+s10+$0x0] =	vst.idx.add.f32.msk $0xffff, v19  }
0xd7: {  	v13 =	vadd.s32 v2, v15;
	v15 =	vand.u32 $0xFF, v16;
	v16 =	vadd.s32 v2, v22;
	[tilespmem:v14+s10+$0x0] =	vst.idx.add.f32.msk $0xffff, v3  }
0xd8: {  	v14 =	vand.u32 $0xFFFFFFF0, v23;
	v19 =	vand.u32 $0xFF, v25;
	v11 =	vadd.s32 v2, v11;
	[tilespmem:v18+s10+$0x0] =	vst.idx.add.f32.msk $0xffff, v20  }
0xd9: {  	v18 =	vand.u32 $0xFFFFFFF0, v24;
	v20 =	vshll.u32 v21, $0x4;
	[tilespmem:v17+s10+$0x0] =	vst.idx.add.f32.msk $0xffff, v3  }
0xda: {  	v17 =	vor.u32 v0, v20;
	v22 =	vld [tilespmem:s16+$0xFFFFFF40]  }
0xdb: {  	[tilespmem:v10+s10+$0x0] =	vst.idx.add.f32.msk $0xffff, v12;
	v10 =	vand.u32 $0xF0, v20;
	v12 =	vand.u32 $0xFF, v17  }
0xdc: {  	[tilespmem:v13+s10+$0x0] =	vst.idx.add.f32.msk $0xffff, v3;
	v10 =	vadd.s32 v2, v10  }
0xdd: {  	[tilespmem:v15+s10+$0x0] =	vst.idx.add.f32.msk $0xffff, v14  }
0xde: {  	[tilespmem:v16+s10+$0x0] =	vst.idx.add.f32.msk $0xffff, v3  }
0xdf: {  	v13 =	vand.u32 $0xFFFFFFF0, v21;
	[tilespmem:v19+s10+$0x0] =	vst.idx.add.f32.msk $0xffff, v18;
	v14 =	vshll.u32 v22, $0x4;
	v15 =	vand.u32 $0xFFFFFFF0, v22  }
0xe0: {  	[tilespmem:v12+s10+$0x0] =	vst.idx.add.f32.msk $0xffff, v13;
	v12 =	vand.u32 $0xF0, v14;
	v13 =	vor.u32 v0, v14  }
0xe1: {  	[tilespmem:v10+s10+$0x0] =	vst.idx.add.f32.msk $0xffff, v3;
	v13 =	vand.u32 $0xFF, v13;
	v12 =	vadd.s32 v2, v12  }
0xe2: {  	v14 =	vld [tilespmem:s19+$0xB0]  }
0xe3: {  	[tilespmem:v11+s10+$0x0] =	vst.idx.add.f32.msk $0xffff, v3  }
0xe4: {  	v11 =	vld [tilespmem:s19+$0xFFFFFF20]  }
0xe5: {  	v16 =	vld [tilespmem:s19+$0xFFFFFFA0]  }
0xe6: {  	v18 =	vld [tilespmem:s19+$0x20]  }
0xe7: {  	v17 =	vshll.u32 v14, $0x4;
	v19 =	vld [tilespmem:s16+$0xFFFFFFC0]  }
0xe8: {  	v20 =	vor.u32 v0, v17;
	v10 =	vld [tilespmem:s16+$0x40];
	s16 =	smov.u32 s19  }
0xe9: {  	v17 =	vand.u32 $0xF0, v17;
	v21 =	vshll.u32 v11, $0x4;
	v20 =	vand.u32 $0xFF, v20;
	[tilespmem:v13+s10+$0x0] =	vst.idx.add.f32.msk $0xffff, v15  }
0xea: {  	v22 =	vadd.s32 v2, v17;
	v13 =	vand.u32 $0xF0, v21;
	v15 =	vshll.u32 v16, $0x4;
	[tilespmem:v12+s10+$0x0] =	vst.idx.add.f32.msk $0xffff, v3  }
0xeb: {  	v12 =	vor.u32 v0, v21;
	v17 =	vand.u32 $0xF0, v15;
	v21 =	vshll.u32 v18, $0x4;
	[tilespmem:v7+s10+$0x0] =	vst.idx.add.f32.msk $0xffff, v8  }
0xec: {  	v7 =	vor.u32 v0, v15;
	v8 =	vand.u32 $0xF0, v21;
	v21 =	vor.u32 v0, v21;
	[tilespmem:v5+s10+$0x0] =	vst.idx.add.f32.msk $0xffff, v3  }
0xed: {  	v23 =	vadd.s32 v2, v13;
	v13 =	vand.u32 $0xFFFFFFF0, v14;
	v5 =	vand.u32 $0xFF, v12;
	[tilespmem:v6+s10+$0x0] =	vst.idx.add.f32.msk $0xffff, v9  }
0xee: {  	v15 =	vand.u32 $0xFF, v7;
	v14 =	vadd.s32 v2, v17;
	v12 =	vand.u32 $0xFF, v21;
	[tilespmem:v20+s10+$0x0] =	vst.idx.add.f32.msk $0xffff, v13  }
.Ltmp4:
0xef: {  	v17 =	vand.u32 $0xFFFFFFF0, v16;
	v6 =	vand.u32 $0xFFFFFFF0, v11;
	v13 =	vadd.s32 v2, v8;
	[tilespmem:v22+s10+$0x0] =	vst.idx.add.f32.msk $0xffff, v3;
	(pc) =	sbr.rel @p1 .LBB2_3-.Ltmp4, $4  }
0xf0: {  	v16 =	vand.u32 $0xFFFFFFF0, v18;
	v7 =	vshll.u32 v19, $0x4;
	v8 =	vshll.u32 v10, $0x4;
	v11 =	vld [tilespmem:s19+$0xC0]  }
0xf1: {  	v9 =	vand.u32 $0xF0, v7;
	v7 =	vor.u32 v0, v7;
	v18 =	vand.u32 $0xF0, v8;
	[tilespmem:v4+s10+$0x0] =	vst.idx.add.f32.msk $0xffff, v3  }
0xf2: {  	v7 =	vand.u32 $0xFF, v7;
	v4 =	vor.u32 v0, v8;
	[tilespmem:v5+s10+$0x0] =	vst.idx.add.f32.msk $0xffff, v6;
	v5 =	vadd.s32 v2, v9  }
0xf3: {  	s19 =	sadd.s32 $0x200, s19;
	v8 =	vand.u32 $0xFFFFFFF0, v19;
	v6 =	vand.u32 $0xFF, v4;
	v4 =	vadd.s32 v2, v18;
	[tilespmem:v23+s10+$0x0] =	vst.idx.add.f32.msk $0xffff, v3  }
0xf4: {  	_ =	sdelay $0x2  }
0xf5: {  	v9 =	vld [tilespmem:s16+$0xFFFFFF30]  }
0xf6: {  	[tilespmem:v15+s10+$0x0] =	vst.idx.add.f32.msk $0xffff, v17  }
0xf7: {  	[tilespmem:v14+s10+$0x0] =	vst.idx.add.f32.msk $0xffff, v3  }
0xf8: {  	v43 =	vld [tilespmem:s16+$0xFFFFFFB0]  }
0xf9: {  	[tilespmem:v12+s10+$0x0] =	vst.idx.add.f32.msk $0xffff, v16  }
0xfa: {  	[tilespmem:v13+s10+$0x0] =	vst.idx.add.f32.msk $0xffff, v3;
	v44 =	vshll.u32 v9, $0x4  }
0xfb: {  	v46 =	vld [tilespmem:s16+$0x30];
	v45 =	vor.u32 v0, v44  }
0xfc: {  	v14 =	vand.u32 $0xF0, v44;
	v13 =	vand.u32 $0xFF, v45  }
0xfd: {  	v14 =	vadd.s32 v2, v14;
	v47 =	vshll.u32 v43, $0x4  }
0xfe: {  	v48 =	vor.u32 v0, v47  }
0xff: {  	v16 =	vand.u32 $0xF0, v47;
	v17 =	vand.u32 $0xFF, v48  }
0x100: {  	v9 =	vand.u32 $0xFFFFFFF0, v9;
	v18 =	vshll.u32 v46, $0x4;
	v49 =	vadd.s32 v2, v16  }
0x101: {  	v50 =	vor.u32 v0, v18;
	[tilespmem:v13+s10+$0x0] =	vst.idx.add.f32.msk $0xffff, v9  }
0x102: {  	v51 =	vand.u32 $0xF0, v18;
	v13 =	vand.u32 $0xFF, v50;
	[tilespmem:v14+s10+$0x0] =	vst.idx.add.f32.msk $0xffff, v3  }
0x103: {  	v12 =	vand.u32 $0xFFFFFFF0, v43;
	v16 =	vadd.s32 v2, v51;
	v14 =	vld [tilespmem:s16+$0xFFFFFF40]  }
0x104: {  	[tilespmem:v17+s10+$0x0] =	vst.idx.add.f32.msk $0xffff, v12  }
0x105: {  	[tilespmem:v49+s10+$0x0] =	vst.idx.add.f32.msk $0xffff, v3  }
0x106: {  	v52 =	vshll.u32 v11, $0x4;
	v15 =	vand.u32 $0xFFFFFFF0, v46;
	v17 =	vld [tilespmem:s16+$0xFFFFFFC0]  }
0x107: {  	v53 =	vor.u32 v0, v52;
	[tilespmem:v13+s10+$0x0] =	vst.idx.add.f32.msk $0xffff, v15  }
0x108: {  	v54 =	vand.u32 $0xF0, v52;
	v12 =	vand.u32 $0xFF, v53;
	[tilespmem:v16+s10+$0x0] =	vst.idx.add.f32.msk $0xffff, v3  }
0x109: {  	v9 =	vadd.s32 v2, v54;
	v16 =	vld [tilespmem:s16+$0x40]  }
0x10a: {  	v55 =	vshll.u32 v14, $0x4  }
0x10b: {  	[tilespmem:v7+s10+$0x0] =	vst.idx.add.f32.msk $0xffff, v8;
	v57 =	vand.u32 $0xFFFFFFF0, v11;
	v56 =	vor.u32 v0, v55  }
0x10c: {  	[tilespmem:v5+s10+$0x0] =	vst.idx.add.f32.msk $0xffff, v3;
	v13 =	vand.u32 $0xF0, v55;
	v15 =	vand.u32 $0xFF, v56;
	v59 =	vshll.u32 v17, $0x4  }
0x10d: {  	v10 =	vand.u32 $0xFFFFFFF0, v10;
	[tilespmem:v12+s10+$0x0] =	vst.idx.add.f32.msk $0xffff, v57;
	v13 =	vadd.s32 v2, v13;
	v60 =	vor.u32 v0, v59  }
0x10e: {  	[tilespmem:v9+s10+$0x0] =	vst.idx.add.f32.msk $0xffff, v3;
	v11 =	vand.u32 $0xF0, v59;
	v9 =	vand.u32 $0xFF, v60;
	v61 =	vshll.u32 v16, $0x4  }
0x10f: {  	[tilespmem:v6+s10+$0x0] =	vst.idx.add.f32.msk $0xffff, v10;
	v62 =	vadd.s32 v2, v11;
	v63 =	vor.u32 v0, v61  }
0x110: {  	[tilespmem:v4+s10+$0x0] =	vst.idx.add.f32.msk $0xffff, v3;
	v58 =	vand.u32 $0xFFFFFFF0, v14;
	v5 =	vand.u32 $0xF0, v61;
	v8 =	vand.u32 $0xFF, v63  }
0x111: {  	[tilespmem:v15+s10+$0x0] =	vst.idx.add.f32.msk $0xffff, v58;
	v5 =	vadd.s32 v2, v5  }
.Ltmp5:
0x112: {  	v4 =	vand.u32 $0xFFFFFFF0, v17;
	[tilespmem:v13+s10+$0x0] =	vst.idx.add.f32.msk $0xffff, v3;
	(pc) =	sbr.rel @p0 .LBB2_8-.Ltmp5, $4  }
0x113: {  	[tilespmem:v9+s10+$0x0] =	vst.idx.add.f32.msk $0xffff, v4  }
0x114: {  	v4 =	vand.u32 $0xFFFFFFF0, v16;
	[tilespmem:v62+s10+$0x0] =	vst.idx.add.f32.msk $0xffff, v3  }
0x115: {  	[tilespmem:v8+s10+$0x0] =	vst.idx.add.f32.msk $0xffff, v4  }
0x116: {  	[tilespmem:v5+s10+$0x0] =	vst.idx.add.f32.msk $0xffff, v3  }
0x117: {  	s16 =	sadd.s32 $0x2, s17  }
0x118: {  	p0 =	sge.u32 s16, s5  }
0x119: {  	s16 =	sshll.u32 @!p0 s16, $0x5  }
0x11a: {  	s16 =	sor.u32 @!p0 s3, s16  }
0x11b: {  	_ =	swait.ge [sflag:s11], $0x6400;
	s16 =	smul.u32 @!p0 $0xC80, s16  }
0x11c: {  	s31 =	simm.s32 $0x6500;
	[sflag:s11] =	ssyncset.done $0x0  }
0x11d: {  	[sflag:s11] =	ssyncadd.s32 $0xFFFF9C00;
	s17 =	simm.s32 @!p0 $0x0;
	s16 =	sadd.s32 @!p0 s4, s16  }
0x11e: {  	[tilespmem:s17], [sflag:$0x1] =	stream.linear.gather @!p0 [hbm4b:s16+s17], $0x6400, $0x38;
	[tilespmem:$0xCD80] =	vst v63  }
0x11f: {  	v4 =	vld [tilespmem:s31+$0x80];
	_ =	sdelay $0x4  }
0x120: {  	v5 =	vshll.u32 v4, $0x4  }
0x121: {  	v6 =	vor.u32 v0, v5  }
0x122: {  	v5 =	vand.u32 $0xF0, v5;
	v6 =	vand.u32 $0xFF, v6  }
0x123: {  	v5 =	vadd.s32 v2, v5;
	_ =	sdelay $0x2  }
0x124: {  	v4 =	vand.u32 $0xFFFFFFF0, v4  }
0x125: {  	[tilespmem:v6+s10+$0x0] =	vst.idx.add.f32.msk $0xffff, v4  }
0x126: {  	[tilespmem:v5+s10+$0x0] =	vst.idx.add.f32.msk $0xffff, v3  }
0x127: {  	v4 =	vld [tilespmem:s31+$0x90];
	_ =	sdelay $0x3  }
0x128: {  	v5 =	vld [tilespmem:s31+$0xFFFFFF00]  }
0x129: {  	v6 =	vshll.u32 v4, $0x4  }
0x12a: {  	v7 =	vor.u32 v0, v6  }
0x12b: {  	v8 =	vld [tilespmem:s31+$0xFFFFFF80];
	v6 =	vand.u32 $0xF0, v6;
	v7 =	vand.u32 $0xFF, v7  }
0x12c: {  	v6 =	vadd.s32 v2, v6  }
0x12d: {  	v9 =	vld [tilespmem:s31+$0x0];
	v10 =	vshll.u32 v5, $0x4  }
0x12e: {  	v11 =	vor.u32 v0, v10  }
0x12f: {  	v10 =	vand.u32 $0xF0, v10;
	v4 =	vand.u32 $0xFFFFFFF0, v4;
	v11 =	vand.u32 $0xFF, v11  }
0x130: {  	v12 =	vshll.u32 v8, $0x4;
	v10 =	vadd.s32 v2, v10;
	[tilespmem:v7+s10+$0x0] =	vst.idx.add.f32.msk $0xffff, v4  }
0x131: {  	v4 =	vor.u32 v0, v12;
	[tilespmem:v6+s10+$0x0] =	vst.idx.add.f32.msk $0xffff, v3  }
0x132: {  	v7 =	vand.u32 $0xF0, v12;
	v6 =	vshll.u32 v9, $0x4;
	v4 =	vand.u32 $0xFF, v4;
	v12 =	vld [tilespmem:s31+$0xA0]  }
0x133: {  	v5 =	vand.u32 $0xFFFFFFF0, v5;
	v7 =	vadd.s32 v2, v7;
	v13 =	vor.u32 v0, v6  }
0x134: {  	[tilespmem:v11+s10+$0x0] =	vst.idx.add.f32.msk $0xffff, v5;
	v13 =	vand.u32 $0xFF, v13  }
0x135: {  	[tilespmem:v10+s10+$0x0] =	vst.idx.add.f32.msk $0xffff, v3;
	v5 =	vand.u32 $0xF0, v6  }
0x136: {  	v6 =	vand.u32 $0xFFFFFFF0, v8;
	v8 =	vld [tilespmem:s31+$0xFFFFFF10];
	v5 =	vadd.s32 v2, v5  }
0x137: {  	[tilespmem:v4+s10+$0x0] =	vst.idx.add.f32.msk $0xffff, v6;
	v4 =	vshll.u32 v12, $0x4  }
0x138: {  	v6 =	vand.u32 $0xFFFFFFF0, v9;
	[tilespmem:v7+s10+$0x0] =	vst.idx.add.f32.msk $0xffff, v3;
	v7 =	vor.u32 v0, v4  }
0x139: {  	[tilespmem:v13+s10+$0x0] =	vst.idx.add.f32.msk $0xffff, v6;
	v4 =	vand.u32 $0xF0, v4;
	v6 =	vand.u32 $0xFF, v7  }
0x13a: {  	v7 =	vld [tilespmem:s31+$0xFFFFFF90];
	v4 =	vadd.s32 v2, v4  }
0x13b: {  	[tilespmem:v5+s10+$0x0] =	vst.idx.add.f32.msk $0xffff, v3;
	v5 =	vshll.u32 v8, $0x4  }
0x13c: {  	v9 =	vld [tilespmem:s31+$0x10];
	v10 =	vor.u32 v0, v5  }
0x13d: {  	v11 =	vand.u32 $0xFFFFFFF0, v12;
	v5 =	vand.u32 $0xF0, v5;
	v10 =	vand.u32 $0xFF, v10  }
0x13e: {  	v5 =	vadd.s32 v2, v5;
	[tilespmem:v6+s10+$0x0] =	vst.idx.add.f32.msk $0xffff, v11  }
0x13f: {  	v6 =	vshll.u32 v7, $0x4;
	[tilespmem:v4+s10+$0x0] =	vst.idx.add.f32.msk $0xffff, v3  }
0x140: {  	v4 =	vand.u32 $0xFFFFFFF0, v8;
	v8 =	vor.u32 v0, v6;
	v11 =	vld [tilespmem:s31+$0xB0]  }
0x141: {  	v6 =	vand.u32 $0xF0, v6;
	v12 =	vshll.u32 v9, $0x4;
	v8 =	vand.u32 $0xFF, v8  }
0x142: {  	v13 =	vor.u32 v0, v12;
	v6 =	vadd.s32 v2, v6;
	[tilespmem:v10+s10+$0x0] =	vst.idx.add.f32.msk $0xffff, v4  }
0x143: {  	v4 =	vand.u32 $0xFF, v13;
	[tilespmem:v5+s10+$0x0] =	vst.idx.add.f32.msk $0xffff, v3  }
0x144: {  	v5 =	vand.u32 $0xF0, v12;
	v10 =	vld [tilespmem:s31+$0xFFFFFF20]  }
0x145: {  	v7 =	vand.u32 $0xFFFFFFF0, v7;
	v5 =	vadd.s32 v2, v5;
	v12 =	vshll.u32 v11, $0x4  }
0x146: {  	[tilespmem:v8+s10+$0x0] =	vst.idx.add.f32.msk $0xffff, v7;
	v7 =	vor.u32 v0, v12  }
0x147: {  	v8 =	vand.u32 $0xFFFFFFF0, v9;
	[tilespmem:v6+s10+$0x0] =	vst.idx.add.f32.msk $0xffff, v3;
	v6 =	vand.u32 $0xFF, v7  }
0x148: {  	[tilespmem:v4+s10+$0x0] =	vst.idx.add.f32.msk $0xffff, v8  }
0x149: {  	v4 =	vand.u32 $0xF0, v12;
	v7 =	vld [tilespmem:s31+$0xFFFFFFA0];
	v8 =	vshll.u32 v10, $0x4  }
0x14a: {  	v4 =	vadd.s32 v2, v4;
	[tilespmem:v5+s10+$0x0] =	vst.idx.add.f32.msk $0xffff, v3;
	v5 =	vor.u32 v0, v8  }
0x14b: {  	v11 =	vand.u32 $0xFFFFFFF0, v11;
	v9 =	vld [tilespmem:s31+$0x20];
	v5 =	vand.u32 $0xFF, v5  }
0x14c: {  	s16 =	simm.s32 $0x6700;
	v8 =	vand.u32 $0xF0, v8;
	[tilespmem:v6+s10+$0x0] =	vst.idx.add.f32.msk $0xffff, v11  }
0x14d: {  	v8 =	vadd.s32 v2, v8;
	v6 =	vld [tilespmem:s16+$0x80]  }
0x14e: {  	v14 =	vld [tilespmem:s16+$0xFFFFFF80];
	v11 =	vshll.u32 v7, $0x4  }
0x14f: {  	v10 =	vand.u32 $0xFFFFFFF0, v10;
	[tilespmem:v4+s10+$0x0] =	vst.idx.add.f32.msk $0xffff, v3;
	v4 =	vor.u32 v0, v11  }
0x150: {  	v11 =	vand.u32 $0xF0, v11;
	v13 =	vshll.u32 v9, $0x4;
	v4 =	vand.u32 $0xFF, v4;
	[tilespmem:v5+s10+$0x0] =	vst.idx.add.f32.msk $0xffff, v10  }
0x151: {  	v5 =	vor.u32 v0, v13;
	v10 =	vadd.s32 v2, v11;
	v11 =	vld [tilespmem:s16+$0xFFFFFF00]  }
0x152: {  	[tilespmem:v8+s10+$0x0] =	vst.idx.add.f32.msk $0xffff, v3;
	v8 =	vand.u32 $0xF0, v13;
	v5 =	vand.u32 $0xFF, v5;
	v13 =	vshll.u32 v6, $0x4  }
0x153: {  	v16 =	vld [tilespmem:s16+$0x0];
	v8 =	vadd.s32 v2, v8;
	v15 =	vor.u32 v0, v13  }
0x154: {  	v7 =	vand.u32 $0xFFFFFFF0, v7;
	v12 =	vld [tilespmem:s31+$0xC0];
	v13 =	vand.u32 $0xF0, v13;
	v15 =	vand.u32 $0xFF, v15  }
0x155: {  	[tilespmem:v4+s10+$0x0] =	vst.idx.add.f32.msk $0xffff, v7;
	v4 =	vadd.s32 v2, v13  }
0x156: {  	v7 =	vand.u32 $0xFFFFFFF0, v9;
	v13 =	vld [tilespmem:s31+$0xFFFFFF30]  }
0x157: {  	[tilespmem:v5+s10+$0x0] =	vst.idx.add.f32.msk $0xffff, v7;
	v5 =	vshll.u32 v11, $0x4  }
0x158: {  	v6 =	vand.u32 $0xFFFFFFF0, v6;
	[tilespmem:v8+s10+$0x0] =	vst.idx.add.f32.msk $0xffff, v3;
	v7 =	vor.u32 v0, v5  }
0x159: {  	v8 =	vshll.u32 v14, $0x4;
	v5 =	vand.u32 $0xF0, v5;
	v7 =	vand.u32 $0xFF, v7;
	[tilespmem:v15+s10+$0x0] =	vst.idx.add.f32.msk $0xffff, v6  }
0x15a: {  	v5 =	vadd.s32 v2, v5;
	v6 =	vor.u32 v0, v8;
	[tilespmem:v4+s10+$0x0] =	vst.idx.add.f32.msk $0xffff, v3  }
0x15b: {  	v8 =	vand.u32 $0xF0, v8;
	v4 =	vshll.u32 v16, $0x4;
	v6 =	vand.u32 $0xFF, v6;
	v9 =	vld [tilespmem:s16+$0x90]  }
0x15c: {  	[tilespmem:v10+s10+$0x0] =	vst.idx.add.f32.msk $0xffff, v3;
	v8 =	vadd.s32 v2, v8;
	v10 =	vor.u32 v0, v4  }
0x15d: {  	v11 =	vand.u32 $0xFFFFFFF0, v11;
	v15 =	vld [tilespmem:s31+$0xFFFFFFB0];
	v4 =	vand.u32 $0xF0, v4;
	v10 =	vand.u32 $0xFF, v10  }
0x15e: {  	v4 =	vadd.s32 v2, v4;
	[tilespmem:v7+s10+$0x0] =	vst.idx.add.f32.msk $0xffff, v11  }
0x15f: {  	v7 =	vand.u32 $0xFFFFFFF0, v14;
	[tilespmem:v5+s10+$0x0] =	vst.idx.add.f32.msk $0xffff, v3  }
0x160: {  	[tilespmem:v6+s10+$0x0] =	vst.idx.add.f32.msk $0xffff, v7;
	v5 =	vshll.u32 v9, $0x4  }
0x161: {  	v6 =	vand.u32 $0xFFFFFFF0, v16;
	[tilespmem:v8+s10+$0x0] =	vst.idx.add.f32.msk $0xffff, v3;
	v7 =	vor.u32 v0, v5  }
0x162: {  	[tilespmem:v10+s10+$0x0] =	vst.idx.add.f32.msk $0xffff, v6;
	v5 =	vand.u32 $0xF0, v5;
	v6 =	vand.u32 $0xFF, v7  }
0x163: {  	v7 =	vshll.u32 v12, $0x4;
	[tilespmem:v4+s10+$0x0] =	vst.idx.add.f32.msk $0xffff, v3;
	v4 =	vadd.s32 v2, v5  }
0x164: {  	v8 =	vld [tilespmem:s16+$0xFFFFFF10];
	v5 =	vor.u32 v0, v7  }
0x165: {  	v10 =	vshll.u32 v13, $0x4;
	v11 =	vld [tilespmem:s16+$0xFFFFFF90];
	v5 =	vand.u32 $0xFF, v5  }
0x166: {  	v9 =	vand.u32 $0xFFFFFFF0, v9;
	v14 =	vor.u32 v0, v10;
	v16 =	vld [tilespmem:s16+$0x10]  }
0x167: {  	v17 =	vshll.u32 v15, $0x4;
	v10 =	vand.u32 $0xF0, v10;
	v14 =	vand.u32 $0xFF, v14;
	[tilespmem:v6+s10+$0x0] =	vst.idx.add.f32.msk $0xffff, v9  }
0x168: {  	v6 =	vor.u32 v0, v17;
	v9 =	vadd.s32 v2, v10;
	[tilespmem:v4+s10+$0x0] =	vst.idx.add.f32.msk $0xffff, v3  }
0x169: {  	v10 =	vshll.u32 v8, $0x4;
	v4 =	vand.u32 $0xFFFFFFF0, v12;
	v6 =	vand.u32 $0xFF, v6;
	v12 =	vld [tilespmem:s16+$0xA0]  }
0x16a: {  	v18 =	vshll.u32 v11, $0x4;
	[tilespmem:v5+s10+$0x0] =	vst.idx.add.f32.msk $0xffff, v4;
	v5 =	vor.u32 v0, v10  }
0x16b: {  	v4 =	vand.u32 $0xFFFFFFF0, v13;
	v13 =	vld [tilespmem:s31+$0x30];
	v10 =	vand.u32 $0xF0, v10;
	v5 =	vand.u32 $0xFF, v5  }
0x16c: {  	v15 =	vand.u32 $0xFFFFFFF0, v15;
	[tilespmem:v14+s10+$0x0] =	vst.idx.add.f32.msk $0xffff, v4;
	v4 =	vor.u32 v0, v18;
	v10 =	vadd.s32 v2, v10  }
0x16d: {  	v14 =	vand.u32 $0xF0, v18;
	v18 =	vshll.u32 v16, $0x4;
	v4 =	vand.u32 $0xFF, v4;
	[tilespmem:v9+s10+$0x0] =	vst.idx.add.f32.msk $0xffff, v3  }
0x16e: {  	v9 =	vor.u32 v0, v18;
	[tilespmem:v6+s10+$0x0] =	vst.idx.add.f32.msk $0xffff, v15;
	v6 =	vadd.s32 v2, v14  }
0x16f: {  	v8 =	vand.u32 $0xFFFFFFF0, v8;
	v9 =	vand.u32 $0xFF, v9;
	v19 =	vld [tilespmem:s31+$0xFFFFFF40];
	v14 =	vshll.u32 v12, $0x4  }
0x170: {  	v15 =	vor.u32 v0, v14;
	[tilespmem:v5+s10+$0x0] =	vst.idx.add.f32.msk $0xffff, v8  }
0x171: {  	v11 =	vand.u32 $0xFFFFFFF0, v11;
	v5 =	vand.u32 $0xF0, v14;
	v8 =	vand.u32 $0xFF, v15;
	[tilespmem:v10+s10+$0x0] =	vst.idx.add.f32.msk $0xffff, v3  }
0x172: {  	v5 =	vadd.s32 v2, v5;
	v10 =	vand.u32 $0xF0, v18;
	[tilespmem:v4+s10+$0x0] =	vst.idx.add.f32.msk $0xffff, v11  }
0x173: {  	v7 =	vand.u32 $0xF0, v7;
	v4 =	vadd.s32 v2, v10;
	v10 =	vand.u32 $0xFFFFFFF0, v16;
	[tilespmem:v6+s10+$0x0] =	vst.idx.add.f32.msk $0xffff, v3  }
0x174: {  	v7 =	vadd.s32 v2, v7;
	[tilespmem:v9+s10+$0x0] =	vst.idx.add.f32.msk $0xffff, v10  }
0x175: {  	v6 =	vand.u32 $0xFFFFFFF0, v12;
	v11 =	vld [tilespmem:s16+$0xFFFFFFA0]  }
0x176: {  	[tilespmem:v8+s10+$0x0] =	vst.idx.add.f32.msk $0xffff, v6  }
0x177: {  	v6 =	vand.u32 $0xF0, v17;
	v8 =	vshll.u32 v13, $0x4;
	[tilespmem:v5+s10+$0x0] =	vst.idx.add.f32.msk $0xffff, v3  }
0x178: {  	v5 =	vadd.s32 v2, v6;
	v6 =	vor.u32 v0, v8;
	v9 =	vld [tilespmem:s16+$0xB0]  }
0x179: {  	[tilespmem:v7+s10+$0x0] =	vst.idx.add.f32.msk $0xffff, v3;
	v6 =	vand.u32 $0xFF, v6  }
0x17a: {  	v10 =	vshll.u32 v19, $0x4;
	v8 =	vand.u32 $0xF0, v8;
	[tilespmem:v4+s10+$0x0] =	vst.idx.add.f32.msk $0xffff, v3  }
0x17b: {  	v12 =	vand.u32 $0xFFFFFFF0, v13;
	v13 =	vor.u32 v0, v10;
	v4 =	vadd.s32 v2, v8;
	v16 =	vld [tilespmem:s16+$0x20]  }
0x17c: {  	v13 =	vand.u32 $0xFF, v13;
	v8 =	vld [tilespmem:s16+$0xFFFFFF20]  }
0x17d: {  	v14 =	vshll.u32 v11, $0x4;
	[tilespmem:v5+s10+$0x0] =	vst.idx.add.f32.msk $0xffff, v3;
	v5 =	vand.u32 $0xF0, v10;
	v10 =	vshll.u32 v9, $0x4  }
0x17e: {  	v20 =	vand.u32 $0xF0, v14;
	[tilespmem:v6+s10+$0x0] =	vst.idx.add.f32.msk $0xffff, v12;
	v12 =	vor.u32 v0, v10  }
0x17f: {  	v6 =	vand.u32 $0xFFFFFFF0, v19;
	v18 =	vld [tilespmem:s31+$0xFFFFFFC0];
	v10 =	vand.u32 $0xF0, v10;
	v17 =	vand.u32 $0xFF, v12  }
0x180: {  	v5 =	vadd.s32 v2, v5;
	v15 =	vshll.u32 v16, $0x4;
	[tilespmem:v4+s10+$0x0] =	vst.idx.add.f32.msk $0xffff, v3;
	v19 =	vadd.s32 v2, v10  }
0x181: {  	v7 =	vand.u32 $0xFFFFFFF0, v9;
	v16 =	vand.u32 $0xFFFFFFF0, v16;
	v4 =	vshll.u32 v8, $0x4;
	[tilespmem:v13+s10+$0x0] =	vst.idx.add.f32.msk $0xffff, v6  }
0x182: {  	v6 =	vor.u32 v0, v14;
	v12 =	vand.u32 $0xF0, v4;
	v10 =	vld [tilespmem:s31+$0x40];
	v4 =	vor.u32 v0, v4  }
0x183: {  	v13 =	vand.u32 $0xF0, v15;
	v21 =	vor.u32 v0, v15;
	v4 =	vand.u32 $0xFF, v4  }
0x184: {  	v14 =	vadd.s32 v2, v20;
	v15 =	vand.u32 $0xFF, v6;
	v22 =	vadd.s32 v2, v12;
	[tilespmem:v17+s10+$0x0] =	vst.idx.add.f32.msk $0xffff, v7  }
0x185: {  	v13 =	vadd.s32 v2, v13;
	v12 =	vand.u32 $0xFF, v21;
	v6 =	vshll.u32 v18, $0x4;
	[tilespmem:v19+s10+$0x0] =	vst.idx.add.f32.msk $0xffff, v3  }
0x186: {  	v9 =	vand.u32 $0xF0, v6;
	v6 =	vor.u32 v0, v6;
	v17 =	vand.u32 $0xFFFFFFF0, v11;
	v11 =	vld [tilespmem:s16+$0xC0]  }
0x187: {  	[tilespmem:v5+s10+$0x0] =	vst.idx.add.f32.msk $0xffff, v3;
	v5 =	vand.u32 $0xFFFFFFF0, v8;
	v8 =	vshll.u32 v10, $0x4;
	v7 =	vand.u32 $0xFF, v6  }
0x188: {  	v19 =	vand.u32 $0xF0, v8;
	[tilespmem:v4+s10+$0x0] =	vst.idx.add.f32.msk $0xffff, v5;
	v5 =	vadd.s32 v2, v9;
	v4 =	vor.u32 v0, v8  }
0x189: {  	s18 =	simm.s32 $0x6900;
	s17 =	simm.s32 $0x4;
	v8 =	vand.u32 $0xFFFFFFF0, v18;
	[tilespmem:v22+s10+$0x0] =	vst.idx.add.f32.msk $0xffff, v3;
	v6 =	vand.u32 $0xFF, v4;
	v4 =	vadd.s32 v2, v19  }
.LBB2_6:
0x18a: {  	v18 =	vld [tilespmem:s18+$0x80];
	v9 =	vand.u32 $0xFFFFFFF0, v10  }
0x18b: {  	v10 =	vld [tilespmem:s18+$0xFFFFFF80];
	v19 =	vshll.u32 v11, $0x4  }
0x18c: {  	v20 =	vld [tilespmem:s18+$0x0];
	v21 =	vor.u32 v0, v19  }
0x18d: {  	v19 =	vand.u32 $0xF0, v19;
	v22 =	vld [tilespmem:s18+$0xFFFFFF00];
	v21 =	vand.u32 $0xFF, v21  }
0x18e: {  	[tilespmem:v15+s10+$0x0] =	vst.idx.add.f32.msk $0xffff, v17;
	v15 =	vadd.s32 v2, v19  }
0x18f: {  	s17 =	sadd.s32 $0x4, s17;
	v17 =	vshll.u32 v18, $0x4;
	[tilespmem:v14+s10+$0x0] =	vst.idx.add.f32.msk $0xffff, v3  }
0x190: {  	p0 =	slt.u32 s17, $0xC4;
	v14 =	vshll.u32 v10, $0x4;
	v10 =	vand.u32 $0xFFFFFFF0, v10;
	v19 =	vor.u32 v0, v17;
	[tilespmem:v12+s10+$0x0] =	vst.idx.add.f32.msk $0xffff, v16  }
0x191: {  	v11 =	vand.u32 $0xFFFFFFF0, v11;
	v12 =	vand.u32 $0xF0, v17;
	v16 =	vand.u32 $0xFF, v19;
	[tilespmem:v13+s10+$0x0] =	vst.idx.add.f32.msk $0xffff, v3  }
0x192: {  	v17 =	vshll.u32 v20, $0x4;
	v12 =	vadd.s32 v2, v12;
	v13 =	vshll.u32 v22, $0x4;
	[tilespmem:v21+s10+$0x0] =	vst.idx.add.f32.msk $0xffff, v11  }
0x193: {  	v19 =	vand.u32 $0xF0, v14;
	v11 =	vand.u32 $0xF0, v13;
	v13 =	vor.u32 v0, v13;
	[tilespmem:v15+s10+$0x0] =	vst.idx.add.f32.msk $0xffff, v3  }
0x194: {  	v14 =	vor.u32 v0, v14;
	v15 =	vand.u32 $0xF0, v17;
	v17 =	vor.u32 v0, v17;
	v21 =	vld [tilespmem:s16+$0xFFFFFF30]  }
0x195: {  	v18 =	vand.u32 $0xFFFFFFF0, v18;
	v13 =	vand.u32 $0xFF, v13;
	v11 =	vadd.s32 v2, v11;
	v23 =	vld [tilespmem:s16+$0xFFFFFFB0]  }
0x196: {  	v14 =	vand.u32 $0xFF, v14;
	v19 =	vadd.s32 v2, v19;
	v17 =	vand.u32 $0xFF, v17;
	[tilespmem:v16+s10+$0x0] =	vst.idx.add.f32.msk $0xffff, v18  }
0x197: {  	v15 =	vadd.s32 v2, v15;
	v16 =	vand.u32 $0xFFFFFFF0, v22;
	v18 =	vand.u32 $0xFFFFFFF0, v20;
	[tilespmem:v12+s10+$0x0] =	vst.idx.add.f32.msk $0xffff, v3  }
0x198: {  	v12 =	vld [tilespmem:s18+$0x90]  }
0x199: {  	v20 =	vshll.u32 v21, $0x4;
	v21 =	vand.u32 $0xFFFFFFF0, v21;
	v22 =	vld [tilespmem:s16+$0x30]  }
0x19a: {  	[tilespmem:v13+s10+$0x0] =	vst.idx.add.f32.msk $0xffff, v16;
	v13 =	vand.u32 $0xF0, v20;
	v16 =	vor.u32 v0, v20;
	v20 =	vshll.u32 v23, $0x4  }
0x19b: {  	[tilespmem:v11+s10+$0x0] =	vst.idx.add.f32.msk $0xffff, v3;
	v11 =	vand.u32 $0xFF, v16;
	v16 =	vand.u32 $0xF0, v20;
	v20 =	vor.u32 v0, v20  }
0x19c: {  	[tilespmem:v14+s10+$0x0] =	vst.idx.add.f32.msk $0xffff, v10;
	v10 =	vadd.s32 v2, v13;
	v13 =	vand.u32 $0xFF, v20;
	v14 =	vadd.s32 v2, v16  }
0x19d: {  	[tilespmem:v19+s10+$0x0] =	vst.idx.add.f32.msk $0xffff, v3;
	v16 =	vshll.u32 v12, $0x4;
	v19 =	vand.u32 $0xFFFFFFF0, v23  }
0x19e: {  	[tilespmem:v17+s10+$0x0] =	vst.idx.add.f32.msk $0xffff, v18;
	v17 =	vor.u32 v0, v16;
	v18 =	vshll.u32 v22, $0x4;
	v20 =	vand.u32 $0xFFFFFFF0, v22  }
0x19f: {  	[tilespmem:v15+s10+$0x0] =	vst.idx.add.f32.msk $0xffff, v3;
	v15 =	vand.u32 $0xF0, v16;
	v16 =	vand.u32 $0xFF, v17;
	v17 =	vand.u32 $0xF0, v18  }
0x1a0: {  	v18 =	vor.u32 v0, v18;
	v22 =	vld [tilespmem:s18+$0xFFFFFF10];
	v15 =	vadd.s32 v2, v15;
	v17 =	vadd.s32 v2, v17  }
0x1a1: {  	v18 =	vand.u32 $0xFF, v18;
	v23 =	vld [tilespmem:s18+$0xFFFFFF90]  }
0x1a2: {  	v24 =	vld [tilespmem:s18+$0x10]  }
0x1a3: {  	v12 =	vand.u32 $0xFFFFFFF0, v12;
	[tilespmem:v11+s10+$0x0] =	vst.idx.add.f32.msk $0xffff, v21  }
0x1a4: {  	[tilespmem:v16+s10+$0x0] =	vst.idx.add.f32.msk $0xffff, v12  }
0x1a5: {  	v11 =	vshll.u32 v22, $0x4;
	v12 =	vand.u32 $0xFFFFFFF0, v22;
	[tilespmem:v15+s10+$0x0] =	vst.idx.add.f32.msk $0xffff, v3  }
0x1a6: {  	v15 =	vand.u32 $0xF0, v11;
	v11 =	vor.u32 v0, v11;
	v16 =	vshll.u32 v23, $0x4;
	v21 =	vld [tilespmem:s18+$0xA0]  }
0x1a7: {  	v22 =	vand.u32 $0xF0, v16;
	v16 =	vor.u32 v0, v16;
	v25 =	vshll.u32 v24, $0x4;
	[tilespmem:v10+s10+$0x0] =	vst.idx.add.f32.msk $0xffff, v3  }
0x1a8: {  	v10 =	vand.u32 $0xFF, v11;
	v11 =	vand.u32 $0xF0, v25;
	v25 =	vor.u32 v0, v25;
	[tilespmem:v13+s10+$0x0] =	vst.idx.add.f32.msk $0xffff, v19  }
0x1a9: {  	v13 =	vadd.s32 v2, v15;
	v15 =	vand.u32 $0xFF, v16;
	v16 =	vadd.s32 v2, v22;
	[tilespmem:v14+s10+$0x0] =	vst.idx.add.f32.msk $0xffff, v3  }
0x1aa: {  	v14 =	vand.u32 $0xFFFFFFF0, v23;
	v19 =	vand.u32 $0xFF, v25;
	v11 =	vadd.s32 v2, v11;
	[tilespmem:v18+s10+$0x0] =	vst.idx.add.f32.msk $0xffff, v20  }
0x1ab: {  	v18 =	vand.u32 $0xFFFFFFF0, v24;
	v20 =	vshll.u32 v21, $0x4;
	[tilespmem:v17+s10+$0x0] =	vst.idx.add.f32.msk $0xffff, v3  }
0x1ac: {  	v17 =	vor.u32 v0, v20;
	v22 =	vld [tilespmem:s16+$0xFFFFFF40]  }
0x1ad: {  	[tilespmem:v10+s10+$0x0] =	vst.idx.add.f32.msk $0xffff, v12;
	v10 =	vand.u32 $0xF0, v20;
	v12 =	vand.u32 $0xFF, v17  }
0x1ae: {  	[tilespmem:v13+s10+$0x0] =	vst.idx.add.f32.msk $0xffff, v3;
	v10 =	vadd.s32 v2, v10  }
0x1af: {  	[tilespmem:v15+s10+$0x0] =	vst.idx.add.f32.msk $0xffff, v14  }
0x1b0: {  	[tilespmem:v16+s10+$0x0] =	vst.idx.add.f32.msk $0xffff, v3  }
0x1b1: {  	v13 =	vand.u32 $0xFFFFFFF0, v21;
	[tilespmem:v19+s10+$0x0] =	vst.idx.add.f32.msk $0xffff, v18;
	v14 =	vshll.u32 v22, $0x4;
	v15 =	vand.u32 $0xFFFFFFF0, v22  }
0x1b2: {  	[tilespmem:v12+s10+$0x0] =	vst.idx.add.f32.msk $0xffff, v13;
	v12 =	vand.u32 $0xF0, v14;
	v13 =	vor.u32 v0, v14  }
0x1b3: {  	[tilespmem:v10+s10+$0x0] =	vst.idx.add.f32.msk $0xffff, v3;
	v13 =	vand.u32 $0xFF, v13;
	v12 =	vadd.s32 v2, v12  }
0x1b4: {  	v14 =	vld [tilespmem:s18+$0xB0]  }
0x1b5: {  	[tilespmem:v11+s10+$0x0] =	vst.idx.add.f32.msk $0xffff, v3  }
0x1b6: {  	v11 =	vld [tilespmem:s18+$0xFFFFFF20]  }
0x1b7: {  	v16 =	vld [tilespmem:s18+$0xFFFFFFA0]  }
0x1b8: {  	v18 =	vld [tilespmem:s18+$0x20]  }
0x1b9: {  	v17 =	vshll.u32 v14, $0x4;
	v19 =	vld [tilespmem:s16+$0xFFFFFFC0]  }
0x1ba: {  	v20 =	vor.u32 v0, v17;
	v10 =	vld [tilespmem:s16+$0x40];
	s16 =	smov.u32 s18  }
0x1bb: {  	v17 =	vand.u32 $0xF0, v17;
	v21 =	vshll.u32 v11, $0x4;
	v20 =	vand.u32 $0xFF, v20;
	[tilespmem:v13+s10+$0x0] =	vst.idx.add.f32.msk $0xffff, v15  }
0x1bc: {  	v22 =	vadd.s32 v2, v17;
	v13 =	vand.u32 $0xF0, v21;
	v15 =	vshll.u32 v16, $0x4;
	[tilespmem:v12+s10+$0x0] =	vst.idx.add.f32.msk $0xffff, v3  }
0x1bd: {  	v12 =	vor.u32 v0, v21;
	v17 =	vand.u32 $0xF0, v15;
	v21 =	vshll.u32 v18, $0x4;
	[tilespmem:v7+s10+$0x0] =	vst.idx.add.f32.msk $0xffff, v8  }
0x1be: {  	v7 =	vor.u32 v0, v15;
	v8 =	vand.u32 $0xF0, v21;
	v21 =	vor.u32 v0, v21;
	[tilespmem:v5+s10+$0x0] =	vst.idx.add.f32.msk $0xffff, v3  }
0x1bf: {  	v23 =	vadd.s32 v2, v13;
	v13 =	vand.u32 $0xFFFFFFF0, v14;
	v5 =	vand.u32 $0xFF, v12;
	[tilespmem:v6+s10+$0x0] =	vst.idx.add.f32.msk $0xffff, v9  }
0x1c0: {  	v15 =	vand.u32 $0xFF, v7;
	v14 =	vadd.s32 v2, v17;
	v12 =	vand.u32 $0xFF, v21;
	[tilespmem:v20+s10+$0x0] =	vst.idx.add.f32.msk $0xffff, v13  }
.Ltmp6:
0x1c1: {  	v17 =	vand.u32 $0xFFFFFFF0, v16;
	v6 =	vand.u32 $0xFFFFFFF0, v11;
	v13 =	vadd.s32 v2, v8;
	[tilespmem:v22+s10+$0x0] =	vst.idx.add.f32.msk $0xffff, v3;
	(pc) =	sbr.rel @p0 .LBB2_6-.Ltmp6, $4  }
0x1c2: {  	v16 =	vand.u32 $0xFFFFFFF0, v18;
	v7 =	vshll.u32 v19, $0x4;
	v8 =	vshll.u32 v10, $0x4;
	v11 =	vld [tilespmem:s18+$0xC0]  }
0x1c3: {  	v9 =	vand.u32 $0xF0, v7;
	v7 =	vor.u32 v0, v7;
	v18 =	vand.u32 $0xF0, v8;
	[tilespmem:v4+s10+$0x0] =	vst.idx.add.f32.msk $0xffff, v3  }
0x1c4: {  	v7 =	vand.u32 $0xFF, v7;
	v4 =	vor.u32 v0, v8;
	[tilespmem:v5+s10+$0x0] =	vst.idx.add.f32.msk $0xffff, v6;
	v5 =	vadd.s32 v2, v9  }
0x1c5: {  	s18 =	sadd.s32 $0x200, s18;
	v8 =	vand.u32 $0xFFFFFFF0, v19;
	v6 =	vand.u32 $0xFF, v4;
	v4 =	vadd.s32 v2, v18;
	[tilespmem:v23+s10+$0x0] =	vst.idx.add.f32.msk $0xffff, v3  }
0x1c6: {  	_ =	sdelay $0x2  }
0x1c7: {  	v9 =	vld [tilespmem:s16+$0xFFFFFF30]  }
0x1c8: {  	[tilespmem:v15+s10+$0x0] =	vst.idx.add.f32.msk $0xffff, v17  }
0x1c9: {  	[tilespmem:v14+s10+$0x0] =	vst.idx.add.f32.msk $0xffff, v3  }
0x1ca: {  	v43 =	vld [tilespmem:s16+$0xFFFFFFB0]  }
0x1cb: {  	[tilespmem:v12+s10+$0x0] =	vst.idx.add.f32.msk $0xffff, v16  }
0x1cc: {  	[tilespmem:v13+s10+$0x0] =	vst.idx.add.f32.msk $0xffff, v3;
	v44 =	vshll.u32 v9, $0x4  }
0x1cd: {  	v46 =	vld [tilespmem:s16+$0x30];
	v45 =	vor.u32 v0, v44  }
0x1ce: {  	v14 =	vand.u32 $0xF0, v44;
	v13 =	vand.u32 $0xFF, v45  }
0x1cf: {  	v14 =	vadd.s32 v2, v14;
	v47 =	vshll.u32 v43, $0x4  }
0x1d0: {  	v48 =	vor.u32 v0, v47  }
0x1d1: {  	v16 =	vand.u32 $0xF0, v47;
	v17 =	vand.u32 $0xFF, v48  }
0x1d2: {  	v9 =	vand.u32 $0xFFFFFFF0, v9;
	v18 =	vshll.u32 v46, $0x4;
	v49 =	vadd.s32 v2, v16  }
0x1d3: {  	v50 =	vor.u32 v0, v18;
	[tilespmem:v13+s10+$0x0] =	vst.idx.add.f32.msk $0xffff, v9  }
0x1d4: {  	v51 =	vand.u32 $0xF0, v18;
	v13 =	vand.u32 $0xFF, v50;
	[tilespmem:v14+s10+$0x0] =	vst.idx.add.f32.msk $0xffff, v3  }
0x1d5: {  	v12 =	vand.u32 $0xFFFFFFF0, v43;
	v16 =	vadd.s32 v2, v51;
	v14 =	vld [tilespmem:s16+$0xFFFFFF40]  }
0x1d6: {  	[tilespmem:v17+s10+$0x0] =	vst.idx.add.f32.msk $0xffff, v12  }
0x1d7: {  	[tilespmem:v49+s10+$0x0] =	vst.idx.add.f32.msk $0xffff, v3  }
0x1d8: {  	v52 =	vshll.u32 v11, $0x4;
	v15 =	vand.u32 $0xFFFFFFF0, v46;
	v17 =	vld [tilespmem:s16+$0xFFFFFFC0]  }
0x1d9: {  	v53 =	vor.u32 v0, v52;
	[tilespmem:v13+s10+$0x0] =	vst.idx.add.f32.msk $0xffff, v15  }
0x1da: {  	v54 =	vand.u32 $0xF0, v52;
	v12 =	vand.u32 $0xFF, v53;
	[tilespmem:v16+s10+$0x0] =	vst.idx.add.f32.msk $0xffff, v3  }
0x1db: {  	v9 =	vadd.s32 v2, v54;
	v16 =	vld [tilespmem:s16+$0x40]  }
0x1dc: {  	v55 =	vshll.u32 v14, $0x4  }
0x1dd: {  	[tilespmem:v7+s10+$0x0] =	vst.idx.add.f32.msk $0xffff, v8;
	v57 =	vand.u32 $0xFFFFFFF0, v11;
	v56 =	vor.u32 v0, v55  }
0x1de: {  	[tilespmem:v5+s10+$0x0] =	vst.idx.add.f32.msk $0xffff, v3;
	v13 =	vand.u32 $0xF0, v55;
	v15 =	vand.u32 $0xFF, v56;
	v59 =	vshll.u32 v17, $0x4  }
0x1df: {  	v10 =	vand.u32 $0xFFFFFFF0, v10;
	[tilespmem:v12+s10+$0x0] =	vst.idx.add.f32.msk $0xffff, v57;
	v13 =	vadd.s32 v2, v13;
	v60 =	vor.u32 v0, v59  }
0x1e0: {  	[tilespmem:v9+s10+$0x0] =	vst.idx.add.f32.msk $0xffff, v3;
	v11 =	vand.u32 $0xF0, v59;
	v9 =	vand.u32 $0xFF, v60;
	v61 =	vshll.u32 v16, $0x4  }
0x1e1: {  	[tilespmem:v6+s10+$0x0] =	vst.idx.add.f32.msk $0xffff, v10;
	v62 =	vadd.s32 v2, v11;
	v63 =	vor.u32 v0, v61  }
0x1e2: {  	[tilespmem:v4+s10+$0x0] =	vst.idx.add.f32.msk $0xffff, v3;
	v58 =	vand.u32 $0xFFFFFFF0, v14;
	v5 =	vand.u32 $0xF0, v61;
	v8 =	vand.u32 $0xFF, v63  }
0x1e3: {  	[tilespmem:v15+s10+$0x0] =	vst.idx.add.f32.msk $0xffff, v58;
	v5 =	vadd.s32 v2, v5  }
.Ltmp7:
0x1e4: {  	v4 =	vand.u32 $0xFFFFFFF0, v17;
	[tilespmem:v13+s10+$0x0] =	vst.idx.add.f32.msk $0xffff, v3;
	(pc) =	sbr.rel .LBB2_8-.Ltmp7, $4  }
0x1e5: {  	[tilespmem:v9+s10+$0x0] =	vst.idx.add.f32.msk $0xffff, v4  }
0x1e6: {  	v4 =	vand.u32 $0xFFFFFFF0, v16;
	[tilespmem:v62+s10+$0x0] =	vst.idx.add.f32.msk $0xffff, v3  }
0x1e7: {  	[tilespmem:v8+s10+$0x0] =	vst.idx.add.f32.msk $0xffff, v4  }
0x1e8: {  	[tilespmem:v5+s10+$0x0] =	vst.idx.add.f32.msk $0xffff, v3  }
.LBB2_10:
0x1e9: {  	_ =	sfence.sel $0x180000  }
0x1ea: {  	[bflag:$0x0] =	sbarrier.arrive $0xFFFF  }
0x1eb: {  	p0 =	sne.s32 s1, $0x0;
	_ =	strace $0x9000004A  }
0x1ec: {  	s0 =	sadd.s32 @!p0 $0x100000, s0;
	[bflag:$0x2] =	sbarrier.arrive $0xFFFF  }
0x1ed: {  	[sflag:s0] =	ssyncadd.tile.s32 @!p0 $0x1;
	_ =	shalt  }
.Lfunc_end2:
_tile_overlayer_lowered:
.L_overlay_start_2:
0x1ee: {  	(tag) =	ssettag $0x2  }
0x1ef: {  	s0 =	rddreg [dreg:$0x0];
	s2 =	stileid.u32  }
0x1f0: {  	s1 =	rddreg [dreg:$0x1];
	p0 =	sne.s32 s2, $0x0  }
0x1f1: {  	s3 =	rddreg [dreg:$0x2];
	[bflag:$0x3] =	sbarrier.arrive $0xFFFF;
	s2 =	simm.s32 @!p0 $0x1C03  }
0x1f2: {  	[timem:s3], [sflag:s2] =	dma.local @!p0 [hbm:s0], s1  }
0x1f3: {  	s0 =	simm.s32 @!p0 $0x3  }
0x1f4: {  	_ =	swait.ge @!p0 [sflag:s0], s1  }
0x1f5: {  	s1 =	ssub.s32 @!p0 $0x0, s1;
	[sflag:s0] =	ssyncset.done @!p0 $0x0  }
0x1f6: {  	[sflag:s0] =	ssyncadd.s32 @!p0 s1  }
0x1f7: {  	[bflag:$0x3] =	sbarrier.arrive $0xFFFF  }
0x1f8: {  	_ =	shalt  }

// kernel: kernel.7.cloned.1.call-start
scs
__scs_entry_jumppad:
0x0: {  	(pc) =	sbr.rel $0x88, $3  }
0x1: {  	(tag) =	ssettag $0x0;
	lr =	simm.s32 $0x1  }
0x2: {  	[smem:$0x3F9E] =	sst lr;
	_ =	strace $0xD0000000  }
0x3: {  	_ = 	snop  }
0x4: {  	_ = 	snop  }
0x5: {  	_ = 	snop  }
0x6: {  	_ = 	snop  }
0x7: {  	_ = 	snop  }
__scs_overlays_trampoline_lowered:
0x8: {  	[smem:$0x3FAD] =	sst s0  }
0x9: {  	[smem:$0x3FAE] =	sst s1  }
0xa: {  	[smem:$0x3FAF] =	sst s2  }
0xb: {  	[smem:$0x3FB0] =	sst s3  }
0xc: {  	[smem:$0x3FB1] =	sst s4  }
0xd: {  	[smem:$0x3FB2] =	sst s5  }
0xe: {  	[smem:$0x3FB3] =	sst s6  }
0xf: {  	[smem:$0x3FB4] =	sst s7  }
0x10: {  	[smem:$0x3FB5] =	sst s8  }
0x11: {  	[smem:$0x3FB6] =	sst s9;
	s0 =	simm.s32 @!p0 $0x0  }
0x12: {  	s1 =	sld [smem:$0x3F9C];
	s0 =	simm.s32 @p0 $0x1  }
0x13: {  	[smem:$0x3FB7] =	sst s0;
	s0 =	simm.s32 @!p1 $0x0  }
0x14: {  	s2 =	sld [smem:$0x3F9B];
	s0 =	simm.s32 @p1 $0x1  }
0x15: {  	[smem:$0x3FB8] =	sst s0;
	s0 =	simm.s32 @!p2 $0x0  }
0x16: {  	s3 =	sld [smem:$0x3FDB];
	s0 =	simm.s32 @p2 $0x1  }
0x17: {  	s4 =	simm.s32 $0x1BF5;
	[smem:$0x3FBA] =	sst s0  }
0x18: {  	s0 =	sld [smem:$0x3F9D];
	_ =	swait.ge [sflag:s4], $0x0  }
0x19: {  	s7 =	sld [smem:$0x3F9E]  }
0x1a: {  	s8 =	sadd.s32 $0xFFFFE003, lr  }
0x1b: {  	s9 =	sadd.s32 $0xFFFFFEF7, lr;
	s5 =	simm.s32 $0xFFFFFFFF;
	p2 =	slt.u32 s8, $0xFFFFF086  }
0x1c: {  	p1 =	slt.u32 s9, $0xF7A;
	s5 =	simm.s32 @!p2 $0x0  }
0x1d: {  	s5 =	simm.s32 @p1 $0x1;
	p0 =	seq.s32 s7, s2  }
0x1e: {  	s7 =	smul.u32 @!p0 $0xF7A, s2;
	p2 =	seq.s32 @!p0 s5, $0x0  }
0x1f: {  	s9 =	smul.u32 $0xF7A, s1;
	s8 =	simm.s32 @!p0 $0x1BF5;
	p2 =	por !p2, p0  }
0x20: {  	[sflag:s8] =	ssyncset.s32 @!p0 $0xFFFFF086;
	s6 =	sadd.s32 @!p0 s3, s7;
	s7 =	simm.s32 @!p0 $0x108  }
0x21: {  	s3 =	sadd.s32 s3, s9;
	s6 =	sadd.s32 @!p0 $0x88, s6;
	s7 =	simm.s32 @p2 $0x1082  }
0x22: {  	[simem:s7], [sflag:s8] =	dma.local @!p0 [hbm:s6], $0xF7A  }
0x23: {  	s9 =	sor.u32 $0xD0000000, s2;
	s6 =	simm.s32 $0x108;
	_ =	swait.ge @!p0 [sflag:s8], $0x0  }
0x24: {  	s3 =	sadd.s32 $0x88, s3;
	s6 =	simm.s32 @!p1 $0x1082;
	[sflag:s4] =	ssyncset.s32 $0xFFFFF086  }
0x25: {  	[simem:s6], [sflag:s4] =	dma.local [hbm:s3], $0xF7A  }
0x26: {  	[smem:$0x3F9E] =	sst s1;
	(tag) =	ssettag s2;
	_ =	strace s9  }
0x27: {  	s1 =	sld [smem:$0x3FAE]  }
0x28: {  	s2 =	sld [smem:$0x3FAF]  }
0x29: {  	s4 =	sld [smem:$0x3FB1]  }
0x2a: {  	p0 =	seq.s32 s5, $0x0;
	s5 =	sld [smem:$0x3FB2]  }
0x2b: {  	s6 =	sld [smem:$0x3FB3]  }
0x2c: {  	s7 =	sld [smem:$0x3FB4]  }
0x2d: {  	s3 =	simm.s32 $0x108;
	s8 =	sld [smem:$0x3FB5]  }
0x2e: {  	s3 =	simm.s32 @!p0 $0x1082;
	s9 =	sld [smem:$0x3FB6]  }
0x2f: {  	lr =	sadd.s32 s0, s3;
	s0 =	sld [smem:$0x3FAD]  }
0x30: {  	s3 =	sld [smem:$0x3FB0]  }
0x31: {  	[smem:$0x3FB9] =	sst s10  }
0x32: {  	s10 =	sld [smem:$0x3FB7];
	_ =	sdelay $0x3  }
0x33: {  	p0 =	seq.s32 s10, $0x1;
	s10 =	sld [smem:$0x3FB9];
	_ =	sdelay $0x3  }
0x34: {  	[smem:$0x3FB9] =	sst s10  }
0x35: {  	s10 =	sld [smem:$0x3FB8];
	_ =	sdelay $0x3  }
0x36: {  	p1 =	seq.s32 s10, $0x1;
	s10 =	sld [smem:$0x3FB9];
	_ =	sdelay $0x3  }
0x37: {  	[smem:$0x3FB9] =	sst s10  }
0x38: {  	s10 =	sld [smem:$0x3FBA]  }
0x39: {  	_ = 	snop;
	(pc) =	sbr.ind lr, $3  }
0x3a: {  	_ = 	snop  }
0x3b: {  	_ = 	snop  }
0x3c: {  	p2 =	seq.s32 s10, $0x1;
	s10 =	sld [smem:$0x3FB9]  }
0x3d: {  	_ =	shalt  }
0x3e: {  	_ =	shalt  }
0x3f: {  	_ =	shalt  }
0x40: {  	_ =	shalt  }
0x41: {  	_ =	shalt  }
0x42: {  	_ =	shalt  }
0x43: {  	_ =	shalt  }
0x44: {  	_ =	shalt  }
0x45: {  	_ =	shalt  }
0x46: {  	_ =	shalt  }
0x47: {  	_ =	shalt  }
0x48: {  	_ =	shalt  }
0x49: {  	_ =	shalt  }
0x4a: {  	_ =	shalt  }
0x4b: {  	_ =	shalt  }
0x4c: {  	_ =	shalt  }
0x4d: {  	_ =	shalt  }
0x4e: {  	_ =	shalt  }
0x4f: {  	_ =	shalt  }
0x50: {  	_ =	shalt  }
0x51: {  	_ =	shalt  }
0x52: {  	_ =	shalt  }
0x53: {  	_ =	shalt  }
0x54: {  	_ =	shalt  }
0x55: {  	_ =	shalt  }
0x56: {  	_ =	shalt  }
0x57: {  	_ =	shalt  }
0x58: {  	_ =	shalt  }
0x59: {  	_ =	shalt  }
0x5a: {  	_ =	shalt  }
0x5b: {  	_ =	shalt  }
0x5c: {  	_ =	shalt  }
0x5d: {  	_ =	shalt  }
0x5e: {  	_ =	shalt  }
0x5f: {  	_ =	shalt  }
0x60: {  	_ =	shalt  }
0x61: {  	_ =	shalt  }
0x62: {  	_ =	shalt  }
0x63: {  	_ =	shalt  }
0x64: {  	_ =	shalt  }
0x65: {  	_ =	shalt  }
0x66: {  	_ =	shalt  }
0x67: {  	_ =	shalt  }
0x68: {  	_ =	shalt  }
0x69: {  	_ =	shalt  }
0x6a: {  	_ =	shalt  }
0x6b: {  	_ =	shalt  }
0x6c: {  	_ =	shalt  }
0x6d: {  	_ =	shalt  }
0x6e: {  	_ =	shalt  }
0x6f: {  	_ =	shalt  }
0x70: {  	_ =	shalt  }
0x71: {  	_ =	shalt  }
0x72: {  	_ =	shalt  }
0x73: {  	_ =	shalt  }
0x74: {  	_ =	shalt  }
0x75: {  	_ =	shalt  }
0x76: {  	_ =	shalt  }
0x77: {  	_ =	shalt  }
0x78: {  	_ =	shalt  }
0x79: {  	_ =	shalt  }
0x7a: {  	_ =	shalt  }
0x7b: {  	_ =	shalt  }
0x7c: {  	_ =	shalt  }
0x7d: {  	_ =	shalt  }
0x7e: {  	_ =	shalt  }
0x7f: {  	_ =	shalt  }
0x80: {  	_ =	shalt  }
0x81: {  	_ =	shalt  }
0x82: {  	_ =	shalt  }
0x83: {  	_ =	shalt  }
0x84: {  	_ =	shalt  }
0x85: {  	_ =	shalt  }
0x86: {  	_ =	shalt  }
0x87: {  	_ =	shalt  }
.Lfunc_end0:
.L_simem_size_0:
called_computation_lowered:
.L_overlay_start_0:
0x88: {  	s2 =	sld [smem:$0x3FD9]  }
0x89: {  	s3 =	sld [smem:$0x3FFE];
	_ =	sdelay $0x1  }
0x8a: {  	s1 =	srdreg.scid  }
0x8b: {  	s0 =	sand.u32 $0x1, s1  }
0x8c: {  	s16 =	sshll.u32 s0, $0xA;
	s2 =	sadd.s32 s3, s2  }
0x8d: {  	s2 =	sadd.s32 s2, s16  }
0x8e: {  	[smem:$0x3FC5] =	sst s2  }
0x8f: {  	_ = 	snop  }
0x90: {  	(tm) =	ssettm $0x1  }
0x91: {  	s17 =	sld [smem:$0x3FFB];
	_ =	sdelay $0x3  }
0x92: {  	_ =	strace s17  }
0x93: {  	s2 =	sld [smem:$0x3FFC];
	_ =	sdelay $0x3  }
0x94: {  	_ =	strace s2  }
0x95: {  	s2 =	sld [smem:$0x3FFD];
	_ =	sdelay $0x3  }
0x96: {  	_ =	strace s2  }
0x97: {  	_ =	strace $0x8FFFFFFF  }
0x98: {  	s18 =	sld [smem:$0x3FDB];
	_ =	sdelay $0x1  }
0x99: {  	s19 =	simm.s32 $_scs_section_size  }
0x9a: {  	s4 =	simm.s32 $_size__tile_overlayer_lowered;
	s5 =	simm.s32 $_tile_overlayer_lowered  }
0x9b: {  	s22 =	simm.s32 $0x1BFF;
	s21 =	sshll.u32 s5, $0x1;
	s2 =	sadd.s32 s19, s18  }
0x9c: {  	s6 =	simm.s32 $0x0;
	s20 =	sshll.u32 s4, $0x1;
	s4 =	sadd.s32 s21, s2  }
0x9d: {  	[timem:s6], [sflag:s22] =	dma.local [hbm:s4], s20  }
0x9e: {  	_ =	swait.ge [sflag:s22], s20  }
0x9f: {  	s3 =	ssub.s32 $0x0, s20;
	[sflag:s22] =	ssyncset.done $0x0  }
0xa0: {  	[sflag:s22] =	ssyncadd.s32 s3;
	_ =	sdelay $0x1  }
0xa1: {  	s23 =	simm.s32 $0x1B8B  }
0xa2: {  	_ =	swait.ge [sflag:s23], $0x1  }
0xa3: {  	[sflag:s23] =	ssyncset.done $0x0  }
0xa4: {  	s25 =	simm.s32 $0x1B8E;
	s24 =	sld [smem:$0x3FFE];
	[sflag:s23] =	ssyncadd.s32 $0xFFFFFFFF  }
0xa5: {  	s26 =	simm.s32 $execute0_lowered;
	[smem:$0x3FD2] =	sst s25  }
0xa6: {  	s4 =	sshll.u32 s26, $0x1;
	_ =	strace $0x80000046;
	[dreg:$0x1] =	wrdreg $0xFFFFFFFF  }
0xa7: {  	s28 =	simm.s32 $_size_execute0_lowered;
	s2 =	sadd.s32 s2, s4;
	[dreg:$0x0] =	wrdreg $0x0  }
0xa8: {  	s4 =	sshll.u32 s28, $0x1;
	[dreg:$0x2] =	wrdreg s2  }
0xa9: {  	[dreg:$0x3] =	wrdreg s4  }
0xaa: {  	[dreg:$0x4] =	wrdreg $0xC0  }
0xab: {  	_ =	task [dreg:s6], $0x5FFFF  }
0xac: {  	[dreg:$0x1] =	wrdreg $0xFFFFFFFF  }
0xad: {  	[dreg:$0x0] =	wrdreg $0x60  }
0xae: {  	[dreg:$0x2] =	wrdreg s24  }
0xaf: {  	[dreg:$0x3] =	wrdreg $0x9  }
0xb0: {  	_ =	task.clear_ibuf [dreg:s6], $0x4FFFF;
	_ =	strace $0x90000046  }
0xb1: {  	s29 =	simm.s32 $0x9;
	_ =	strace $0x80000048  }
0xb2: {  	_ =	swait.ge [sflag:s29], $0x1  }
0xb3: {  	[sflag:s29] =	ssyncadd.s32 $0xFFFFFFFF  }
0xb4: {  	_ =	strace $0x90000048  }
0xb5: {  	_ =	sfence  }
0xb6: {  	s30 =	sld [smem:$0x0];
	_ =	sdelay $0x2  }
0xb7: {  	s31 =	sshll.u32 s1, $0xD;
	s1 =	sshrl.u32 s1, $0x2  }
0xb8: {  	s3 =	sand.u32 $0x4000, s31;
	s1 =	sadd.s32 s1, s30  }
0xb9: {  	s0 =	sor.u32 s3, s0;
	s1 =	sshll.u32 s1, $0x11  }
0xba: {  	s0 =	sor.u32 s1, s0  }
0xbb: {  	s0 =	sadd.s32 $0x8F2B, s0  }
0xbc: {  	[sflag:s0] =	ssyncadd.remote.s32 $0x1  }
0xbd: {  	_ =	sfence.sel $0xFFFF  }
0xbe: {  	[dreg:$0x0] =	wrdreg $0xFFFFFFFF;
	(pc) =	sbr.abs _section_cstart, $3  }
0xbf: {  	[dreg:$0x1] =	wrdreg $0xFFFFFFFF  }
0xc0: {  	_ =	task.clear_ibuf [dreg:s6], $0x2FFFF;
	_ =	strace $0x9FFFFFFF  }
0xc1: {  	(tm) =	ssettm $0x7FFFFFFF  }
tec
execute0_lowered:
.L_overlay_start_1:
0x0: {  	(tag) =	ssettag $0x1  }
0x1: {  	s9 =	rddreg [dreg:$0x0];
	s1 =	srdreg.scid  }
0x2: {  	s0 =	rddreg [dreg:$0x1];
	s2 =	simm.s32 $0x0;
	s12 =	simm.s32 $0xC800  }
0x3: {  	s13 =	simm.s32 $0x2;
	s14 =	simm.s32 $0xC980;
	s15 =	simm.s32 $0x3  }
0x4: {  	s16 =	simm.s32 $0x0;
	s4 =	sand.u32 $0x1, s1;
	[smem:$0x7FF] =	sst s2  }
0x5: {  	s1 =	stileid.u32;
	s3 =	sshll.u32 s4, $0x4;
	_ =	strace $0x80000047  }
0x6: {  	s5 =	ssub.s32 $0x2, s4;
	s4 =	sadd.s32 $0xC00, s9;
	s3 =	sor.u32 s1, s3  }
0x7: {  	s7 =	sshrl.u32 s5, $0x1;
	s6 =	sshll.u32 s3, $0x7;
	s8 =	smul.u32 $0xC80, s3  }
0x8: {  	s11 =	ssub.s32 s5, s7;
	s10 =	sadd.s32 s6, s9;
	s6 =	sor.u32 $0x40, s3  }
0x9: {  	v0 =	vlaneseq.u32;
	s9 =	sadd.s32 $0x19C00, s9;
	s5 =	sadd.s32 s4, s8;
	s7 =	sadd.s32 $0xC8C00, s10  }
0xa: {  	v1 =	vimm.f32 $0.0e+00;
	v3 =	vimm.f32 $1.000000000e+00;
	v2 =	vor.u32 $0xB0, v0;
	s8 =	smax.u32 s11, $0x1;
	s10 =	simm.s32 $0x1;
	s11 =	simm.s32 $0x6400  }
.LBB2_1:
0xb: {  	[tilespmem:$0xC800] =	vst v1  }
0xc: {  	[tilespmem:$0xC810] =	vst v1  }
0xd: {  	[tilespmem:$0xC820] =	vst v1  }
0xe: {  	[tilespmem:$0xC830] =	vst v1  }
0xf: {  	[tilespmem:$0xC840] =	vst v1  }
0x10: {  	[tilespmem:$0xC850] =	vst v1  }
0x11: {  	[tilespmem:$0xC860] =	vst v1  }
0x12: {  	[tilespmem:$0xC870] =	vst v1  }
0x13: {  	[tilespmem:$0xC880] =	vst v1  }
0x14: {  	[tilespmem:$0xC890] =	vst v1  }
0x15: {  	[tilespmem:$0xC8A0] =	vst v1  }
0x16: {  	[tilespmem:$0xC8B0] =	vst v1  }
0x17: {  	[tilespmem:$0xC8C0] =	vst v1  }
0x18: {  	[tilespmem:$0xC8D0] =	vst v1  }
0x19: {  	[tilespmem:$0xC8E0] =	vst v1  }
0x1a: {  	[tilespmem:$0xC8F0] =	vst v1  }
0x1b: {  	[tilespmem:$0xC900] =	vst v1  }
0x1c: {  	[tilespmem:$0xC910] =	vst v1  }
0x1d: {  	[tilespmem:$0xC920] =	vst v1  }
0x1e: {  	[tilespmem:$0xC930] =	vst v1  }
0x1f: {  	[tilespmem:$0xC940] =	vst v1  }
0x20: {  	[tilespmem:$0xC950] =	vst v1;
	s17 =	simm.s32 $0x0  }
0x21: {  	[tilespmem:s2], [sflag:$0x1] =	stream.linear.gather [hbm4b:s5+s2], $0x6400, $0x38;
	[tilespmem:$0xCD80] =	vst v63  }
.LBB2_2:
0x22: {  	s18 =	sshll.u32 s17, $0x6  }
0x23: {  	s19 =	sor.u32 s3, s18  }
0x24: {  	_ =	swait.ge [sflag:s10], $0x6400;
	s19 =	smul.u32 $0xC80, s19  }
0x25: {  	[sflag:s10] =	ssyncset.done $0x0  }
0x26: {  	s20 =	simm.s32 $0x100;
	[sflag:s10] =	ssyncadd.s32 $0xFFFF9C00;
	s19 =	sadd.s32 s9, s19  }
0x27: {  	[tilespmem:s11], [sflag:$0x2] =	stream.linear.gather [hbm4b:s19+s2], $0x6400, $0x38;
	[tilespmem:$0xCD80] =	vst v63  }
0x28: {  	v4 =	vld [tilespmem:s20+$0x80];
	_ =	sdelay $0x4  }
0x29: {  	v5 =	vshll.u32 v4, $0x4  }
0x2a: {  	v6 =	vor.u32 v0, v5  }
0x2b: {  	v5 =	vand.u32 $0xF0, v5;
	v6 =	vand.u32 $0xFF, v6  }
0x2c: {  	v5 =	vadd.s32 v2, v5;
	_ =	sdelay $0x2  }
0x2d: {  	v4 =	vand.u32 $0xFFFFFFF0, v4  }
0x2e: {  	[tilespmem:v6+s12+$0x0] =	vst.idx.add.f32.msk $0xffff, v4  }
0x2f: {  	[tilespmem:v5+s12+$0x0] =	vst.idx.add.f32.msk $0xffff, v3  }
0x30: {  	v4 =	vld [tilespmem:s20+$0x90];
	_ =	sdelay $0x3  }
0x31: {  	v5 =	vld [tilespmem:s20+$0xFFFFFF00]  }
0x32: {  	v6 =	vshll.u32 v4, $0x4  }
0x33: {  	v7 =	vor.u32 v0, v6  }
0x34: {  	v8 =	vld [tilespmem:s20+$0xFFFFFF80];
	v6 =	vand.u32 $0xF0, v6;
	v7 =	vand.u32 $0xFF, v7  }
0x35: {  	v6 =	vadd.s32 v2, v6  }
0x36: {  	v9 =	vld [tilespmem:s20+$0x0];
	v10 =	vshll.u32 v5, $0x4  }
0x37: {  	v11 =	vor.u32 v0, v10  }
0x38: {  	v10 =	vand.u32 $0xF0, v10;
	v4 =	vand.u32 $0xFFFFFFF0, v4;
	v11 =	vand.u32 $0xFF, v11  }
0x39: {  	v12 =	vshll.u32 v8, $0x4;
	v10 =	vadd.s32 v2, v10;
	[tilespmem:v7+s12+$0x0] =	vst.idx.add.f32.msk $0xffff, v4  }
0x3a: {  	v4 =	vor.u32 v0, v12;
	[tilespmem:v6+s12+$0x0] =	vst.idx.add.f32.msk $0xffff, v3  }
0x3b: {  	v7 =	vand.u32 $0xF0, v12;
	v6 =	vshll.u32 v9, $0x4;
	v4 =	vand.u32 $0xFF, v4;
	v12 =	vld [tilespmem:s20+$0xA0]  }
0x3c: {  	v5 =	vand.u32 $0xFFFFFFF0, v5;
	v7 =	vadd.s32 v2, v7;
	v13 =	vor.u32 v0, v6  }
0x3d: {  	[tilespmem:v11+s12+$0x0] =	vst.idx.add.f32.msk $0xffff, v5;
	v13 =	vand.u32 $0xFF, v13  }
0x3e: {  	[tilespmem:v10+s12+$0x0] =	vst.idx.add.f32.msk $0xffff, v3;
	v5 =	vand.u32 $0xF0, v6  }
0x3f: {  	v6 =	vand.u32 $0xFFFFFFF0, v8;
	v8 =	vld [tilespmem:s20+$0xFFFFFF10];
	v5 =	vadd.s32 v2, v5  }
0x40: {  	[tilespmem:v4+s12+$0x0] =	vst.idx.add.f32.msk $0xffff, v6;
	v4 =	vshll.u32 v12, $0x4  }
0x41: {  	v6 =	vand.u32 $0xFFFFFFF0, v9;
	[tilespmem:v7+s12+$0x0] =	vst.idx.add.f32.msk $0xffff, v3;
	v7 =	vor.u32 v0, v4  }
0x42: {  	[tilespmem:v13+s12+$0x0] =	vst.idx.add.f32.msk $0xffff, v6;
	v4 =	vand.u32 $0xF0, v4;
	v6 =	vand.u32 $0xFF, v7  }
0x43: {  	v7 =	vld [tilespmem:s20+$0xFFFFFF90];
	v4 =	vadd.s32 v2, v4  }
0x44: {  	[tilespmem:v5+s12+$0x0] =	vst.idx.add.f32.msk $0xffff, v3;
	v5 =	vshll.u32 v8, $0x4  }
0x45: {  	v9 =	vld [tilespmem:s20+$0x10];
	v10 =	vor.u32 v0, v5  }
0x46: {  	v11 =	vand.u32 $0xFFFFFFF0, v12;
	v5 =	vand.u32 $0xF0, v5;
	v10 =	vand.u32 $0xFF, v10  }
0x47: {  	v5 =	vadd.s32 v2, v5;
	[tilespmem:v6+s12+$0x0] =	vst.idx.add.f32.msk $0xffff, v11  }
0x48: {  	v6 =	vshll.u32 v7, $0x4;
	[tilespmem:v4+s12+$0x0] =	vst.idx.add.f32.msk $0xffff, v3  }
0x49: {  	v4 =	vand.u32 $0xFFFFFFF0, v8;
	v8 =	vor.u32 v0, v6;
	v11 =	vld [tilespmem:s20+$0xB0]  }
0x4a: {  	v6 =	vand.u32 $0xF0, v6;
	v12 =	vshll.u32 v9, $0x4;
	v8 =	vand.u32 $0xFF, v8  }
0x4b: {  	v13 =	vor.u32 v0, v12;
	v6 =	vadd.s32 v2, v6;
	[tilespmem:v10+s12+$0x0] =	vst.idx.add.f32.msk $0xffff, v4  }
0x4c: {  	v4 =	vand.u32 $0xFF, v13;
	[tilespmem:v5+s12+$0x0] =	vst.idx.add.f32.msk $0xffff, v3  }
0x4d: {  	v5 =	vand.u32 $0xF0, v12;
	v10 =	vld [tilespmem:s20+$0xFFFFFF20]  }
0x4e: {  	v7 =	vand.u32 $0xFFFFFFF0, v7;
	v5 =	vadd.s32 v2, v5;
	v12 =	vshll.u32 v11, $0x4  }
0x4f: {  	[tilespmem:v8+s12+$0x0] =	vst.idx.add.f32.msk $0xffff, v7;
	v7 =	vor.u32 v0, v12  }
0x50: {  	v8 =	vand.u32 $0xFFFFFFF0, v9;
	[tilespmem:v6+s12+$0x0] =	vst.idx.add.f32.msk $0xffff, v3;
	v6 =	vand.u32 $0xFF, v7  }
0x51: {  	[tilespmem:v4+s12+$0x0] =	vst.idx.add.f32.msk $0xffff, v8  }
0x52: {  	v4 =	vand.u32 $0xF0, v12;
	v7 =	vld [tilespmem:s20+$0xFFFFFFA0];
	v8 =	vshll.u32 v10, $0x4  }
0x53: {  	v4 =	vadd.s32 v2, v4;
	[tilespmem:v5+s12+$0x0] =	vst.idx.add.f32.msk $0xffff, v3;
	v5 =	vor.u32 v0, v8  }
0x54: {  	v11 =	vand.u32 $0xFFFFFFF0, v11;
	v9 =	vld [tilespmem:s20+$0x20];
	v5 =	vand.u32 $0xFF, v5  }
0x55: {  	s19 =	simm.s32 $0x300;
	v8 =	vand.u32 $0xF0, v8;
	[tilespmem:v6+s12+$0x0] =	vst.idx.add.f32.msk $0xffff, v11  }
0x56: {  	v8 =	vadd.s32 v2, v8;
	v6 =	vld [tilespmem:s19+$0x80]  }
0x57: {  	v14 =	vld [tilespmem:s19+$0xFFFFFF80];
	v11 =	vshll.u32 v7, $0x4  }
0x58: {  	v10 =	vand.u32 $0xFFFFFFF0, v10;
	[tilespmem:v4+s12+$0x0] =	vst.idx.add.f32.msk $0xffff, v3;
	v4 =	vor.u32 v0, v11  }
0x59: {  	v11 =	vand.u32 $0xF0, v11;
	v13 =	vshll.u32 v9, $0x4;
	v4 =	vand.u32 $0xFF, v4;
	[tilespmem:v5+s12+$0x0] =	vst.idx.add.f32.msk $0xffff, v10  }
0x5a: {  	v5 =	vor.u32 v0, v13;
	v10 =	vadd.s32 v2, v11;
	v11 =	vld [tilespmem:s19+$0xFFFFFF00]  }
0x5b: {  	[tilespmem:v8+s12+$0x0] =	vst.idx.add.f32.msk $0xffff, v3;
	v8 =	vand.u32 $0xF0, v13;
	v5 =	vand.u32 $0xFF, v5;
	v13 =	vshll.u32 v6, $0x4  }
0x5c: {  	v16 =	vld [tilespmem:s19+$0x0];
	v8 =	vadd.s32 v2, v8;
	v15 =	vor.u32 v0, v13  }
0x5d: {  	v7 =	vand.u32 $0xFFFFFFF0, v7;
	v12 =	vld [tilespmem:s20+$0xC0];
	v13 =	vand.u32 $0xF0, v13;
	v15 =	vand.u32 $0xFF, v15  }
0x5e: {  	[tilespmem:v4+s12+$0x0] =	vst.idx.add.f32.msk $0xffff, v7;
	v4 =	vadd.s32 v2, v13  }
0x5f: {  	v7 =	vand.u32 $0xFFFFFFF0, v9;
	v13 =	vld [tilespmem:s20+$0xFFFFFF30]  }
0x60: {  	[tilespmem:v5+s12+$0x0] =	vst.idx.add.f32.msk $0xffff, v7;
	v5 =	vshll.u32 v11, $0x4  }
0x61: {  	v6 =	vand.u32 $0xFFFFFFF0, v6;
	[tilespmem:v8+s12+$0x0] =	vst.idx.add.f32.msk $0xffff, v3;
	v7 =	vor.u32 v0, v5  }
0x62: {  	v8 =	vshll.u32 v14, $0x4;
	v5 =	vand.u32 $0xF0, v5;
	v7 =	vand.u32 $0xFF, v7;
	[tilespmem:v15+s12+$0x0] =	vst.idx.add.f32.msk $0xffff, v6  }
0x63: {  	v5 =	vadd.s32 v2, v5;
	v6 =	vor.u32 v0, v8;
	[tilespmem:v4+s12+$0x0] =	vst.idx.add.f32.msk $0xffff, v3  }
0x64: {  	v8 =	vand.u32 $0xF0, v8;
	v4 =	vshll.u32 v16, $0x4;
	v6 =	vand.u32 $0xFF, v6;
	v9 =	vld [tilespmem:s19+$0x90]  }
0x65: {  	[tilespmem:v10+s12+$0x0] =	vst.idx.add.f32.msk $0xffff, v3;
	v8 =	vadd.s32 v2, v8;
	v10 =	vor.u32 v0, v4  }
0x66: {  	v11 =	vand.u32 $0xFFFFFFF0, v11;
	v15 =	vld [tilespmem:s20+$0xFFFFFFB0];
	v4 =	vand.u32 $0xF0, v4;
	v10 =	vand.u32 $0xFF, v10  }
0x67: {  	v4 =	vadd.s32 v2, v4;
	[tilespmem:v7+s12+$0x0] =	vst.idx.add.f32.msk $0xffff, v11  }
0x68: {  	v7 =	vand.u32 $0xFFFFFFF0, v14;
	[tilespmem:v5+s12+$0x0] =	vst.idx.add.f32.msk $0xffff, v3  }
0x69: {  	[tilespmem:v6+s12+$0x0] =	vst.idx.add.f32.msk $0xffff, v7;
	v5 =	vshll.u32 v9, $0x4  }
0x6a: {  	v6 =	vand.u32 $0xFFFFFFF0, v16;
	[tilespmem:v8+s12+$0x0] =	vst.idx.add.f32.msk $0xffff, v3;
	v7 =	vor.u32 v0, v5  }
0x6b: {  	[tilespmem:v10+s12+$0x0] =	vst.idx.add.f32.msk $0xffff, v6;
	v5 =	vand.u32 $0xF0, v5;
	v6 =	vand.u32 $0xFF, v7  }
0x6c: {  	v7 =	vshll.u32 v12, $0x4;
	[tilespmem:v4+s12+$0x0] =	vst.idx.add.f32.msk $0xffff, v3;
	v4 =	vadd.s32 v2, v5  }
0x6d: {  	v8 =	vld [tilespmem:s19+$0xFFFFFF10];
	v5 =	vor.u32 v0, v7  }
0x6e: {  	v10 =	vshll.u32 v13, $0x4;
	v11 =	vld [tilespmem:s19+$0xFFFFFF90];
	v5 =	vand.u32 $0xFF, v5  }
0x6f: {  	v9 =	vand.u32 $0xFFFFFFF0, v9;
	v14 =	vor.u32 v0, v10;
	v16 =	vld [tilespmem:s19+$0x10]  }
0x70: {  	v17 =	vshll.u32 v15, $0x4;
	v10 =	vand.u32 $0xF0, v10;
	v14 =	vand.u32 $0xFF, v14;
	[tilespmem:v6+s12+$0x0] =	vst.idx.add.f32.msk $0xffff, v9  }
0x71: {  	v6 =	vor.u32 v0, v17;
	v9 =	vadd.s32 v2, v10;
	[tilespmem:v4+s12+$0x0] =	vst.idx.add.f32.msk $0xffff, v3  }
0x72: {  	v10 =	vshll.u32 v8, $0x4;
	v4 =	vand.u32 $0xFFFFFFF0, v12;
	v6 =	vand.u32 $0xFF, v6;
	v12 =	vld [tilespmem:s19+$0xA0]  }
0x73: {  	v18 =	vshll.u32 v11, $0x4;
	[tilespmem:v5+s12+$0x0] =	vst.idx.add.f32.msk $0xffff, v4;
	v5 =	vor.u32 v0, v10  }
0x74: {  	v4 =	vand.u32 $0xFFFFFFF0, v13;
	v13 =	vld [tilespmem:s20+$0x30];
	v10 =	vand.u32 $0xF0, v10;
	v5 =	vand.u32 $0xFF, v5  }
0x75: {  	v15 =	vand.u32 $0xFFFFFFF0, v15;
	[tilespmem:v14+s12+$0x0] =	vst.idx.add.f32.msk $0xffff, v4;
	v4 =	vor.u32 v0, v18;
	v10 =	vadd.s32 v2, v10  }
0x76: {  	v14 =	vand.u32 $0xF0, v18;
	v18 =	vshll.u32 v16, $0x4;
	v4 =	vand.u32 $0xFF, v4;
	[tilespmem:v9+s12+$0x0] =	vst.idx.add.f32.msk $0xffff, v3  }
0x77: {  	v9 =	vor.u32 v0, v18;
	[tilespmem:v6+s12+$0x0] =	vst.idx.add.f32.msk $0xffff, v15;
	v6 =	vadd.s32 v2, v14  }
0x78: {  	v8 =	vand.u32 $0xFFFFFFF0, v8;
	v9 =	vand.u32 $0xFF, v9;
	v19 =	vld [tilespmem:s20+$0xFFFFFF40];
	v14 =	vshll.u32 v12, $0x4  }
0x79: {  	v15 =	vor.u32 v0, v14;
	[tilespmem:v5+s12+$0x0] =	vst.idx.add.f32.msk $0xffff, v8  }
0x7a: {  	v11 =	vand.u32 $0xFFFFFFF0, v11;
	v5 =	vand.u32 $0xF0, v14;
	v8 =	vand.u32 $0xFF, v15;
	[tilespmem:v10+s12+$0x0] =	vst.idx.add.f32.msk $0xffff, v3  }
0x7b: {  	v5 =	vadd.s32 v2, v5;
	v10 =	vand.u32 $0xF0, v18;
	[tilespmem:v4+s12+$0x0] =	vst.idx.add.f32.msk $0xffff, v11  }
0x7c: {  	v7 =	vand.u32 $0xF0, v7;
	v4 =	vadd.s32 v2, v10;
	v10 =	vand.u32 $0xFFFFFFF0, v16;
	[tilespmem:v6+s12+$0x0] =	vst.idx.add.f32.msk $0xffff, v3  }
0x7d: {  	v7 =	vadd.s32 v2, v7;
	[tilespmem:v9+s12+$0x0] =	vst.idx.add.f32.msk $0xffff, v10  }
0x7e: {  	v6 =	vand.u32 $0xFFFFFFF0, v12;
	v11 =	vld [tilespmem:s19+$0xFFFFFFA0]  }
0x7f: {  	[tilespmem:v8+s12+$0x0] =	vst.idx.add.f32.msk $0xffff, v6  }
0x80: {  	v6 =	vand.u32 $0xF0, v17;
	v8 =	vshll.u32 v13, $0x4;
	[tilespmem:v5+s12+$0x0] =	vst.idx.add.f32.msk $0xffff, v3  }
0x81: {  	v5 =	vadd.s32 v2, v6;
	v6 =	vor.u32 v0, v8;
	v9 =	vld [tilespmem:s19+$0xB0]  }
0x82: {  	[tilespmem:v7+s12+$0x0] =	vst.idx.add.f32.msk $0xffff, v3;
	v6 =	vand.u32 $0xFF, v6  }
0x83: {  	v10 =	vshll.u32 v19, $0x4;
	v8 =	vand.u32 $0xF0, v8;
	[tilespmem:v4+s12+$0x0] =	vst.idx.add.f32.msk $0xffff, v3  }
0x84: {  	v12 =	vand.u32 $0xFFFFFFF0, v13;
	v13 =	vor.u32 v0, v10;
	v4 =	vadd.s32 v2, v8;
	v16 =	vld [tilespmem:s19+$0x20]  }
0x85: {  	v13 =	vand.u32 $0xFF, v13;
	v8 =	vld [tilespmem:s19+$0xFFFFFF20]  }
0x86: {  	v14 =	vshll.u32 v11, $0x4;
	[tilespmem:v5+s12+$0x0] =	vst.idx.add.f32.msk $0xffff, v3;
	v5 =	vand.u32 $0xF0, v10;
	v10 =	vshll.u32 v9, $0x4  }
0x87: {  	v20 =	vand.u32 $0xF0, v14;
	[tilespmem:v6+s12+$0x0] =	vst.idx.add.f32.msk $0xffff, v12;
	v12 =	vor.u32 v0, v10  }
0x88: {  	v6 =	vand.u32 $0xFFFFFFF0, v19;
	v18 =	vld [tilespmem:s20+$0xFFFFFFC0];
	v10 =	vand.u32 $0xF0, v10;
	v17 =	vand.u32 $0xFF, v12  }
0x89: {  	v5 =	vadd.s32 v2, v5;
	v15 =	vshll.u32 v16, $0x4;
	[tilespmem:v4+s12+$0x0] =	vst.idx.add.f32.msk $0xffff, v3;
	v19 =	vadd.s32 v2, v10  }
0x8a: {  	v7 =	vand.u32 $0xFFFFFFF0, v9;
	v16 =	vand.u32 $0xFFFFFFF0, v16;
	v4 =	vshll.u32 v8, $0x4;
	[tilespmem:v13+s12+$0x0] =	vst.idx.add.f32.msk $0xffff, v6  }
0x8b: {  	v6 =	vor.u32 v0, v14;
	v12 =	vand.u32 $0xF0, v4;
	v10 =	vld [tilespmem:s20+$0x40];
	v4 =	vor.u32 v0, v4  }
0x8c: {  	v13 =	vand.u32 $0xF0, v15;
	v21 =	vor.u32 v0, v15;
	v4 =	vand.u32 $0xFF, v4  }
0x8d: {  	v14 =	vadd.s32 v2, v20;
	v15 =	vand.u32 $0xFF, v6;
	v22 =	vadd.s32 v2, v12;
	[tilespmem:v17+s12+$0x0] =	vst.idx.add.f32.msk $0xffff, v7  }
0x8e: {  	v13 =	vadd.s32 v2, v13;
	v12 =	vand.u32 $0xFF, v21;
	v6 =	vshll.u32 v18, $0x4;
	[tilespmem:v19+s12+$0x0] =	vst.idx.add.f32.msk $0xffff, v3  }
0x8f: {  	v9 =	vand.u32 $0xF0, v6;
	v6 =	vor.u32 v0, v6;
	v17 =	vand.u32 $0xFFFFFFF0, v11;
	v11 =	vld [tilespmem:s19+$0xC0]  }
0x90: {  	[tilespmem:v5+s12+$0x0] =	vst.idx.add.f32.msk $0xffff, v3;
	v5 =	vand.u32 $0xFFFFFFF0, v8;
	v8 =	vshll.u32 v10, $0x4;
	v7 =	vand.u32 $0xFF, v6  }
0x91: {  	v19 =	vand.u32 $0xF0, v8;
	[tilespmem:v4+s12+$0x0] =	vst.idx.add.f32.msk $0xffff, v5;
	v5 =	vadd.s32 v2, v9;
	v4 =	vor.u32 v0, v8  }
0x92: {  	s21 =	simm.s32 $0x500;
	s20 =	simm.s32 $0x4;
	v8 =	vand.u32 $0xFFFFFFF0, v18;
	[tilespmem:v22+s12+$0x0] =	vst.idx.add.f32.msk $0xffff, v3;
	v6 =	vand.u32 $0xFF, v4;
	v4 =	vadd.s32 v2, v19  }
.LBB2_3:
0x93: {  	v18 =	vld [tilespmem:s21+$0x80];
	v9 =	vand.u32 $0xFFFFFFF0, v10  }
0x94: {  	v10 =	vld [tilespmem:s21+$0xFFFFFF80];
	v19 =	vshll.u32 v11, $0x4  }
0x95: {  	v20 =	vld [tilespmem:s21+$0x0];
	v21 =	vor.u32 v0, v19  }
0x96: {  	v19 =	vand.u32 $0xF0, v19;
	v22 =	vld [tilespmem:s21+$0xFFFFFF00];
	v21 =	vand.u32 $0xFF, v21  }
0x97: {  	[tilespmem:v15+s12+$0x0] =	vst.idx.add.f32.msk $0xffff, v17;
	v15 =	vadd.s32 v2, v19  }
0x98: {  	s20 =	sadd.s32 $0x4, s20;
	v17 =	vshll.u32 v18, $0x4;
	[tilespmem:v14+s12+$0x0] =	vst.idx.add.f32.msk $0xffff, v3  }
0x99: {  	p0 =	slt.u32 s20, $0xC4;
	v14 =	vshll.u32 v10, $0x4;
	v10 =	vand.u32 $0xFFFFFFF0, v10;
	v19 =	vor.u32 v0, v17;
	[tilespmem:v12+s12+$0x0] =	vst.idx.add.f32.msk $0xffff, v16  }
0x9a: {  	v11 =	vand.u32 $0xFFFFFFF0, v11;
	v12 =	vand.u32 $0xF0, v17;
	v16 =	vand.u32 $0xFF, v19;
	[tilespmem:v13+s12+$0x0] =	vst.idx.add.f32.msk $0xffff, v3  }
0x9b: {  	v17 =	vshll.u32 v20, $0x4;
	v12 =	vadd.s32 v2, v12;
	v13 =	vshll.u32 v22, $0x4;
	[tilespmem:v21+s12+$0x0] =	vst.idx.add.f32.msk $0xffff, v11  }
0x9c: {  	v19 =	vand.u32 $0xF0, v14;
	v11 =	vand.u32 $0xF0, v13;
	v13 =	vor.u32 v0, v13;
	[tilespmem:v15+s12+$0x0] =	vst.idx.add.f32.msk $0xffff, v3  }
0x9d: {  	v14 =	vor.u32 v0, v14;
	v15 =	vand.u32 $0xF0, v17;
	v17 =	vor.u32 v0, v17;
	v21 =	vld [tilespmem:s19+$0xFFFFFF30]  }
0x9e: {  	v18 =	vand.u32 $0xFFFFFFF0, v18;
	v13 =	vand.u32 $0xFF, v13;
	v11 =	vadd.s32 v2, v11;
	v23 =	vld [tilespmem:s19+$0xFFFFFFB0]  }
0x9f: {  	v14 =	vand.u32 $0xFF, v14;
	v19 =	vadd.s32 v2, v19;
	v17 =	vand.u32 $0xFF, v17;
	[tilespmem:v16+s12+$0x0] =	vst.idx.add.f32.msk $0xffff, v18  }
0xa0: {  	v15 =	vadd.s32 v2, v15;
	v16 =	vand.u32 $0xFFFFFFF0, v22;
	v18 =	vand.u32 $0xFFFFFFF0, v20;
	[tilespmem:v12+s12+$0x0] =	vst.idx.add.f32.msk $0xffff, v3  }
0xa1: {  	v12 =	vld [tilespmem:s21+$0x90]  }
0xa2: {  	v20 =	vshll.u32 v21, $0x4;
	v21 =	vand.u32 $0xFFFFFFF0, v21;
	v22 =	vld [tilespmem:s19+$0x30]  }
0xa3: {  	[tilespmem:v13+s12+$0x0] =	vst.idx.add.f32.msk $0xffff, v16;
	v13 =	vand.u32 $0xF0, v20;
	v16 =	vor.u32 v0, v20;
	v20 =	vshll.u32 v23, $0x4  }
0xa4: {  	[tilespmem:v11+s12+$0x0] =	vst.idx.add.f32.msk $0xffff, v3;
	v11 =	vand.u32 $0xFF, v16;
	v16 =	vand.u32 $0xF0, v20;
	v20 =	vor.u32 v0, v20  }
0xa5: {  	[tilespmem:v14+s12+$0x0] =	vst.idx.add.f32.msk $0xffff, v10;
	v10 =	vadd.s32 v2, v13;
	v13 =	vand.u32 $0xFF, v20;
	v14 =	vadd.s32 v2, v16  }
0xa6: {  	[tilespmem:v19+s12+$0x0] =	vst.idx.add.f32.msk $0xffff, v3;
	v16 =	vshll.u32 v12, $0x4;
	v19 =	vand.u32 $0xFFFFFFF0, v23  }
0xa7: {  	[tilespmem:v17+s12+$0x0] =	vst.idx.add.f32.msk $0xffff, v18;
	v17 =	vor.u32 v0, v16;
	v18 =	vshll.u32 v22, $0x4;
	v20 =	vand.u32 $0xFFFFFFF0, v22  }
0xa8: {  	[tilespmem:v15+s12+$0x0] =	vst.idx.add.f32.msk $0xffff, v3;
	v15 =	vand.u32 $0xF0, v16;
	v16 =	vand.u32 $0xFF, v17;
	v17 =	vand.u32 $0xF0, v18  }
0xa9: {  	v18 =	vor.u32 v0, v18;
	v22 =	vld [tilespmem:s21+$0xFFFFFF10];
	v15 =	vadd.s32 v2, v15;
	v17 =	vadd.s32 v2, v17  }
0xaa: {  	v18 =	vand.u32 $0xFF, v18;
	v23 =	vld [tilespmem:s21+$0xFFFFFF90]  }
0xab: {  	v24 =	vld [tilespmem:s21+$0x10]  }
0xac: {  	v12 =	vand.u32 $0xFFFFFFF0, v12;
	[tilespmem:v11+s12+$0x0] =	vst.idx.add.f32.msk $0xffff, v21  }
0xad: {  	[tilespmem:v16+s12+$0x0] =	vst.idx.add.f32.msk $0xffff, v12  }
0xae: {  	v11 =	vshll.u32 v22, $0x4;
	v12 =	vand.u32 $0xFFFFFFF0, v22;
	[tilespmem:v15+s12+$0x0] =	vst.idx.add.f32.msk $0xffff, v3  }
0xaf: {  	v15 =	vand.u32 $0xF0, v11;
	v11 =	vor.u32 v0, v11;
	v16 =	vshll.u32 v23, $0x4;
	v21 =	vld [tilespmem:s21+$0xA0]  }
0xb0: {  	v22 =	vand.u32 $0xF0, v16;
	v16 =	vor.u32 v0, v16;
	v25 =	vshll.u32 v24, $0x4;
	[tilespmem:v10+s12+$0x0] =	vst.idx.add.f32.msk $0xffff, v3  }
0xb1: {  	v10 =	vand.u32 $0xFF, v11;
	v11 =	vand.u32 $0xF0, v25;
	v25 =	vor.u32 v0, v25;
	[tilespmem:v13+s12+$0x0] =	vst.idx.add.f32.msk $0xffff, v19  }
0xb2: {  	v13 =	vadd.s32 v2, v15;
	v15 =	vand.u32 $0xFF, v16;
	v16 =	vadd.s32 v2, v22;
	[tilespmem:v14+s12+$0x0] =	vst.idx.add.f32.msk $0xffff, v3  }
0xb3: {  	v14 =	vand.u32 $0xFFFFFFF0, v23;
	v19 =	vand.u32 $0xFF, v25;
	v11 =	vadd.s32 v2, v11;
	[tilespmem:v18+s12+$0x0] =	vst.idx.add.f32.msk $0xffff, v20  }
0xb4: {  	v18 =	vand.u32 $0xFFFFFFF0, v24;
	v20 =	vshll.u32 v21, $0x4;
	[tilespmem:v17+s12+$0x0] =	vst.idx.add.f32.msk $0xffff, v3  }
0xb5: {  	v17 =	vor.u32 v0, v20;
	v22 =	vld [tilespmem:s19+$0xFFFFFF40]  }
0xb6: {  	[tilespmem:v10+s12+$0x0] =	vst.idx.add.f32.msk $0xffff, v12;
	v10 =	vand.u32 $0xF0, v20;
	v12 =	vand.u32 $0xFF, v17  }
0xb7: {  	[tilespmem:v13+s12+$0x0] =	vst.idx.add.f32.msk $0xffff, v3;
	v10 =	vadd.s32 v2, v10  }
0xb8: {  	[tilespmem:v15+s12+$0x0] =	vst.idx.add.f32.msk $0xffff, v14  }
0xb9: {  	[tilespmem:v16+s12+$0x0] =	vst.idx.add.f32.msk $0xffff, v3  }
0xba: {  	v13 =	vand.u32 $0xFFFFFFF0, v21;
	[tilespmem:v19+s12+$0x0] =	vst.idx.add.f32.msk $0xffff, v18;
	v14 =	vshll.u32 v22, $0x4;
	v15 =	vand.u32 $0xFFFFFFF0, v22  }
0xbb: {  	[tilespmem:v12+s12+$0x0] =	vst.idx.add.f32.msk $0xffff, v13;
	v12 =	vand.u32 $0xF0, v14;
	v13 =	vor.u32 v0, v14  }
0xbc: {  	[tilespmem:v10+s12+$0x0] =	vst.idx.add.f32.msk $0xffff, v3;
	v13 =	vand.u32 $0xFF, v13;
	v12 =	vadd.s32 v2, v12  }
0xbd: {  	v14 =	vld [tilespmem:s21+$0xB0]  }
0xbe: {  	[tilespmem:v11+s12+$0x0] =	vst.idx.add.f32.msk $0xffff, v3  }
0xbf: {  	v11 =	vld [tilespmem:s21+$0xFFFFFF20]  }
0xc0: {  	v16 =	vld [tilespmem:s21+$0xFFFFFFA0]  }
0xc1: {  	v18 =	vld [tilespmem:s21+$0x20]  }
0xc2: {  	v17 =	vshll.u32 v14, $0x4;
	v19 =	vld [tilespmem:s19+$0xFFFFFFC0]  }
0xc3: {  	v20 =	vor.u32 v0, v17;
	v10 =	vld [tilespmem:s19+$0x40];
	s19 =	smov.u32 s21  }
0xc4: {  	v17 =	vand.u32 $0xF0, v17;
	v21 =	vshll.u32 v11, $0x4;
	v20 =	vand.u32 $0xFF, v20;
	[tilespmem:v13+s12+$0x0] =	vst.idx.add.f32.msk $0xffff, v15  }
0xc5: {  	v22 =	vadd.s32 v2, v17;
	v13 =	vand.u32 $0xF0, v21;
	v15 =	vshll.u32 v16, $0x4;
	[tilespmem:v12+s12+$0x0] =	vst.idx.add.f32.msk $0xffff, v3  }
0xc6: {  	v12 =	vor.u32 v0, v21;
	v17 =	vand.u32 $0xF0, v15;
	v21 =	vshll.u32 v18, $0x4;
	[tilespmem:v7+s12+$0x0] =	vst.idx.add.f32.msk $0xffff, v8  }
0xc7: {  	v7 =	vor.u32 v0, v15;
	v8 =	vand.u32 $0xF0, v21;
	v21 =	vor.u32 v0, v21;
	[tilespmem:v5+s12+$0x0] =	vst.idx.add.f32.msk $0xffff, v3  }
0xc8: {  	v23 =	vadd.s32 v2, v13;
	v13 =	vand.u32 $0xFFFFFFF0, v14;
	v5 =	vand.u32 $0xFF, v12;
	[tilespmem:v6+s12+$0x0] =	vst.idx.add.f32.msk $0xffff, v9  }
0xc9: {  	v15 =	vand.u32 $0xFF, v7;
	v14 =	vadd.s32 v2, v17;
	v12 =	vand.u32 $0xFF, v21;
	[tilespmem:v20+s12+$0x0] =	vst.idx.add.f32.msk $0xffff, v13  }
.Ltmp0:
0xca: {  	v17 =	vand.u32 $0xFFFFFFF0, v16;
	v6 =	vand.u32 $0xFFFFFFF0, v11;
	v13 =	vadd.s32 v2, v8;
	[tilespmem:v22+s12+$0x0] =	vst.idx.add.f32.msk $0xffff, v3;
	(pc) =	sbr.rel @p0 .LBB2_3-.Ltmp0, $4  }
0xcb: {  	v16 =	vand.u32 $0xFFFFFFF0, v18;
	v7 =	vshll.u32 v19, $0x4;
	v8 =	vshll.u32 v10, $0x4;
	v11 =	vld [tilespmem:s21+$0xC0]  }
0xcc: {  	v9 =	vand.u32 $0xF0, v7;
	v7 =	vor.u32 v0, v7;
	v18 =	vand.u32 $0xF0, v8;
	[tilespmem:v4+s12+$0x0] =	vst.idx.add.f32.msk $0xffff, v3  }
0xcd: {  	v7 =	vand.u32 $0xFF, v7;
	v4 =	vor.u32 v0, v8;
	[tilespmem:v5+s12+$0x0] =	vst.idx.add.f32.msk $0xffff, v6;
	v5 =	vadd.s32 v2, v9  }
0xce: {  	s21 =	sadd.s32 $0x200, s21;
	v8 =	vand.u32 $0xFFFFFFF0, v19;
	v6 =	vand.u32 $0xFF, v4;
	v4 =	vadd.s32 v2, v18;
	[tilespmem:v23+s12+$0x0] =	vst.idx.add.f32.msk $0xffff, v3  }
0xcf: {  	_ =	sdelay $0x1  }
0xd0: {  	v9 =	vld [tilespmem:s19+$0xFFFFFF30];
	_ =	sdelay $0x1  }
0xd1: {  	[tilespmem:v15+s12+$0x0] =	vst.idx.add.f32.msk $0xffff, v17  }
0xd2: {  	[tilespmem:v12+s12+$0x0] =	vst.idx.add.f32.msk $0xffff, v16  }
0xd3: {  	[tilespmem:v14+s12+$0x0] =	vst.idx.add.f32.msk $0xffff, v3  }
0xd4: {  	v12 =	vld [tilespmem:s19+$0xFFFFFFB0];
	v14 =	vshll.u32 v9, $0x4  }
0xd5: {  	[tilespmem:v13+s12+$0x0] =	vst.idx.add.f32.msk $0xffff, v3;
	v13 =	vor.u32 v0, v14  }
0xd6: {  	v15 =	vld [tilespmem:s19+$0x30];
	v14 =	vand.u32 $0xF0, v14;
	v13 =	vand.u32 $0xFF, v13  }
0xd7: {  	v14 =	vadd.s32 v2, v14;
	_ =	sdelay $0x1  }
0xd8: {  	v16 =	vshll.u32 v12, $0x4  }
0xd9: {  	v9 =	vand.u32 $0xFFFFFFF0, v9;
	v17 =	vor.u32 v0, v16  }
0xda: {  	v18 =	vshll.u32 v15, $0x4;
	v16 =	vand.u32 $0xF0, v16;
	v17 =	vand.u32 $0xFF, v17;
	[tilespmem:v13+s12+$0x0] =	vst.idx.add.f32.msk $0xffff, v9  }
0xdb: {  	v9 =	vadd.s32 v2, v16;
	v13 =	vor.u32 v0, v18;
	[tilespmem:v14+s12+$0x0] =	vst.idx.add.f32.msk $0xffff, v3  }
0xdc: {  	v13 =	vand.u32 $0xFF, v13;
	v14 =	vld [tilespmem:s19+$0xFFFFFF40]  }
0xdd: {  	v16 =	vand.u32 $0xF0, v18  }
0xde: {  	v12 =	vand.u32 $0xFFFFFFF0, v12;
	v16 =	vadd.s32 v2, v16  }
0xdf: {  	v18 =	vshll.u32 v11, $0x4;
	[tilespmem:v17+s12+$0x0] =	vst.idx.add.f32.msk $0xffff, v12  }
0xe0: {  	v15 =	vand.u32 $0xFFFFFFF0, v15;
	v12 =	vor.u32 v0, v18;
	[tilespmem:v9+s12+$0x0] =	vst.idx.add.f32.msk $0xffff, v3  }
0xe1: {  	v12 =	vand.u32 $0xFF, v12;
	v9 =	vand.u32 $0xF0, v18;
	[tilespmem:v13+s12+$0x0] =	vst.idx.add.f32.msk $0xffff, v15;
	v13 =	vshll.u32 v14, $0x4  }
0xe2: {  	v9 =	vadd.s32 v2, v9;
	v17 =	vld [tilespmem:s19+$0xFFFFFFC0];
	v15 =	vor.u32 v0, v13  }
0xe3: {  	[tilespmem:v16+s12+$0x0] =	vst.idx.add.f32.msk $0xffff, v3;
	v15 =	vand.u32 $0xFF, v15  }
0xe4: {  	v16 =	vld [tilespmem:s19+$0x40]  }
0xe5: {  	v11 =	vand.u32 $0xFFFFFFF0, v11  }
0xe6: {  	[tilespmem:v12+s12+$0x0] =	vst.idx.add.f32.msk $0xffff, v11  }
0xe7: {  	v13 =	vand.u32 $0xF0, v13;
	[tilespmem:v9+s12+$0x0] =	vst.idx.add.f32.msk $0xffff, v3;
	v9 =	vand.u32 $0xFFFFFFF0, v14;
	v11 =	vshll.u32 v17, $0x4  }
0xe8: {  	v13 =	vadd.s32 v2, v13;
	[tilespmem:v15+s12+$0x0] =	vst.idx.add.f32.msk $0xffff, v9;
	v9 =	vor.u32 v0, v11  }
0xe9: {  	[tilespmem:v7+s12+$0x0] =	vst.idx.add.f32.msk $0xffff, v8;
	v12 =	vshll.u32 v16, $0x4;
	v11 =	vand.u32 $0xF0, v11;
	v9 =	vand.u32 $0xFF, v9  }
0xea: {  	v10 =	vand.u32 $0xFFFFFFF0, v10;
	[tilespmem:v5+s12+$0x0] =	vst.idx.add.f32.msk $0xffff, v3;
	v8 =	vor.u32 v0, v12;
	v7 =	vadd.s32 v2, v11  }
0xeb: {  	[tilespmem:v6+s12+$0x0] =	vst.idx.add.f32.msk $0xffff, v10;
	v5 =	vand.u32 $0xF0, v12;
	v8 =	vand.u32 $0xFF, v8  }
0xec: {  	[tilespmem:v4+s12+$0x0] =	vst.idx.add.f32.msk $0xffff, v3;
	v5 =	vadd.s32 v2, v5  }
0xed: {  	v4 =	vand.u32 $0xFFFFFFF0, v17;
	[tilespmem:v13+s12+$0x0] =	vst.idx.add.f32.msk $0xffff, v3  }
0xee: {  	[tilespmem:v9+s12+$0x0] =	vst.idx.add.f32.msk $0xffff, v4  }
0xef: {  	v4 =	vand.u32 $0xFFFFFFF0, v16;
	[tilespmem:v7+s12+$0x0] =	vst.idx.add.f32.msk $0xffff, v3  }
0xf0: {  	p0 =	seq.s32 s17, $0x3;
	[tilespmem:v8+s12+$0x0] =	vst.idx.add.f32.msk $0xffff, v4  }
0xf1: {  	s18 =	sadd.s32 @!p0 s6, s18;
	[tilespmem:v5+s12+$0x0] =	vst.idx.add.f32.msk $0xffff, v3  }
0xf2: {  	s18 =	smul.u32 @!p0 $0xC80, s18;
	_ =	swait.ge [sflag:s13], $0x6400  }
0xf3: {  	s31 =	simm.s32 $0x6500;
	[sflag:s13] =	ssyncset.done $0x0  }
0xf4: {  	s18 =	sadd.s32 @!p0 s4, s18;
	s19 =	simm.s32 @!p0 $0x0;
	[sflag:s13] =	ssyncadd.s32 $0xFFFF9C00  }
0xf5: {  	[tilespmem:s19], [sflag:$0x1] =	stream.linear.gather @!p0 [hbm4b:s18+s19], $0x6400, $0x38;
	[tilespmem:$0xCD80] =	vst v63  }
0xf6: {  	v4 =	vld [tilespmem:s31+$0x80];
	_ =	sdelay $0x4  }
0xf7: {  	v5 =	vshll.u32 v4, $0x4  }
0xf8: {  	v6 =	vor.u32 v0, v5  }
0xf9: {  	v5 =	vand.u32 $0xF0, v5;
	v6 =	vand.u32 $0xFF, v6  }
0xfa: {  	v5 =	vadd.s32 v2, v5;
	_ =	sdelay $0x2  }
0xfb: {  	v4 =	vand.u32 $0xFFFFFFF0, v4  }
0xfc: {  	[tilespmem:v6+s12+$0x0] =	vst.idx.add.f32.msk $0xffff, v4  }
0xfd: {  	[tilespmem:v5+s12+$0x0] =	vst.idx.add.f32.msk $0xffff, v3  }
0xfe: {  	v4 =	vld [tilespmem:s31+$0x90];
	_ =	sdelay $0x3  }
0xff: {  	v5 =	vld [tilespmem:s31+$0xFFFFFF00]  }
0x100: {  	v6 =	vshll.u32 v4, $0x4  }
0x101: {  	v7 =	vor.u32 v0, v6  }
0x102: {  	v8 =	vld [tilespmem:s31+$0xFFFFFF80];
	v6 =	vand.u32 $0xF0, v6;
	v7 =	vand.u32 $0xFF, v7  }
0x103: {  	v6 =	vadd.s32 v2, v6  }
0x104: {  	v9 =	vld [tilespmem:s31+$0x0];
	v10 =	vshll.u32 v5, $0x4  }
0x105: {  	v11 =	vor.u32 v0, v10  }
0x106: {  	v10 =	vand.u32 $0xF0, v10;
	v4 =	vand.u32 $0xFFFFFFF0, v4;
	v11 =	vand.u32 $0xFF, v11  }
0x107: {  	v12 =	vshll.u32 v8, $0x4;
	v10 =	vadd.s32 v2, v10;
	[tilespmem:v7+s12+$0x0] =	vst.idx.add.f32.msk $0xffff, v4  }
0x108: {  	v4 =	vor.u32 v0, v12;
	[tilespmem:v6+s12+$0x0] =	vst.idx.add.f32.msk $0xffff, v3  }
0x109: {  	v7 =	vand.u32 $0xF0, v12;
	v6 =	vshll.u32 v9, $0x4;
	v4 =	vand.u32 $0xFF, v4;
	v12 =	vld [tilespmem:s31+$0xA0]  }
0x10a: {  	v5 =	vand.u32 $0xFFFFFFF0, v5;
	v7 =	vadd.s32 v2, v7;
	v13 =	vor.u32 v0, v6  }
0x10b: {  	[tilespmem:v11+s12+$0x0] =	vst.idx.add.f32.msk $0xffff, v5;
	v13 =	vand.u32 $0xFF, v13  }
0x10c: {  	[tilespmem:v10+s12+$0x0] =	vst.idx.add.f32.msk $0xffff, v3;
	v5 =	vand.u32 $0xF0, v6  }
0x10d: {  	v6 =	vand.u32 $0xFFFFFFF0, v8;
	v8 =	vld [tilespmem:s31+$0xFFFFFF10];
	v5 =	vadd.s32 v2, v5  }
0x10e: {  	[tilespmem:v4+s12+$0x0] =	vst.idx.add.f32.msk $0xffff, v6;
	v4 =	vshll.u32 v12, $0x4  }
0x10f: {  	v6 =	vand.u32 $0xFFFFFFF0, v9;
	[tilespmem:v7+s12+$0x0] =	vst.idx.add.f32.msk $0xffff, v3;
	v7 =	vor.u32 v0, v4  }
0x110: {  	[tilespmem:v13+s12+$0x0] =	vst.idx.add.f32.msk $0xffff, v6;
	v4 =	vand.u32 $0xF0, v4;
	v6 =	vand.u32 $0xFF, v7  }
0x111: {  	v7 =	vld [tilespmem:s31+$0xFFFFFF90];
	v4 =	vadd.s32 v2, v4  }
0x112: {  	[tilespmem:v5+s12+$0x0] =	vst.idx.add.f32.msk $0xffff, v3;
	v5 =	vshll.u32 v8, $0x4  }
0x113: {  	v9 =	vld [tilespmem:s31+$0x10];
	v10 =	vor.u32 v0, v5  }
0x114: {  	v11 =	vand.u32 $0xFFFFFFF0, v12;
	v5 =	vand.u32 $0xF0, v5;
	v10 =	vand.u32 $0xFF, v10  }
0x115: {  	v5 =	vadd.s32 v2, v5;
	[tilespmem:v6+s12+$0x0] =	vst.idx.add.f32.msk $0xffff, v11  }
0x116: {  	v6 =	vshll.u32 v7, $0x4;
	[tilespmem:v4+s12+$0x0] =	vst.idx.add.f32.msk $0xffff, v3  }
0x117: {  	v4 =	vand.u32 $0xFFFFFFF0, v8;
	v8 =	vor.u32 v0, v6;
	v11 =	vld [tilespmem:s31+$0xB0]  }
0x118: {  	v6 =	vand.u32 $0xF0, v6;
	v12 =	vshll.u32 v9, $0x4;
	v8 =	vand.u32 $0xFF, v8  }
0x119: {  	v13 =	vor.u32 v0, v12;
	v6 =	vadd.s32 v2, v6;
	[tilespmem:v10+s12+$0x0] =	vst.idx.add.f32.msk $0xffff, v4  }
0x11a: {  	v4 =	vand.u32 $0xFF, v13;
	[tilespmem:v5+s12+$0x0] =	vst.idx.add.f32.msk $0xffff, v3  }
0x11b: {  	v5 =	vand.u32 $0xF0, v12;
	v10 =	vld [tilespmem:s31+$0xFFFFFF20]  }
0x11c: {  	v7 =	vand.u32 $0xFFFFFFF0, v7;
	v5 =	vadd.s32 v2, v5;
	v12 =	vshll.u32 v11, $0x4  }
0x11d: {  	[tilespmem:v8+s12+$0x0] =	vst.idx.add.f32.msk $0xffff, v7;
	v7 =	vor.u32 v0, v12  }
0x11e: {  	v8 =	vand.u32 $0xFFFFFFF0, v9;
	[tilespmem:v6+s12+$0x0] =	vst.idx.add.f32.msk $0xffff, v3;
	v6 =	vand.u32 $0xFF, v7  }
0x11f: {  	[tilespmem:v4+s12+$0x0] =	vst.idx.add.f32.msk $0xffff, v8  }
0x120: {  	v4 =	vand.u32 $0xF0, v12;
	v7 =	vld [tilespmem:s31+$0xFFFFFFA0];
	v8 =	vshll.u32 v10, $0x4  }
0x121: {  	v4 =	vadd.s32 v2, v4;
	[tilespmem:v5+s12+$0x0] =	vst.idx.add.f32.msk $0xffff, v3;
	v5 =	vor.u32 v0, v8  }
0x122: {  	v11 =	vand.u32 $0xFFFFFFF0, v11;
	v9 =	vld [tilespmem:s31+$0x20];
	v5 =	vand.u32 $0xFF, v5  }
0x123: {  	s18 =	simm.s32 $0x6700;
	v8 =	vand.u32 $0xF0, v8;
	[tilespmem:v6+s12+$0x0] =	vst.idx.add.f32.msk $0xffff, v11  }
0x124: {  	v8 =	vadd.s32 v2, v8;
	v6 =	vld [tilespmem:s18+$0x80]  }
0x125: {  	v14 =	vld [tilespmem:s18+$0xFFFFFF80];
	v11 =	vshll.u32 v7, $0x4  }
0x126: {  	v10 =	vand.u32 $0xFFFFFFF0, v10;
	[tilespmem:v4+s12+$0x0] =	vst.idx.add.f32.msk $0xffff, v3;
	v4 =	vor.u32 v0, v11  }
0x127: {  	v11 =	vand.u32 $0xF0, v11;
	v13 =	vshll.u32 v9, $0x4;
	v4 =	vand.u32 $0xFF, v4;
	[tilespmem:v5+s12+$0x0] =	vst.idx.add.f32.msk $0xffff, v10  }
0x128: {  	v5 =	vor.u32 v0, v13;
	v10 =	vadd.s32 v2, v11;
	v11 =	vld [tilespmem:s18+$0xFFFFFF00]  }
0x129: {  	[tilespmem:v8+s12+$0x0] =	vst.idx.add.f32.msk $0xffff, v3;
	v8 =	vand.u32 $0xF0, v13;
	v5 =	vand.u32 $0xFF, v5;
	v13 =	vshll.u32 v6, $0x4  }
0x12a: {  	v16 =	vld [tilespmem:s18+$0x0];
	v8 =	vadd.s32 v2, v8;
	v15 =	vor.u32 v0, v13  }
0x12b: {  	v7 =	vand.u32 $0xFFFFFFF0, v7;
	v12 =	vld [tilespmem:s31+$0xC0];
	v13 =	vand.u32 $0xF0, v13;
	v15 =	vand.u32 $0xFF, v15  }
0x12c: {  	[tilespmem:v4+s12+$0x0] =	vst.idx.add.f32.msk $0xffff, v7;
	v4 =	vadd.s32 v2, v13  }
0x12d: {  	v7 =	vand.u32 $0xFFFFFFF0, v9;
	v13 =	vld [tilespmem:s31+$0xFFFFFF30]  }
0x12e: {  	[tilespmem:v5+s12+$0x0] =	vst.idx.add.f32.msk $0xffff, v7;
	v5 =	vshll.u32 v11, $0x4  }
0x12f: {  	v6 =	vand.u32 $0xFFFFFFF0, v6;
	[tilespmem:v8+s12+$0x0] =	vst.idx.add.f32.msk $0xffff, v3;
	v7 =	vor.u32 v0, v5  }
0x130: {  	v8 =	vshll.u32 v14, $0x4;
	v5 =	vand.u32 $0xF0, v5;
	v7 =	vand.u32 $0xFF, v7;
	[tilespmem:v15+s12+$0x0] =	vst.idx.add.f32.msk $0xffff, v6  }
0x131: {  	v5 =	vadd.s32 v2, v5;
	v6 =	vor.u32 v0, v8;
	[tilespmem:v4+s12+$0x0] =	vst.idx.add.f32.msk $0xffff, v3  }
0x132: {  	v8 =	vand.u32 $0xF0, v8;
	v4 =	vshll.u32 v16, $0x4;
	v6 =	vand.u32 $0xFF, v6;
	v9 =	vld [tilespmem:s18+$0x90]  }
0x133: {  	[tilespmem:v10+s12+$0x0] =	vst.idx.add.f32.msk $0xffff, v3;
	v8 =	vadd.s32 v2, v8;
	v10 =	vor.u32 v0, v4  }
0x134: {  	v11 =	vand.u32 $0xFFFFFFF0, v11;
	v15 =	vld [tilespmem:s31+$0xFFFFFFB0];
	v4 =	vand.u32 $0xF0, v4;
	v10 =	vand.u32 $0xFF, v10  }
0x135: {  	v4 =	vadd.s32 v2, v4;
	[tilespmem:v7+s12+$0x0] =	vst.idx.add.f32.msk $0xffff, v11  }
0x136: {  	v7 =	vand.u32 $0xFFFFFFF0, v14;
	[tilespmem:v5+s12+$0x0] =	vst.idx.add.f32.msk $0xffff, v3  }
0x137: {  	[tilespmem:v6+s12+$0x0] =	vst.idx.add.f32.msk $0xffff, v7;
	v5 =	vshll.u32 v9, $0x4  }
0x138: {  	v6 =	vand.u32 $0xFFFFFFF0, v16;
	[tilespmem:v8+s12+$0x0] =	vst.idx.add.f32.msk $0xffff, v3;
	v7 =	vor.u32 v0, v5  }
0x139: {  	[tilespmem:v10+s12+$0x0] =	vst.idx.add.f32.msk $0xffff, v6;
	v5 =	vand.u32 $0xF0, v5;
	v6 =	vand.u32 $0xFF, v7  }
0x13a: {  	v7 =	vshll.u32 v12, $0x4;
	[tilespmem:v4+s12+$0x0] =	vst.idx.add.f32.msk $0xffff, v3;
	v4 =	vadd.s32 v2, v5  }
0x13b: {  	v8 =	vld [tilespmem:s18+$0xFFFFFF10];
	v5 =	vor.u32 v0, v7  }
0x13c: {  	v10 =	vshll.u32 v13, $0x4;
	v11 =	vld [tilespmem:s18+$0xFFFFFF90];
	v5 =	vand.u32 $0xFF, v5  }
0x13d: {  	v9 =	vand.u32 $0xFFFFFFF0, v9;
	v14 =	vor.u32 v0, v10;
	v16 =	vld [tilespmem:s18+$0x10]  }
0x13e: {  	v17 =	vshll.u32 v15, $0x4;
	v10 =	vand.u32 $0xF0, v10;
	v14 =	vand.u32 $0xFF, v14;
	[tilespmem:v6+s12+$0x0] =	vst.idx.add.f32.msk $0xffff, v9  }
0x13f: {  	v6 =	vor.u32 v0, v17;
	v9 =	vadd.s32 v2, v10;
	[tilespmem:v4+s12+$0x0] =	vst.idx.add.f32.msk $0xffff, v3  }
0x140: {  	v10 =	vshll.u32 v8, $0x4;
	v4 =	vand.u32 $0xFFFFFFF0, v12;
	v6 =	vand.u32 $0xFF, v6;
	v12 =	vld [tilespmem:s18+$0xA0]  }
0x141: {  	v18 =	vshll.u32 v11, $0x4;
	[tilespmem:v5+s12+$0x0] =	vst.idx.add.f32.msk $0xffff, v4;
	v5 =	vor.u32 v0, v10  }
0x142: {  	v4 =	vand.u32 $0xFFFFFFF0, v13;
	v13 =	vld [tilespmem:s31+$0x30];
	v10 =	vand.u32 $0xF0, v10;
	v5 =	vand.u32 $0xFF, v5  }
0x143: {  	v15 =	vand.u32 $0xFFFFFFF0, v15;
	[tilespmem:v14+s12+$0x0] =	vst.idx.add.f32.msk $0xffff, v4;
	v4 =	vor.u32 v0, v18;
	v10 =	vadd.s32 v2, v10  }
0x144: {  	v14 =	vand.u32 $0xF0, v18;
	v18 =	vshll.u32 v16, $0x4;
	v4 =	vand.u32 $0xFF, v4;
	[tilespmem:v9+s12+$0x0] =	vst.idx.add.f32.msk $0xffff, v3  }
0x145: {  	v9 =	vor.u32 v0, v18;
	[tilespmem:v6+s12+$0x0] =	vst.idx.add.f32.msk $0xffff, v15;
	v6 =	vadd.s32 v2, v14  }
0x146: {  	v8 =	vand.u32 $0xFFFFFFF0, v8;
	v9 =	vand.u32 $0xFF, v9;
	v19 =	vld [tilespmem:s31+$0xFFFFFF40];
	v14 =	vshll.u32 v12, $0x4  }
0x147: {  	v15 =	vor.u32 v0, v14;
	[tilespmem:v5+s12+$0x0] =	vst.idx.add.f32.msk $0xffff, v8  }
0x148: {  	v11 =	vand.u32 $0xFFFFFFF0, v11;
	v5 =	vand.u32 $0xF0, v14;
	v8 =	vand.u32 $0xFF, v15;
	[tilespmem:v10+s12+$0x0] =	vst.idx.add.f32.msk $0xffff, v3  }
0x149: {  	v5 =	vadd.s32 v2, v5;
	v10 =	vand.u32 $0xF0, v18;
	[tilespmem:v4+s12+$0x0] =	vst.idx.add.f32.msk $0xffff, v11  }
0x14a: {  	v7 =	vand.u32 $0xF0, v7;
	v4 =	vadd.s32 v2, v10;
	v10 =	vand.u32 $0xFFFFFFF0, v16;
	[tilespmem:v6+s12+$0x0] =	vst.idx.add.f32.msk $0xffff, v3  }
0x14b: {  	v7 =	vadd.s32 v2, v7;
	[tilespmem:v9+s12+$0x0] =	vst.idx.add.f32.msk $0xffff, v10  }
0x14c: {  	v6 =	vand.u32 $0xFFFFFFF0, v12;
	v11 =	vld [tilespmem:s18+$0xFFFFFFA0]  }
0x14d: {  	[tilespmem:v8+s12+$0x0] =	vst.idx.add.f32.msk $0xffff, v6  }
0x14e: {  	v6 =	vand.u32 $0xF0, v17;
	v8 =	vshll.u32 v13, $0x4;
	[tilespmem:v5+s12+$0x0] =	vst.idx.add.f32.msk $0xffff, v3  }
0x14f: {  	v5 =	vadd.s32 v2, v6;
	v6 =	vor.u32 v0, v8;
	v9 =	vld [tilespmem:s18+$0xB0]  }
0x150: {  	[tilespmem:v7+s12+$0x0] =	vst.idx.add.f32.msk $0xffff, v3;
	v6 =	vand.u32 $0xFF, v6  }
0x151: {  	v10 =	vshll.u32 v19, $0x4;
	v8 =	vand.u32 $0xF0, v8;
	[tilespmem:v4+s12+$0x0] =	vst.idx.add.f32.msk $0xffff, v3  }
0x152: {  	v12 =	vand.u32 $0xFFFFFFF0, v13;
	v13 =	vor.u32 v0, v10;
	v4 =	vadd.s32 v2, v8;
	v16 =	vld [tilespmem:s18+$0x20]  }
0x153: {  	v13 =	vand.u32 $0xFF, v13;
	v8 =	vld [tilespmem:s18+$0xFFFFFF20]  }
0x154: {  	v14 =	vshll.u32 v11, $0x4;
	[tilespmem:v5+s12+$0x0] =	vst.idx.add.f32.msk $0xffff, v3;
	v5 =	vand.u32 $0xF0, v10;
	v10 =	vshll.u32 v9, $0x4  }
0x155: {  	v20 =	vand.u32 $0xF0, v14;
	[tilespmem:v6+s12+$0x0] =	vst.idx.add.f32.msk $0xffff, v12;
	v12 =	vor.u32 v0, v10  }
0x156: {  	v6 =	vand.u32 $0xFFFFFFF0, v19;
	v18 =	vld [tilespmem:s31+$0xFFFFFFC0];
	v10 =	vand.u32 $0xF0, v10;
	v17 =	vand.u32 $0xFF, v12  }
0x157: {  	v5 =	vadd.s32 v2, v5;
	v15 =	vshll.u32 v16, $0x4;
	[tilespmem:v4+s12+$0x0] =	vst.idx.add.f32.msk $0xffff, v3;
	v19 =	vadd.s32 v2, v10  }
0x158: {  	v7 =	vand.u32 $0xFFFFFFF0, v9;
	v16 =	vand.u32 $0xFFFFFFF0, v16;
	v4 =	vshll.u32 v8, $0x4;
	[tilespmem:v13+s12+$0x0] =	vst.idx.add.f32.msk $0xffff, v6  }
0x159: {  	v6 =	vor.u32 v0, v14;
	v12 =	vand.u32 $0xF0, v4;
	v10 =	vld [tilespmem:s31+$0x40];
	v4 =	vor.u32 v0, v4  }
0x15a: {  	v13 =	vand.u32 $0xF0, v15;
	v21 =	vor.u32 v0, v15;
	v4 =	vand.u32 $0xFF, v4  }
0x15b: {  	v14 =	vadd.s32 v2, v20;
	v15 =	vand.u32 $0xFF, v6;
	v22 =	vadd.s32 v2, v12;
	[tilespmem:v17+s12+$0x0] =	vst.idx.add.f32.msk $0xffff, v7  }
0x15c: {  	v13 =	vadd.s32 v2, v13;
	v12 =	vand.u32 $0xFF, v21;
	v6 =	vshll.u32 v18, $0x4;
	[tilespmem:v19+s12+$0x0] =	vst.idx.add.f32.msk $0xffff, v3  }
0x15d: {  	v9 =	vand.u32 $0xF0, v6;
	v6 =	vor.u32 v0, v6;
	v17 =	vand.u32 $0xFFFFFFF0, v11;
	v11 =	vld [tilespmem:s18+$0xC0]  }
0x15e: {  	[tilespmem:v5+s12+$0x0] =	vst.idx.add.f32.msk $0xffff, v3;
	v5 =	vand.u32 $0xFFFFFFF0, v8;
	v8 =	vshll.u32 v10, $0x4;
	v7 =	vand.u32 $0xFF, v6  }
0x15f: {  	v19 =	vand.u32 $0xF0, v8;
	[tilespmem:v4+s12+$0x0] =	vst.idx.add.f32.msk $0xffff, v5;
	v5 =	vadd.s32 v2, v9;
	v4 =	vor.u32 v0, v8  }
0x160: {  	s20 =	simm.s32 $0x6900;
	s19 =	simm.s32 $0x4;
	v8 =	vand.u32 $0xFFFFFFF0, v18;
	[tilespmem:v22+s12+$0x0] =	vst.idx.add.f32.msk $0xffff, v3;
	v6 =	vand.u32 $0xFF, v4;
	v4 =	vadd.s32 v2, v19  }
.LBB2_5:
0x161: {  	v18 =	vld [tilespmem:s20+$0x80];
	v9 =	vand.u32 $0xFFFFFFF0, v10  }
0x162: {  	v10 =	vld [tilespmem:s20+$0xFFFFFF80];
	v19 =	vshll.u32 v11, $0x4  }
0x163: {  	v20 =	vld [tilespmem:s20+$0x0];
	v21 =	vor.u32 v0, v19  }
0x164: {  	v19 =	vand.u32 $0xF0, v19;
	v22 =	vld [tilespmem:s20+$0xFFFFFF00];
	v21 =	vand.u32 $0xFF, v21  }
0x165: {  	[tilespmem:v15+s12+$0x0] =	vst.idx.add.f32.msk $0xffff, v17;
	v15 =	vadd.s32 v2, v19  }
0x166: {  	s19 =	sadd.s32 $0x4, s19;
	v17 =	vshll.u32 v18, $0x4;
	[tilespmem:v14+s12+$0x0] =	vst.idx.add.f32.msk $0xffff, v3  }
0x167: {  	p0 =	slt.u32 s19, $0xC4;
	v14 =	vshll.u32 v10, $0x4;
	v10 =	vand.u32 $0xFFFFFFF0, v10;
	v19 =	vor.u32 v0, v17;
	[tilespmem:v12+s12+$0x0] =	vst.idx.add.f32.msk $0xffff, v16  }
0x168: {  	v11 =	vand.u32 $0xFFFFFFF0, v11;
	v12 =	vand.u32 $0xF0, v17;
	v16 =	vand.u32 $0xFF, v19;
	[tilespmem:v13+s12+$0x0] =	vst.idx.add.f32.msk $0xffff, v3  }
0x169: {  	v17 =	vshll.u32 v20, $0x4;
	v12 =	vadd.s32 v2, v12;
	v13 =	vshll.u32 v22, $0x4;
	[tilespmem:v21+s12+$0x0] =	vst.idx.add.f32.msk $0xffff, v11  }
0x16a: {  	v19 =	vand.u32 $0xF0, v14;
	v11 =	vand.u32 $0xF0, v13;
	v13 =	vor.u32 v0, v13;
	[tilespmem:v15+s12+$0x0] =	vst.idx.add.f32.msk $0xffff, v3  }
0x16b: {  	v14 =	vor.u32 v0, v14;
	v15 =	vand.u32 $0xF0, v17;
	v17 =	vor.u32 v0, v17;
	v21 =	vld [tilespmem:s18+$0xFFFFFF30]  }
0x16c: {  	v18 =	vand.u32 $0xFFFFFFF0, v18;
	v13 =	vand.u32 $0xFF, v13;
	v11 =	vadd.s32 v2, v11;
	v23 =	vld [tilespmem:s18+$0xFFFFFFB0]  }
0x16d: {  	v14 =	vand.u32 $0xFF, v14;
	v19 =	vadd.s32 v2, v19;
	v17 =	vand.u32 $0xFF, v17;
	[tilespmem:v16+s12+$0x0] =	vst.idx.add.f32.msk $0xffff, v18  }
0x16e: {  	v15 =	vadd.s32 v2, v15;
	v16 =	vand.u32 $0xFFFFFFF0, v22;
	v18 =	vand.u32 $0xFFFFFFF0, v20;
	[tilespmem:v12+s12+$0x0] =	vst.idx.add.f32.msk $0xffff, v3  }
0x16f: {  	v12 =	vld [tilespmem:s20+$0x90]  }
0x170: {  	v20 =	vshll.u32 v21, $0x4;
	v21 =	vand.u32 $0xFFFFFFF0, v21;
	v22 =	vld [tilespmem:s18+$0x30]  }
0x171: {  	[tilespmem:v13+s12+$0x0] =	vst.idx.add.f32.msk $0xffff, v16;
	v13 =	vand.u32 $0xF0, v20;
	v16 =	vor.u32 v0, v20;
	v20 =	vshll.u32 v23, $0x4  }
0x172: {  	[tilespmem:v11+s12+$0x0] =	vst.idx.add.f32.msk $0xffff, v3;
	v11 =	vand.u32 $0xFF, v16;
	v16 =	vand.u32 $0xF0, v20;
	v20 =	vor.u32 v0, v20  }
0x173: {  	[tilespmem:v14+s12+$0x0] =	vst.idx.add.f32.msk $0xffff, v10;
	v10 =	vadd.s32 v2, v13;
	v13 =	vand.u32 $0xFF, v20;
	v14 =	vadd.s32 v2, v16  }
0x174: {  	[tilespmem:v19+s12+$0x0] =	vst.idx.add.f32.msk $0xffff, v3;
	v16 =	vshll.u32 v12, $0x4;
	v19 =	vand.u32 $0xFFFFFFF0, v23  }
0x175: {  	[tilespmem:v17+s12+$0x0] =	vst.idx.add.f32.msk $0xffff, v18;
	v17 =	vor.u32 v0, v16;
	v18 =	vshll.u32 v22, $0x4;
	v20 =	vand.u32 $0xFFFFFFF0, v22  }
0x176: {  	[tilespmem:v15+s12+$0x0] =	vst.idx.add.f32.msk $0xffff, v3;
	v15 =	vand.u32 $0xF0, v16;
	v16 =	vand.u32 $0xFF, v17;
	v17 =	vand.u32 $0xF0, v18  }
0x177: {  	v18 =	vor.u32 v0, v18;
	v22 =	vld [tilespmem:s20+$0xFFFFFF10];
	v15 =	vadd.s32 v2, v15;
	v17 =	vadd.s32 v2, v17  }
0x178: {  	v18 =	vand.u32 $0xFF, v18;
	v23 =	vld [tilespmem:s20+$0xFFFFFF90]  }
0x179: {  	v24 =	vld [tilespmem:s20+$0x10]  }
0x17a: {  	v12 =	vand.u32 $0xFFFFFFF0, v12;
	[tilespmem:v11+s12+$0x0] =	vst.idx.add.f32.msk $0xffff, v21  }
0x17b: {  	[tilespmem:v16+s12+$0x0] =	vst.idx.add.f32.msk $0xffff, v12  }
0x17c: {  	v11 =	vshll.u32 v22, $0x4;
	v12 =	vand.u32 $0xFFFFFFF0, v22;
	[tilespmem:v15+s12+$0x0] =	vst.idx.add.f32.msk $0xffff, v3  }
0x17d: {  	v15 =	vand.u32 $0xF0, v11;
	v11 =	vor.u32 v0, v11;
	v16 =	vshll.u32 v23, $0x4;
	v21 =	vld [tilespmem:s20+$0xA0]  }
0x17e: {  	v22 =	vand.u32 $0xF0, v16;
	v16 =	vor.u32 v0, v16;
	v25 =	vshll.u32 v24, $0x4;
	[tilespmem:v10+s12+$0x0] =	vst.idx.add.f32.msk $0xffff, v3  }
0x17f: {  	v10 =	vand.u32 $0xFF, v11;
	v11 =	vand.u32 $0xF0, v25;
	v25 =	vor.u32 v0, v25;
	[tilespmem:v13+s12+$0x0] =	vst.idx.add.f32.msk $0xffff, v19  }
0x180: {  	v13 =	vadd.s32 v2, v15;
	v15 =	vand.u32 $0xFF, v16;
	v16 =	vadd.s32 v2, v22;
	[tilespmem:v14+s12+$0x0] =	vst.idx.add.f32.msk $0xffff, v3  }
0x181: {  	v14 =	vand.u32 $0xFFFFFFF0, v23;
	v19 =	vand.u32 $0xFF, v25;
	v11 =	vadd.s32 v2, v11;
	[tilespmem:v18+s12+$0x0] =	vst.idx.add.f32.msk $0xffff, v20  }
0x182: {  	v18 =	vand.u32 $0xFFFFFFF0, v24;
	v20 =	vshll.u32 v21, $0x4;
	[tilespmem:v17+s12+$0x0] =	vst.idx.add.f32.msk $0xffff, v3  }
0x183: {  	v17 =	vor.u32 v0, v20;
	v22 =	vld [tilespmem:s18+$0xFFFFFF40]  }
0x184: {  	[tilespmem:v10+s12+$0x0] =	vst.idx.add.f32.msk $0xffff, v12;
	v10 =	vand.u32 $0xF0, v20;
	v12 =	vand.u32 $0xFF, v17  }
0x185: {  	[tilespmem:v13+s12+$0x0] =	vst.idx.add.f32.msk $0xffff, v3;
	v10 =	vadd.s32 v2, v10  }
0x186: {  	[tilespmem:v15+s12+$0x0] =	vst.idx.add.f32.msk $0xffff, v14  }
0x187: {  	[tilespmem:v16+s12+$0x0] =	vst.idx.add.f32.msk $0xffff, v3  }
0x188: {  	v13 =	vand.u32 $0xFFFFFFF0, v21;
	[tilespmem:v19+s12+$0x0] =	vst.idx.add.f32.msk $0xffff, v18;
	v14 =	vshll.u32 v22, $0x4;
	v15 =	vand.u32 $0xFFFFFFF0, v22  }
0x189: {  	[tilespmem:v12+s12+$0x0] =	vst.idx.add.f32.msk $0xffff, v13;
	v12 =	vand.u32 $0xF0, v14;
	v13 =	vor.u32 v0, v14  }
0x18a: {  	[tilespmem:v10+s12+$0x0] =	vst.idx.add.f32.msk $0xffff, v3;
	v13 =	vand.u32 $0xFF, v13;
	v12 =	vadd.s32 v2, v12  }
0x18b: {  	v14 =	vld [tilespmem:s20+$0xB0]  }
0x18c: {  	[tilespmem:v11+s12+$0x0] =	vst.idx.add.f32.msk $0xffff, v3  }
0x18d: {  	v11 =	vld [tilespmem:s20+$0xFFFFFF20]  }
0x18e: {  	v16 =	vld [tilespmem:s20+$0xFFFFFFA0]  }
0x18f: {  	v18 =	vld [tilespmem:s20+$0x20]  }
0x190: {  	v17 =	vshll.u32 v14, $0x4;
	v19 =	vld [tilespmem:s18+$0xFFFFFFC0]  }
0x191: {  	v20 =	vor.u32 v0, v17;
	v10 =	vld [tilespmem:s18+$0x40];
	s18 =	smov.u32 s20  }
0x192: {  	v17 =	vand.u32 $0xF0, v17;
	v21 =	vshll.u32 v11, $0x4;
	v20 =	vand.u32 $0xFF, v20;
	[tilespmem:v13+s12+$0x0] =	vst.idx.add.f32.msk $0xffff, v15  }
0x193: {  	v22 =	vadd.s32 v2, v17;
	v13 =	vand.u32 $0xF0, v21;
	v15 =	vshll.u32 v16, $0x4;
	[tilespmem:v12+s12+$0x0] =	vst.idx.add.f32.msk $0xffff, v3  }
0x194: {  	v12 =	vor.u32 v0, v21;
	v17 =	vand.u32 $0xF0, v15;
	v21 =	vshll.u32 v18, $0x4;
	[tilespmem:v7+s12+$0x0] =	vst.idx.add.f32.msk $0xffff, v8  }
0x195: {  	v7 =	vor.u32 v0, v15;
	v8 =	vand.u32 $0xF0, v21;
	v21 =	vor.u32 v0, v21;
	[tilespmem:v5+s12+$0x0] =	vst.idx.add.f32.msk $0xffff, v3  }
0x196: {  	v23 =	vadd.s32 v2, v13;
	v13 =	vand.u32 $0xFFFFFFF0, v14;
	v5 =	vand.u32 $0xFF, v12;
	[tilespmem:v6+s12+$0x0] =	vst.idx.add.f32.msk $0xffff, v9  }
0x197: {  	v15 =	vand.u32 $0xFF, v7;
	v14 =	vadd.s32 v2, v17;
	v12 =	vand.u32 $0xFF, v21;
	[tilespmem:v20+s12+$0x0] =	vst.idx.add.f32.msk $0xffff, v13  }
.Ltmp1:
0x198: {  	v17 =	vand.u32 $0xFFFFFFF0, v16;
	v6 =	vand.u32 $0xFFFFFFF0, v11;
	v13 =	vadd.s32 v2, v8;
	[tilespmem:v22+s12+$0x0] =	vst.idx.add.f32.msk $0xffff, v3;
	(pc) =	sbr.rel @p0 .LBB2_5-.Ltmp1, $4  }
0x199: {  	v16 =	vand.u32 $0xFFFFFFF0, v18;
	v7 =	vshll.u32 v19, $0x4;
	v8 =	vshll.u32 v10, $0x4;
	v11 =	vld [tilespmem:s20+$0xC0]  }
0x19a: {  	v9 =	vand.u32 $0xF0, v7;
	v7 =	vor.u32 v0, v7;
	v18 =	vand.u32 $0xF0, v8;
	[tilespmem:v4+s12+$0x0] =	vst.idx.add.f32.msk $0xffff, v3  }
0x19b: {  	v7 =	vand.u32 $0xFF, v7;
	v4 =	vor.u32 v0, v8;
	[tilespmem:v5+s12+$0x0] =	vst.idx.add.f32.msk $0xffff, v6;
	v5 =	vadd.s32 v2, v9  }
0x19c: {  	s20 =	sadd.s32 $0x200, s20;
	v8 =	vand.u32 $0xFFFFFFF0, v19;
	v6 =	vand.u32 $0xFF, v4;
	v4 =	vadd.s32 v2, v18;
	[tilespmem:v23+s12+$0x0] =	vst.idx.add.f32.msk $0xffff, v3  }
0x19d: {  	_ =	sdelay $0x2  }
0x19e: {  	v9 =	vld [tilespmem:s18+$0xFFFFFF30]  }
0x19f: {  	[tilespmem:v15+s12+$0x0] =	vst.idx.add.f32.msk $0xffff, v17  }
0x1a0: {  	[tilespmem:v14+s12+$0x0] =	vst.idx.add.f32.msk $0xffff, v3  }
0x1a1: {  	v43 =	vld [tilespmem:s18+$0xFFFFFFB0]  }
0x1a2: {  	[tilespmem:v12+s12+$0x0] =	vst.idx.add.f32.msk $0xffff, v16  }
0x1a3: {  	[tilespmem:v13+s12+$0x0] =	vst.idx.add.f32.msk $0xffff, v3;
	v44 =	vshll.u32 v9, $0x4  }
0x1a4: {  	v46 =	vld [tilespmem:s18+$0x30];
	v45 =	vor.u32 v0, v44  }
0x1a5: {  	v14 =	vand.u32 $0xF0, v44;
	v13 =	vand.u32 $0xFF, v45  }
0x1a6: {  	v14 =	vadd.s32 v2, v14;
	v47 =	vshll.u32 v43, $0x4  }
0x1a7: {  	v48 =	vor.u32 v0, v47  }
0x1a8: {  	v16 =	vand.u32 $0xF0, v47;
	v17 =	vand.u32 $0xFF, v48  }
0x1a9: {  	v9 =	vand.u32 $0xFFFFFFF0, v9;
	v18 =	vshll.u32 v46, $0x4;
	v49 =	vadd.s32 v2, v16  }
0x1aa: {  	v50 =	vor.u32 v0, v18;
	[tilespmem:v13+s12+$0x0] =	vst.idx.add.f32.msk $0xffff, v9  }
0x1ab: {  	v51 =	vand.u32 $0xF0, v18;
	v13 =	vand.u32 $0xFF, v50;
	[tilespmem:v14+s12+$0x0] =	vst.idx.add.f32.msk $0xffff, v3  }
0x1ac: {  	v12 =	vand.u32 $0xFFFFFFF0, v43;
	v16 =	vadd.s32 v2, v51;
	v14 =	vld [tilespmem:s18+$0xFFFFFF40]  }
0x1ad: {  	[tilespmem:v17+s12+$0x0] =	vst.idx.add.f32.msk $0xffff, v12  }
0x1ae: {  	[tilespmem:v49+s12+$0x0] =	vst.idx.add.f32.msk $0xffff, v3  }
0x1af: {  	v52 =	vshll.u32 v11, $0x4;
	v15 =	vand.u32 $0xFFFFFFF0, v46;
	v17 =	vld [tilespmem:s18+$0xFFFFFFC0]  }
0x1b0: {  	v53 =	vor.u32 v0, v52;
	[tilespmem:v13+s12+$0x0] =	vst.idx.add.f32.msk $0xffff, v15  }
0x1b1: {  	v54 =	vand.u32 $0xF0, v52;
	v12 =	vand.u32 $0xFF, v53;
	[tilespmem:v16+s12+$0x0] =	vst.idx.add.f32.msk $0xffff, v3  }
0x1b2: {  	v9 =	vadd.s32 v2, v54;
	v16 =	vld [tilespmem:s18+$0x40]  }
0x1b3: {  	v55 =	vshll.u32 v14, $0x4  }
0x1b4: {  	[tilespmem:v7+s12+$0x0] =	vst.idx.add.f32.msk $0xffff, v8;
	v57 =	vand.u32 $0xFFFFFFF0, v11;
	v56 =	vor.u32 v0, v55  }
0x1b5: {  	[tilespmem:v5+s12+$0x0] =	vst.idx.add.f32.msk $0xffff, v3;
	v13 =	vand.u32 $0xF0, v55;
	v15 =	vand.u32 $0xFF, v56;
	v59 =	vshll.u32 v17, $0x4  }
0x1b6: {  	v10 =	vand.u32 $0xFFFFFFF0, v10;
	[tilespmem:v12+s12+$0x0] =	vst.idx.add.f32.msk $0xffff, v57;
	v13 =	vadd.s32 v2, v13;
	v60 =	vor.u32 v0, v59  }
0x1b7: {  	[tilespmem:v9+s12+$0x0] =	vst.idx.add.f32.msk $0xffff, v3;
	v11 =	vand.u32 $0xF0, v59;
	v9 =	vand.u32 $0xFF, v60;
	v61 =	vshll.u32 v16, $0x4  }
0x1b8: {  	[tilespmem:v6+s12+$0x0] =	vst.idx.add.f32.msk $0xffff, v10;
	v62 =	vadd.s32 v2, v11;
	v63 =	vor.u32 v0, v61  }
0x1b9: {  	s17 =	sadd.s32 $0x1, s17;
	[tilespmem:v4+s12+$0x0] =	vst.idx.add.f32.msk $0xffff, v3;
	v58 =	vand.u32 $0xFFFFFFF0, v14;
	v5 =	vand.u32 $0xF0, v61;
	v8 =	vand.u32 $0xFF, v63  }
0x1ba: {  	p0 =	sne.s32 s17, $0x4;
	[tilespmem:v15+s12+$0x0] =	vst.idx.add.f32.msk $0xffff, v58;
	v5 =	vadd.s32 v2, v5  }
.Ltmp2:
0x1bb: {  	v4 =	vand.u32 $0xFFFFFFF0, v17;
	[tilespmem:v13+s12+$0x0] =	vst.idx.add.f32.msk $0xffff, v3;
	(pc) =	sbr.rel @p0 .LBB2_2-.Ltmp2, $4  }
0x1bc: {  	[tilespmem:v9+s12+$0x0] =	vst.idx.add.f32.msk $0xffff, v4  }
0x1bd: {  	v4 =	vand.u32 $0xFFFFFFF0, v16;
	[tilespmem:v62+s12+$0x0] =	vst.idx.add.f32.msk $0xffff, v3  }
0x1be: {  	[tilespmem:v8+s12+$0x0] =	vst.idx.add.f32.msk $0xffff, v4  }
0x1bf: {  	[tilespmem:v5+s12+$0x0] =	vst.idx.add.f32.msk $0xffff, v3  }
0x1c0: {  	v4 =	vld [tilespmem:$0xC800]  }
0x1c1: {  	v5 =	vld [tilespmem:$0xC810]  }
0x1c2: {  	v6 =	vld [tilespmem:$0xC820]  }
0x1c3: {  	v7 =	vld [tilespmem:$0xC830]  }
0x1c4: {  	v8 =	vld [tilespmem:$0xC840]  }
0x1c5: {  	[tilespmem:$0xC980] =	vst v4;
	v4 =	vld [tilespmem:$0xC850]  }
0x1c6: {  	[tilespmem:$0xC990] =	vst v5;
	v5 =	vld [tilespmem:$0xC860]  }
0x1c7: {  	v55 =	vld [tilespmem:$0xC870];
	[tilespmem:$0xC9A0] =	vst v6  }
0x1c8: {  	v56 =	vld [tilespmem:$0xC880];
	[tilespmem:$0xC9B0] =	vst v7  }
0x1c9: {  	v57 =	vld [tilespmem:$0xC890];
	[tilespmem:$0xC9C0] =	vst v8  }
0x1ca: {  	[tilespmem:$0xC9D0] =	vst v4;
	v4 =	vld [tilespmem:$0xC8A0]  }
0x1cb: {  	[tilespmem:$0xC9E0] =	vst v5;
	v5 =	vld [tilespmem:$0xC8B0]  }
0x1cc: {  	v58 =	vld [tilespmem:$0xC8C0];
	[tilespmem:$0xC9F0] =	vst v55  }
0x1cd: {  	v59 =	vld [tilespmem:$0xC8D0];
	[tilespmem:$0xCA00] =	vst v56  }
0x1ce: {  	v60 =	vld [tilespmem:$0xC8E0];
	[tilespmem:$0xCA10] =	vst v57  }
0x1cf: {  	[tilespmem:$0xCA20] =	vst v4;
	v4 =	vld [tilespmem:$0xC8F0]  }
0x1d0: {  	[tilespmem:$0xCA30] =	vst v5;
	v5 =	vld [tilespmem:$0xC900]  }
0x1d1: {  	v61 =	vld [tilespmem:$0xC910];
	[tilespmem:$0xCA40] =	vst v58  }
0x1d2: {  	v62 =	vld [tilespmem:$0xC920];
	[tilespmem:$0xCA50] =	vst v59  }
0x1d3: {  	v63 =	vld [tilespmem:$0xC930];
	[tilespmem:$0xCA60] =	vst v60  }
0x1d4: {  	[tilespmem:$0xCA70] =	vst v4;
	v4 =	vld [tilespmem:$0xC940]  }
0x1d5: {  	[tilespmem:$0xCA80] =	vst v5;
	v5 =	vld [tilespmem:$0xC950]  }
0x1d6: {  	[tilespmem:$0xCA90] =	vst v61  }
0x1d7: {  	[tilespmem:$0xCAA0] =	vst v62  }
0x1d8: {  	s16 =	sadd.s32 $0x1, s16;
	[tilespmem:$0xCAB0] =	vst v63  }
0x1d9: {  	p0 =	sne.s32 s16, s8;
	[tilespmem:$0xCAC0] =	vst v4  }
.Ltmp3:
0x1da: {  	[tilespmem:$0xCAD0] =	vst v5;
	(pc) =	sbr.rel @p0 .LBB2_1-.Ltmp3, $4  }
0x1db: {  	[hbm4b:s7+s2] =	stream.linear.scatter [tilespmem:s14], [sflag:$0x3], $0x400, $0x38;
	[tilespmem:$0xCD80] =	vst v63  }
0x1dc: {  	_ =	swait.ge [sflag:s15], $0x400  }
0x1dd: {  	[sflag:s15] =	ssyncset.done $0x0  }
0x1de: {  	[sflag:s15] =	ssyncadd.s32 $0xFFFFFC00  }
0x1df: {  	_ =	sfence.sel $0x180000  }
0x1e0: {  	[bflag:$0x0] =	sbarrier.arrive $0xFFFF  }
0x1e1: {  	p0 =	sne.s32 s1, $0x0;
	_ =	strace $0x90000047  }
0x1e2: {  	s0 =	sadd.s32 @!p0 $0x100000, s0;
	[bflag:$0x2] =	sbarrier.arrive $0xFFFF  }
0x1e3: {  	[sflag:s0] =	ssyncadd.tile.s32 @!p0 $0x1;
	_ =	shalt  }
.Lfunc_end2:
_tile_overlayer_lowered:
.L_overlay_start_2:
0x1e4: {  	(tag) =	ssettag $0x2  }
0x1e5: {  	s0 =	rddreg [dreg:$0x0];
	s2 =	stileid.u32  }
0x1e6: {  	s1 =	rddreg [dreg:$0x1];
	p0 =	sne.s32 s2, $0x0  }
0x1e7: {  	s3 =	rddreg [dreg:$0x2];
	[bflag:$0x3] =	sbarrier.arrive $0xFFFF;
	s2 =	simm.s32 @!p0 $0x1C03  }
0x1e8: {  	[timem:s3], [sflag:s2] =	dma.local @!p0 [hbm:s0], s1  }
0x1e9: {  	s0 =	simm.s32 @!p0 $0x3  }
0x1ea: {  	_ =	swait.ge @!p0 [sflag:s0], s1  }
0x1eb: {  	s1 =	ssub.s32 @!p0 $0x0, s1;
	[sflag:s0] =	ssyncset.done @!p0 $0x0  }
0x1ec: {  	[sflag:s0] =	ssyncadd.s32 @!p0 s1  }
0x1ed: {  	[bflag:$0x3] =	sbarrier.arrive $0xFFFF  }
0x1ee: {  	_ =	shalt  }

</sc_bundles>
